<compile_context>
chip_gen: v7x
topology: tpu7x:2x2x1
jax: 0.10.2.dev20260603
libtpu: 0.0.44.dev20260713+nightly
codegen_flags: <defaults>
</compile_context>

<pallas_src>
import functools

import jax
import jax.numpy as jnp
from jax import lax
from jax.experimental import pallas as pl
from jax.experimental.pallas import tpu as pltpu
from jax.experimental.pallas import tpu_sc as plsc

N, E, D, H, Z, T = 10000, 320000, 128, 128, 128, 64

NC, NS = 2, 16
NW = NC * NS
EPW = E // NW
ROWS_PER_TILE = N // NS

_mesh = plsc.VectorSubcoreMesh(core_axis_name="c", subcore_axis_name="s")
_sc_params = pltpu.CompilerParams(use_tc_tiling_on_sc=False)


def _fill(ref, rows, width, value):
    vec = jnp.full((16,), value, jnp.float32)

    def body(i, carry):
        for j in range(width // 16):
            ref[i, pl.ds(j * 16, 16)] = vec
        return carry

    lax.fori_loop(0, rows, body, 0)


KD = 80
EPT = E // NS
RPTD = EPT // KD
DEGW = 8
DEG_DEPTH = 8


def _idx_slice(idx_ref, t, k):
    return idx_ref.at[pl.ds(pl.multiple_of(t * k, 8), k)]


@functools.partial(
    pl.kernel,
    out_type=(
        jax.ShapeDtypeStruct((N, DEGW), jnp.float32),
        jax.ShapeDtypeStruct((N, DEGW), jnp.float32),
    ),
    mesh=_mesh,
    compiler_params=_sc_params,
    scratch_types=[
        pltpu.VMEM((EPT,), jnp.int32),
        pltpu.VMEM((KD, DEGW), jnp.float32),
        pltpu.VMEM_SHARED((N, DEGW), jnp.float32),
        pltpu.SemaphoreType.DMA,
    ],
)
def _deg_kernel(ei_hbm, ones_hbm, zeros_hbm, dout_hbm, din_hbm,
                idx_v, ones_v, sh, sem):
    c = lax.axis_index("c")
    s = lax.axis_index("s")
    row0 = s * ROWS_PER_TILE
    pltpu.sync_copy(ones_hbm, ones_v)
    pltpu.sync_copy(zeros_hbm, sh.at[pl.ds(row0, ROWS_PER_TILE)])
    plsc.subcore_barrier()
    e0 = c * E + s * EPT
    pltpu.sync_copy(ei_hbm.at[pl.ds(e0, EPT)], idx_v)

    def body(t, carry):
        pltpu.make_async_copy(
            ones_v, sh.at[_idx_slice(idx_v, t, KD)], sem).start(add=True)

        @pl.when(t >= DEG_DEPTH)
        def _():
            pltpu.make_async_copy(
                ones_v, sh.at[_idx_slice(idx_v, t - DEG_DEPTH, KD)],
                sem).wait()
        return carry

    lax.fori_loop(0, RPTD, body, 0)
    for d in range(DEG_DEPTH):
        td = RPTD - DEG_DEPTH + d
        pltpu.make_async_copy(ones_v, sh.at[_idx_slice(idx_v, td, KD)],
                              sem).wait()
    plsc.subcore_barrier()

    @pl.when(c == 0)
    def _():
        pltpu.sync_copy(sh.at[pl.ds(row0, ROWS_PER_TILE)],
                        dout_hbm.at[pl.ds(row0, ROWS_PER_TILE)])

    @pl.when(c == 1)
    def _():
        pltpu.sync_copy(sh.at[pl.ds(row0, ROWS_PER_TILE)],
                        din_hbm.at[pl.ds(row0, ROWS_PER_TILE)])


def _make_agg(F, K, NBUF, LAG):
    RPW = EPW // K
    GROUPS = (RPW + LAG + NBUF - 1) // NBUF
    ZROWS = 25

    @functools.partial(
        pl.kernel,
        out_type=jax.ShapeDtypeStruct((NC, N, F), jnp.float32),
        mesh=_mesh,
        compiler_params=_sc_params,
        scratch_types=[
            pltpu.VMEM((EPW,), jnp.int32),
            pltpu.VMEM((EPW,), jnp.int32),
            [pltpu.VMEM((K, F), jnp.float32)] * NBUF,
            [pltpu.SemaphoreType.DMA] * NBUF,
            [pltpu.SemaphoreType.DMA] * NBUF,
            pltpu.VMEM_SHARED((N, F), jnp.float32),
        ],
    )
    def agg_kernel(feat_hbm, ei_hbm, out_hbm,
                   idx_s, idx_d, rows_v, sem_g, sem_s, sh):
        c = lax.axis_index("c")
        s = lax.axis_index("s")
        wid = c * NS + s
        _fill(rows_v[0], ZROWS, F, 0.0)
        row0 = s * ROWS_PER_TILE
        for z in range(ROWS_PER_TILE // ZROWS):
            pltpu.sync_copy(rows_v[0].at[pl.ds(0, ZROWS)],
                            sh.at[pl.ds(row0 + z * ZROWS, ZROWS)])
        feat_src = feat_hbm
        plsc.subcore_barrier()
        e0 = wid * EPW
        pltpu.sync_copy(ei_hbm.at[pl.ds(e0, EPW)], idx_s)
        pltpu.sync_copy(ei_hbm.at[pl.ds(E + e0, EPW)], idx_d)

        def gather(t, b):
            pltpu.make_async_copy(
                feat_src.at[_idx_slice(idx_s, t, K)], rows_v[b],
                sem_g[b]).start()

        def wait_gather(t, b):
            pltpu.make_async_copy(
                feat_src.at[_idx_slice(idx_s, t, K)], rows_v[b],
                sem_g[b]).wait()

        def scatter(t, b):
            pltpu.make_async_copy(
                rows_v[b], sh.at[_idx_slice(idx_d, t, K)],
                sem_s[b]).start(add=True)

        def wait_scatter(t, b):
            pltpu.make_async_copy(
                rows_v[b], sh.at[_idx_slice(idx_d, t, K)],
                sem_s[b]).wait()

        def body(g, carry):
            t0 = g * NBUF
            for b in range(NBUF):
                t = t0 + b

                @pl.when((t >= NBUF) & (t < RPW))
                def _():
                    wait_scatter(t - NBUF, b)

                @pl.when(t < RPW)
                def _():
                    gather(t, b)

                ts = t - LAG
                bs = (b - LAG) % NBUF

                @pl.when((ts >= 0) & (ts < RPW))
                def _():
                    wait_gather(ts, bs)
                    scatter(ts, bs)
            return carry

        lax.fori_loop(0, GROUPS, body, 0)
        for d in range(NBUF):
            ts = RPW - NBUF + d
            wait_scatter(ts, ts % NBUF)
        plsc.subcore_barrier()
        pltpu.sync_copy(sh.at[pl.ds(row0, ROWS_PER_TILE)],
                        out_hbm.at[c, pl.ds(row0, ROWS_PER_TILE)])

    return agg_kernel


_agg128 = _make_agg(D, K=80, NBUF=3, LAG=2)
_agg64 = _make_agg(T, K=80, NBUF=6, LAG=3)


def _inv_sqrt_deg(deg_ref):
    return lax.rsqrt(jnp.maximum(deg_ref[...], 1.0))[:, 0:1]


def _tc0_body(x_ref, w1_ref, y_ref):
    y_ref[...] = jnp.dot(x_ref[...], w1_ref[...],
                         preferred_element_type=jnp.float32)


def _tc1_body(y_ref, dop_ref, xs_ref):
    xs_ref[...] = y_ref[...] * _inv_sqrt_deg(dop_ref)


def _tc2_body(aggp_ref, dop_ref, dip_ref, b1_ref, w2_ref, wh_ref, b2_ref,
              bh_ref, m2_ref, bf_ref, brep_ref):
    a = _inv_sqrt_deg(dop_ref)
    b = _inv_sqrt_deg(dip_ref)
    agg = aggp_ref[0] + aggp_ref[1]
    h1 = jnp.maximum(agg * b + b1_ref[...], 0.0) * a
    wf = jnp.dot(w2_ref[...], wh_ref[...], preferred_element_type=jnp.float32)
    m2_ref[...] = jnp.dot(h1, wf, preferred_element_type=jnp.float32)
    bf_ref[...] = jnp.dot(b2_ref[...], wh_ref[...],
                          preferred_element_type=jnp.float32) + bh_ref[...]
    brep_ref[...] = jnp.broadcast_to(b, (N, 128))


CROWS = 313


@functools.partial(
    pl.kernel,
    out_type=jax.ShapeDtypeStruct((N, T), jnp.float32),
    mesh=_mesh,
    compiler_params=_sc_params,
    scratch_types=[
        pltpu.VMEM((CROWS, T), jnp.float32),
        pltpu.VMEM((CROWS, T), jnp.float32),
        pltpu.VMEM((CROWS, 16), jnp.float32),
        pltpu.VMEM((CROWS, T), jnp.float32),
        pltpu.VMEM((1, T), jnp.float32),
    ],
)
def _combine_kernel(aggp_hbm, brep_hbm, bf_hbm, out_hbm,
                    p0, p1, br, acc, bf_v):
    c = lax.axis_index("c")
    s = lax.axis_index("s")
    wid = c * NS + s
    base = jnp.minimum(wid * CROWS, N - CROWS)
    pltpu.sync_copy(aggp_hbm.at[0, pl.ds(base, CROWS)], p0)
    pltpu.sync_copy(aggp_hbm.at[1, pl.ds(base, CROWS)], p1)
    pltpu.sync_copy(brep_hbm.at[pl.ds(base, CROWS), pl.ds(0, 16)], br)
    pltpu.sync_copy(bf_hbm, bf_v)

    def body(i, carry):
        b = br[i, pl.ds(0, 16)]
        for j in range(T // 16):
            sl = pl.ds(j * 16, 16)
            acc[i, sl] = (p0[i, sl] + p1[i, sl]) * b + bf_v[0, sl]
        return carry

    lax.fori_loop(0, CROWS, body, 0)
    pltpu.sync_copy(acc, out_hbm.at[pl.ds(base, CROWS)])


def kernel(x, edge_index, W1, b1, W2, b2, Wh, bh):
    ei = edge_index.reshape(2 * E)
    b1r = b1.reshape(1, H)
    b2r = b2.reshape(1, Z)
    bhr = bh.reshape(1, T)

    ones_c = jnp.ones((KD, DEGW), jnp.float32)
    zeros_c = jnp.zeros((ROWS_PER_TILE, DEGW), jnp.float32)
    dop, dip = _deg_kernel(ei, ones_c, zeros_c)

    y = pl.pallas_call(
        _tc0_body,
        out_shape=jax.ShapeDtypeStruct((N, H), jnp.float32),
    )(x, W1)

    xs = pl.pallas_call(
        _tc1_body,
        out_shape=jax.ShapeDtypeStruct((N, H), jnp.float32),
    )(y, dop)

    aggp1 = _agg128(xs, ei)

    m2, bf, brep = pl.pallas_call(
        _tc2_body,
        out_shape=(jax.ShapeDtypeStruct((N, T), jnp.float32),
                   jax.ShapeDtypeStruct((1, T), jnp.float32),
                   jax.ShapeDtypeStruct((N, 128), jnp.float32)),
    )(aggp1, dop, dip, b1r, W2, Wh, b2r, bhr)

    aggp2 = _agg64(m2, ei)

    return _combine_kernel(aggp2, brep, bf)

# --- scband reference (transcript-rebuilt; emitter-appended) ---
"""Pipeline reference for scband-task-head-model-71751723646993 (READ-ONLY COPY).

The authoritative reference and input builder live on the scoring server;
editing this copy changes nothing except your own understanding.
"""

import jax, jax.numpy as jnp
import numpy as np

N, E, D, H, Z, T = 10000, 320000, 128, 128, 128, 64


def setup_inputs(seed: int = 0) -> dict:
    key = jax.random.key(seed)
    ks = jax.random.split(key, 8)
    x = jax.random.normal(ks[0], (N, D), dtype=jnp.float32)
    edge_index = jax.random.randint(ks[1], (2, E), 0, N, dtype=jnp.int32)
    W1 = jax.random.normal(ks[2], (D, H), dtype=jnp.float32) * (D ** -0.5)
    b1 = jnp.zeros((H,), dtype=jnp.float32)
    W2 = jax.random.normal(ks[3], (H, Z), dtype=jnp.float32) * (H ** -0.5)
    b2 = jnp.zeros((Z,), dtype=jnp.float32)
    Wh = jax.random.normal(ks[4], (Z, T), dtype=jnp.float32) * (Z ** -0.5)
    bh = jnp.zeros((T,), dtype=jnp.float32)
    return {"x": x, "edge_index": edge_index, "W1": W1, "b1": b1, "W2": W2, "b2": b2, "Wh": Wh, "bh": bh}


def reference(x, edge_index, W1, b1, W2, b2, Wh, bh):
    # GCN encoder (2 layers, relu between, no norm/residual) + linear task head
    src = edge_index[0]
    dst = edge_index[1]
    n = x.shape[0]
    deg_out = jnp.zeros((n,), x.dtype).at[src].add(1.0)
    deg_in = jnp.zeros((n,), x.dtype).at[dst].add(1.0)
    inv_sqrt_out = jax.lax.rsqrt(jnp.maximum(deg_out, 1.0))
    inv_sqrt_in = jax.lax.rsqrt(jnp.maximum(deg_in, 1.0))
    edge_norm = inv_sqrt_out[src] * inv_sqrt_in[dst]

    def gcn_layer(h, W, b):
        msg = h[src] * edge_norm[:, None]
        agg = jax.ops.segment_sum(msg, dst, num_segments=n)
        return agg @ W + b

    h = jax.nn.relu(gcn_layer(x, W1, b1))
    h = gcn_layer(h, W2, b2)
    out = h @ Wh + bh
    return out

if __name__ == "__main__":
    import jax
    _d = setup_inputs()
    print(jax.jit(kernel)(*tuple(_d.values())))

</pallas_src>

<mosaic_0001>
#map = affine_map<(d0, d1) -> (0, 0, 0)>
#map1 = affine_map<(d0, d1) -> (0, 0)>
module attributes {stable_mosaic.version = 14 : i64} {
  func.func @_combine_kernel(%arg0: i32, %arg1: i32, %arg2: memref<2x10000x64xf32, #tpu.memory_space<hbm>>, %arg3: memref<10000x128xf32, #tpu.memory_space<hbm>>, %arg4: memref<1x64xf32, #tpu.memory_space<hbm>>, %arg5: memref<10000x64xf32, #tpu.memory_space<hbm>>, %arg6: memref<313x64xf32, #tpu.memory_space<vmem>>, %arg7: memref<313x64xf32, #tpu.memory_space<vmem>>, %arg8: memref<313x16xf32, #tpu.memory_space<vmem>>, %arg9: memref<313x64xf32, #tpu.memory_space<vmem>>, %arg10: memref<1x64xf32, #tpu.memory_space<vmem>>) attributes {dimension_semantics = [#tpu.dimension_semantics<core_parallel>, #tpu.dimension_semantics<subcore_parallel>], iteration_bounds = array<i64: 2, 16>, scalar_prefetch = 0 : i64, scratch_operands = 5 : i64, tpu.core_type = #tpu.core_type<sc_vector_subcore>, window_params = [{transform_indices = #map}, {transform_indices = #map1}, {transform_indices = #map1}, {transform_indices = #map1}]} {
    %mul3A = arith.constant 16 : i32
    %mul3A_0 = arith.muli %arg0, %mul3A : i32
    %add3A = arith.addi %mul3A_0, %arg1 : i32
    %mul3A_1 = arith.constant 313 : i32
    %mul3A_2 = arith.muli %add3A, %mul3A_1 : i32
    %min3A = arith.constant 9687 : i32
    %min3A_3 = arith.minsi %mul3A_2, %min3A : i32
    %run_scoped3A = arith.constant 0 : i32
    "tpu.region"() ({
      %run_scoped3A_10 = tpu.sem_alloc : memref<!tpu.dma_semaphore, #tpu.memory_space<semaphore_mem>>
      %dma_start3A = arith.constant 0 : i32
      %dma_start3A_11 = tpu.memref_slice %arg2[%run_scoped3A, %min3A_3, %dma_start3A] : memref<2x10000x64xf32, #tpu.memory_space<hbm>> -> memref<1x313x64xf32, #tpu.memory_space<hbm>>
      %dma_start3A_12 = tpu.memref_squeeze %dma_start3A_11 : memref<1x313x64xf32, #tpu.memory_space<hbm>> -> memref<313x64xf32, #tpu.memory_space<hbm>>
      %dma_start3A_13 = arith.constant 0 : i32
      %dma_start3A_14 = tpu.memref_slice %arg2[%run_scoped3A, %min3A_3, %dma_start3A_13] : memref<2x10000x64xf32, #tpu.memory_space<hbm>> -> memref<1x313x64xf32, #tpu.memory_space<hbm>>
      %dma_start3A_15 = tpu.memref_squeeze %dma_start3A_14 : memref<1x313x64xf32, #tpu.memory_space<hbm>> -> memref<313x64xf32, #tpu.memory_space<hbm>>
      tpu.enqueue_dma source(%dma_start3A_15 : memref<313x64xf32, #tpu.memory_space<hbm>>) target(%arg6 : memref<313x64xf32, #tpu.memory_space<vmem>>) target_semaphore(%run_scoped3A_10 : memref<!tpu.dma_semaphore, #tpu.memory_space<semaphore_mem>>)
      %dma_wait3A = arith.constant 0 : i32
      %dma_wait3A_16 = tpu.memref_slice %arg2[%run_scoped3A, %min3A_3, %dma_wait3A] : memref<2x10000x64xf32, #tpu.memory_space<hbm>> -> memref<1x313x64xf32, #tpu.memory_space<hbm>>
      %dma_wait3A_17 = tpu.memref_squeeze %dma_wait3A_16 : memref<1x313x64xf32, #tpu.memory_space<hbm>> -> memref<313x64xf32, #tpu.memory_space<hbm>>
      %dma_wait3A_18 = arith.constant 0 : i32
      %dma_wait3A_19 = tpu.memref_slice %arg2[%run_scoped3A, %min3A_3, %dma_wait3A_18] : memref<2x10000x64xf32, #tpu.memory_space<hbm>> -> memref<1x313x64xf32, #tpu.memory_space<hbm>>
      %dma_wait3A_20 = tpu.memref_squeeze %dma_wait3A_19 : memref<1x313x64xf32, #tpu.memory_space<hbm>> -> memref<313x64xf32, #tpu.memory_space<hbm>>
      tpu.wait_dma2 semaphore(%run_scoped3A_10 : memref<!tpu.dma_semaphore, #tpu.memory_space<semaphore_mem>>) src(%dma_wait3A_20 : memref<313x64xf32, #tpu.memory_space<hbm>>) dst(%arg6 : memref<313x64xf32, #tpu.memory_space<vmem>>)
      tpu.yield
    }) : () -> ()
    %run_scoped3A_4 = arith.constant 1 : i32
    "tpu.region"() ({
      %run_scoped3A_10 = tpu.sem_alloc : memref<!tpu.dma_semaphore, #tpu.memory_space<semaphore_mem>>
      %dma_start3A = arith.constant 0 : i32
      %dma_start3A_11 = tpu.memref_slice %arg2[%run_scoped3A_4, %min3A_3, %dma_start3A] : memref<2x10000x64xf32, #tpu.memory_space<hbm>> -> memref<1x313x64xf32, #tpu.memory_space<hbm>>
      %dma_start3A_12 = tpu.memref_squeeze %dma_start3A_11 : memref<1x313x64xf32, #tpu.memory_space<hbm>> -> memref<313x64xf32, #tpu.memory_space<hbm>>
      %dma_start3A_13 = arith.constant 0 : i32
      %dma_start3A_14 = tpu.memref_slice %arg2[%run_scoped3A_4, %min3A_3, %dma_start3A_13] : memref<2x10000x64xf32, #tpu.memory_space<hbm>> -> memref<1x313x64xf32, #tpu.memory_space<hbm>>
      %dma_start3A_15 = tpu.memref_squeeze %dma_start3A_14 : memref<1x313x64xf32, #tpu.memory_space<hbm>> -> memref<313x64xf32, #tpu.memory_space<hbm>>
      tpu.enqueue_dma source(%dma_start3A_15 : memref<313x64xf32, #tpu.memory_space<hbm>>) target(%arg7 : memref<313x64xf32, #tpu.memory_space<vmem>>) target_semaphore(%run_scoped3A_10 : memref<!tpu.dma_semaphore, #tpu.memory_space<semaphore_mem>>)
      %dma_wait3A = arith.constant 0 : i32
      %dma_wait3A_16 = tpu.memref_slice %arg2[%run_scoped3A_4, %min3A_3, %dma_wait3A] : memref<2x10000x64xf32, #tpu.memory_space<hbm>> -> memref<1x313x64xf32, #tpu.memory_space<hbm>>
      %dma_wait3A_17 = tpu.memref_squeeze %dma_wait3A_16 : memref<1x313x64xf32, #tpu.memory_space<hbm>> -> memref<313x64xf32, #tpu.memory_space<hbm>>
      %dma_wait3A_18 = arith.constant 0 : i32
      %dma_wait3A_19 = tpu.memref_slice %arg2[%run_scoped3A_4, %min3A_3, %dma_wait3A_18] : memref<2x10000x64xf32, #tpu.memory_space<hbm>> -> memref<1x313x64xf32, #tpu.memory_space<hbm>>
      %dma_wait3A_20 = tpu.memref_squeeze %dma_wait3A_19 : memref<1x313x64xf32, #tpu.memory_space<hbm>> -> memref<313x64xf32, #tpu.memory_space<hbm>>
      tpu.wait_dma2 semaphore(%run_scoped3A_10 : memref<!tpu.dma_semaphore, #tpu.memory_space<semaphore_mem>>) src(%dma_wait3A_20 : memref<313x64xf32, #tpu.memory_space<hbm>>) dst(%arg7 : memref<313x64xf32, #tpu.memory_space<vmem>>)
      tpu.yield
    }) : () -> ()
    "tpu.region"() ({
      %run_scoped3A_10 = tpu.sem_alloc : memref<!tpu.dma_semaphore, #tpu.memory_space<semaphore_mem>>
      %dma_start3A = arith.constant 0 : i32
      %dma_start3A_11 = tpu.memref_slice %arg3[%min3A_3, %dma_start3A] : memref<10000x128xf32, #tpu.memory_space<hbm>> -> memref<313x16xf32, #tpu.memory_space<hbm>>
      %dma_start3A_12 = arith.constant 0 : i32
      %dma_start3A_13 = tpu.memref_slice %arg3[%min3A_3, %dma_start3A_12] : memref<10000x128xf32, #tpu.memory_space<hbm>> -> memref<313x16xf32, #tpu.memory_space<hbm>>
      tpu.enqueue_dma source(%dma_start3A_13 : memref<313x16xf32, #tpu.memory_space<hbm>>) target(%arg8 : memref<313x16xf32, #tpu.memory_space<vmem>>) target_semaphore(%run_scoped3A_10 : memref<!tpu.dma_semaphore, #tpu.memory_space<semaphore_mem>>)
      %dma_wait3A = arith.constant 0 : i32
      %dma_wait3A_14 = tpu.memref_slice %arg3[%min3A_3, %dma_wait3A] : memref<10000x128xf32, #tpu.memory_space<hbm>> -> memref<313x16xf32, #tpu.memory_space<hbm>>
      %dma_wait3A_15 = arith.constant 0 : i32
      %dma_wait3A_16 = tpu.memref_slice %arg3[%min3A_3, %dma_wait3A_15] : memref<10000x128xf32, #tpu.memory_space<hbm>> -> memref<313x16xf32, #tpu.memory_space<hbm>>
      tpu.wait_dma2 semaphore(%run_scoped3A_10 : memref<!tpu.dma_semaphore, #tpu.memory_space<semaphore_mem>>) src(%dma_wait3A_16 : memref<313x16xf32, #tpu.memory_space<hbm>>) dst(%arg8 : memref<313x16xf32, #tpu.memory_space<vmem>>)
      tpu.yield
    }) : () -> ()
    "tpu.region"() ({
      %run_scoped3A_10 = tpu.sem_alloc : memref<!tpu.dma_semaphore, #tpu.memory_space<semaphore_mem>>
      tpu.enqueue_dma source(%arg4 : memref<1x64xf32, #tpu.memory_space<hbm>>) target(%arg10 : memref<1x64xf32, #tpu.memory_space<vmem>>) target_semaphore(%run_scoped3A_10 : memref<!tpu.dma_semaphore, #tpu.memory_space<semaphore_mem>>)
      tpu.wait_dma2 semaphore(%run_scoped3A_10 : memref<!tpu.dma_semaphore, #tpu.memory_space<semaphore_mem>>) src(%arg4 : memref<1x64xf32, #tpu.memory_space<hbm>>) dst(%arg10 : memref<1x64xf32, #tpu.memory_space<vmem>>)
      tpu.yield
    }) : () -> ()
    %scan3A = arith.constant 0 : i32
    %scan3A_5 = arith.constant 0 : i32
    %scan3A_6 = arith.constant 313 : i32
    %scan3A_7 = arith.addi %scan3A_5, %scan3A_6 : i32
    %scan3A_8 = arith.constant 1 : i32
    scf.for %scan3A_10 = %scan3A_5 to %scan3A_7 step %scan3A_8  : i32 {
      %get3A = arith.index_cast %scan3A_10 : i32 to index
      %get3A_11 = arith.constant 0 : index
      %get3A_12 = tpu.vector_load %arg8[%get3A, %get3A_11] {strides = array<i32>} : memref<313x16xf32, #tpu.memory_space<vmem>>, vector<1x16xf32>,
      %get3A_13 = vector.shape_cast %get3A_12 : vector<1x16xf32> to vector<16xf32>
      %get3A_14 = arith.index_cast %scan3A_10 : i32 to index
      %get3A_15 = arith.constant 0 : index
      %get3A_16 = tpu.vector_load %arg6[%get3A_14, %get3A_15] {strides = array<i32>} : memref<313x64xf32, #tpu.memory_space<vmem>>, vector<1x16xf32>,
      %get3A_17 = vector.shape_cast %get3A_16 : vector<1x16xf32> to vector<16xf32>
      %get3A_18 = arith.index_cast %scan3A_10 : i32 to index
      %get3A_19 = arith.constant 0 : index
      %get3A_20 = tpu.vector_load %arg7[%get3A_18, %get3A_19] {strides = array<i32>} : memref<313x64xf32, #tpu.memory_space<vmem>>, vector<1x16xf32>,
      %get3A_21 = vector.shape_cast %get3A_20 : vector<1x16xf32> to vector<16xf32>
      %add3A_22 = arith.addf %get3A_17, %get3A_21 : vector<16xf32>
      %mul3A_23 = arith.mulf %add3A_22, %get3A_13 : vector<16xf32>
      %get3A_24 = arith.constant 0 : i32
      %get3A_25 = arith.index_cast %get3A_24 : i32 to index
      %get3A_26 = arith.constant 0 : index
      %get3A_27 = tpu.vector_load %arg10[%get3A_25, %get3A_26] {strides = array<i32>} : memref<1x64xf32, #tpu.memory_space<vmem>>, vector<1x16xf32>,
      %get3A_28 = vector.shape_cast %get3A_27 : vector<1x16xf32> to vector<16xf32>
      %add3A_29 = arith.addf %mul3A_23, %get3A_28 : vector<16xf32>
      %swap3A = arith.index_cast %scan3A_10 : i32 to index
      %swap3A_30 = arith.constant 0 : index
      %swap3A_31 = tpu.vector_load %arg9[%swap3A, %swap3A_30] {strides = array<i32>} : memref<313x64xf32, #tpu.memory_space<vmem>>, vector<1x16xf32>,
      %swap3A_32 = vector.shape_cast %swap3A_31 : vector<1x16xf32> to vector<16xf32>
      %swap3A_33 = vector.shape_cast %add3A_29 : vector<16xf32> to vector<1x16xf32>
      tpu.vector_store %arg9[%swap3A, %swap3A_30], %swap3A_33 {strides = array<i32>} : memref<313x64xf32, #tpu.memory_space<vmem>>, vector<1x16xf32>,
      %get3A_34 = arith.index_cast %scan3A_10 : i32 to index
      %get3A_35 = arith.constant 16 : index
      %get3A_36 = tpu.vector_load %arg6[%get3A_34, %get3A_35] {strides = array<i32>} : memref<313x64xf32, #tpu.memory_space<vmem>>, vector<1x16xf32>,
      %get3A_37 = vector.shape_cast %get3A_36 : vector<1x16xf32> to vector<16xf32>
      %get3A_38 = arith.index_cast %scan3A_10 : i32 to index
      %get3A_39 = arith.constant 16 : index
      %get3A_40 = tpu.vector_load %arg7[%get3A_38, %get3A_39] {strides = array<i32>} : memref<313x64xf32, #tpu.memory_space<vmem>>, vector<1x16xf32>,
      %get3A_41 = vector.shape_cast %get3A_40 : vector<1x16xf32> to vector<16xf32>
      %add3A_42 = arith.addf %get3A_37, %get3A_41 : vector<16xf32>
      %mul3A_43 = arith.mulf %add3A_42, %get3A_13 : vector<16xf32>
      %get3A_44 = arith.constant 0 : i32
      %get3A_45 = arith.index_cast %get3A_44 : i32 to index
      %get3A_46 = arith.constant 16 : index
      %get3A_47 = tpu.vector_load %arg10[%get3A_45, %get3A_46] {strides = array<i32>} : memref<1x64xf32, #tpu.memory_space<vmem>>, vector<1x16xf32>,
      %get3A_48 = vector.shape_cast %get3A_47 : vector<1x16xf32> to vector<16xf32>
      %add3A_49 = arith.addf %mul3A_43, %get3A_48 : vector<16xf32>
      %swap3A_50 = arith.index_cast %scan3A_10 : i32 to index
      %swap3A_51 = arith.constant 16 : index
      %swap3A_52 = tpu.vector_load %arg9[%swap3A_50, %swap3A_51] {strides = array<i32>} : memref<313x64xf32, #tpu.memory_space<vmem>>, vector<1x16xf32>,
      %swap3A_53 = vector.shape_cast %swap3A_52 : vector<1x16xf32> to vector<16xf32>
      %swap3A_54 = vector.shape_cast %add3A_49 : vector<16xf32> to vector<1x16xf32>
      tpu.vector_store %arg9[%swap3A_50, %swap3A_51], %swap3A_54 {strides = array<i32>} : memref<313x64xf32, #tpu.memory_space<vmem>>, vector<1x16xf32>,
      %get3A_55 = arith.index_cast %scan3A_10 : i32 to index
      %get3A_56 = arith.constant 32 : index
      %get3A_57 = tpu.vector_load %arg6[%get3A_55, %get3A_56] {strides = array<i32>} : memref<313x64xf32, #tpu.memory_space<vmem>>, vector<1x16xf32>,
      %get3A_58 = vector.shape_cast %get3A_57 : vector<1x16xf32> to vector<16xf32>
      %get3A_59 = arith.index_cast %scan3A_10 : i32 to index
      %get3A_60 = arith.constant 32 : index
      %get3A_61 = tpu.vector_load %arg7[%get3A_59, %get3A_60] {strides = array<i32>} : memref<313x64xf32, #tpu.memory_space<vmem>>, vector<1x16xf32>,
      %get3A_62 = vector.shape_cast %get3A_61 : vector<1x16xf32> to vector<16xf32>
      %add3A_63 = arith.addf %get3A_58, %get3A_62 : vector<16xf32>
      %mul3A_64 = arith.mulf %add3A_63, %get3A_13 : vector<16xf32>
      %get3A_65 = arith.constant 0 : i32
      %get3A_66 = arith.index_cast %get3A_65 : i32 to index
      %get3A_67 = arith.constant 32 : index
      %get3A_68 = tpu.vector_load %arg10[%get3A_66, %get3A_67] {strides = array<i32>} : memref<1x64xf32, #tpu.memory_space<vmem>>, vector<1x16xf32>,
      %get3A_69 = vector.shape_cast %get3A_68 : vector<1x16xf32> to vector<16xf32>
      %add3A_70 = arith.addf %mul3A_64, %get3A_69 : vector<16xf32>
      %swap3A_71 = arith.index_cast %scan3A_10 : i32 to index
      %swap3A_72 = arith.constant 32 : index
      %swap3A_73 = tpu.vector_load %arg9[%swap3A_71, %swap3A_72] {strides = array<i32>} : memref<313x64xf32, #tpu.memory_space<vmem>>, vector<1x16xf32>,
      %swap3A_74 = vector.shape_cast %swap3A_73 : vector<1x16xf32> to vector<16xf32>
      %swap3A_75 = vector.shape_cast %add3A_70 : vector<16xf32> to vector<1x16xf32>
      tpu.vector_store %arg9[%swap3A_71, %swap3A_72], %swap3A_75 {strides = array<i32>} : memref<313x64xf32, #tpu.memory_space<vmem>>, vector<1x16xf32>,
      %get3A_76 = arith.index_cast %scan3A_10 : i32 to index
      %get3A_77 = arith.constant 48 : index
      %get3A_78 = tpu.vector_load %arg6[%get3A_76, %get3A_77] {strides = array<i32>} : memref<313x64xf32, #tpu.memory_space<vmem>>, vector<1x16xf32>,
      %get3A_79 = vector.shape_cast %get3A_78 : vector<1x16xf32> to vector<16xf32>
      %get3A_80 = arith.index_cast %scan3A_10 : i32 to index
      %get3A_81 = arith.constant 48 : index
      %get3A_82 = tpu.vector_load %arg7[%get3A_80, %get3A_81] {strides = array<i32>} : memref<313x64xf32, #tpu.memory_space<vmem>>, vector<1x16xf32>,
      %get3A_83 = vector.shape_cast %get3A_82 : vector<1x16xf32> to vector<16xf32>
      %add3A_84 = arith.addf %get3A_79, %get3A_83 : vector<16xf32>
      %mul3A_85 = arith.mulf %add3A_84, %get3A_13 : vector<16xf32>
      %get3A_86 = arith.constant 0 : i32
      %get3A_87 = arith.index_cast %get3A_86 : i32 to index
      %get3A_88 = arith.constant 48 : index
      %get3A_89 = tpu.vector_load %arg10[%get3A_87, %get3A_88] {strides = array<i32>} : memref<1x64xf32, #tpu.memory_space<vmem>>, vector<1x16xf32>,
      %get3A_90 = vector.shape_cast %get3A_89 : vector<1x16xf32> to vector<16xf32>
      %add3A_91 = arith.addf %mul3A_85, %get3A_90 : vector<16xf32>
      %swap3A_92 = arith.index_cast %scan3A_10 : i32 to index
      %swap3A_93 = arith.constant 48 : index
      %swap3A_94 = tpu.vector_load %arg9[%swap3A_92, %swap3A_93] {strides = array<i32>} : memref<313x64xf32, #tpu.memory_space<vmem>>, vector<1x16xf32>,
      %swap3A_95 = vector.shape_cast %swap3A_94 : vector<1x16xf32> to vector<16xf32>
      %swap3A_96 = vector.shape_cast %add3A_91 : vector<16xf32> to vector<1x16xf32>
      tpu.vector_store %arg9[%swap3A_92, %swap3A_93], %swap3A_96 {strides = array<i32>} : memref<313x64xf32, #tpu.memory_space<vmem>>, vector<1x16xf32>,
    }
    %scan3A_9 = arith.constant 313 : i32
    "tpu.region"() ({
      %run_scoped3A_10 = tpu.sem_alloc : memref<!tpu.dma_semaphore, #tpu.memory_space<semaphore_mem>>
      %dma_start3A = arith.constant 0 : i32
      %dma_start3A_11 = tpu.memref_slice %arg5[%min3A_3, %dma_start3A] : memref<10000x64xf32, #tpu.memory_space<hbm>> -> memref<313x64xf32, #tpu.memory_space<hbm>>
      %dma_start3A_12 = arith.constant 0 : i32
      %dma_start3A_13 = tpu.memref_slice %arg5[%min3A_3, %dma_start3A_12] : memref<10000x64xf32, #tpu.memory_space<hbm>> -> memref<313x64xf32, #tpu.memory_space<hbm>>
      tpu.enqueue_dma source(%arg9 : memref<313x64xf32, #tpu.memory_space<vmem>>) target(%dma_start3A_13 : memref<313x64xf32, #tpu.memory_space<hbm>>) target_semaphore(%run_scoped3A_10 : memref<!tpu.dma_semaphore, #tpu.memory_space<semaphore_mem>>)
      %dma_wait3A = arith.constant 0 : i32
      %dma_wait3A_14 = tpu.memref_slice %arg5[%min3A_3, %dma_wait3A] : memref<10000x64xf32, #tpu.memory_space<hbm>> -> memref<313x64xf32, #tpu.memory_space<hbm>>
      %dma_wait3A_15 = arith.constant 0 : i32
      %dma_wait3A_16 = tpu.memref_slice %arg5[%min3A_3, %dma_wait3A_15] : memref<10000x64xf32, #tpu.memory_space<hbm>> -> memref<313x64xf32, #tpu.memory_space<hbm>>
      tpu.wait_dma2 semaphore(%run_scoped3A_10 : memref<!tpu.dma_semaphore, #tpu.memory_space<semaphore_mem>>) src(%arg9 : memref<313x64xf32, #tpu.memory_space<vmem>>) dst(%dma_wait3A_16 : memref<313x64xf32, #tpu.memory_space<hbm>>)
      tpu.yield
    }) : () -> ()
    return
  }
}

#map = affine_map<(d0, d1) -> (0)>
#map1 = affine_map<(d0, d1) -> (0, 0)>
module attributes {stable_mosaic.version = 14 : i64} {
  func.func @_deg_kernel(%arg0: i32, %arg1: i32, %arg2: memref<640000xi32, #tpu.memory_space<hbm>>, %arg3: memref<80x8xf32, #tpu.memory_space<hbm>>, %arg4: memref<625x8xf32, #tpu.memory_space<hbm>>, %arg5: memref<10000x8xf32, #tpu.memory_space<hbm>>, %arg6: memref<10000x8xf32, #tpu.memory_space<hbm>>, %arg7: memref<20000xi32, #tpu.memory_space<vmem>>, %arg8: memref<80x8xf32, #tpu.memory_space<vmem>>, %arg9: memref<10000x8xf32, #tpu.memory_space<vmem_shared>>, %arg10: memref<!tpu.dma_semaphore, #tpu.memory_space<semaphore_mem>>) attributes {dimension_semantics = [#tpu.dimension_semantics<core_parallel>, #tpu.dimension_semantics<subcore_parallel>], iteration_bounds = array<i64: 2, 16>, scalar_prefetch = 0 : i64, scratch_operands = 4 : i64, tpu.core_type = #tpu.core_type<sc_vector_subcore>, window_params = [{transform_indices = #map}, {transform_indices = #map1}, {transform_indices = #map1}, {transform_indices = #map1}, {transform_indices = #map1}]} {
    %mul3A = arith.constant 625 : i32
    %mul3A_0 = arith.muli %arg1, %mul3A : i32
    "tpu.region"() ({
      %run_scoped3A = tpu.sem_alloc : memref<!tpu.dma_semaphore, #tpu.memory_space<semaphore_mem>>
      tpu.enqueue_dma source(%arg3 : memref<80x8xf32, #tpu.memory_space<hbm>>) target(%arg8 : memref<80x8xf32, #tpu.memory_space<vmem>>) target_semaphore(%run_scoped3A : memref<!tpu.dma_semaphore, #tpu.memory_space<semaphore_mem>>)
      tpu.wait_dma2 semaphore(%run_scoped3A : memref<!tpu.dma_semaphore, #tpu.memory_space<semaphore_mem>>) src(%arg3 : memref<80x8xf32, #tpu.memory_space<hbm>>) dst(%arg8 : memref<80x8xf32, #tpu.memory_space<vmem>>)
      tpu.yield
    }) : () -> ()
    "tpu.region"() ({
      %run_scoped3A = tpu.sem_alloc : memref<!tpu.dma_semaphore, #tpu.memory_space<semaphore_mem>>
      %dma_start3A = arith.constant 0 : i32
      %dma_start3A_64 = tpu.memref_slice %arg9[%mul3A_0, %dma_start3A] : memref<10000x8xf32, #tpu.memory_space<vmem_shared>> -> memref<625x8xf32, #tpu.memory_space<vmem_shared>>
      tpu.enqueue_dma source(%arg4 : memref<625x8xf32, #tpu.memory_space<hbm>>) target(%dma_start3A_64 : memref<625x8xf32, #tpu.memory_space<vmem_shared>>) target_semaphore(%run_scoped3A : memref<!tpu.dma_semaphore, #tpu.memory_space<semaphore_mem>>)
      %dma_wait3A_65 = arith.constant 0 : i32
      %dma_wait3A_66 = tpu.memref_slice %arg9[%mul3A_0, %dma_wait3A_65] : memref<10000x8xf32, #tpu.memory_space<vmem_shared>> -> memref<625x8xf32, #tpu.memory_space<vmem_shared>>
      tpu.wait_dma2 semaphore(%run_scoped3A : memref<!tpu.dma_semaphore, #tpu.memory_space<semaphore_mem>>) src(%arg4 : memref<625x8xf32, #tpu.memory_space<hbm>>) dst(%dma_wait3A_66 : memref<625x8xf32, #tpu.memory_space<vmem_shared>>)
      tpu.yield
    }) : () -> ()
    %barrier3A = arith.constant 0 : index
    tpu.barrier barrier_id(%barrier3A)
    %mul3A_1 = arith.constant 320000 : i32
    %mul3A_2 = arith.muli %arg0, %mul3A_1 : i32
    %mul3A_3 = arith.constant 20000 : i32
    %mul3A_4 = arith.muli %arg1, %mul3A_3 : i32
    %add3A = arith.addi %mul3A_2, %mul3A_4 : i32
    "tpu.region"() ({
      %run_scoped3A = tpu.sem_alloc : memref<!tpu.dma_semaphore, #tpu.memory_space<semaphore_mem>>
      %dma_start3A = tpu.memref_slice %arg2[%add3A] : memref<640000xi32, #tpu.memory_space<hbm>> -> memref<20000xi32, #tpu.memory_space<hbm>>
      %dma_start3A_64 = tpu.memref_slice %arg2[%add3A] : memref<640000xi32, #tpu.memory_space<hbm>> -> memref<20000xi32, #tpu.memory_space<hbm>>
      tpu.enqueue_dma source(%dma_start3A_64 : memref<20000xi32, #tpu.memory_space<hbm>>) target(%arg7 : memref<20000xi32, #tpu.memory_space<vmem>>) target_semaphore(%run_scoped3A : memref<!tpu.dma_semaphore, #tpu.memory_space<semaphore_mem>>)
      %dma_wait3A_65 = tpu.memref_slice %arg2[%add3A] : memref<640000xi32, #tpu.memory_space<hbm>> -> memref<20000xi32, #tpu.memory_space<hbm>>
      %dma_wait3A_66 = tpu.memref_slice %arg2[%add3A] : memref<640000xi32, #tpu.memory_space<hbm>> -> memref<20000xi32, #tpu.memory_space<hbm>>
      tpu.wait_dma2 semaphore(%run_scoped3A : memref<!tpu.dma_semaphore, #tpu.memory_space<semaphore_mem>>) src(%dma_wait3A_66 : memref<20000xi32, #tpu.memory_space<hbm>>) dst(%arg7 : memref<20000xi32, #tpu.memory_space<vmem>>)
      tpu.yield
    }) : () -> ()
    %scan3A = arith.constant 0 : i32
    %scan3A_5 = arith.constant 0 : i32
    %scan3A_6 = arith.constant 250 : i32
    %scan3A_7 = arith.addi %scan3A_5, %scan3A_6 : i32
    %scan3A_8 = arith.constant 1 : i32
    scf.for %scan3A_64 = %scan3A_5 to %scan3A_7 step %scan3A_8  : i32 {
      %mul3A_65 = arith.constant 80 : i32
      %mul3A_66 = arith.muli %scan3A_64, %mul3A_65 : i32
      %multiple_of3A_67 = tpu.assume_multiple %mul3A_66, 8 : i32
      %dma_start3A = tpu.memref_slice %arg7[%multiple_of3A_67] : memref<20000xi32, #tpu.memory_space<vmem>> -> memref<80xi32, #tpu.memory_space<vmem>>
      %dma_start3A_68 = arith.constant 0 : i32
      %dma_start3A_69 = arith.constant 0 : i32
      %dma_start3A_70 = tpu.memref_slice %arg9[%dma_start3A_68, %dma_start3A_69] : memref<10000x8xf32, #tpu.memory_space<vmem_shared>> -> memref<10000x8xf32, #tpu.memory_space<vmem_shared>>
      tpu.enqueue_indirect_dma source(%arg8 : memref<80x8xf32, #tpu.memory_space<vmem>>) target(%dma_start3A_70 : memref<10000x8xf32, #tpu.memory_space<vmem_shared>>) offsets(%dma_start3A : memref<80xi32, #tpu.memory_space<vmem>>) semaphore(%arg10 : memref<!tpu.dma_semaphore, #tpu.memory_space<semaphore_mem>>) {add = true}
      %ge3A = arith.constant 8 : i32
      %ge3A_71 = arith.cmpi sge, %scan3A_64, %ge3A : i32
      %convert_element_type3A_72 = arith.extui %ge3A_71 : i1 to i32
      %cond3A_73 = arith.constant 0 : i32
      %cond3A_74 = arith.cmpi ne, %convert_element_type3A_72, %cond3A_73 : i32
      scf.if %cond3A_74 {
        %sub3A = arith.constant 8 : i32
        %sub3A_75 = arith.subi %scan3A_64, %sub3A : i32
        %mul3A_76 = arith.constant 80 : i32
        %mul3A_77 = arith.muli %sub3A_75, %mul3A_76 : i32
        %multiple_of3A_78 = tpu.assume_multiple %mul3A_77, 8 : i32
        %dma_wait3A_79 = tpu.memref_slice %arg7[%multiple_of3A_78] : memref<20000xi32, #tpu.memory_space<vmem>> -> memref<80xi32, #tpu.memory_space<vmem>>
        %dma_wait3A_80 = arith.constant 0 : i32
        %dma_wait3A_81 = arith.constant 0 : i32
        %dma_wait3A_82 = tpu.memref_slice %arg9[%dma_wait3A_80, %dma_wait3A_81] : memref<10000x8xf32, #tpu.memory_space<vmem_shared>> -> memref<10000x8xf32, #tpu.memory_space<vmem_shared>>
        tpu.wait_indirect_dma semaphore(%arg10 : memref<!tpu.dma_semaphore, #tpu.memory_space<semaphore_mem>>) src(%arg8 : memref<80x8xf32, #tpu.memory_space<vmem>>) dst(%dma_wait3A_82 : memref<10000x8xf32, #tpu.memory_space<vmem_shared>>)
      } else {
      }
    }
    %scan3A_9 = arith.constant 250 : i32
    %multiple_of3A = arith.constant 19360 : i32
    %multiple_of3A_10 = tpu.assume_multiple %multiple_of3A, 8 : i32
    %dma_wait3A = tpu.memref_slice %arg7[%multiple_of3A_10] : memref<20000xi32, #tpu.memory_space<vmem>> -> memref<80xi32, #tpu.memory_space<vmem>>
    %dma_wait3A_11 = arith.constant 0 : i32
    %dma_wait3A_12 = arith.constant 0 : i32
    %dma_wait3A_13 = tpu.memref_slice %arg9[%dma_wait3A_11, %dma_wait3A_12] : memref<10000x8xf32, #tpu.memory_space<vmem_shared>> -> memref<10000x8xf32, #tpu.memory_space<vmem_shared>>
    tpu.wait_indirect_dma semaphore(%arg10 : memref<!tpu.dma_semaphore, #tpu.memory_space<semaphore_mem>>) src(%arg8 : memref<80x8xf32, #tpu.memory_space<vmem>>) dst(%dma_wait3A_13 : memref<10000x8xf32, #tpu.memory_space<vmem_shared>>)
    %multiple_of3A_14 = arith.constant 19440 : i32
    %multiple_of3A_15 = tpu.assume_multiple %multiple_of3A_14, 8 : i32
    %dma_wait3A_16 = tpu.memref_slice %arg7[%multiple_of3A_15] : memref<20000xi32, #tpu.memory_space<vmem>> -> memref<80xi32, #tpu.memory_space<vmem>>
    %dma_wait3A_17 = arith.constant 0 : i32
    %dma_wait3A_18 = arith.constant 0 : i32
    %dma_wait3A_19 = tpu.memref_slice %arg9[%dma_wait3A_17, %dma_wait3A_18] : memref<10000x8xf32, #tpu.memory_space<vmem_shared>> -> memref<10000x8xf32, #tpu.memory_space<vmem_shared>>
    tpu.wait_indirect_dma semaphore(%arg10 : memref<!tpu.dma_semaphore, #tpu.memory_space<semaphore_mem>>) src(%arg8 : memref<80x8xf32, #tpu.memory_space<vmem>>) dst(%dma_wait3A_19 : memref<10000x8xf32, #tpu.memory_space<vmem_shared>>)
    %multiple_of3A_20 = arith.constant 19520 : i32
    %multiple_of3A_21 = tpu.assume_multiple %multiple_of3A_20, 8 : i32
    %dma_wait3A_22 = tpu.memref_slice %arg7[%multiple_of3A_21] : memref<20000xi32, #tpu.memory_space<vmem>> -> memref<80xi32, #tpu.memory_space<vmem>>
    %dma_wait3A_23 = arith.constant 0 : i32
    %dma_wait3A_24 = arith.constant 0 : i32
    %dma_wait3A_25 = tpu.memref_slice %arg9[%dma_wait3A_23, %dma_wait3A_24] : memref<10000x8xf32, #tpu.memory_space<vmem_shared>> -> memref<10000x8xf32, #tpu.memory_space<vmem_shared>>
    tpu.wait_indirect_dma semaphore(%arg10 : memref<!tpu.dma_semaphore, #tpu.memory_space<semaphore_mem>>) src(%arg8 : memref<80x8xf32, #tpu.memory_space<vmem>>) dst(%dma_wait3A_25 : memref<10000x8xf32, #tpu.memory_space<vmem_shared>>)
    %multiple_of3A_26 = arith.constant 19600 : i32
    %multiple_of3A_27 = tpu.assume_multiple %multiple_of3A_26, 8 : i32
    %dma_wait3A_28 = tpu.memref_slice %arg7[%multiple_of3A_27] : memref<20000xi32, #tpu.memory_space<vmem>> -> memref<80xi32, #tpu.memory_space<vmem>>
    %dma_wait3A_29 = arith.constant 0 : i32
    %dma_wait3A_30 = arith.constant 0 : i32
    %dma_wait3A_31 = tpu.memref_slice %arg9[%dma_wait3A_29, %dma_wait3A_30] : memref<10000x8xf32, #tpu.memory_space<vmem_shared>> -> memref<10000x8xf32, #tpu.memory_space<vmem_shared>>
    tpu.wait_indirect_dma semaphore(%arg10 : memref<!tpu.dma_semaphore, #tpu.memory_space<semaphore_mem>>) src(%arg8 : memref<80x8xf32, #tpu.memory_space<vmem>>) dst(%dma_wait3A_31 : memref<10000x8xf32, #tpu.memory_space<vmem_shared>>)
    %multiple_of3A_32 = arith.constant 19680 : i32
    %multiple_of3A_33 = tpu.assume_multiple %multiple_of3A_32, 8 : i32
    %dma_wait3A_34 = tpu.memref_slice %arg7[%multiple_of3A_33] : memref<20000xi32, #tpu.memory_space<vmem>> -> memref<80xi32, #tpu.memory_space<vmem>>
    %dma_wait3A_35 = arith.constant 0 : i32
    %dma_wait3A_36 = arith.constant 0 : i32
    %dma_wait3A_37 = tpu.memref_slice %arg9[%dma_wait3A_35, %dma_wait3A_36] : memref<10000x8xf32, #tpu.memory_space<vmem_shared>> -> memref<10000x8xf32, #tpu.memory_space<vmem_shared>>
    tpu.wait_indirect_dma semaphore(%arg10 : memref<!tpu.dma_semaphore, #tpu.memory_space<semaphore_mem>>) src(%arg8 : memref<80x8xf32, #tpu.memory_space<vmem>>) dst(%dma_wait3A_37 : memref<10000x8xf32, #tpu.memory_space<vmem_shared>>)
    %multiple_of3A_38 = arith.constant 19760 : i32
    %multiple_of3A_39 = tpu.assume_multiple %multiple_of3A_38, 8 : i32
    %dma_wait3A_40 = tpu.memref_slice %arg7[%multiple_of3A_39] : memref<20000xi32, #tpu.memory_space<vmem>> -> memref<80xi32, #tpu.memory_space<vmem>>
    %dma_wait3A_41 = arith.constant 0 : i32
    %dma_wait3A_42 = arith.constant 0 : i32
    %dma_wait3A_43 = tpu.memref_slice %arg9[%dma_wait3A_41, %dma_wait3A_42] : memref<10000x8xf32, #tpu.memory_space<vmem_shared>> -> memref<10000x8xf32, #tpu.memory_space<vmem_shared>>
    tpu.wait_indirect_dma semaphore(%arg10 : memref<!tpu.dma_semaphore, #tpu.memory_space<semaphore_mem>>) src(%arg8 : memref<80x8xf32, #tpu.memory_space<vmem>>) dst(%dma_wait3A_43 : memref<10000x8xf32, #tpu.memory_space<vmem_shared>>)
    %multiple_of3A_44 = arith.constant 19840 : i32
    %multiple_of3A_45 = tpu.assume_multiple %multiple_of3A_44, 8 : i32
    %dma_wait3A_46 = tpu.memref_slice %arg7[%multiple_of3A_45] : memref<20000xi32, #tpu.memory_space<vmem>> -> memref<80xi32, #tpu.memory_space<vmem>>
    %dma_wait3A_47 = arith.constant 0 : i32
    %dma_wait3A_48 = arith.constant 0 : i32
    %dma_wait3A_49 = tpu.memref_slice %arg9[%dma_wait3A_47, %dma_wait3A_48] : memref<10000x8xf32, #tpu.memory_space<vmem_shared>> -> memref<10000x8xf32, #tpu.memory_space<vmem_shared>>
    tpu.wait_indirect_dma semaphore(%arg10 : memref<!tpu.dma_semaphore, #tpu.memory_space<semaphore_mem>>) src(%arg8 : memref<80x8xf32, #tpu.memory_space<vmem>>) dst(%dma_wait3A_49 : memref<10000x8xf32, #tpu.memory_space<vmem_shared>>)
    %multiple_of3A_50 = arith.constant 19920 : i32
    %multiple_of3A_51 = tpu.assume_multiple %multiple_of3A_50, 8 : i32
    %dma_wait3A_52 = tpu.memref_slice %arg7[%multiple_of3A_51] : memref<20000xi32, #tpu.memory_space<vmem>> -> memref<80xi32, #tpu.memory_space<vmem>>
    %dma_wait3A_53 = arith.constant 0 : i32
    %dma_wait3A_54 = arith.constant 0 : i32
    %dma_wait3A_55 = tpu.memref_slice %arg9[%dma_wait3A_53, %dma_wait3A_54] : memref<10000x8xf32, #tpu.memory_space<vmem_shared>> -> memref<10000x8xf32, #tpu.memory_space<vmem_shared>>
    tpu.wait_indirect_dma semaphore(%arg10 : memref<!tpu.dma_semaphore, #tpu.memory_space<semaphore_mem>>) src(%arg8 : memref<80x8xf32, #tpu.memory_space<vmem>>) dst(%dma_wait3A_55 : memref<10000x8xf32, #tpu.memory_space<vmem_shared>>)
    %barrier3A_56 = arith.constant 0 : index
    tpu.barrier barrier_id(%barrier3A_56)
    %eq3A = arith.constant 0 : i32
    %eq3A_57 = arith.cmpi eq, %arg0, %eq3A : i32
    %convert_element_type3A = arith.extui %eq3A_57 : i1 to i32
    %cond3A = arith.constant 0 : i32
    %cond3A_58 = arith.cmpi ne, %convert_element_type3A, %cond3A : i32
    scf.if %cond3A_58 {
      "tpu.region"() ({
        %run_scoped3A = tpu.sem_alloc : memref<!tpu.dma_semaphore, #tpu.memory_space<semaphore_mem>>
        %dma_start3A = arith.constant 0 : i32
        %dma_start3A_64 = tpu.memref_slice %arg5[%mul3A_0, %dma_start3A] : memref<10000x8xf32, #tpu.memory_space<hbm>> -> memref<625x8xf32, #tpu.memory_space<hbm>>
        %dma_start3A_65 = arith.constant 0 : i32
        %dma_start3A_66 = tpu.memref_slice %arg9[%mul3A_0, %dma_start3A_65] : memref<10000x8xf32, #tpu.memory_space<vmem_shared>> -> memref<625x8xf32, #tpu.memory_space<vmem_shared>>
        tpu.enqueue_dma source(%dma_start3A_66 : memref<625x8xf32, #tpu.memory_space<vmem_shared>>) target(%dma_start3A_64 : memref<625x8xf32, #tpu.memory_space<hbm>>) target_semaphore(%run_scoped3A : memref<!tpu.dma_semaphore, #tpu.memory_space<semaphore_mem>>)
        %dma_wait3A_67 = arith.constant 0 : i32
        %dma_wait3A_68 = tpu.memref_slice %arg5[%mul3A_0, %dma_wait3A_67] : memref<10000x8xf32, #tpu.memory_space<hbm>> -> memref<625x8xf32, #tpu.memory_space<hbm>>
        %dma_wait3A_69 = arith.constant 0 : i32
        %dma_wait3A_70 = tpu.memref_slice %arg9[%mul3A_0, %dma_wait3A_69] : memref<10000x8xf32, #tpu.memory_space<vmem_shared>> -> memref<625x8xf32, #tpu.memory_space<vmem_shared>>
        tpu.wait_dma2 semaphore(%run_scoped3A : memref<!tpu.dma_semaphore, #tpu.memory_space<semaphore_mem>>) src(%dma_wait3A_70 : memref<625x8xf32, #tpu.memory_space<vmem_shared>>) dst(%dma_wait3A_68 : memref<625x8xf32, #tpu.memory_space<hbm>>)
        tpu.yield
      }) : () -> ()
    } else {
    }
    %eq3A_59 = arith.constant 1 : i32
    %eq3A_60 = arith.cmpi eq, %arg0, %eq3A_59 : i32
    %convert_element_type3A_61 = arith.extui %eq3A_60 : i1 to i32
    %cond3A_62 = arith.constant 0 : i32
    %cond3A_63 = arith.cmpi ne, %convert_element_type3A_61, %cond3A_62 : i32
    scf.if %cond3A_63 {
      "tpu.region"() ({
        %run_scoped3A = tpu.sem_alloc : memref<!tpu.dma_semaphore, #tpu.memory_space<semaphore_mem>>
        %dma_start3A = arith.constant 0 : i32
        %dma_start3A_64 = tpu.memref_slice %arg6[%mul3A_0, %dma_start3A] : memref<10000x8xf32, #tpu.memory_space<hbm>> -> memref<625x8xf32, #tpu.memory_space<hbm>>
        %dma_start3A_65 = arith.constant 0 : i32
        %dma_start3A_66 = tpu.memref_slice %arg9[%mul3A_0, %dma_start3A_65] : memref<10000x8xf32, #tpu.memory_space<vmem_shared>> -> memref<625x8xf32, #tpu.memory_space<vmem_shared>>
        tpu.enqueue_dma source(%dma_start3A_66 : memref<625x8xf32, #tpu.memory_space<vmem_shared>>) target(%dma_start3A_64 : memref<625x8xf32, #tpu.memory_space<hbm>>) target_semaphore(%run_scoped3A : memref<!tpu.dma_semaphore, #tpu.memory_space<semaphore_mem>>)
        %dma_wait3A_67 = arith.constant 0 : i32
        %dma_wait3A_68 = tpu.memref_slice %arg6[%mul3A_0, %dma_wait3A_67] : memref<10000x8xf32, #tpu.memory_space<hbm>> -> memref<625x8xf32, #tpu.memory_space<hbm>>
        %dma_wait3A_69 = arith.constant 0 : i32
        %dma_wait3A_70 = tpu.memref_slice %arg9[%mul3A_0, %dma_wait3A_69] : memref<10000x8xf32, #tpu.memory_space<vmem_shared>> -> memref<625x8xf32, #tpu.memory_space<vmem_shared>>
        tpu.wait_dma2 semaphore(%run_scoped3A : memref<!tpu.dma_semaphore, #tpu.memory_space<semaphore_mem>>) src(%dma_wait3A_70 : memref<625x8xf32, #tpu.memory_space<vmem_shared>>) dst(%dma_wait3A_68 : memref<625x8xf32, #tpu.memory_space<hbm>>)
        tpu.yield
      }) : () -> ()
    } else {
    }
    return
  }
}

#map = affine_map<(d0, d1) -> (0, 0)>
#map1 = affine_map<(d0, d1) -> (0)>
#map2 = affine_map<(d0, d1) -> (0, 0, 0)>
module attributes {stable_mosaic.version = 14 : i64} {
  func.func @agg_kernel(%arg0: i32, %arg1: i32, %arg2: memref<10000x128xf32, #tpu.memory_space<hbm>>, %arg3: memref<640000xi32, #tpu.memory_space<hbm>>, %arg4: memref<2x10000x128xf32, #tpu.memory_space<hbm>>, %arg5: memref<10000xi32, #tpu.memory_space<vmem>>, %arg6: memref<10000xi32, #tpu.memory_space<vmem>>, %arg7: memref<80x128xf32, #tpu.memory_space<vmem>>, %arg8: memref<80x128xf32, #tpu.memory_space<vmem>>, %arg9: memref<80x128xf32, #tpu.memory_space<vmem>>, %arg10: memref<!tpu.dma_semaphore, #tpu.memory_space<semaphore_mem>>, %arg11: memref<!tpu.dma_semaphore, #tpu.memory_space<semaphore_mem>>, %arg12: memref<!tpu.dma_semaphore, #tpu.memory_space<semaphore_mem>>, %arg13: memref<!tpu.dma_semaphore, #tpu.memory_space<semaphore_mem>>, %arg14: memref<!tpu.dma_semaphore, #tpu.memory_space<semaphore_mem>>, %arg15: memref<!tpu.dma_semaphore, #tpu.memory_space<semaphore_mem>>, %arg16: memref<10000x128xf32, #tpu.memory_space<vmem_shared>>) attributes {dimension_semantics = [#tpu.dimension_semantics<core_parallel>, #tpu.dimension_semantics<subcore_parallel>], iteration_bounds = array<i64: 2, 16>, scalar_prefetch = 0 : i64, scratch_operands = 12 : i64, tpu.core_type = #tpu.core_type<sc_vector_subcore>, window_params = [{transform_indices = #map}, {transform_indices = #map1}, {transform_indices = #map2}]} {
    %mul3A = arith.constant 16 : i32
    %mul3A_0 = arith.muli %arg0, %mul3A : i32
    %add3A = arith.addi %mul3A_0, %arg1 : i32
    %broadcast_in_dim3A = arith.constant 0.000000e+00 : f32
    %broadcast_in_dim3A_1 = vector.broadcast %broadcast_in_dim3A : f32 to vector<16xf32>
    %scan3A = arith.constant 0 : i32
    %scan3A_2 = arith.constant 0 : i32
    %scan3A_3 = arith.constant 25 : i32
    %scan3A_4 = arith.addi %scan3A_2, %scan3A_3 : i32
    %scan3A_5 = arith.constant 1 : i32
    scf.for %scan3A_86 = %scan3A_2 to %scan3A_4 step %scan3A_5  : i32 {
      %swap3A = arith.index_cast %scan3A_86 : i32 to index
      %swap3A_87 = arith.constant 0 : index
      %swap3A_88 = tpu.vector_load %arg7[%swap3A, %swap3A_87] {strides = array<i32>} : memref<80x128xf32, #tpu.memory_space<vmem>>, vector<1x16xf32>,
      %swap3A_89 = vector.shape_cast %swap3A_88 : vector<1x16xf32> to vector<16xf32>
      %swap3A_90 = vector.shape_cast %broadcast_in_dim3A_1 : vector<16xf32> to vector<1x16xf32>
      tpu.vector_store %arg7[%swap3A, %swap3A_87], %swap3A_90 {strides = array<i32>} : memref<80x128xf32, #tpu.memory_space<vmem>>, vector<1x16xf32>,
      %swap3A_91 = arith.index_cast %scan3A_86 : i32 to index
      %swap3A_92 = arith.constant 16 : index
      %swap3A_93 = tpu.vector_load %arg7[%swap3A_91, %swap3A_92] {strides = array<i32>} : memref<80x128xf32, #tpu.memory_space<vmem>>, vector<1x16xf32>,
      %swap3A_94 = vector.shape_cast %swap3A_93 : vector<1x16xf32> to vector<16xf32>
      %swap3A_95 = vector.shape_cast %broadcast_in_dim3A_1 : vector<16xf32> to vector<1x16xf32>
      tpu.vector_store %arg7[%swap3A_91, %swap3A_92], %swap3A_95 {strides = array<i32>} : memref<80x128xf32, #tpu.memory_space<vmem>>, vector<1x16xf32>,
      %swap3A_96 = arith.index_cast %scan3A_86 : i32 to index
      %swap3A_97 = arith.constant 32 : index
      %swap3A_98 = tpu.vector_load %arg7[%swap3A_96, %swap3A_97] {strides = array<i32>} : memref<80x128xf32, #tpu.memory_space<vmem>>, vector<1x16xf32>,
      %swap3A_99 = vector.shape_cast %swap3A_98 : vector<1x16xf32> to vector<16xf32>
      %swap3A_100 = vector.shape_cast %broadcast_in_dim3A_1 : vector<16xf32> to vector<1x16xf32>
      tpu.vector_store %arg7[%swap3A_96, %swap3A_97], %swap3A_100 {strides = array<i32>} : memref<80x128xf32, #tpu.memory_space<vmem>>, vector<1x16xf32>,
      %swap3A_101 = arith.index_cast %scan3A_86 : i32 to index
      %swap3A_102 = arith.constant 48 : index
      %swap3A_103 = tpu.vector_load %arg7[%swap3A_101, %swap3A_102] {strides = array<i32>} : memref<80x128xf32, #tpu.memory_space<vmem>>, vector<1x16xf32>,
      %swap3A_104 = vector.shape_cast %swap3A_103 : vector<1x16xf32> to vector<16xf32>
      %swap3A_105 = vector.shape_cast %broadcast_in_dim3A_1 : vector<16xf32> to vector<1x16xf32>
      tpu.vector_store %arg7[%swap3A_101, %swap3A_102], %swap3A_105 {strides = array<i32>} : memref<80x128xf32, #tpu.memory_space<vmem>>, vector<1x16xf32>,
      %swap3A_106 = arith.index_cast %scan3A_86 : i32 to index
      %swap3A_107 = arith.constant 64 : index
      %swap3A_108 = tpu.vector_load %arg7[%swap3A_106, %swap3A_107] {strides = array<i32>} : memref<80x128xf32, #tpu.memory_space<vmem>>, vector<1x16xf32>,
      %swap3A_109 = vector.shape_cast %swap3A_108 : vector<1x16xf32> to vector<16xf32>
      %swap3A_110 = vector.shape_cast %broadcast_in_dim3A_1 : vector<16xf32> to vector<1x16xf32>
      tpu.vector_store %arg7[%swap3A_106, %swap3A_107], %swap3A_110 {strides = array<i32>} : memref<80x128xf32, #tpu.memory_space<vmem>>, vector<1x16xf32>,
      %swap3A_111 = arith.index_cast %scan3A_86 : i32 to index
      %swap3A_112 = arith.constant 80 : index
      %swap3A_113 = tpu.vector_load %arg7[%swap3A_111, %swap3A_112] {strides = array<i32>} : memref<80x128xf32, #tpu.memory_space<vmem>>, vector<1x16xf32>,
      %swap3A_114 = vector.shape_cast %swap3A_113 : vector<1x16xf32> to vector<16xf32>
      %swap3A_115 = vector.shape_cast %broadcast_in_dim3A_1 : vector<16xf32> to vector<1x16xf32>
      tpu.vector_store %arg7[%swap3A_111, %swap3A_112], %swap3A_115 {strides = array<i32>} : memref<80x128xf32, #tpu.memory_space<vmem>>, vector<1x16xf32>,
      %swap3A_116 = arith.index_cast %scan3A_86 : i32 to index
      %swap3A_117 = arith.constant 96 : index
      %swap3A_118 = tpu.vector_load %arg7[%swap3A_116, %swap3A_117] {strides = array<i32>} : memref<80x128xf32, #tpu.memory_space<vmem>>, vector<1x16xf32>,
      %swap3A_119 = vector.shape_cast %swap3A_118 : vector<1x16xf32> to vector<16xf32>
      %swap3A_120 = vector.shape_cast %broadcast_in_dim3A_1 : vector<16xf32> to vector<1x16xf32>
      tpu.vector_store %arg7[%swap3A_116, %swap3A_117], %swap3A_120 {strides = array<i32>} : memref<80x128xf32, #tpu.memory_space<vmem>>, vector<1x16xf32>,
      %swap3A_121 = arith.index_cast %scan3A_86 : i32 to index
      %swap3A_122 = arith.constant 112 : index
      %swap3A_123 = tpu.vector_load %arg7[%swap3A_121, %swap3A_122] {strides = array<i32>} : memref<80x128xf32, #tpu.memory_space<vmem>>, vector<1x16xf32>,
      %swap3A_124 = vector.shape_cast %swap3A_123 : vector<1x16xf32> to vector<16xf32>
      %swap3A_125 = vector.shape_cast %broadcast_in_dim3A_1 : vector<16xf32> to vector<1x16xf32>
      tpu.vector_store %arg7[%swap3A_121, %swap3A_122], %swap3A_125 {strides = array<i32>} : memref<80x128xf32, #tpu.memory_space<vmem>>, vector<1x16xf32>,
    }
    %scan3A_6 = arith.constant 25 : i32
    %mul3A_7 = arith.constant 625 : i32
    %mul3A_8 = arith.muli %arg1, %mul3A_7 : i32
    %add3A_9 = arith.constant 0 : i32
    %add3A_10 = arith.addi %mul3A_8, %add3A_9 : i32
    "tpu.region"() ({
      %run_scoped3A = tpu.sem_alloc : memref<!tpu.dma_semaphore, #tpu.memory_space<semaphore_mem>>
      %dma_start3A = arith.constant 0 : i32
      %dma_start3A_86 = arith.constant 0 : i32
      %dma_start3A_87 = tpu.memref_slice %arg7[%dma_start3A, %dma_start3A_86] : memref<80x128xf32, #tpu.memory_space<vmem>> -> memref<25x128xf32, #tpu.memory_space<vmem>>
      %dma_start3A_88 = arith.constant 0 : i32
      %dma_start3A_89 = tpu.memref_slice %arg16[%add3A_10, %dma_start3A_88] : memref<10000x128xf32, #tpu.memory_space<vmem_shared>> -> memref<25x128xf32, #tpu.memory_space<vmem_shared>>
      %dma_start3A_90 = arith.constant 0 : i32
      %dma_start3A_91 = tpu.memref_slice %arg16[%add3A_10, %dma_start3A_90] : memref<10000x128xf32, #tpu.memory_space<vmem_shared>> -> memref<25x128xf32, #tpu.memory_space<vmem_shared>>
      %dma_start3A_92 = arith.constant 0 : i32
      %dma_start3A_93 = arith.constant 0 : i32
      %dma_start3A_94 = tpu.memref_slice %arg7[%dma_start3A_92, %dma_start3A_93] : memref<80x128xf32, #tpu.memory_space<vmem>> -> memref<25x128xf32, #tpu.memory_space<vmem>>
      tpu.enqueue_dma source(%dma_start3A_94 : memref<25x128xf32, #tpu.memory_space<vmem>>) target(%dma_start3A_91 : memref<25x128xf32, #tpu.memory_space<vmem_shared>>) target_semaphore(%run_scoped3A : memref<!tpu.dma_semaphore, #tpu.memory_space<semaphore_mem>>)
      %dma_wait3A_95 = arith.constant 0 : i32
      %dma_wait3A_96 = arith.constant 0 : i32
      %dma_wait3A_97 = tpu.memref_slice %arg7[%dma_wait3A_95, %dma_wait3A_96] : memref<80x128xf32, #tpu.memory_space<vmem>> -> memref<25x128xf32, #tpu.memory_space<vmem>>
      %dma_wait3A_98 = arith.constant 0 : i32
      %dma_wait3A_99 = tpu.memref_slice %arg16[%add3A_10, %dma_wait3A_98] : memref<10000x128xf32, #tpu.memory_space<vmem_shared>> -> memref<25x128xf32, #tpu.memory_space<vmem_shared>>
      %dma_wait3A_100 = arith.constant 0 : i32
      %dma_wait3A_101 = tpu.memref_slice %arg16[%add3A_10, %dma_wait3A_100] : memref<10000x128xf32, #tpu.memory_space<vmem_shared>> -> memref<25x128xf32, #tpu.memory_space<vmem_shared>>
      %dma_wait3A_102 = arith.constant 0 : i32
      %dma_wait3A_103 = arith.constant 0 : i32
      %dma_wait3A_104 = tpu.memref_slice %arg7[%dma_wait3A_102, %dma_wait3A_103] : memref<80x128xf32, #tpu.memory_space<vmem>> -> memref<25x128xf32, #tpu.memory_space<vmem>>
      tpu.wait_dma2 semaphore(%run_scoped3A : memref<!tpu.dma_semaphore, #tpu.memory_space<semaphore_mem>>) src(%dma_wait3A_104 : memref<25x128xf32, #tpu.memory_space<vmem>>) dst(%dma_wait3A_101 : memref<25x128xf32, #tpu.memory_space<vmem_shared>>)
      tpu.yield
    }) : () -> ()
    %add3A_11 = arith.constant 25 : i32
    %add3A_12 = arith.addi %mul3A_8, %add3A_11 : i32
    "tpu.region"() ({
      %run_scoped3A = tpu.sem_alloc : memref<!tpu.dma_semaphore, #tpu.memory_space<semaphore_mem>>
      %dma_start3A = arith.constant 0 : i32
      %dma_start3A_86 = arith.constant 0 : i32
      %dma_start3A_87 = tpu.memref_slice %arg7[%dma_start3A, %dma_start3A_86] : memref<80x128xf32, #tpu.memory_space<vmem>> -> memref<25x128xf32, #tpu.memory_space<vmem>>
      %dma_start3A_88 = arith.constant 0 : i32
      %dma_start3A_89 = tpu.memref_slice %arg16[%add3A_12, %dma_start3A_88] : memref<10000x128xf32, #tpu.memory_space<vmem_shared>> -> memref<25x128xf32, #tpu.memory_space<vmem_shared>>
      %dma_start3A_90 = arith.constant 0 : i32
      %dma_start3A_91 = tpu.memref_slice %arg16[%add3A_12, %dma_start3A_90] : memref<10000x128xf32, #tpu.memory_space<vmem_shared>> -> memref<25x128xf32, #tpu.memory_space<vmem_shared>>
      %dma_start3A_92 = arith.constant 0 : i32
      %dma_start3A_93 = arith.constant 0 : i32
      %dma_start3A_94 = tpu.memref_slice %arg7[%dma_start3A_92, %dma_start3A_93] : memref<80x128xf32, #tpu.memory_space<vmem>> -> memref<25x128xf32, #tpu.memory_space<vmem>>
      tpu.enqueue_dma source(%dma_start3A_94 : memref<25x128xf32, #tpu.memory_space<vmem>>) target(%dma_start3A_91 : memref<25x128xf32, #tpu.memory_space<vmem_shared>>) target_semaphore(%run_scoped3A : memref<!tpu.dma_semaphore, #tpu.memory_space<semaphore_mem>>)
      %dma_wait3A_95 = arith.constant 0 : i32
      %dma_wait3A_96 = arith.constant 0 : i32
      %dma_wait3A_97 = tpu.memref_slice %arg7[%dma_wait3A_95, %dma_wait3A_96] : memref<80x128xf32, #tpu.memory_space<vmem>> -> memref<25x128xf32, #tpu.memory_space<vmem>>
      %dma_wait3A_98 = arith.constant 0 : i32
      %dma_wait3A_99 = tpu.memref_slice %arg16[%add3A_12, %dma_wait3A_98] : memref<10000x128xf32, #tpu.memory_space<vmem_shared>> -> memref<25x128xf32, #tpu.memory_space<vmem_shared>>
      %dma_wait3A_100 = arith.constant 0 : i32
      %dma_wait3A_101 = tpu.memref_slice %arg16[%add3A_12, %dma_wait3A_100] : memref<10000x128xf32, #tpu.memory_space<vmem_shared>> -> memref<25x128xf32, #tpu.memory_space<vmem_shared>>
      %dma_wait3A_102 = arith.constant 0 : i32
      %dma_wait3A_103 = arith.constant 0 : i32
      %dma_wait3A_104 = tpu.memref_slice %arg7[%dma_wait3A_102, %dma_wait3A_103] : memref<80x128xf32, #tpu.memory_space<vmem>> -> memref<25x128xf32, #tpu.memory_space<vmem>>
      tpu.wait_dma2 semaphore(%run_scoped3A : memref<!tpu.dma_semaphore, #tpu.memory_space<semaphore_mem>>) src(%dma_wait3A_104 : memref<25x128xf32, #tpu.memory_space<vmem>>) dst(%dma_wait3A_101 : memref<25x128xf32, #tpu.memory_space<vmem_shared>>)
      tpu.yield
    }) : () -> ()
    %add3A_13 = arith.constant 50 : i32
    %add3A_14 = arith.addi %mul3A_8, %add3A_13 : i32
    "tpu.region"() ({
      %run_scoped3A = tpu.sem_alloc : memref<!tpu.dma_semaphore, #tpu.memory_space<semaphore_mem>>
      %dma_start3A = arith.constant 0 : i32
      %dma_start3A_86 = arith.constant 0 : i32
      %dma_start3A_87 = tpu.memref_slice %arg7[%dma_start3A, %dma_start3A_86] : memref<80x128xf32, #tpu.memory_space<vmem>> -> memref<25x128xf32, #tpu.memory_space<vmem>>
      %dma_start3A_88 = arith.constant 0 : i32
      %dma_start3A_89 = tpu.memref_slice %arg16[%add3A_14, %dma_start3A_88] : memref<10000x128xf32, #tpu.memory_space<vmem_shared>> -> memref<25x128xf32, #tpu.memory_space<vmem_shared>>
      %dma_start3A_90 = arith.constant 0 : i32
      %dma_start3A_91 = tpu.memref_slice %arg16[%add3A_14, %dma_start3A_90] : memref<10000x128xf32, #tpu.memory_space<vmem_shared>> -> memref<25x128xf32, #tpu.memory_space<vmem_shared>>
      %dma_start3A_92 = arith.constant 0 : i32
      %dma_start3A_93 = arith.constant 0 : i32
      %dma_start3A_94 = tpu.memref_slice %arg7[%dma_start3A_92, %dma_start3A_93] : memref<80x128xf32, #tpu.memory_space<vmem>> -> memref<25x128xf32, #tpu.memory_space<vmem>>
      tpu.enqueue_dma source(%dma_start3A_94 : memref<25x128xf32, #tpu.memory_space<vmem>>) target(%dma_start3A_91 : memref<25x128xf32, #tpu.memory_space<vmem_shared>>) target_semaphore(%run_scoped3A : memref<!tpu.dma_semaphore, #tpu.memory_space<semaphore_mem>>)
      %dma_wait3A_95 = arith.constant 0 : i32
      %dma_wait3A_96 = arith.constant 0 : i32
      %dma_wait3A_97 = tpu.memref_slice %arg7[%dma_wait3A_95, %dma_wait3A_96] : memref<80x128xf32, #tpu.memory_space<vmem>> -> memref<25x128xf32, #tpu.memory_space<vmem>>
      %dma_wait3A_98 = arith.constant 0 : i32
      %dma_wait3A_99 = tpu.memref_slice %arg16[%add3A_14, %dma_wait3A_98] : memref<10000x128xf32, #tpu.memory_space<vmem_shared>> -> memref<25x128xf32, #tpu.memory_space<vmem_shared>>
      %dma_wait3A_100 = arith.constant 0 : i32
      %dma_wait3A_101 = tpu.memref_slice %arg16[%add3A_14, %dma_wait3A_100] : memref<10000x128xf32, #tpu.memory_space<vmem_shared>> -> memref<25x128xf32, #tpu.memory_space<vmem_shared>>
      %dma_wait3A_102 = arith.constant 0 : i32
      %dma_wait3A_103 = arith.constant 0 : i32
      %dma_wait3A_104 = tpu.memref_slice %arg7[%dma_wait3A_102, %dma_wait3A_103] : memref<80x128xf32, #tpu.memory_space<vmem>> -> memref<25x128xf32, #tpu.memory_space<vmem>>
      tpu.wait_dma2 semaphore(%run_scoped3A : memref<!tpu.dma_semaphore, #tpu.memory_space<semaphore_mem>>) src(%dma_wait3A_104 : memref<25x128xf32, #tpu.memory_space<vmem>>) dst(%dma_wait3A_101 : memref<25x128xf32, #tpu.memory_space<vmem_shared>>)
      tpu.yield
    }) : () -> ()
    %add3A_15 = arith.constant 75 : i32
    %add3A_16 = arith.addi %mul3A_8, %add3A_15 : i32
    "tpu.region"() ({
      %run_scoped3A = tpu.sem_alloc : memref<!tpu.dma_semaphore, #tpu.memory_space<semaphore_mem>>
      %dma_start3A = arith.constant 0 : i32
      %dma_start3A_86 = arith.constant 0 : i32
      %dma_start3A_87 = tpu.memref_slice %arg7[%dma_start3A, %dma_start3A_86] : memref<80x128xf32, #tpu.memory_space<vmem>> -> memref<25x128xf32, #tpu.memory_space<vmem>>
      %dma_start3A_88 = arith.constant 0 : i32
      %dma_start3A_89 = tpu.memref_slice %arg16[%add3A_16, %dma_start3A_88] : memref<10000x128xf32, #tpu.memory_space<vmem_shared>> -> memref<25x128xf32, #tpu.memory_space<vmem_shared>>
      %dma_start3A_90 = arith.constant 0 : i32
      %dma_start3A_91 = tpu.memref_slice %arg16[%add3A_16, %dma_start3A_90] : memref<10000x128xf32, #tpu.memory_space<vmem_shared>> -> memref<25x128xf32, #tpu.memory_space<vmem_shared>>
      %dma_start3A_92 = arith.constant 0 : i32
      %dma_start3A_93 = arith.constant 0 : i32
      %dma_start3A_94 = tpu.memref_slice %arg7[%dma_start3A_92, %dma_start3A_93] : memref<80x128xf32, #tpu.memory_space<vmem>> -> memref<25x128xf32, #tpu.memory_space<vmem>>
      tpu.enqueue_dma source(%dma_start3A_94 : memref<25x128xf32, #tpu.memory_space<vmem>>) target(%dma_start3A_91 : memref<25x128xf32, #tpu.memory_space<vmem_shared>>) target_semaphore(%run_scoped3A : memref<!tpu.dma_semaphore, #tpu.memory_space<semaphore_mem>>)
      %dma_wait3A_95 = arith.constant 0 : i32
      %dma_wait3A_96 = arith.constant 0 : i32
      %dma_wait3A_97 = tpu.memref_slice %arg7[%dma_wait3A_95, %dma_wait3A_96] : memref<80x128xf32, #tpu.memory_space<vmem>> -> memref<25x128xf32, #tpu.memory_space<vmem>>
      %dma_wait3A_98 = arith.constant 0 : i32
      %dma_wait3A_99 = tpu.memref_slice %arg16[%add3A_16, %dma_wait3A_98] : memref<10000x128xf32, #tpu.memory_space<vmem_shared>> -> memref<25x128xf32, #tpu.memory_space<vmem_shared>>
      %dma_wait3A_100 = arith.constant 0 : i32
      %dma_wait3A_101 = tpu.memref_slice %arg16[%add3A_16, %dma_wait3A_100] : memref<10000x128xf32, #tpu.memory_space<vmem_shared>> -> memref<25x128xf32, #tpu.memory_space<vmem_shared>>
      %dma_wait3A_102 = arith.constant 0 : i32
      %dma_wait3A_103 = arith.constant 0 : i32
      %dma_wait3A_104 = tpu.memref_slice %arg7[%dma_wait3A_102, %dma_wait3A_103] : memref<80x128xf32, #tpu.memory_space<vmem>> -> memref<25x128xf32, #tpu.memory_space<vmem>>
      tpu.wait_dma2 semaphore(%run_scoped3A : memref<!tpu.dma_semaphore, #tpu.memory_space<semaphore_mem>>) src(%dma_wait3A_104 : memref<25x128xf32, #tpu.memory_space<vmem>>) dst(%dma_wait3A_101 : memref<25x128xf32, #tpu.memory_space<vmem_shared>>)
      tpu.yield
    }) : () -> ()
    %add3A_17 = arith.constant 100 : i32
    %add3A_18 = arith.addi %mul3A_8, %add3A_17 : i32
    "tpu.region"() ({
      %run_scoped3A = tpu.sem_alloc : memref<!tpu.dma_semaphore, #tpu.memory_space<semaphore_mem>>
      %dma_start3A = arith.constant 0 : i32
      %dma_start3A_86 = arith.constant 0 : i32
      %dma_start3A_87 = tpu.memref_slice %arg7[%dma_start3A, %dma_start3A_86] : memref<80x128xf32, #tpu.memory_space<vmem>> -> memref<25x128xf32, #tpu.memory_space<vmem>>
      %dma_start3A_88 = arith.constant 0 : i32
      %dma_start3A_89 = tpu.memref_slice %arg16[%add3A_18, %dma_start3A_88] : memref<10000x128xf32, #tpu.memory_space<vmem_shared>> -> memref<25x128xf32, #tpu.memory_space<vmem_shared>>
      %dma_start3A_90 = arith.constant 0 : i32
      %dma_start3A_91 = tpu.memref_slice %arg16[%add3A_18, %dma_start3A_90] : memref<10000x128xf32, #tpu.memory_space<vmem_shared>> -> memref<25x128xf32, #tpu.memory_space<vmem_shared>>
      %dma_start3A_92 = arith.constant 0 : i32
      %dma_start3A_93 = arith.constant 0 : i32
      %dma_start3A_94 = tpu.memref_slice %arg7[%dma_start3A_92, %dma_start3A_93] : memref<80x128xf32, #tpu.memory_space<vmem>> -> memref<25x128xf32, #tpu.memory_space<vmem>>
      tpu.enqueue_dma source(%dma_start3A_94 : memref<25x128xf32, #tpu.memory_space<vmem>>) target(%dma_start3A_91 : memref<25x128xf32, #tpu.memory_space<vmem_shared>>) target_semaphore(%run_scoped3A : memref<!tpu.dma_semaphore, #tpu.memory_space<semaphore_mem>>)
      %dma_wait3A_95 = arith.constant 0 : i32
      %dma_wait3A_96 = arith.constant 0 : i32
      %dma_wait3A_97 = tpu.memref_slice %arg7[%dma_wait3A_95, %dma_wait3A_96] : memref<80x128xf32, #tpu.memory_space<vmem>> -> memref<25x128xf32, #tpu.memory_space<vmem>>
      %dma_wait3A_98 = arith.constant 0 : i32
      %dma_wait3A_99 = tpu.memref_slice %arg16[%add3A_18, %dma_wait3A_98] : memref<10000x128xf32, #tpu.memory_space<vmem_shared>> -> memref<25x128xf32, #tpu.memory_space<vmem_shared>>
      %dma_wait3A_100 = arith.constant 0 : i32
      %dma_wait3A_101 = tpu.memref_slice %arg16[%add3A_18, %dma_wait3A_100] : memref<10000x128xf32, #tpu.memory_space<vmem_shared>> -> memref<25x128xf32, #tpu.memory_space<vmem_shared>>
      %dma_wait3A_102 = arith.constant 0 : i32
      %dma_wait3A_103 = arith.constant 0 : i32
      %dma_wait3A_104 = tpu.memref_slice %arg7[%dma_wait3A_102, %dma_wait3A_103] : memref<80x128xf32, #tpu.memory_space<vmem>> -> memref<25x128xf32, #tpu.memory_space<vmem>>
      tpu.wait_dma2 semaphore(%run_scoped3A : memref<!tpu.dma_semaphore, #tpu.memory_space<semaphore_mem>>) src(%dma_wait3A_104 : memref<25x128xf32, #tpu.memory_space<vmem>>) dst(%dma_wait3A_101 : memref<25x128xf32, #tpu.memory_space<vmem_shared>>)
      tpu.yield
    }) : () -> ()
    %add3A_19 = arith.constant 125 : i32
    %add3A_20 = arith.addi %mul3A_8, %add3A_19 : i32
    "tpu.region"() ({
      %run_scoped3A = tpu.sem_alloc : memref<!tpu.dma_semaphore, #tpu.memory_space<semaphore_mem>>
      %dma_start3A = arith.constant 0 : i32
      %dma_start3A_86 = arith.constant 0 : i32
      %dma_start3A_87 = tpu.memref_slice %arg7[%dma_start3A, %dma_start3A_86] : memref<80x128xf32, #tpu.memory_space<vmem>> -> memref<25x128xf32, #tpu.memory_space<vmem>>
      %dma_start3A_88 = arith.constant 0 : i32
      %dma_start3A_89 = tpu.memref_slice %arg16[%add3A_20, %dma_start3A_88] : memref<10000x128xf32, #tpu.memory_space<vmem_shared>> -> memref<25x128xf32, #tpu.memory_space<vmem_shared>>
      %dma_start3A_90 = arith.constant 0 : i32
      %dma_start3A_91 = tpu.memref_slice %arg16[%add3A_20, %dma_start3A_90] : memref<10000x128xf32, #tpu.memory_space<vmem_shared>> -> memref<25x128xf32, #tpu.memory_space<vmem_shared>>
      %dma_start3A_92 = arith.constant 0 : i32
      %dma_start3A_93 = arith.constant 0 : i32
      %dma_start3A_94 = tpu.memref_slice %arg7[%dma_start3A_92, %dma_start3A_93] : memref<80x128xf32, #tpu.memory_space<vmem>> -> memref<25x128xf32, #tpu.memory_space<vmem>>
      tpu.enqueue_dma source(%dma_start3A_94 : memref<25x128xf32, #tpu.memory_space<vmem>>) target(%dma_start3A_91 : memref<25x128xf32, #tpu.memory_space<vmem_shared>>) target_semaphore(%run_scoped3A : memref<!tpu.dma_semaphore, #tpu.memory_space<semaphore_mem>>)
      %dma_wait3A_95 = arith.constant 0 : i32
      %dma_wait3A_96 = arith.constant 0 : i32
      %dma_wait3A_97 = tpu.memref_slice %arg7[%dma_wait3A_95, %dma_wait3A_96] : memref<80x128xf32, #tpu.memory_space<vmem>> -> memref<25x128xf32, #tpu.memory_space<vmem>>
      %dma_wait3A_98 = arith.constant 0 : i32
      %dma_wait3A_99 = tpu.memref_slice %arg16[%add3A_20, %dma_wait3A_98] : memref<10000x128xf32, #tpu.memory_space<vmem_shared>> -> memref<25x128xf32, #tpu.memory_space<vmem_shared>>
      %dma_wait3A_100 = arith.constant 0 : i32
      %dma_wait3A_101 = tpu.memref_slice %arg16[%add3A_20, %dma_wait3A_100] : memref<10000x128xf32, #tpu.memory_space<vmem_shared>> -> memref<25x128xf32, #tpu.memory_space<vmem_shared>>
      %dma_wait3A_102 = arith.constant 0 : i32
      %dma_wait3A_103 = arith.constant 0 : i32
      %dma_wait3A_104 = tpu.memref_slice %arg7[%dma_wait3A_102, %dma_wait3A_103] : memref<80x128xf32, #tpu.memory_space<vmem>> -> memref<25x128xf32, #tpu.memory_space<vmem>>
      tpu.wait_dma2 semaphore(%run_scoped3A : memref<!tpu.dma_semaphore, #tpu.memory_space<semaphore_mem>>) src(%dma_wait3A_104 : memref<25x128xf32, #tpu.memory_space<vmem>>) dst(%dma_wait3A_101 : memref<25x128xf32, #tpu.memory_space<vmem_shared>>)
      tpu.yield
    }) : () -> ()
    %add3A_21 = arith.constant 150 : i32
    %add3A_22 = arith.addi %mul3A_8, %add3A_21 : i32
    "tpu.region"() ({
      %run_scoped3A = tpu.sem_alloc : memref<!tpu.dma_semaphore, #tpu.memory_space<semaphore_mem>>
      %dma_start3A = arith.constant 0 : i32
      %dma_start3A_86 = arith.constant 0 : i32
      %dma_start3A_87 = tpu.memref_slice %arg7[%dma_start3A, %dma_start3A_86] : memref<80x128xf32, #tpu.memory_space<vmem>> -> memref<25x128xf32, #tpu.memory_space<vmem>>
      %dma_start3A_88 = arith.constant 0 : i32
      %dma_start3A_89 = tpu.memref_slice %arg16[%add3A_22, %dma_start3A_88] : memref<10000x128xf32, #tpu.memory_space<vmem_shared>> -> memref<25x128xf32, #tpu.memory_space<vmem_shared>>
      %dma_start3A_90 = arith.constant 0 : i32
      %dma_start3A_91 = tpu.memref_slice %arg16[%add3A_22, %dma_start3A_90] : memref<10000x128xf32, #tpu.memory_space<vmem_shared>> -> memref<25x128xf32, #tpu.memory_space<vmem_shared>>
      %dma_start3A_92 = arith.constant 0 : i32
      %dma_start3A_93 = arith.constant 0 : i32
      %dma_start3A_94 = tpu.memref_slice %arg7[%dma_start3A_92, %dma_start3A_93] : memref<80x128xf32, #tpu.memory_space<vmem>> -> memref<25x128xf32, #tpu.memory_space<vmem>>
      tpu.enqueue_dma source(%dma_start3A_94 : memref<25x128xf32, #tpu.memory_space<vmem>>) target(%dma_start3A_91 : memref<25x128xf32, #tpu.memory_space<vmem_shared>>) target_semaphore(%run_scoped3A : memref<!tpu.dma_semaphore, #tpu.memory_space<semaphore_mem>>)
      %dma_wait3A_95 = arith.constant 0 : i32
      %dma_wait3A_96 = arith.constant 0 : i32
      %dma_wait3A_97 = tpu.memref_slice %arg7[%dma_wait3A_95, %dma_wait3A_96] : memref<80x128xf32, #tpu.memory_space<vmem>> -> memref<25x128xf32, #tpu.memory_space<vmem>>
      %dma_wait3A_98 = arith.constant 0 : i32
      %dma_wait3A_99 = tpu.memref_slice %arg16[%add3A_22, %dma_wait3A_98] : memref<10000x128xf32, #tpu.memory_space<vmem_shared>> -> memref<25x128xf32, #tpu.memory_space<vmem_shared>>
      %dma_wait3A_100 = arith.constant 0 : i32
      %dma_wait3A_101 = tpu.memref_slice %arg16[%add3A_22, %dma_wait3A_100] : memref<10000x128xf32, #tpu.memory_space<vmem_shared>> -> memref<25x128xf32, #tpu.memory_space<vmem_shared>>
      %dma_wait3A_102 = arith.constant 0 : i32
      %dma_wait3A_103 = arith.constant 0 : i32
      %dma_wait3A_104 = tpu.memref_slice %arg7[%dma_wait3A_102, %dma_wait3A_103] : memref<80x128xf32, #tpu.memory_space<vmem>> -> memref<25x128xf32, #tpu.memory_space<vmem>>
      tpu.wait_dma2 semaphore(%run_scoped3A : memref<!tpu.dma_semaphore, #tpu.memory_space<semaphore_mem>>) src(%dma_wait3A_104 : memref<25x128xf32, #tpu.memory_space<vmem>>) dst(%dma_wait3A_101 : memref<25x128xf32, #tpu.memory_space<vmem_shared>>)
      tpu.yield
    }) : () -> ()
    %add3A_23 = arith.constant 175 : i32
    %add3A_24 = arith.addi %mul3A_8, %add3A_23 : i32
    "tpu.region"() ({
      %run_scoped3A = tpu.sem_alloc : memref<!tpu.dma_semaphore, #tpu.memory_space<semaphore_mem>>
      %dma_start3A = arith.constant 0 : i32
      %dma_start3A_86 = arith.constant 0 : i32
      %dma_start3A_87 = tpu.memref_slice %arg7[%dma_start3A, %dma_start3A_86] : memref<80x128xf32, #tpu.memory_space<vmem>> -> memref<25x128xf32, #tpu.memory_space<vmem>>
      %dma_start3A_88 = arith.constant 0 : i32
      %dma_start3A_89 = tpu.memref_slice %arg16[%add3A_24, %dma_start3A_88] : memref<10000x128xf32, #tpu.memory_space<vmem_shared>> -> memref<25x128xf32, #tpu.memory_space<vmem_shared>>
      %dma_start3A_90 = arith.constant 0 : i32
      %dma_start3A_91 = tpu.memref_slice %arg16[%add3A_24, %dma_start3A_90] : memref<10000x128xf32, #tpu.memory_space<vmem_shared>> -> memref<25x128xf32, #tpu.memory_space<vmem_shared>>
      %dma_start3A_92 = arith.constant 0 : i32
      %dma_start3A_93 = arith.constant 0 : i32
      %dma_start3A_94 = tpu.memref_slice %arg7[%dma_start3A_92, %dma_start3A_93] : memref<80x128xf32, #tpu.memory_space<vmem>> -> memref<25x128xf32, #tpu.memory_space<vmem>>
      tpu.enqueue_dma source(%dma_start3A_94 : memref<25x128xf32, #tpu.memory_space<vmem>>) target(%dma_start3A_91 : memref<25x128xf32, #tpu.memory_space<vmem_shared>>) target_semaphore(%run_scoped3A : memref<!tpu.dma_semaphore, #tpu.memory_space<semaphore_mem>>)
      %dma_wait3A_95 = arith.constant 0 : i32
      %dma_wait3A_96 = arith.constant 0 : i32
      %dma_wait3A_97 = tpu.memref_slice %arg7[%dma_wait3A_95, %dma_wait3A_96] : memref<80x128xf32, #tpu.memory_space<vmem>> -> memref<25x128xf32, #tpu.memory_space<vmem>>
      %dma_wait3A_98 = arith.constant 0 : i32
      %dma_wait3A_99 = tpu.memref_slice %arg16[%add3A_24, %dma_wait3A_98] : memref<10000x128xf32, #tpu.memory_space<vmem_shared>> -> memref<25x128xf32, #tpu.memory_space<vmem_shared>>
      %dma_wait3A_100 = arith.constant 0 : i32
      %dma_wait3A_101 = tpu.memref_slice %arg16[%add3A_24, %dma_wait3A_100] : memref<10000x128xf32, #tpu.memory_space<vmem_shared>> -> memref<25x128xf32, #tpu.memory_space<vmem_shared>>
      %dma_wait3A_102 = arith.constant 0 : i32
      %dma_wait3A_103 = arith.constant 0 : i32
      %dma_wait3A_104 = tpu.memref_slice %arg7[%dma_wait3A_102, %dma_wait3A_103] : memref<80x128xf32, #tpu.memory_space<vmem>> -> memref<25x128xf32, #tpu.memory_space<vmem>>
      tpu.wait_dma2 semaphore(%run_scoped3A : memref<!tpu.dma_semaphore, #tpu.memory_space<semaphore_mem>>) src(%dma_wait3A_104 : memref<25x128xf32, #tpu.memory_space<vmem>>) dst(%dma_wait3A_101 : memref<25x128xf32, #tpu.memory_space<vmem_shared>>)
      tpu.yield
    }) : () -> ()
    %add3A_25 = arith.constant 200 : i32
    %add3A_26 = arith.addi %mul3A_8, %add3A_25 : i32
    "tpu.region"() ({
      %run_scoped3A = tpu.sem_alloc : memref<!tpu.dma_semaphore, #tpu.memory_space<semaphore_mem>>
      %dma_start3A = arith.constant 0 : i32
      %dma_start3A_86 = arith.constant 0 : i32
      %dma_start3A_87 = tpu.memref_slice %arg7[%dma_start3A, %dma_start3A_86] : memref<80x128xf32, #tpu.memory_space<vmem>> -> memref<25x128xf32, #tpu.memory_space<vmem>>
      %dma_start3A_88 = arith.constant 0 : i32
      %dma_start3A_89 = tpu.memref_slice %arg16[%add3A_26, %dma_start3A_88] : memref<10000x128xf32, #tpu.memory_space<vmem_shared>> -> memref<25x128xf32, #tpu.memory_space<vmem_shared>>
      %dma_start3A_90 = arith.constant 0 : i32
      %dma_start3A_91 = tpu.memref_slice %arg16[%add3A_26, %dma_start3A_90] : memref<10000x128xf32, #tpu.memory_space<vmem_shared>> -> memref<25x128xf32, #tpu.memory_space<vmem_shared>>
      %dma_start3A_92 = arith.constant 0 : i32
      %dma_start3A_93 = arith.constant 0 : i32
      %dma_start3A_94 = tpu.memref_slice %arg7[%dma_start3A_92, %dma_start3A_93] : memref<80x128xf32, #tpu.memory_space<vmem>> -> memref<25x128xf32, #tpu.memory_space<vmem>>
      tpu.enqueue_dma source(%dma_start3A_94 : memref<25x128xf32, #tpu.memory_space<vmem>>) target(%dma_start3A_91 : memref<25x128xf32, #tpu.memory_space<vmem_shared>>) target_semaphore(%run_scoped3A : memref<!tpu.dma_semaphore, #tpu.memory_space<semaphore_mem>>)
      %dma_wait3A_95 = arith.constant 0 : i32
      %dma_wait3A_96 = arith.constant 0 : i32
      %dma_wait3A_97 = tpu.memref_slice %arg7[%dma_wait3A_95, %dma_wait3A_96] : memref<80x128xf32, #tpu.memory_space<vmem>> -> memref<25x128xf32, #tpu.memory_space<vmem>>
      %dma_wait3A_98 = arith.constant 0 : i32
      %dma_wait3A_99 = tpu.memref_slice %arg16[%add3A_26, %dma_wait3A_98] : memref<10000x128xf32, #tpu.memory_space<vmem_shared>> -> memref<25x128xf32, #tpu.memory_space<vmem_shared>>
      %dma_wait3A_100 = arith.constant 0 : i32
      %dma_wait3A_101 = tpu.memref_slice %arg16[%add3A_26, %dma_wait3A_100] : memref<10000x128xf32, #tpu.memory_space<vmem_shared>> -> memref<25x128xf32, #tpu.memory_space<vmem_shared>>
      %dma_wait3A_102 = arith.constant 0 : i32
      %dma_wait3A_103 = arith.constant 0 : i32
      %dma_wait3A_104 = tpu.memref_slice %arg7[%dma_wait3A_102, %dma_wait3A_103] : memref<80x128xf32, #tpu.memory_space<vmem>> -> memref<25x128xf32, #tpu.memory_space<vmem>>
      tpu.wait_dma2 semaphore(%run_scoped3A : memref<!tpu.dma_semaphore, #tpu.memory_space<semaphore_mem>>) src(%dma_wait3A_104 : memref<25x128xf32, #tpu.memory_space<vmem>>) dst(%dma_wait3A_101 : memref<25x128xf32, #tpu.memory_space<vmem_shared>>)
      tpu.yield
    }) : () -> ()
    %add3A_27 = arith.constant 225 : i32
    %add3A_28 = arith.addi %mul3A_8, %add3A_27 : i32
    "tpu.region"() ({
      %run_scoped3A = tpu.sem_alloc : memref<!tpu.dma_semaphore, #tpu.memory_space<semaphore_mem>>
      %dma_start3A = arith.constant 0 : i32
      %dma_start3A_86 = arith.constant 0 : i32
      %dma_start3A_87 = tpu.memref_slice %arg7[%dma_start3A, %dma_start3A_86] : memref<80x128xf32, #tpu.memory_space<vmem>> -> memref<25x128xf32, #tpu.memory_space<vmem>>
      %dma_start3A_88 = arith.constant 0 : i32
      %dma_start3A_89 = tpu.memref_slice %arg16[%add3A_28, %dma_start3A_88] : memref<10000x128xf32, #tpu.memory_space<vmem_shared>> -> memref<25x128xf32, #tpu.memory_space<vmem_shared>>
      %dma_start3A_90 = arith.constant 0 : i32
      %dma_start3A_91 = tpu.memref_slice %arg16[%add3A_28, %dma_start3A_90] : memref<10000x128xf32, #tpu.memory_space<vmem_shared>> -> memref<25x128xf32, #tpu.memory_space<vmem_shared>>
      %dma_start3A_92 = arith.constant 0 : i32
      %dma_start3A_93 = arith.constant 0 : i32
      %dma_start3A_94 = tpu.memref_slice %arg7[%dma_start3A_92, %dma_start3A_93] : memref<80x128xf32, #tpu.memory_space<vmem>> -> memref<25x128xf32, #tpu.memory_space<vmem>>
      tpu.enqueue_dma source(%dma_start3A_94 : memref<25x128xf32, #tpu.memory_space<vmem>>) target(%dma_start3A_91 : memref<25x128xf32, #tpu.memory_space<vmem_shared>>) target_semaphore(%run_scoped3A : memref<!tpu.dma_semaphore, #tpu.memory_space<semaphore_mem>>)
      %dma_wait3A_95 = arith.constant 0 : i32
      %dma_wait3A_96 = arith.constant 0 : i32
      %dma_wait3A_97 = tpu.memref_slice %arg7[%dma_wait3A_95, %dma_wait3A_96] : memref<80x128xf32, #tpu.memory_space<vmem>> -> memref<25x128xf32, #tpu.memory_space<vmem>>
      %dma_wait3A_98 = arith.constant 0 : i32
      %dma_wait3A_99 = tpu.memref_slice %arg16[%add3A_28, %dma_wait3A_98] : memref<10000x128xf32, #tpu.memory_space<vmem_shared>> -> memref<25x128xf32, #tpu.memory_space<vmem_shared>>
      %dma_wait3A_100 = arith.constant 0 : i32
      %dma_wait3A_101 = tpu.memref_slice %arg16[%add3A_28, %dma_wait3A_100] : memref<10000x128xf32, #tpu.memory_space<vmem_shared>> -> memref<25x128xf32, #tpu.memory_space<vmem_shared>>
      %dma_wait3A_102 = arith.constant 0 : i32
      %dma_wait3A_103 = arith.constant 0 : i32
      %dma_wait3A_104 = tpu.memref_slice %arg7[%dma_wait3A_102, %dma_wait3A_103] : memref<80x128xf32, #tpu.memory_space<vmem>> -> memref<25x128xf32, #tpu.memory_space<vmem>>
      tpu.wait_dma2 semaphore(%run_scoped3A : memref<!tpu.dma_semaphore, #tpu.memory_space<semaphore_mem>>) src(%dma_wait3A_104 : memref<25x128xf32, #tpu.memory_space<vmem>>) dst(%dma_wait3A_101 : memref<25x128xf32, #tpu.memory_space<vmem_shared>>)
      tpu.yield
    }) : () -> ()
    %add3A_29 = arith.constant 250 : i32
    %add3A_30 = arith.addi %mul3A_8, %add3A_29 : i32
    "tpu.region"() ({
      %run_scoped3A = tpu.sem_alloc : memref<!tpu.dma_semaphore, #tpu.memory_space<semaphore_mem>>
      %dma_start3A = arith.constant 0 : i32
      %dma_start3A_86 = arith.constant 0 : i32
      %dma_start3A_87 = tpu.memref_slice %arg7[%dma_start3A, %dma_start3A_86] : memref<80x128xf32, #tpu.memory_space<vmem>> -> memref<25x128xf32, #tpu.memory_space<vmem>>
      %dma_start3A_88 = arith.constant 0 : i32
      %dma_start3A_89 = tpu.memref_slice %arg16[%add3A_30, %dma_start3A_88] : memref<10000x128xf32, #tpu.memory_space<vmem_shared>> -> memref<25x128xf32, #tpu.memory_space<vmem_shared>>
      %dma_start3A_90 = arith.constant 0 : i32
      %dma_start3A_91 = tpu.memref_slice %arg16[%add3A_30, %dma_start3A_90] : memref<10000x128xf32, #tpu.memory_space<vmem_shared>> -> memref<25x128xf32, #tpu.memory_space<vmem_shared>>
      %dma_start3A_92 = arith.constant 0 : i32
      %dma_start3A_93 = arith.constant 0 : i32
      %dma_start3A_94 = tpu.memref_slice %arg7[%dma_start3A_92, %dma_start3A_93] : memref<80x128xf32, #tpu.memory_space<vmem>> -> memref<25x128xf32, #tpu.memory_space<vmem>>
      tpu.enqueue_dma source(%dma_start3A_94 : memref<25x128xf32, #tpu.memory_space<vmem>>) target(%dma_start3A_91 : memref<25x128xf32, #tpu.memory_space<vmem_shared>>) target_semaphore(%run_scoped3A : memref<!tpu.dma_semaphore, #tpu.memory_space<semaphore_mem>>)
      %dma_wait3A_95 = arith.constant 0 : i32
      %dma_wait3A_96 = arith.constant 0 : i32
      %dma_wait3A_97 = tpu.memref_slice %arg7[%dma_wait3A_95, %dma_wait3A_96] : memref<80x128xf32, #tpu.memory_space<vmem>> -> memref<25x128xf32, #tpu.memory_space<vmem>>
      %dma_wait3A_98 = arith.constant 0 : i32
      %dma_wait3A_99 = tpu.memref_slice %arg16[%add3A_30, %dma_wait3A_98] : memref<10000x128xf32, #tpu.memory_space<vmem_shared>> -> memref<25x128xf32, #tpu.memory_space<vmem_shared>>
      %dma_wait3A_100 = arith.constant 0 : i32
      %dma_wait3A_101 = tpu.memref_slice %arg16[%add3A_30, %dma_wait3A_100] : memref<10000x128xf32, #tpu.memory_space<vmem_shared>> -> memref<25x128xf32, #tpu.memory_space<vmem_shared>>
      %dma_wait3A_102 = arith.constant 0 : i32
      %dma_wait3A_103 = arith.constant 0 : i32
      %dma_wait3A_104 = tpu.memref_slice %arg7[%dma_wait3A_102, %dma_wait3A_103] : memref<80x128xf32, #tpu.memory_space<vmem>> -> memref<25x128xf32, #tpu.memory_space<vmem>>
      tpu.wait_dma2 semaphore(%run_scoped3A : memref<!tpu.dma_semaphore, #tpu.memory_space<semaphore_mem>>) src(%dma_wait3A_104 : memref<25x128xf32, #tpu.memory_space<vmem>>) dst(%dma_wait3A_101 : memref<25x128xf32, #tpu.memory_space<vmem_shared>>)
      tpu.yield
    }) : () -> ()
    %add3A_31 = arith.constant 275 : i32
    %add3A_32 = arith.addi %mul3A_8, %add3A_31 : i32
    "tpu.region"() ({
      %run_scoped3A = tpu.sem_alloc : memref<!tpu.dma_semaphore, #tpu.memory_space<semaphore_mem>>
      %dma_start3A = arith.constant 0 : i32
      %dma_start3A_86 = arith.constant 0 : i32
      %dma_start3A_87 = tpu.memref_slice %arg7[%dma_start3A, %dma_start3A_86] : memref<80x128xf32, #tpu.memory_space<vmem>> -> memref<25x128xf32, #tpu.memory_space<vmem>>
      %dma_start3A_88 = arith.constant 0 : i32
      %dma_start3A_89 = tpu.memref_slice %arg16[%add3A_32, %dma_start3A_88] : memref<10000x128xf32, #tpu.memory_space<vmem_shared>> -> memref<25x128xf32, #tpu.memory_space<vmem_shared>>
      %dma_start3A_90 = arith.constant 0 : i32
      %dma_start3A_91 = tpu.memref_slice %arg16[%add3A_32, %dma_start3A_90] : memref<10000x128xf32, #tpu.memory_space<vmem_shared>> -> memref<25x128xf32, #tpu.memory_space<vmem_shared>>
      %dma_start3A_92 = arith.constant 0 : i32
      %dma_start3A_93 = arith.constant 0 : i32
      %dma_start3A_94 = tpu.memref_slice %arg7[%dma_start3A_92, %dma_start3A_93] : memref<80x128xf32, #tpu.memory_space<vmem>> -> memref<25x128xf32, #tpu.memory_space<vmem>>
      tpu.enqueue_dma source(%dma_start3A_94 : memref<25x128xf32, #tpu.memory_space<vmem>>) target(%dma_start3A_91 : memref<25x128xf32, #tpu.memory_space<vmem_shared>>) target_semaphore(%run_scoped3A : memref<!tpu.dma_semaphore, #tpu.memory_space<semaphore_mem>>)
      %dma_wait3A_95 = arith.constant 0 : i32
      %dma_wait3A_96 = arith.constant 0 : i32
      %dma_wait3A_97 = tpu.memref_slice %arg7[%dma_wait3A_95, %dma_wait3A_96] : memref<80x128xf32, #tpu.memory_space<vmem>> -> memref<25x128xf32, #tpu.memory_space<vmem>>
      %dma_wait3A_98 = arith.constant 0 : i32
      %dma_wait3A_99 = tpu.memref_slice %arg16[%add3A_32, %dma_wait3A_98] : memref<10000x128xf32, #tpu.memory_space<vmem_shared>> -> memref<25x128xf32, #tpu.memory_space<vmem_shared>>
      %dma_wait3A_100 = arith.constant 0 : i32
      %dma_wait3A_101 = tpu.memref_slice %arg16[%add3A_32, %dma_wait3A_100] : memref<10000x128xf32, #tpu.memory_space<vmem_shared>> -> memref<25x128xf32, #tpu.memory_space<vmem_shared>>
      %dma_wait3A_102 = arith.constant 0 : i32
      %dma_wait3A_103 = arith.constant 0 : i32
      %dma_wait3A_104 = tpu.memref_slice %arg7[%dma_wait3A_102, %dma_wait3A_103] : memref<80x128xf32, #tpu.memory_space<vmem>> -> memref<25x128xf32, #tpu.memory_space<vmem>>
      tpu.wait_dma2 semaphore(%run_scoped3A : memref<!tpu.dma_semaphore, #tpu.memory_space<semaphore_mem>>) src(%dma_wait3A_104 : memref<25x128xf32, #tpu.memory_space<vmem>>) dst(%dma_wait3A_101 : memref<25x128xf32, #tpu.memory_space<vmem_shared>>)
      tpu.yield
    }) : () -> ()
    %add3A_33 = arith.constant 300 : i32
    %add3A_34 = arith.addi %mul3A_8, %add3A_33 : i32
    "tpu.region"() ({
      %run_scoped3A = tpu.sem_alloc : memref<!tpu.dma_semaphore, #tpu.memory_space<semaphore_mem>>
      %dma_start3A = arith.constant 0 : i32
      %dma_start3A_86 = arith.constant 0 : i32
      %dma_start3A_87 = tpu.memref_slice %arg7[%dma_start3A, %dma_start3A_86] : memref<80x128xf32, #tpu.memory_space<vmem>> -> memref<25x128xf32, #tpu.memory_space<vmem>>
      %dma_start3A_88 = arith.constant 0 : i32
      %dma_start3A_89 = tpu.memref_slice %arg16[%add3A_34, %dma_start3A_88] : memref<10000x128xf32, #tpu.memory_space<vmem_shared>> -> memref<25x128xf32, #tpu.memory_space<vmem_shared>>
      %dma_start3A_90 = arith.constant 0 : i32
      %dma_start3A_91 = tpu.memref_slice %arg16[%add3A_34, %dma_start3A_90] : memref<10000x128xf32, #tpu.memory_space<vmem_shared>> -> memref<25x128xf32, #tpu.memory_space<vmem_shared>>
      %dma_start3A_92 = arith.constant 0 : i32
      %dma_start3A_93 = arith.constant 0 : i32
      %dma_start3A_94 = tpu.memref_slice %arg7[%dma_start3A_92, %dma_start3A_93] : memref<80x128xf32, #tpu.memory_space<vmem>> -> memref<25x128xf32, #tpu.memory_space<vmem>>
      tpu.enqueue_dma source(%dma_start3A_94 : memref<25x128xf32, #tpu.memory_space<vmem>>) target(%dma_start3A_91 : memref<25x128xf32, #tpu.memory_space<vmem_shared>>) target_semaphore(%run_scoped3A : memref<!tpu.dma_semaphore, #tpu.memory_space<semaphore_mem>>)
      %dma_wait3A_95 = arith.constant 0 : i32
      %dma_wait3A_96 = arith.constant 0 : i32
      %dma_wait3A_97 = tpu.memref_slice %arg7[%dma_wait3A_95, %dma_wait3A_96] : memref<80x128xf32, #tpu.memory_space<vmem>> -> memref<25x128xf32, #tpu.memory_space<vmem>>
      %dma_wait3A_98 = arith.constant 0 : i32
      %dma_wait3A_99 = tpu.memref_slice %arg16[%add3A_34, %dma_wait3A_98] : memref<10000x128xf32, #tpu.memory_space<vmem_shared>> -> memref<25x128xf32, #tpu.memory_space<vmem_shared>>
      %dma_wait3A_100 = arith.constant 0 : i32
      %dma_wait3A_101 = tpu.memref_slice %arg16[%add3A_34, %dma_wait3A_100] : memref<10000x128xf32, #tpu.memory_space<vmem_shared>> -> memref<25x128xf32, #tpu.memory_space<vmem_shared>>
      %dma_wait3A_102 = arith.constant 0 : i32
      %dma_wait3A_103 = arith.constant 0 : i32
      %dma_wait3A_104 = tpu.memref_slice %arg7[%dma_wait3A_102, %dma_wait3A_103] : memref<80x128xf32, #tpu.memory_space<vmem>> -> memref<25x128xf32, #tpu.memory_space<vmem>>
      tpu.wait_dma2 semaphore(%run_scoped3A : memref<!tpu.dma_semaphore, #tpu.memory_space<semaphore_mem>>) src(%dma_wait3A_104 : memref<25x128xf32, #tpu.memory_space<vmem>>) dst(%dma_wait3A_101 : memref<25x128xf32, #tpu.memory_space<vmem_shared>>)
      tpu.yield
    }) : () -> ()
    %add3A_35 = arith.constant 325 : i32
    %add3A_36 = arith.addi %mul3A_8, %add3A_35 : i32
    "tpu.region"() ({
      %run_scoped3A = tpu.sem_alloc : memref<!tpu.dma_semaphore, #tpu.memory_space<semaphore_mem>>
      %dma_start3A = arith.constant 0 : i32
      %dma_start3A_86 = arith.constant 0 : i32
      %dma_start3A_87 = tpu.memref_slice %arg7[%dma_start3A, %dma_start3A_86] : memref<80x128xf32, #tpu.memory_space<vmem>> -> memref<25x128xf32, #tpu.memory_space<vmem>>
      %dma_start3A_88 = arith.constant 0 : i32
      %dma_start3A_89 = tpu.memref_slice %arg16[%add3A_36, %dma_start3A_88] : memref<10000x128xf32, #tpu.memory_space<vmem_shared>> -> memref<25x128xf32, #tpu.memory_space<vmem_shared>>
      %dma_start3A_90 = arith.constant 0 : i32
      %dma_start3A_91 = tpu.memref_slice %arg16[%add3A_36, %dma_start3A_90] : memref<10000x128xf32, #tpu.memory_space<vmem_shared>> -> memref<25x128xf32, #tpu.memory_space<vmem_shared>>
      %dma_start3A_92 = arith.constant 0 : i32
      %dma_start3A_93 = arith.constant 0 : i32
      %dma_start3A_94 = tpu.memref_slice %arg7[%dma_start3A_92, %dma_start3A_93] : memref<80x128xf32, #tpu.memory_space<vmem>> -> memref<25x128xf32, #tpu.memory_space<vmem>>
      tpu.enqueue_dma source(%dma_start3A_94 : memref<25x128xf32, #tpu.memory_space<vmem>>) target(%dma_start3A_91 : memref<25x128xf32, #tpu.memory_space<vmem_shared>>) target_semaphore(%run_scoped3A : memref<!tpu.dma_semaphore, #tpu.memory_space<semaphore_mem>>)
      %dma_wait3A_95 = arith.constant 0 : i32
      %dma_wait3A_96 = arith.constant 0 : i32
      %dma_wait3A_97 = tpu.memref_slice %arg7[%dma_wait3A_95, %dma_wait3A_96] : memref<80x128xf32, #tpu.memory_space<vmem>> -> memref<25x128xf32, #tpu.memory_space<vmem>>
      %dma_wait3A_98 = arith.constant 0 : i32
      %dma_wait3A_99 = tpu.memref_slice %arg16[%add3A_36, %dma_wait3A_98] : memref<10000x128xf32, #tpu.memory_space<vmem_shared>> -> memref<25x128xf32, #tpu.memory_space<vmem_shared>>
      %dma_wait3A_100 = arith.constant 0 : i32
      %dma_wait3A_101 = tpu.memref_slice %arg16[%add3A_36, %dma_wait3A_100] : memref<10000x128xf32, #tpu.memory_space<vmem_shared>> -> memref<25x128xf32, #tpu.memory_space<vmem_shared>>
      %dma_wait3A_102 = arith.constant 0 : i32
      %dma_wait3A_103 = arith.constant 0 : i32
      %dma_wait3A_104 = tpu.memref_slice %arg7[%dma_wait3A_102, %dma_wait3A_103] : memref<80x128xf32, #tpu.memory_space<vmem>> -> memref<25x128xf32, #tpu.memory_space<vmem>>
      tpu.wait_dma2 semaphore(%run_scoped3A : memref<!tpu.dma_semaphore, #tpu.memory_space<semaphore_mem>>) src(%dma_wait3A_104 : memref<25x128xf32, #tpu.memory_space<vmem>>) dst(%dma_wait3A_101 : memref<25x128xf32, #tpu.memory_space<vmem_shared>>)
      tpu.yield
    }) : () -> ()
    %add3A_37 = arith.constant 350 : i32
    %add3A_38 = arith.addi %mul3A_8, %add3A_37 : i32
    "tpu.region"() ({
      %run_scoped3A = tpu.sem_alloc : memref<!tpu.dma_semaphore, #tpu.memory_space<semaphore_mem>>
      %dma_start3A = arith.constant 0 : i32
      %dma_start3A_86 = arith.constant 0 : i32
      %dma_start3A_87 = tpu.memref_slice %arg7[%dma_start3A, %dma_start3A_86] : memref<80x128xf32, #tpu.memory_space<vmem>> -> memref<25x128xf32, #tpu.memory_space<vmem>>
      %dma_start3A_88 = arith.constant 0 : i32
      %dma_start3A_89 = tpu.memref_slice %arg16[%add3A_38, %dma_start3A_88] : memref<10000x128xf32, #tpu.memory_space<vmem_shared>> -> memref<25x128xf32, #tpu.memory_space<vmem_shared>>
      %dma_start3A_90 = arith.constant 0 : i32
      %dma_start3A_91 = tpu.memref_slice %arg16[%add3A_38, %dma_start3A_90] : memref<10000x128xf32, #tpu.memory_space<vmem_shared>> -> memref<25x128xf32, #tpu.memory_space<vmem_shared>>
      %dma_start3A_92 = arith.constant 0 : i32
      %dma_start3A_93 = arith.constant 0 : i32
      %dma_start3A_94 = tpu.memref_slice %arg7[%dma_start3A_92, %dma_start3A_93] : memref<80x128xf32, #tpu.memory_space<vmem>> -> memref<25x128xf32, #tpu.memory_space<vmem>>
      tpu.enqueue_dma source(%dma_start3A_94 : memref<25x128xf32, #tpu.memory_space<vmem>>) target(%dma_start3A_91 : memref<25x128xf32, #tpu.memory_space<vmem_shared>>) target_semaphore(%run_scoped3A : memref<!tpu.dma_semaphore, #tpu.memory_space<semaphore_mem>>)
      %dma_wait3A_95 = arith.constant 0 : i32
      %dma_wait3A_96 = arith.constant 0 : i32
      %dma_wait3A_97 = tpu.memref_slice %arg7[%dma_wait3A_95, %dma_wait3A_96] : memref<80x128xf32, #tpu.memory_space<vmem>> -> memref<25x128xf32, #tpu.memory_space<vmem>>
      %dma_wait3A_98 = arith.constant 0 : i32
      %dma_wait3A_99 = tpu.memref_slice %arg16[%add3A_38, %dma_wait3A_98] : memref<10000x128xf32, #tpu.memory_space<vmem_shared>> -> memref<25x128xf32, #tpu.memory_space<vmem_shared>>
      %dma_wait3A_100 = arith.constant 0 : i32
      %dma_wait3A_101 = tpu.memref_slice %arg16[%add3A_38, %dma_wait3A_100] : memref<10000x128xf32, #tpu.memory_space<vmem_shared>> -> memref<25x128xf32, #tpu.memory_space<vmem_shared>>
      %dma_wait3A_102 = arith.constant 0 : i32
      %dma_wait3A_103 = arith.constant 0 : i32
      %dma_wait3A_104 = tpu.memref_slice %arg7[%dma_wait3A_102, %dma_wait3A_103] : memref<80x128xf32, #tpu.memory_space<vmem>> -> memref<25x128xf32, #tpu.memory_space<vmem>>
      tpu.wait_dma2 semaphore(%run_scoped3A : memref<!tpu.dma_semaphore, #tpu.memory_space<semaphore_mem>>) src(%dma_wait3A_104 : memref<25x128xf32, #tpu.memory_space<vmem>>) dst(%dma_wait3A_101 : memref<25x128xf32, #tpu.memory_space<vmem_shared>>)
      tpu.yield
    }) : () -> ()
    %add3A_39 = arith.constant 375 : i32
    %add3A_40 = arith.addi %mul3A_8, %add3A_39 : i32
    "tpu.region"() ({
      %run_scoped3A = tpu.sem_alloc : memref<!tpu.dma_semaphore, #tpu.memory_space<semaphore_mem>>
      %dma_start3A = arith.constant 0 : i32
      %dma_start3A_86 = arith.constant 0 : i32
      %dma_start3A_87 = tpu.memref_slice %arg7[%dma_start3A, %dma_start3A_86] : memref<80x128xf32, #tpu.memory_space<vmem>> -> memref<25x128xf32, #tpu.memory_space<vmem>>
      %dma_start3A_88 = arith.constant 0 : i32
      %dma_start3A_89 = tpu.memref_slice %arg16[%add3A_40, %dma_start3A_88] : memref<10000x128xf32, #tpu.memory_space<vmem_shared>> -> memref<25x128xf32, #tpu.memory_space<vmem_shared>>
      %dma_start3A_90 = arith.constant 0 : i32
      %dma_start3A_91 = tpu.memref_slice %arg16[%add3A_40, %dma_start3A_90] : memref<10000x128xf32, #tpu.memory_space<vmem_shared>> -> memref<25x128xf32, #tpu.memory_space<vmem_shared>>
      %dma_start3A_92 = arith.constant 0 : i32
      %dma_start3A_93 = arith.constant 0 : i32
      %dma_start3A_94 = tpu.memref_slice %arg7[%dma_start3A_92, %dma_start3A_93] : memref<80x128xf32, #tpu.memory_space<vmem>> -> memref<25x128xf32, #tpu.memory_space<vmem>>
      tpu.enqueue_dma source(%dma_start3A_94 : memref<25x128xf32, #tpu.memory_space<vmem>>) target(%dma_start3A_91 : memref<25x128xf32, #tpu.memory_space<vmem_shared>>) target_semaphore(%run_scoped3A : memref<!tpu.dma_semaphore, #tpu.memory_space<semaphore_mem>>)
      %dma_wait3A_95 = arith.constant 0 : i32
      %dma_wait3A_96 = arith.constant 0 : i32
      %dma_wait3A_97 = tpu.memref_slice %arg7[%dma_wait3A_95, %dma_wait3A_96] : memref<80x128xf32, #tpu.memory_space<vmem>> -> memref<25x128xf32, #tpu.memory_space<vmem>>
      %dma_wait3A_98 = arith.constant 0 : i32
      %dma_wait3A_99 = tpu.memref_slice %arg16[%add3A_40, %dma_wait3A_98] : memref<10000x128xf32, #tpu.memory_space<vmem_shared>> -> memref<25x128xf32, #tpu.memory_space<vmem_shared>>
      %dma_wait3A_100 = arith.constant 0 : i32
      %dma_wait3A_101 = tpu.memref_slice %arg16[%add3A_40, %dma_wait3A_100] : memref<10000x128xf32, #tpu.memory_space<vmem_shared>> -> memref<25x128xf32, #tpu.memory_space<vmem_shared>>
      %dma_wait3A_102 = arith.constant 0 : i32
      %dma_wait3A_103 = arith.constant 0 : i32
      %dma_wait3A_104 = tpu.memref_slice %arg7[%dma_wait3A_102, %dma_wait3A_103] : memref<80x128xf32, #tpu.memory_space<vmem>> -> memref<25x128xf32, #tpu.memory_space<vmem>>
      tpu.wait_dma2 semaphore(%run_scoped3A : memref<!tpu.dma_semaphore, #tpu.memory_space<semaphore_mem>>) src(%dma_wait3A_104 : memref<25x128xf32, #tpu.memory_space<vmem>>) dst(%dma_wait3A_101 : memref<25x128xf32, #tpu.memory_space<vmem_shared>>)
      tpu.yield
    }) : () -> ()
    %add3A_41 = arith.constant 400 : i32
    %add3A_42 = arith.addi %mul3A_8, %add3A_41 : i32
    "tpu.region"() ({
      %run_scoped3A = tpu.sem_alloc : memref<!tpu.dma_semaphore, #tpu.memory_space<semaphore_mem>>
      %dma_start3A = arith.constant 0 : i32
      %dma_start3A_86 = arith.constant 0 : i32
      %dma_start3A_87 = tpu.memref_slice %arg7[%dma_start3A, %dma_start3A_86] : memref<80x128xf32, #tpu.memory_space<vmem>> -> memref<25x128xf32, #tpu.memory_space<vmem>>
      %dma_start3A_88 = arith.constant 0 : i32
      %dma_start3A_89 = tpu.memref_slice %arg16[%add3A_42, %dma_start3A_88] : memref<10000x128xf32, #tpu.memory_space<vmem_shared>> -> memref<25x128xf32, #tpu.memory_space<vmem_shared>>
      %dma_start3A_90 = arith.constant 0 : i32
      %dma_start3A_91 = tpu.memref_slice %arg16[%add3A_42, %dma_start3A_90] : memref<10000x128xf32, #tpu.memory_space<vmem_shared>> -> memref<25x128xf32, #tpu.memory_space<vmem_shared>>
      %dma_start3A_92 = arith.constant 0 : i32
      %dma_start3A_93 = arith.constant 0 : i32
      %dma_start3A_94 = tpu.memref_slice %arg7[%dma_start3A_92, %dma_start3A_93] : memref<80x128xf32, #tpu.memory_space<vmem>> -> memref<25x128xf32, #tpu.memory_space<vmem>>
      tpu.enqueue_dma source(%dma_start3A_94 : memref<25x128xf32, #tpu.memory_space<vmem>>) target(%dma_start3A_91 : memref<25x128xf32, #tpu.memory_space<vmem_shared>>) target_semaphore(%run_scoped3A : memref<!tpu.dma_semaphore, #tpu.memory_space<semaphore_mem>>)
      %dma_wait3A_95 = arith.constant 0 : i32
      %dma_wait3A_96 = arith.constant 0 : i32
      %dma_wait3A_97 = tpu.memref_slice %arg7[%dma_wait3A_95, %dma_wait3A_96] : memref<80x128xf32, #tpu.memory_space<vmem>> -> memref<25x128xf32, #tpu.memory_space<vmem>>
      %dma_wait3A_98 = arith.constant 0 : i32
      %dma_wait3A_99 = tpu.memref_slice %arg16[%add3A_42, %dma_wait3A_98] : memref<10000x128xf32, #tpu.memory_space<vmem_shared>> -> memref<25x128xf32, #tpu.memory_space<vmem_shared>>
      %dma_wait3A_100 = arith.constant 0 : i32
      %dma_wait3A_101 = tpu.memref_slice %arg16[%add3A_42, %dma_wait3A_100] : memref<10000x128xf32, #tpu.memory_space<vmem_shared>> -> memref<25x128xf32, #tpu.memory_space<vmem_shared>>
      %dma_wait3A_102 = arith.constant 0 : i32
      %dma_wait3A_103 = arith.constant 0 : i32
      %dma_wait3A_104 = tpu.memref_slice %arg7[%dma_wait3A_102, %dma_wait3A_103] : memref<80x128xf32, #tpu.memory_space<vmem>> -> memref<25x128xf32, #tpu.memory_space<vmem>>
      tpu.wait_dma2 semaphore(%run_scoped3A : memref<!tpu.dma_semaphore, #tpu.memory_space<semaphore_mem>>) src(%dma_wait3A_104 : memref<25x128xf32, #tpu.memory_space<vmem>>) dst(%dma_wait3A_101 : memref<25x128xf32, #tpu.memory_space<vmem_shared>>)
      tpu.yield
    }) : () -> ()
    %add3A_43 = arith.constant 425 : i32
    %add3A_44 = arith.addi %mul3A_8, %add3A_43 : i32
    "tpu.region"() ({
      %run_scoped3A = tpu.sem_alloc : memref<!tpu.dma_semaphore, #tpu.memory_space<semaphore_mem>>
      %dma_start3A = arith.constant 0 : i32
      %dma_start3A_86 = arith.constant 0 : i32
      %dma_start3A_87 = tpu.memref_slice %arg7[%dma_start3A, %dma_start3A_86] : memref<80x128xf32, #tpu.memory_space<vmem>> -> memref<25x128xf32, #tpu.memory_space<vmem>>
      %dma_start3A_88 = arith.constant 0 : i32
      %dma_start3A_89 = tpu.memref_slice %arg16[%add3A_44, %dma_start3A_88] : memref<10000x128xf32, #tpu.memory_space<vmem_shared>> -> memref<25x128xf32, #tpu.memory_space<vmem_shared>>
      %dma_start3A_90 = arith.constant 0 : i32
      %dma_start3A_91 = tpu.memref_slice %arg16[%add3A_44, %dma_start3A_90] : memref<10000x128xf32, #tpu.memory_space<vmem_shared>> -> memref<25x128xf32, #tpu.memory_space<vmem_shared>>
      %dma_start3A_92 = arith.constant 0 : i32
      %dma_start3A_93 = arith.constant 0 : i32
      %dma_start3A_94 = tpu.memref_slice %arg7[%dma_start3A_92, %dma_start3A_93] : memref<80x128xf32, #tpu.memory_space<vmem>> -> memref<25x128xf32, #tpu.memory_space<vmem>>
      tpu.enqueue_dma source(%dma_start3A_94 : memref<25x128xf32, #tpu.memory_space<vmem>>) target(%dma_start3A_91 : memref<25x128xf32, #tpu.memory_space<vmem_shared>>) target_semaphore(%run_scoped3A : memref<!tpu.dma_semaphore, #tpu.memory_space<semaphore_mem>>)
      %dma_wait3A_95 = arith.constant 0 : i32
      %dma_wait3A_96 = arith.constant 0 : i32
      %dma_wait3A_97 = tpu.memref_slice %arg7[%dma_wait3A_95, %dma_wait3A_96] : memref<80x128xf32, #tpu.memory_space<vmem>> -> memref<25x128xf32, #tpu.memory_space<vmem>>
      %dma_wait3A_98 = arith.constant 0 : i32
      %dma_wait3A_99 = tpu.memref_slice %arg16[%add3A_44, %dma_wait3A_98] : memref<10000x128xf32, #tpu.memory_space<vmem_shared>> -> memref<25x128xf32, #tpu.memory_space<vmem_shared>>
      %dma_wait3A_100 = arith.constant 0 : i32
      %dma_wait3A_101 = tpu.memref_slice %arg16[%add3A_44, %dma_wait3A_100] : memref<10000x128xf32, #tpu.memory_space<vmem_shared>> -> memref<25x128xf32, #tpu.memory_space<vmem_shared>>
      %dma_wait3A_102 = arith.constant 0 : i32
      %dma_wait3A_103 = arith.constant 0 : i32
      %dma_wait3A_104 = tpu.memref_slice %arg7[%dma_wait3A_102, %dma_wait3A_103] : memref<80x128xf32, #tpu.memory_space<vmem>> -> memref<25x128xf32, #tpu.memory_space<vmem>>
      tpu.wait_dma2 semaphore(%run_scoped3A : memref<!tpu.dma_semaphore, #tpu.memory_space<semaphore_mem>>) src(%dma_wait3A_104 : memref<25x128xf32, #tpu.memory_space<vmem>>) dst(%dma_wait3A_101 : memref<25x128xf32, #tpu.memory_space<vmem_shared>>)
      tpu.yield
    }) : () -> ()
    %add3A_45 = arith.constant 450 : i32
    %add3A_46 = arith.addi %mul3A_8, %add3A_45 : i32
    "tpu.region"() ({
      %run_scoped3A = tpu.sem_alloc : memref<!tpu.dma_semaphore, #tpu.memory_space<semaphore_mem>>
      %dma_start3A = arith.constant 0 : i32
      %dma_start3A_86 = arith.constant 0 : i32
      %dma_start3A_87 = tpu.memref_slice %arg7[%dma_start3A, %dma_start3A_86] : memref<80x128xf32, #tpu.memory_space<vmem>> -> memref<25x128xf32, #tpu.memory_space<vmem>>
      %dma_start3A_88 = arith.constant 0 : i32
      %dma_start3A_89 = tpu.memref_slice %arg16[%add3A_46, %dma_start3A_88] : memref<10000x128xf32, #tpu.memory_space<vmem_shared>> -> memref<25x128xf32, #tpu.memory_space<vmem_shared>>
      %dma_start3A_90 = arith.constant 0 : i32
      %dma_start3A_91 = tpu.memref_slice %arg16[%add3A_46, %dma_start3A_90] : memref<10000x128xf32, #tpu.memory_space<vmem_shared>> -> memref<25x128xf32, #tpu.memory_space<vmem_shared>>
      %dma_start3A_92 = arith.constant 0 : i32
      %dma_start3A_93 = arith.constant 0 : i32
      %dma_start3A_94 = tpu.memref_slice %arg7[%dma_start3A_92, %dma_start3A_93] : memref<80x128xf32, #tpu.memory_space<vmem>> -> memref<25x128xf32, #tpu.memory_space<vmem>>
      tpu.enqueue_dma source(%dma_start3A_94 : memref<25x128xf32, #tpu.memory_space<vmem>>) target(%dma_start3A_91 : memref<25x128xf32, #tpu.memory_space<vmem_shared>>) target_semaphore(%run_scoped3A : memref<!tpu.dma_semaphore, #tpu.memory_space<semaphore_mem>>)
      %dma_wait3A_95 = arith.constant 0 : i32
      %dma_wait3A_96 = arith.constant 0 : i32
      %dma_wait3A_97 = tpu.memref_slice %arg7[%dma_wait3A_95, %dma_wait3A_96] : memref<80x128xf32, #tpu.memory_space<vmem>> -> memref<25x128xf32, #tpu.memory_space<vmem>>
      %dma_wait3A_98 = arith.constant 0 : i32
      %dma_wait3A_99 = tpu.memref_slice %arg16[%add3A_46, %dma_wait3A_98] : memref<10000x128xf32, #tpu.memory_space<vmem_shared>> -> memref<25x128xf32, #tpu.memory_space<vmem_shared>>
      %dma_wait3A_100 = arith.constant 0 : i32
      %dma_wait3A_101 = tpu.memref_slice %arg16[%add3A_46, %dma_wait3A_100] : memref<10000x128xf32, #tpu.memory_space<vmem_shared>> -> memref<25x128xf32, #tpu.memory_space<vmem_shared>>
      %dma_wait3A_102 = arith.constant 0 : i32
      %dma_wait3A_103 = arith.constant 0 : i32
      %dma_wait3A_104 = tpu.memref_slice %arg7[%dma_wait3A_102, %dma_wait3A_103] : memref<80x128xf32, #tpu.memory_space<vmem>> -> memref<25x128xf32, #tpu.memory_space<vmem>>
      tpu.wait_dma2 semaphore(%run_scoped3A : memref<!tpu.dma_semaphore, #tpu.memory_space<semaphore_mem>>) src(%dma_wait3A_104 : memref<25x128xf32, #tpu.memory_space<vmem>>) dst(%dma_wait3A_101 : memref<25x128xf32, #tpu.memory_space<vmem_shared>>)
      tpu.yield
    }) : () -> ()
    %add3A_47 = arith.constant 475 : i32
    %add3A_48 = arith.addi %mul3A_8, %add3A_47 : i32
    "tpu.region"() ({
      %run_scoped3A = tpu.sem_alloc : memref<!tpu.dma_semaphore, #tpu.memory_space<semaphore_mem>>
      %dma_start3A = arith.constant 0 : i32
      %dma_start3A_86 = arith.constant 0 : i32
      %dma_start3A_87 = tpu.memref_slice %arg7[%dma_start3A, %dma_start3A_86] : memref<80x128xf32, #tpu.memory_space<vmem>> -> memref<25x128xf32, #tpu.memory_space<vmem>>
      %dma_start3A_88 = arith.constant 0 : i32
      %dma_start3A_89 = tpu.memref_slice %arg16[%add3A_48, %dma_start3A_88] : memref<10000x128xf32, #tpu.memory_space<vmem_shared>> -> memref<25x128xf32, #tpu.memory_space<vmem_shared>>
      %dma_start3A_90 = arith.constant 0 : i32
      %dma_start3A_91 = tpu.memref_slice %arg16[%add3A_48, %dma_start3A_90] : memref<10000x128xf32, #tpu.memory_space<vmem_shared>> -> memref<25x128xf32, #tpu.memory_space<vmem_shared>>
      %dma_start3A_92 = arith.constant 0 : i32
      %dma_start3A_93 = arith.constant 0 : i32
      %dma_start3A_94 = tpu.memref_slice %arg7[%dma_start3A_92, %dma_start3A_93] : memref<80x128xf32, #tpu.memory_space<vmem>> -> memref<25x128xf32, #tpu.memory_space<vmem>>
      tpu.enqueue_dma source(%dma_start3A_94 : memref<25x128xf32, #tpu.memory_space<vmem>>) target(%dma_start3A_91 : memref<25x128xf32, #tpu.memory_space<vmem_shared>>) target_semaphore(%run_scoped3A : memref<!tpu.dma_semaphore, #tpu.memory_space<semaphore_mem>>)
      %dma_wait3A_95 = arith.constant 0 : i32
      %dma_wait3A_96 = arith.constant 0 : i32
      %dma_wait3A_97 = tpu.memref_slice %arg7[%dma_wait3A_95, %dma_wait3A_96] : memref<80x128xf32, #tpu.memory_space<vmem>> -> memref<25x128xf32, #tpu.memory_space<vmem>>
      %dma_wait3A_98 = arith.constant 0 : i32
      %dma_wait3A_99 = tpu.memref_slice %arg16[%add3A_48, %dma_wait3A_98] : memref<10000x128xf32, #tpu.memory_space<vmem_shared>> -> memref<25x128xf32, #tpu.memory_space<vmem_shared>>
      %dma_wait3A_100 = arith.constant 0 : i32
      %dma_wait3A_101 = tpu.memref_slice %arg16[%add3A_48, %dma_wait3A_100] : memref<10000x128xf32, #tpu.memory_space<vmem_shared>> -> memref<25x128xf32, #tpu.memory_space<vmem_shared>>
      %dma_wait3A_102 = arith.constant 0 : i32
      %dma_wait3A_103 = arith.constant 0 : i32
      %dma_wait3A_104 = tpu.memref_slice %arg7[%dma_wait3A_102, %dma_wait3A_103] : memref<80x128xf32, #tpu.memory_space<vmem>> -> memref<25x128xf32, #tpu.memory_space<vmem>>
      tpu.wait_dma2 semaphore(%run_scoped3A : memref<!tpu.dma_semaphore, #tpu.memory_space<semaphore_mem>>) src(%dma_wait3A_104 : memref<25x128xf32, #tpu.memory_space<vmem>>) dst(%dma_wait3A_101 : memref<25x128xf32, #tpu.memory_space<vmem_shared>>)
      tpu.yield
    }) : () -> ()
    %add3A_49 = arith.constant 500 : i32
    %add3A_50 = arith.addi %mul3A_8, %add3A_49 : i32
    "tpu.region"() ({
      %run_scoped3A = tpu.sem_alloc : memref<!tpu.dma_semaphore, #tpu.memory_space<semaphore_mem>>
      %dma_start3A = arith.constant 0 : i32
      %dma_start3A_86 = arith.constant 0 : i32
      %dma_start3A_87 = tpu.memref_slice %arg7[%dma_start3A, %dma_start3A_86] : memref<80x128xf32, #tpu.memory_space<vmem>> -> memref<25x128xf32, #tpu.memory_space<vmem>>
      %dma_start3A_88 = arith.constant 0 : i32
      %dma_start3A_89 = tpu.memref_slice %arg16[%add3A_50, %dma_start3A_88] : memref<10000x128xf32, #tpu.memory_space<vmem_shared>> -> memref<25x128xf32, #tpu.memory_space<vmem_shared>>
      %dma_start3A_90 = arith.constant 0 : i32
      %dma_start3A_91 = tpu.memref_slice %arg16[%add3A_50, %dma_start3A_90] : memref<10000x128xf32, #tpu.memory_space<vmem_shared>> -> memref<25x128xf32, #tpu.memory_space<vmem_shared>>
      %dma_start3A_92 = arith.constant 0 : i32
      %dma_start3A_93 = arith.constant 0 : i32
      %dma_start3A_94 = tpu.memref_slice %arg7[%dma_start3A_92, %dma_start3A_93] : memref<80x128xf32, #tpu.memory_space<vmem>> -> memref<25x128xf32, #tpu.memory_space<vmem>>
      tpu.enqueue_dma source(%dma_start3A_94 : memref<25x128xf32, #tpu.memory_space<vmem>>) target(%dma_start3A_91 : memref<25x128xf32, #tpu.memory_space<vmem_shared>>) target_semaphore(%run_scoped3A : memref<!tpu.dma_semaphore, #tpu.memory_space<semaphore_mem>>)
      %dma_wait3A_95 = arith.constant 0 : i32
      %dma_wait3A_96 = arith.constant 0 : i32
      %dma_wait3A_97 = tpu.memref_slice %arg7[%dma_wait3A_95, %dma_wait3A_96] : memref<80x128xf32, #tpu.memory_space<vmem>> -> memref<25x128xf32, #tpu.memory_space<vmem>>
      %dma_wait3A_98 = arith.constant 0 : i32
      %dma_wait3A_99 = tpu.memref_slice %arg16[%add3A_50, %dma_wait3A_98] : memref<10000x128xf32, #tpu.memory_space<vmem_shared>> -> memref<25x128xf32, #tpu.memory_space<vmem_shared>>
      %dma_wait3A_100 = arith.constant 0 : i32
      %dma_wait3A_101 = tpu.memref_slice %arg16[%add3A_50, %dma_wait3A_100] : memref<10000x128xf32, #tpu.memory_space<vmem_shared>> -> memref<25x128xf32, #tpu.memory_space<vmem_shared>>
      %dma_wait3A_102 = arith.constant 0 : i32
      %dma_wait3A_103 = arith.constant 0 : i32
      %dma_wait3A_104 = tpu.memref_slice %arg7[%dma_wait3A_102, %dma_wait3A_103] : memref<80x128xf32, #tpu.memory_space<vmem>> -> memref<25x128xf32, #tpu.memory_space<vmem>>
      tpu.wait_dma2 semaphore(%run_scoped3A : memref<!tpu.dma_semaphore, #tpu.memory_space<semaphore_mem>>) src(%dma_wait3A_104 : memref<25x128xf32, #tpu.memory_space<vmem>>) dst(%dma_wait3A_101 : memref<25x128xf32, #tpu.memory_space<vmem_shared>>)
      tpu.yield
    }) : () -> ()
    %add3A_51 = arith.constant 525 : i32
    %add3A_52 = arith.addi %mul3A_8, %add3A_51 : i32
    "tpu.region"() ({
      %run_scoped3A = tpu.sem_alloc : memref<!tpu.dma_semaphore, #tpu.memory_space<semaphore_mem>>
      %dma_start3A = arith.constant 0 : i32
      %dma_start3A_86 = arith.constant 0 : i32
      %dma_start3A_87 = tpu.memref_slice %arg7[%dma_start3A, %dma_start3A_86] : memref<80x128xf32, #tpu.memory_space<vmem>> -> memref<25x128xf32, #tpu.memory_space<vmem>>
      %dma_start3A_88 = arith.constant 0 : i32
      %dma_start3A_89 = tpu.memref_slice %arg16[%add3A_52, %dma_start3A_88] : memref<10000x128xf32, #tpu.memory_space<vmem_shared>> -> memref<25x128xf32, #tpu.memory_space<vmem_shared>>
      %dma_start3A_90 = arith.constant 0 : i32
      %dma_start3A_91 = tpu.memref_slice %arg16[%add3A_52, %dma_start3A_90] : memref<10000x128xf32, #tpu.memory_space<vmem_shared>> -> memref<25x128xf32, #tpu.memory_space<vmem_shared>>
      %dma_start3A_92 = arith.constant 0 : i32
      %dma_start3A_93 = arith.constant 0 : i32
      %dma_start3A_94 = tpu.memref_slice %arg7[%dma_start3A_92, %dma_start3A_93] : memref<80x128xf32, #tpu.memory_space<vmem>> -> memref<25x128xf32, #tpu.memory_space<vmem>>
      tpu.enqueue_dma source(%dma_start3A_94 : memref<25x128xf32, #tpu.memory_space<vmem>>) target(%dma_start3A_91 : memref<25x128xf32, #tpu.memory_space<vmem_shared>>) target_semaphore(%run_scoped3A : memref<!tpu.dma_semaphore, #tpu.memory_space<semaphore_mem>>)
      %dma_wait3A_95 = arith.constant 0 : i32
      %dma_wait3A_96 = arith.constant 0 : i32
      %dma_wait3A_97 = tpu.memref_slice %arg7[%dma_wait3A_95, %dma_wait3A_96] : memref<80x128xf32, #tpu.memory_space<vmem>> -> memref<25x128xf32, #tpu.memory_space<vmem>>
      %dma_wait3A_98 = arith.constant 0 : i32
      %dma_wait3A_99 = tpu.memref_slice %arg16[%add3A_52, %dma_wait3A_98] : memref<10000x128xf32, #tpu.memory_space<vmem_shared>> -> memref<25x128xf32, #tpu.memory_space<vmem_shared>>
      %dma_wait3A_100 = arith.constant 0 : i32
      %dma_wait3A_101 = tpu.memref_slice %arg16[%add3A_52, %dma_wait3A_100] : memref<10000x128xf32, #tpu.memory_space<vmem_shared>> -> memref<25x128xf32, #tpu.memory_space<vmem_shared>>
      %dma_wait3A_102 = arith.constant 0 : i32
      %dma_wait3A_103 = arith.constant 0 : i32
      %dma_wait3A_104 = tpu.memref_slice %arg7[%dma_wait3A_102, %dma_wait3A_103] : memref<80x128xf32, #tpu.memory_space<vmem>> -> memref<25x128xf32, #tpu.memory_space<vmem>>
      tpu.wait_dma2 semaphore(%run_scoped3A : memref<!tpu.dma_semaphore, #tpu.memory_space<semaphore_mem>>) src(%dma_wait3A_104 : memref<25x128xf32, #tpu.memory_space<vmem>>) dst(%dma_wait3A_101 : memref<25x128xf32, #tpu.memory_space<vmem_shared>>)
      tpu.yield
    }) : () -> ()
    %add3A_53 = arith.constant 550 : i32
    %add3A_54 = arith.addi %mul3A_8, %add3A_53 : i32
    "tpu.region"() ({
      %run_scoped3A = tpu.sem_alloc : memref<!tpu.dma_semaphore, #tpu.memory_space<semaphore_mem>>
      %dma_start3A = arith.constant 0 : i32
      %dma_start3A_86 = arith.constant 0 : i32
      %dma_start3A_87 = tpu.memref_slice %arg7[%dma_start3A, %dma_start3A_86] : memref<80x128xf32, #tpu.memory_space<vmem>> -> memref<25x128xf32, #tpu.memory_space<vmem>>
      %dma_start3A_88 = arith.constant 0 : i32
      %dma_start3A_89 = tpu.memref_slice %arg16[%add3A_54, %dma_start3A_88] : memref<10000x128xf32, #tpu.memory_space<vmem_shared>> -> memref<25x128xf32, #tpu.memory_space<vmem_shared>>
      %dma_start3A_90 = arith.constant 0 : i32
      %dma_start3A_91 = tpu.memref_slice %arg16[%add3A_54, %dma_start3A_90] : memref<10000x128xf32, #tpu.memory_space<vmem_shared>> -> memref<25x128xf32, #tpu.memory_space<vmem_shared>>
      %dma_start3A_92 = arith.constant 0 : i32
      %dma_start3A_93 = arith.constant 0 : i32
      %dma_start3A_94 = tpu.memref_slice %arg7[%dma_start3A_92, %dma_start3A_93] : memref<80x128xf32, #tpu.memory_space<vmem>> -> memref<25x128xf32, #tpu.memory_space<vmem>>
      tpu.enqueue_dma source(%dma_start3A_94 : memref<25x128xf32, #tpu.memory_space<vmem>>) target(%dma_start3A_91 : memref<25x128xf32, #tpu.memory_space<vmem_shared>>) target_semaphore(%run_scoped3A : memref<!tpu.dma_semaphore, #tpu.memory_space<semaphore_mem>>)
      %dma_wait3A_95 = arith.constant 0 : i32
      %dma_wait3A_96 = arith.constant 0 : i32
      %dma_wait3A_97 = tpu.memref_slice %arg7[%dma_wait3A_95, %dma_wait3A_96] : memref<80x128xf32, #tpu.memory_space<vmem>> -> memref<25x128xf32, #tpu.memory_space<vmem>>
      %dma_wait3A_98 = arith.constant 0 : i32
      %dma_wait3A_99 = tpu.memref_slice %arg16[%add3A_54, %dma_wait3A_98] : memref<10000x128xf32, #tpu.memory_space<vmem_shared>> -> memref<25x128xf32, #tpu.memory_space<vmem_shared>>
      %dma_wait3A_100 = arith.constant 0 : i32
      %dma_wait3A_101 = tpu.memref_slice %arg16[%add3A_54, %dma_wait3A_100] : memref<10000x128xf32, #tpu.memory_space<vmem_shared>> -> memref<25x128xf32, #tpu.memory_space<vmem_shared>>
      %dma_wait3A_102 = arith.constant 0 : i32
      %dma_wait3A_103 = arith.constant 0 : i32
      %dma_wait3A_104 = tpu.memref_slice %arg7[%dma_wait3A_102, %dma_wait3A_103] : memref<80x128xf32, #tpu.memory_space<vmem>> -> memref<25x128xf32, #tpu.memory_space<vmem>>
      tpu.wait_dma2 semaphore(%run_scoped3A : memref<!tpu.dma_semaphore, #tpu.memory_space<semaphore_mem>>) src(%dma_wait3A_104 : memref<25x128xf32, #tpu.memory_space<vmem>>) dst(%dma_wait3A_101 : memref<25x128xf32, #tpu.memory_space<vmem_shared>>)
      tpu.yield
    }) : () -> ()
    %add3A_55 = arith.constant 575 : i32
    %add3A_56 = arith.addi %mul3A_8, %add3A_55 : i32
    "tpu.region"() ({
      %run_scoped3A = tpu.sem_alloc : memref<!tpu.dma_semaphore, #tpu.memory_space<semaphore_mem>>
      %dma_start3A = arith.constant 0 : i32
      %dma_start3A_86 = arith.constant 0 : i32
      %dma_start3A_87 = tpu.memref_slice %arg7[%dma_start3A, %dma_start3A_86] : memref<80x128xf32, #tpu.memory_space<vmem>> -> memref<25x128xf32, #tpu.memory_space<vmem>>
      %dma_start3A_88 = arith.constant 0 : i32
      %dma_start3A_89 = tpu.memref_slice %arg16[%add3A_56, %dma_start3A_88] : memref<10000x128xf32, #tpu.memory_space<vmem_shared>> -> memref<25x128xf32, #tpu.memory_space<vmem_shared>>
      %dma_start3A_90 = arith.constant 0 : i32
      %dma_start3A_91 = tpu.memref_slice %arg16[%add3A_56, %dma_start3A_90] : memref<10000x128xf32, #tpu.memory_space<vmem_shared>> -> memref<25x128xf32, #tpu.memory_space<vmem_shared>>
      %dma_start3A_92 = arith.constant 0 : i32
      %dma_start3A_93 = arith.constant 0 : i32
      %dma_start3A_94 = tpu.memref_slice %arg7[%dma_start3A_92, %dma_start3A_93] : memref<80x128xf32, #tpu.memory_space<vmem>> -> memref<25x128xf32, #tpu.memory_space<vmem>>
      tpu.enqueue_dma source(%dma_start3A_94 : memref<25x128xf32, #tpu.memory_space<vmem>>) target(%dma_start3A_91 : memref<25x128xf32, #tpu.memory_space<vmem_shared>>) target_semaphore(%run_scoped3A : memref<!tpu.dma_semaphore, #tpu.memory_space<semaphore_mem>>)
      %dma_wait3A_95 = arith.constant 0 : i32
      %dma_wait3A_96 = arith.constant 0 : i32
      %dma_wait3A_97 = tpu.memref_slice %arg7[%dma_wait3A_95, %dma_wait3A_96] : memref<80x128xf32, #tpu.memory_space<vmem>> -> memref<25x128xf32, #tpu.memory_space<vmem>>
      %dma_wait3A_98 = arith.constant 0 : i32
      %dma_wait3A_99 = tpu.memref_slice %arg16[%add3A_56, %dma_wait3A_98] : memref<10000x128xf32, #tpu.memory_space<vmem_shared>> -> memref<25x128xf32, #tpu.memory_space<vmem_shared>>
      %dma_wait3A_100 = arith.constant 0 : i32
      %dma_wait3A_101 = tpu.memref_slice %arg16[%add3A_56, %dma_wait3A_100] : memref<10000x128xf32, #tpu.memory_space<vmem_shared>> -> memref<25x128xf32, #tpu.memory_space<vmem_shared>>
      %dma_wait3A_102 = arith.constant 0 : i32
      %dma_wait3A_103 = arith.constant 0 : i32
      %dma_wait3A_104 = tpu.memref_slice %arg7[%dma_wait3A_102, %dma_wait3A_103] : memref<80x128xf32, #tpu.memory_space<vmem>> -> memref<25x128xf32, #tpu.memory_space<vmem>>
      tpu.wait_dma2 semaphore(%run_scoped3A : memref<!tpu.dma_semaphore, #tpu.memory_space<semaphore_mem>>) src(%dma_wait3A_104 : memref<25x128xf32, #tpu.memory_space<vmem>>) dst(%dma_wait3A_101 : memref<25x128xf32, #tpu.memory_space<vmem_shared>>)
      tpu.yield
    }) : () -> ()
    %add3A_57 = arith.constant 600 : i32
    %add3A_58 = arith.addi %mul3A_8, %add3A_57 : i32
    "tpu.region"() ({
      %run_scoped3A = tpu.sem_alloc : memref<!tpu.dma_semaphore, #tpu.memory_space<semaphore_mem>>
      %dma_start3A = arith.constant 0 : i32
      %dma_start3A_86 = arith.constant 0 : i32
      %dma_start3A_87 = tpu.memref_slice %arg7[%dma_start3A, %dma_start3A_86] : memref<80x128xf32, #tpu.memory_space<vmem>> -> memref<25x128xf32, #tpu.memory_space<vmem>>
      %dma_start3A_88 = arith.constant 0 : i32
      %dma_start3A_89 = tpu.memref_slice %arg16[%add3A_58, %dma_start3A_88] : memref<10000x128xf32, #tpu.memory_space<vmem_shared>> -> memref<25x128xf32, #tpu.memory_space<vmem_shared>>
      %dma_start3A_90 = arith.constant 0 : i32
      %dma_start3A_91 = tpu.memref_slice %arg16[%add3A_58, %dma_start3A_90] : memref<10000x128xf32, #tpu.memory_space<vmem_shared>> -> memref<25x128xf32, #tpu.memory_space<vmem_shared>>
      %dma_start3A_92 = arith.constant 0 : i32
      %dma_start3A_93 = arith.constant 0 : i32
      %dma_start3A_94 = tpu.memref_slice %arg7[%dma_start3A_92, %dma_start3A_93] : memref<80x128xf32, #tpu.memory_space<vmem>> -> memref<25x128xf32, #tpu.memory_space<vmem>>
      tpu.enqueue_dma source(%dma_start3A_94 : memref<25x128xf32, #tpu.memory_space<vmem>>) target(%dma_start3A_91 : memref<25x128xf32, #tpu.memory_space<vmem_shared>>) target_semaphore(%run_scoped3A : memref<!tpu.dma_semaphore, #tpu.memory_space<semaphore_mem>>)
      %dma_wait3A_95 = arith.constant 0 : i32
      %dma_wait3A_96 = arith.constant 0 : i32
      %dma_wait3A_97 = tpu.memref_slice %arg7[%dma_wait3A_95, %dma_wait3A_96] : memref<80x128xf32, #tpu.memory_space<vmem>> -> memref<25x128xf32, #tpu.memory_space<vmem>>
      %dma_wait3A_98 = arith.constant 0 : i32
      %dma_wait3A_99 = tpu.memref_slice %arg16[%add3A_58, %dma_wait3A_98] : memref<10000x128xf32, #tpu.memory_space<vmem_shared>> -> memref<25x128xf32, #tpu.memory_space<vmem_shared>>
      %dma_wait3A_100 = arith.constant 0 : i32
      %dma_wait3A_101 = tpu.memref_slice %arg16[%add3A_58, %dma_wait3A_100] : memref<10000x128xf32, #tpu.memory_space<vmem_shared>> -> memref<25x128xf32, #tpu.memory_space<vmem_shared>>
      %dma_wait3A_102 = arith.constant 0 : i32
      %dma_wait3A_103 = arith.constant 0 : i32
      %dma_wait3A_104 = tpu.memref_slice %arg7[%dma_wait3A_102, %dma_wait3A_103] : memref<80x128xf32, #tpu.memory_space<vmem>> -> memref<25x128xf32, #tpu.memory_space<vmem>>
      tpu.wait_dma2 semaphore(%run_scoped3A : memref<!tpu.dma_semaphore, #tpu.memory_space<semaphore_mem>>) src(%dma_wait3A_104 : memref<25x128xf32, #tpu.memory_space<vmem>>) dst(%dma_wait3A_101 : memref<25x128xf32, #tpu.memory_space<vmem_shared>>)
      tpu.yield
    }) : () -> ()
    %barrier3A = arith.constant 0 : index
    tpu.barrier barrier_id(%barrier3A)
    %mul3A_59 = arith.constant 10000 : i32
    %mul3A_60 = arith.muli %add3A, %mul3A_59 : i32
    "tpu.region"() ({
      %run_scoped3A = tpu.sem_alloc : memref<!tpu.dma_semaphore, #tpu.memory_space<semaphore_mem>>
      %dma_start3A = tpu.memref_slice %arg3[%mul3A_60] : memref<640000xi32, #tpu.memory_space<hbm>> -> memref<10000xi32, #tpu.memory_space<hbm>>
      %dma_start3A_86 = tpu.memref_slice %arg3[%mul3A_60] : memref<640000xi32, #tpu.memory_space<hbm>> -> memref<10000xi32, #tpu.memory_space<hbm>>
      tpu.enqueue_dma source(%dma_start3A_86 : memref<10000xi32, #tpu.memory_space<hbm>>) target(%arg5 : memref<10000xi32, #tpu.memory_space<vmem>>) target_semaphore(%run_scoped3A : memref<!tpu.dma_semaphore, #tpu.memory_space<semaphore_mem>>)
      %dma_wait3A_87 = tpu.memref_slice %arg3[%mul3A_60] : memref<640000xi32, #tpu.memory_space<hbm>> -> memref<10000xi32, #tpu.memory_space<hbm>>
      %dma_wait3A_88 = tpu.memref_slice %arg3[%mul3A_60] : memref<640000xi32, #tpu.memory_space<hbm>> -> memref<10000xi32, #tpu.memory_space<hbm>>
      tpu.wait_dma2 semaphore(%run_scoped3A : memref<!tpu.dma_semaphore, #tpu.memory_space<semaphore_mem>>) src(%dma_wait3A_88 : memref<10000xi32, #tpu.memory_space<hbm>>) dst(%arg5 : memref<10000xi32, #tpu.memory_space<vmem>>)
      tpu.yield
    }) : () -> ()
    %add3A_61 = arith.constant 320000 : i32
    %add3A_62 = arith.addi %add3A_61, %mul3A_60 : i32
    "tpu.region"() ({
      %run_scoped3A = tpu.sem_alloc : memref<!tpu.dma_semaphore, #tpu.memory_space<semaphore_mem>>
      %dma_start3A = tpu.memref_slice %arg3[%add3A_62] : memref<640000xi32, #tpu.memory_space<hbm>> -> memref<10000xi32, #tpu.memory_space<hbm>>
      %dma_start3A_86 = tpu.memref_slice %arg3[%add3A_62] : memref<640000xi32, #tpu.memory_space<hbm>> -> memref<10000xi32, #tpu.memory_space<hbm>>
      tpu.enqueue_dma source(%dma_start3A_86 : memref<10000xi32, #tpu.memory_space<hbm>>) target(%arg6 : memref<10000xi32, #tpu.memory_space<vmem>>) target_semaphore(%run_scoped3A : memref<!tpu.dma_semaphore, #tpu.memory_space<semaphore_mem>>)
      %dma_wait3A_87 = tpu.memref_slice %arg3[%add3A_62] : memref<640000xi32, #tpu.memory_space<hbm>> -> memref<10000xi32, #tpu.memory_space<hbm>>
      %dma_wait3A_88 = tpu.memref_slice %arg3[%add3A_62] : memref<640000xi32, #tpu.memory_space<hbm>> -> memref<10000xi32, #tpu.memory_space<hbm>>
      tpu.wait_dma2 semaphore(%run_scoped3A : memref<!tpu.dma_semaphore, #tpu.memory_space<semaphore_mem>>) src(%dma_wait3A_88 : memref<10000xi32, #tpu.memory_space<hbm>>) dst(%arg6 : memref<10000xi32, #tpu.memory_space<vmem>>)
      tpu.yield
    }) : () -> ()
    %scan3A_63 = arith.constant 0 : i32
    %scan3A_64 = arith.constant 0 : i32
    %scan3A_65 = arith.constant 43 : i32
    %scan3A_66 = arith.addi %scan3A_64, %scan3A_65 : i32
    %scan3A_67 = arith.constant 1 : i32
    scf.for %scan3A_86 = %scan3A_64 to %scan3A_66 step %scan3A_67  : i32 {
      %mul3A_87 = arith.constant 3 : i32
      %mul3A_88 = arith.muli %scan3A_86, %mul3A_87 : i32
      %add3A_89 = arith.constant 0 : i32
      %add3A_90 = arith.addi %mul3A_88, %add3A_89 : i32
      %ge3A = arith.constant 3 : i32
      %ge3A_91 = arith.cmpi sge, %add3A_90, %ge3A : i32
      %lt3A = arith.constant 125 : i32
      %lt3A_92 = arith.cmpi slt, %add3A_90, %lt3A : i32
      %and3A = arith.andi %ge3A_91, %lt3A_92 : i1
      %convert_element_type3A = arith.extui %and3A : i1 to i32
      %cond3A = arith.constant 0 : i32
      %cond3A_93 = arith.cmpi ne, %convert_element_type3A, %cond3A : i32
      scf.if %cond3A_93 {
        %sub3A_158 = arith.constant 3 : i32
        %sub3A_159 = arith.subi %add3A_90, %sub3A_158 : i32
        %mul3A_160 = arith.constant 80 : i32
        %mul3A_161 = arith.muli %sub3A_159, %mul3A_160 : i32
        %multiple_of3A_162 = tpu.assume_multiple %mul3A_161, 8 : i32
        %dma_wait3A_163 = tpu.memref_slice %arg6[%multiple_of3A_162] : memref<10000xi32, #tpu.memory_space<vmem>> -> memref<80xi32, #tpu.memory_space<vmem>>
        %dma_wait3A_164 = arith.constant 0 : i32
        %dma_wait3A_165 = arith.constant 0 : i32
        %dma_wait3A_166 = tpu.memref_slice %arg16[%dma_wait3A_164, %dma_wait3A_165] : memref<10000x128xf32, #tpu.memory_space<vmem_shared>> -> memref<10000x128xf32, #tpu.memory_space<vmem_shared>>
        tpu.wait_indirect_dma semaphore(%arg13 : memref<!tpu.dma_semaphore, #tpu.memory_space<semaphore_mem>>) src(%arg7 : memref<80x128xf32, #tpu.memory_space<vmem>>) dst(%dma_wait3A_166 : memref<10000x128xf32, #tpu.memory_space<vmem_shared>>)
      } else {
      }
      %lt3A_94 = arith.constant 125 : i32
      %lt3A_95 = arith.cmpi slt, %add3A_90, %lt3A_94 : i32
      %convert_element_type3A_96 = arith.extui %lt3A_95 : i1 to i32
      %cond3A_97 = arith.constant 0 : i32
      %cond3A_98 = arith.cmpi ne, %convert_element_type3A_96, %cond3A_97 : i32
      scf.if %cond3A_98 {
        %mul3A_158 = arith.constant 80 : i32
        %mul3A_159 = arith.muli %add3A_90, %mul3A_158 : i32
        %multiple_of3A_160 = tpu.assume_multiple %mul3A_159, 8 : i32
        %dma_start3A = tpu.memref_slice %arg5[%multiple_of3A_160] : memref<10000xi32, #tpu.memory_space<vmem>> -> memref<80xi32, #tpu.memory_space<vmem>>
        %dma_start3A_161 = arith.constant 0 : i32
        %dma_start3A_162 = arith.constant 0 : i32
        %dma_start3A_163 = tpu.memref_slice %arg2[%dma_start3A_161, %dma_start3A_162] : memref<10000x128xf32, #tpu.memory_space<hbm>> -> memref<10000x128xf32, #tpu.memory_space<hbm>>
        tpu.enqueue_indirect_dma source(%dma_start3A_163 : memref<10000x128xf32, #tpu.memory_space<hbm>>) target(%arg7 : memref<80x128xf32, #tpu.memory_space<vmem>>) offsets(%dma_start3A : memref<80xi32, #tpu.memory_space<vmem>>) semaphore(%arg10 : memref<!tpu.dma_semaphore, #tpu.memory_space<semaphore_mem>>)
      } else {
      }
      %sub3A = arith.constant 2 : i32
      %sub3A_99 = arith.subi %add3A_90, %sub3A : i32
      %ge3A_100 = arith.constant 0 : i32
      %ge3A_101 = arith.cmpi sge, %sub3A_99, %ge3A_100 : i32
      %lt3A_102 = arith.constant 125 : i32
      %lt3A_103 = arith.cmpi slt, %sub3A_99, %lt3A_102 : i32
      %and3A_104 = arith.andi %ge3A_101, %lt3A_103 : i1
      %convert_element_type3A_105 = arith.extui %and3A_104 : i1 to i32
      %cond3A_106 = arith.constant 0 : i32
      %cond3A_107 = arith.cmpi ne, %convert_element_type3A_105, %cond3A_106 : i32
      scf.if %cond3A_107 {
        %mul3A_158 = arith.constant 80 : i32
        %mul3A_159 = arith.muli %sub3A_99, %mul3A_158 : i32
        %multiple_of3A_160 = tpu.assume_multiple %mul3A_159, 8 : i32
        %dma_wait3A_161 = tpu.memref_slice %arg5[%multiple_of3A_160] : memref<10000xi32, #tpu.memory_space<vmem>> -> memref<80xi32, #tpu.memory_space<vmem>>
        %dma_wait3A_162 = arith.constant 0 : i32
        %dma_wait3A_163 = arith.constant 0 : i32
        %dma_wait3A_164 = tpu.memref_slice %arg2[%dma_wait3A_162, %dma_wait3A_163] : memref<10000x128xf32, #tpu.memory_space<hbm>> -> memref<10000x128xf32, #tpu.memory_space<hbm>>
        tpu.wait_indirect_dma semaphore(%arg11 : memref<!tpu.dma_semaphore, #tpu.memory_space<semaphore_mem>>) src(%dma_wait3A_164 : memref<10000x128xf32, #tpu.memory_space<hbm>>) dst(%arg8 : memref<80x128xf32, #tpu.memory_space<vmem>>)
        %mul3A_165 = arith.constant 80 : i32
        %mul3A_166 = arith.muli %sub3A_99, %mul3A_165 : i32
        %multiple_of3A_167 = tpu.assume_multiple %mul3A_166, 8 : i32
        %dma_start3A = tpu.memref_slice %arg6[%multiple_of3A_167] : memref<10000xi32, #tpu.memory_space<vmem>> -> memref<80xi32, #tpu.memory_space<vmem>>
        %dma_start3A_168 = arith.constant 0 : i32
        %dma_start3A_169 = arith.constant 0 : i32
        %dma_start3A_170 = tpu.memref_slice %arg16[%dma_start3A_168, %dma_start3A_169] : memref<10000x128xf32, #tpu.memory_space<vmem_shared>> -> memref<10000x128xf32, #tpu.memory_space<vmem_shared>>
        tpu.enqueue_indirect_dma source(%arg8 : memref<80x128xf32, #tpu.memory_space<vmem>>) target(%dma_start3A_170 : memref<10000x128xf32, #tpu.memory_space<vmem_shared>>) offsets(%dma_start3A : memref<80xi32, #tpu.memory_space<vmem>>) semaphore(%arg14 : memref<!tpu.dma_semaphore, #tpu.memory_space<semaphore_mem>>) {add = true}
      } else {
      }
      %add3A_108 = arith.constant 1 : i32
      %add3A_109 = arith.addi %mul3A_88, %add3A_108 : i32
      %ge3A_110 = arith.constant 3 : i32
      %ge3A_111 = arith.cmpi sge, %add3A_109, %ge3A_110 : i32
      %lt3A_112 = arith.constant 125 : i32
      %lt3A_113 = arith.cmpi slt, %add3A_109, %lt3A_112 : i32
      %and3A_114 = arith.andi %ge3A_111, %lt3A_113 : i1
      %convert_element_type3A_115 = arith.extui %and3A_114 : i1 to i32
      %cond3A_116 = arith.constant 0 : i32
      %cond3A_117 = arith.cmpi ne, %convert_element_type3A_115, %cond3A_116 : i32
      scf.if %cond3A_117 {
        %sub3A_158 = arith.constant 3 : i32
        %sub3A_159 = arith.subi %add3A_109, %sub3A_158 : i32
        %mul3A_160 = arith.constant 80 : i32
        %mul3A_161 = arith.muli %sub3A_159, %mul3A_160 : i32
        %multiple_of3A_162 = tpu.assume_multiple %mul3A_161, 8 : i32
        %dma_wait3A_163 = tpu.memref_slice %arg6[%multiple_of3A_162] : memref<10000xi32, #tpu.memory_space<vmem>> -> memref<80xi32, #tpu.memory_space<vmem>>
        %dma_wait3A_164 = arith.constant 0 : i32
        %dma_wait3A_165 = arith.constant 0 : i32
        %dma_wait3A_166 = tpu.memref_slice %arg16[%dma_wait3A_164, %dma_wait3A_165] : memref<10000x128xf32, #tpu.memory_space<vmem_shared>> -> memref<10000x128xf32, #tpu.memory_space<vmem_shared>>
        tpu.wait_indirect_dma semaphore(%arg14 : memref<!tpu.dma_semaphore, #tpu.memory_space<semaphore_mem>>) src(%arg8 : memref<80x128xf32, #tpu.memory_space<vmem>>) dst(%dma_wait3A_166 : memref<10000x128xf32, #tpu.memory_space<vmem_shared>>)
      } else {
      }
      %lt3A_118 = arith.constant 125 : i32
      %lt3A_119 = arith.cmpi slt, %add3A_109, %lt3A_118 : i32
      %convert_element_type3A_120 = arith.extui %lt3A_119 : i1 to i32
      %cond3A_121 = arith.constant 0 : i32
      %cond3A_122 = arith.cmpi ne, %convert_element_type3A_120, %cond3A_121 : i32
      scf.if %cond3A_122 {
        %mul3A_158 = arith.constant 80 : i32
        %mul3A_159 = arith.muli %add3A_109, %mul3A_158 : i32
        %multiple_of3A_160 = tpu.assume_multiple %mul3A_159, 8 : i32
        %dma_start3A = tpu.memref_slice %arg5[%multiple_of3A_160] : memref<10000xi32, #tpu.memory_space<vmem>> -> memref<80xi32, #tpu.memory_space<vmem>>
        %dma_start3A_161 = arith.constant 0 : i32
        %dma_start3A_162 = arith.constant 0 : i32
        %dma_start3A_163 = tpu.memref_slice %arg2[%dma_start3A_161, %dma_start3A_162] : memref<10000x128xf32, #tpu.memory_space<hbm>> -> memref<10000x128xf32, #tpu.memory_space<hbm>>
        tpu.enqueue_indirect_dma source(%dma_start3A_163 : memref<10000x128xf32, #tpu.memory_space<hbm>>) target(%arg8 : memref<80x128xf32, #tpu.memory_space<vmem>>) offsets(%dma_start3A : memref<80xi32, #tpu.memory_space<vmem>>) semaphore(%arg11 : memref<!tpu.dma_semaphore, #tpu.memory_space<semaphore_mem>>)
      } else {
      }
      %sub3A_123 = arith.constant 2 : i32
      %sub3A_124 = arith.subi %add3A_109, %sub3A_123 : i32
      %ge3A_125 = arith.constant 0 : i32
      %ge3A_126 = arith.cmpi sge, %sub3A_124, %ge3A_125 : i32
      %lt3A_127 = arith.constant 125 : i32
      %lt3A_128 = arith.cmpi slt, %sub3A_124, %lt3A_127 : i32
      %and3A_129 = arith.andi %ge3A_126, %lt3A_128 : i1
      %convert_element_type3A_130 = arith.extui %and3A_129 : i1 to i32
      %cond3A_131 = arith.constant 0 : i32
      %cond3A_132 = arith.cmpi ne, %convert_element_type3A_130, %cond3A_131 : i32
      scf.if %cond3A_132 {
        %mul3A_158 = arith.constant 80 : i32
        %mul3A_159 = arith.muli %sub3A_124, %mul3A_158 : i32
        %multiple_of3A_160 = tpu.assume_multiple %mul3A_159, 8 : i32
        %dma_wait3A_161 = tpu.memref_slice %arg5[%multiple_of3A_160] : memref<10000xi32, #tpu.memory_space<vmem>> -> memref<80xi32, #tpu.memory_space<vmem>>
        %dma_wait3A_162 = arith.constant 0 : i32
        %dma_wait3A_163 = arith.constant 0 : i32
        %dma_wait3A_164 = tpu.memref_slice %arg2[%dma_wait3A_162, %dma_wait3A_163] : memref<10000x128xf32, #tpu.memory_space<hbm>> -> memref<10000x128xf32, #tpu.memory_space<hbm>>
        tpu.wait_indirect_dma semaphore(%arg12 : memref<!tpu.dma_semaphore, #tpu.memory_space<semaphore_mem>>) src(%dma_wait3A_164 : memref<10000x128xf32, #tpu.memory_space<hbm>>) dst(%arg9 : memref<80x128xf32, #tpu.memory_space<vmem>>)
        %mul3A_165 = arith.constant 80 : i32
        %mul3A_166 = arith.muli %sub3A_124, %mul3A_165 : i32
        %multiple_of3A_167 = tpu.assume_multiple %mul3A_166, 8 : i32
        %dma_start3A = tpu.memref_slice %arg6[%multiple_of3A_167] : memref<10000xi32, #tpu.memory_space<vmem>> -> memref<80xi32, #tpu.memory_space<vmem>>
        %dma_start3A_168 = arith.constant 0 : i32
        %dma_start3A_169 = arith.constant 0 : i32
        %dma_start3A_170 = tpu.memref_slice %arg16[%dma_start3A_168, %dma_start3A_169] : memref<10000x128xf32, #tpu.memory_space<vmem_shared>> -> memref<10000x128xf32, #tpu.memory_space<vmem_shared>>
        tpu.enqueue_indirect_dma source(%arg9 : memref<80x128xf32, #tpu.memory_space<vmem>>) target(%dma_start3A_170 : memref<10000x128xf32, #tpu.memory_space<vmem_shared>>) offsets(%dma_start3A : memref<80xi32, #tpu.memory_space<vmem>>) semaphore(%arg15 : memref<!tpu.dma_semaphore, #tpu.memory_space<semaphore_mem>>) {add = true}
      } else {
      }
      %add3A_133 = arith.constant 2 : i32
      %add3A_134 = arith.addi %mul3A_88, %add3A_133 : i32
      %ge3A_135 = arith.constant 3 : i32
      %ge3A_136 = arith.cmpi sge, %add3A_134, %ge3A_135 : i32
      %lt3A_137 = arith.constant 125 : i32
      %lt3A_138 = arith.cmpi slt, %add3A_134, %lt3A_137 : i32
      %and3A_139 = arith.andi %ge3A_136, %lt3A_138 : i1
      %convert_element_type3A_140 = arith.extui %and3A_139 : i1 to i32
      %cond3A_141 = arith.constant 0 : i32
      %cond3A_142 = arith.cmpi ne, %convert_element_type3A_140, %cond3A_141 : i32
      scf.if %cond3A_142 {
        %sub3A_158 = arith.constant 3 : i32
        %sub3A_159 = arith.subi %add3A_134, %sub3A_158 : i32
        %mul3A_160 = arith.constant 80 : i32
        %mul3A_161 = arith.muli %sub3A_159, %mul3A_160 : i32
        %multiple_of3A_162 = tpu.assume_multiple %mul3A_161, 8 : i32
        %dma_wait3A_163 = tpu.memref_slice %arg6[%multiple_of3A_162] : memref<10000xi32, #tpu.memory_space<vmem>> -> memref<80xi32, #tpu.memory_space<vmem>>
        %dma_wait3A_164 = arith.constant 0 : i32
        %dma_wait3A_165 = arith.constant 0 : i32
        %dma_wait3A_166 = tpu.memref_slice %arg16[%dma_wait3A_164, %dma_wait3A_165] : memref<10000x128xf32, #tpu.memory_space<vmem_shared>> -> memref<10000x128xf32, #tpu.memory_space<vmem_shared>>
        tpu.wait_indirect_dma semaphore(%arg15 : memref<!tpu.dma_semaphore, #tpu.memory_space<semaphore_mem>>) src(%arg9 : memref<80x128xf32, #tpu.memory_space<vmem>>) dst(%dma_wait3A_166 : memref<10000x128xf32, #tpu.memory_space<vmem_shared>>)
      } else {
      }
      %lt3A_143 = arith.constant 125 : i32
      %lt3A_144 = arith.cmpi slt, %add3A_134, %lt3A_143 : i32
      %convert_element_type3A_145 = arith.extui %lt3A_144 : i1 to i32
      %cond3A_146 = arith.constant 0 : i32
      %cond3A_147 = arith.cmpi ne, %convert_element_type3A_145, %cond3A_146 : i32
      scf.if %cond3A_147 {
        %mul3A_158 = arith.constant 80 : i32
        %mul3A_159 = arith.muli %add3A_134, %mul3A_158 : i32
        %multiple_of3A_160 = tpu.assume_multiple %mul3A_159, 8 : i32
        %dma_start3A = tpu.memref_slice %arg5[%multiple_of3A_160] : memref<10000xi32, #tpu.memory_space<vmem>> -> memref<80xi32, #tpu.memory_space<vmem>>
        %dma_start3A_161 = arith.constant 0 : i32
        %dma_start3A_162 = arith.constant 0 : i32
        %dma_start3A_163 = tpu.memref_slice %arg2[%dma_start3A_161, %dma_start3A_162] : memref<10000x128xf32, #tpu.memory_space<hbm>> -> memref<10000x128xf32, #tpu.memory_space<hbm>>
        tpu.enqueue_indirect_dma source(%dma_start3A_163 : memref<10000x128xf32, #tpu.memory_space<hbm>>) target(%arg9 : memref<80x128xf32, #tpu.memory_space<vmem>>) offsets(%dma_start3A : memref<80xi32, #tpu.memory_space<vmem>>) semaphore(%arg12 : memref<!tpu.dma_semaphore, #tpu.memory_space<semaphore_mem>>)
      } else {
      }
      %sub3A_148 = arith.constant 2 : i32
      %sub3A_149 = arith.subi %add3A_134, %sub3A_148 : i32
      %ge3A_150 = arith.constant 0 : i32
      %ge3A_151 = arith.cmpi sge, %sub3A_149, %ge3A_150 : i32
      %lt3A_152 = arith.constant 125 : i32
      %lt3A_153 = arith.cmpi slt, %sub3A_149, %lt3A_152 : i32
      %and3A_154 = arith.andi %ge3A_151, %lt3A_153 : i1
      %convert_element_type3A_155 = arith.extui %and3A_154 : i1 to i32
      %cond3A_156 = arith.constant 0 : i32
      %cond3A_157 = arith.cmpi ne, %convert_element_type3A_155, %cond3A_156 : i32
      scf.if %cond3A_157 {
        %mul3A_158 = arith.constant 80 : i32
        %mul3A_159 = arith.muli %sub3A_149, %mul3A_158 : i32
        %multiple_of3A_160 = tpu.assume_multiple %mul3A_159, 8 : i32
        %dma_wait3A_161 = tpu.memref_slice %arg5[%multiple_of3A_160] : memref<10000xi32, #tpu.memory_space<vmem>> -> memref<80xi32, #tpu.memory_space<vmem>>
        %dma_wait3A_162 = arith.constant 0 : i32
        %dma_wait3A_163 = arith.constant 0 : i32
        %dma_wait3A_164 = tpu.memref_slice %arg2[%dma_wait3A_162, %dma_wait3A_163] : memref<10000x128xf32, #tpu.memory_space<hbm>> -> memref<10000x128xf32, #tpu.memory_space<hbm>>
        tpu.wait_indirect_dma semaphore(%arg10 : memref<!tpu.dma_semaphore, #tpu.memory_space<semaphore_mem>>) src(%dma_wait3A_164 : memref<10000x128xf32, #tpu.memory_space<hbm>>) dst(%arg7 : memref<80x128xf32, #tpu.memory_space<vmem>>)
        %mul3A_165 = arith.constant 80 : i32
        %mul3A_166 = arith.muli %sub3A_149, %mul3A_165 : i32
        %multiple_of3A_167 = tpu.assume_multiple %mul3A_166, 8 : i32
        %dma_start3A = tpu.memref_slice %arg6[%multiple_of3A_167] : memref<10000xi32, #tpu.memory_space<vmem>> -> memref<80xi32, #tpu.memory_space<vmem>>
        %dma_start3A_168 = arith.constant 0 : i32
        %dma_start3A_169 = arith.constant 0 : i32
        %dma_start3A_170 = tpu.memref_slice %arg16[%dma_start3A_168, %dma_start3A_169] : memref<10000x128xf32, #tpu.memory_space<vmem_shared>> -> memref<10000x128xf32, #tpu.memory_space<vmem_shared>>
        tpu.enqueue_indirect_dma source(%arg7 : memref<80x128xf32, #tpu.memory_space<vmem>>) target(%dma_start3A_170 : memref<10000x128xf32, #tpu.memory_space<vmem_shared>>) offsets(%dma_start3A : memref<80xi32, #tpu.memory_space<vmem>>) semaphore(%arg13 : memref<!tpu.dma_semaphore, #tpu.memory_space<semaphore_mem>>) {add = true}
      } else {
      }
    }
    %scan3A_68 = arith.constant 43 : i32
    %multiple_of3A = arith.constant 9760 : i32
    %multiple_of3A_69 = tpu.assume_multiple %multiple_of3A, 8 : i32
    %dma_wait3A = tpu.memref_slice %arg6[%multiple_of3A_69] : memref<10000xi32, #tpu.memory_space<vmem>> -> memref<80xi32, #tpu.memory_space<vmem>>
    %dma_wait3A_70 = arith.constant 0 : i32
    %dma_wait3A_71 = arith.constant 0 : i32
    %dma_wait3A_72 = tpu.memref_slice %arg16[%dma_wait3A_70, %dma_wait3A_71] : memref<10000x128xf32, #tpu.memory_space<vmem_shared>> -> memref<10000x128xf32, #tpu.memory_space<vmem_shared>>
    tpu.wait_indirect_dma semaphore(%arg15 : memref<!tpu.dma_semaphore, #tpu.memory_space<semaphore_mem>>) src(%arg9 : memref<80x128xf32, #tpu.memory_space<vmem>>) dst(%dma_wait3A_72 : memref<10000x128xf32, #tpu.memory_space<vmem_shared>>)
    %multiple_of3A_73 = arith.constant 9840 : i32
    %multiple_of3A_74 = tpu.assume_multiple %multiple_of3A_73, 8 : i32
    %dma_wait3A_75 = tpu.memref_slice %arg6[%multiple_of3A_74] : memref<10000xi32, #tpu.memory_space<vmem>> -> memref<80xi32, #tpu.memory_space<vmem>>
    %dma_wait3A_76 = arith.constant 0 : i32
    %dma_wait3A_77 = arith.constant 0 : i32
    %dma_wait3A_78 = tpu.memref_slice %arg16[%dma_wait3A_76, %dma_wait3A_77] : memref<10000x128xf32, #tpu.memory_space<vmem_shared>> -> memref<10000x128xf32, #tpu.memory_space<vmem_shared>>
    tpu.wait_indirect_dma semaphore(%arg13 : memref<!tpu.dma_semaphore, #tpu.memory_space<semaphore_mem>>) src(%arg7 : memref<80x128xf32, #tpu.memory_space<vmem>>) dst(%dma_wait3A_78 : memref<10000x128xf32, #tpu.memory_space<vmem_shared>>)
    %multiple_of3A_79 = arith.constant 9920 : i32
    %multiple_of3A_80 = tpu.assume_multiple %multiple_of3A_79, 8 : i32
    %dma_wait3A_81 = tpu.memref_slice %arg6[%multiple_of3A_80] : memref<10000xi32, #tpu.memory_space<vmem>> -> memref<80xi32, #tpu.memory_space<vmem>>
    %dma_wait3A_82 = arith.constant 0 : i32
    %dma_wait3A_83 = arith.constant 0 : i32
    %dma_wait3A_84 = tpu.memref_slice %arg16[%dma_wait3A_82, %dma_wait3A_83] : memref<10000x128xf32, #tpu.memory_space<vmem_shared>> -> memref<10000x128xf32, #tpu.memory_space<vmem_shared>>
    tpu.wait_indirect_dma semaphore(%arg14 : memref<!tpu.dma_semaphore, #tpu.memory_space<semaphore_mem>>) src(%arg8 : memref<80x128xf32, #tpu.memory_space<vmem>>) dst(%dma_wait3A_84 : memref<10000x128xf32, #tpu.memory_space<vmem_shared>>)
    %barrier3A_85 = arith.constant 0 : index
    tpu.barrier barrier_id(%barrier3A_85)
    "tpu.region"() ({
      %run_scoped3A = tpu.sem_alloc : memref<!tpu.dma_semaphore, #tpu.memory_space<semaphore_mem>>
      %dma_start3A = arith.constant 0 : i32
      %dma_start3A_86 = tpu.memref_slice %arg4[%arg0, %mul3A_8, %dma_start3A] : memref<2x10000x128xf32, #tpu.memory_space<hbm>> -> memref<1x625x128xf32, #tpu.memory_space<hbm>>
      %dma_start3A_87 = tpu.memref_squeeze %dma_start3A_86 : memref<1x625x128xf32, #tpu.memory_space<hbm>> -> memref<625x128xf32, #tpu.memory_space<hbm>>
      %dma_start3A_88 = arith.constant 0 : i32
      %dma_start3A_89 = tpu.memref_slice %arg16[%mul3A_8, %dma_start3A_88] : memref<10000x128xf32, #tpu.memory_space<vmem_shared>> -> memref<625x128xf32, #tpu.memory_space<vmem_shared>>
      tpu.enqueue_dma source(%dma_start3A_89 : memref<625x128xf32, #tpu.memory_space<vmem_shared>>) target(%dma_start3A_87 : memref<625x128xf32, #tpu.memory_space<hbm>>) target_semaphore(%run_scoped3A : memref<!tpu.dma_semaphore, #tpu.memory_space<semaphore_mem>>)
      %dma_wait3A_90 = arith.constant 0 : i32
      %dma_wait3A_91 = tpu.memref_slice %arg4[%arg0, %mul3A_8, %dma_wait3A_90] : memref<2x10000x128xf32, #tpu.memory_space<hbm>> -> memref<1x625x128xf32, #tpu.memory_space<hbm>>
      %dma_wait3A_92 = tpu.memref_squeeze %dma_wait3A_91 : memref<1x625x128xf32, #tpu.memory_space<hbm>> -> memref<625x128xf32, #tpu.memory_space<hbm>>
      %dma_wait3A_93 = arith.constant 0 : i32
      %dma_wait3A_94 = tpu.memref_slice %arg16[%mul3A_8, %dma_wait3A_93] : memref<10000x128xf32, #tpu.memory_space<vmem_shared>> -> memref<625x128xf32, #tpu.memory_space<vmem_shared>>
      tpu.wait_dma2 semaphore(%run_scoped3A : memref<!tpu.dma_semaphore, #tpu.memory_space<semaphore_mem>>) src(%dma_wait3A_94 : memref<625x128xf32, #tpu.memory_space<vmem_shared>>) dst(%dma_wait3A_92 : memref<625x128xf32, #tpu.memory_space<hbm>>)
      tpu.yield
    }) : () -> ()
    return
  }
}

#map = affine_map<(d0, d1) -> (0, 0)>
#map1 = affine_map<(d0, d1) -> (0)>
#map2 = affine_map<(d0, d1) -> (0, 0, 0)>
module attributes {stable_mosaic.version = 14 : i64} {
  func.func @agg_kernel(%arg0: i32, %arg1: i32, %arg2: memref<10000x64xf32, #tpu.memory_space<hbm>>, %arg3: memref<640000xi32, #tpu.memory_space<hbm>>, %arg4: memref<2x10000x64xf32, #tpu.memory_space<hbm>>, %arg5: memref<10000xi32, #tpu.memory_space<vmem>>, %arg6: memref<10000xi32, #tpu.memory_space<vmem>>, %arg7: memref<80x64xf32, #tpu.memory_space<vmem>>, %arg8: memref<80x64xf32, #tpu.memory_space<vmem>>, %arg9: memref<80x64xf32, #tpu.memory_space<vmem>>, %arg10: memref<80x64xf32, #tpu.memory_space<vmem>>, %arg11: memref<80x64xf32, #tpu.memory_space<vmem>>, %arg12: memref<80x64xf32, #tpu.memory_space<vmem>>, %arg13: memref<!tpu.dma_semaphore, #tpu.memory_space<semaphore_mem>>, %arg14: memref<!tpu.dma_semaphore, #tpu.memory_space<semaphore_mem>>, %arg15: memref<!tpu.dma_semaphore, #tpu.memory_space<semaphore_mem>>, %arg16: memref<!tpu.dma_semaphore, #tpu.memory_space<semaphore_mem>>, %arg17: memref<!tpu.dma_semaphore, #tpu.memory_space<semaphore_mem>>, %arg18: memref<!tpu.dma_semaphore, #tpu.memory_space<semaphore_mem>>, %arg19: memref<!tpu.dma_semaphore, #tpu.memory_space<semaphore_mem>>, %arg20: memref<!tpu.dma_semaphore, #tpu.memory_space<semaphore_mem>>, %arg21: memref<!tpu.dma_semaphore, #tpu.memory_space<semaphore_mem>>, %arg22: memref<!tpu.dma_semaphore, #tpu.memory_space<semaphore_mem>>, %arg23: memref<!tpu.dma_semaphore, #tpu.memory_space<semaphore_mem>>, %arg24: memref<!tpu.dma_semaphore, #tpu.memory_space<semaphore_mem>>, %arg25: memref<10000x64xf32, #tpu.memory_space<vmem_shared>>) attributes {dimension_semantics = [#tpu.dimension_semantics<core_parallel>, #tpu.dimension_semantics<subcore_parallel>], iteration_bounds = array<i64: 2, 16>, scalar_prefetch = 0 : i64, scratch_operands = 21 : i64, tpu.core_type = #tpu.core_type<sc_vector_subcore>, window_params = [{transform_indices = #map}, {transform_indices = #map1}, {transform_indices = #map2}]} {
    %mul3A = arith.constant 16 : i32
    %mul3A_0 = arith.muli %arg0, %mul3A : i32
    %add3A = arith.addi %mul3A_0, %arg1 : i32
    %broadcast_in_dim3A = arith.constant 0.000000e+00 : f32
    %broadcast_in_dim3A_1 = vector.broadcast %broadcast_in_dim3A : f32 to vector<16xf32>
    %scan3A = arith.constant 0 : i32
    %scan3A_2 = arith.constant 0 : i32
    %scan3A_3 = arith.constant 25 : i32
    %scan3A_4 = arith.addi %scan3A_2, %scan3A_3 : i32
    %scan3A_5 = arith.constant 1 : i32
    scf.for %scan3A_104 = %scan3A_2 to %scan3A_4 step %scan3A_5  : i32 {
      %swap3A = arith.index_cast %scan3A_104 : i32 to index
      %swap3A_105 = arith.constant 0 : index
      %swap3A_106 = tpu.vector_load %arg7[%swap3A, %swap3A_105] {strides = array<i32>} : memref<80x64xf32, #tpu.memory_space<vmem>>, vector<1x16xf32>,
      %swap3A_107 = vector.shape_cast %swap3A_106 : vector<1x16xf32> to vector<16xf32>
      %swap3A_108 = vector.shape_cast %broadcast_in_dim3A_1 : vector<16xf32> to vector<1x16xf32>
      tpu.vector_store %arg7[%swap3A, %swap3A_105], %swap3A_108 {strides = array<i32>} : memref<80x64xf32, #tpu.memory_space<vmem>>, vector<1x16xf32>,
      %swap3A_109 = arith.index_cast %scan3A_104 : i32 to index
      %swap3A_110 = arith.constant 16 : index
      %swap3A_111 = tpu.vector_load %arg7[%swap3A_109, %swap3A_110] {strides = array<i32>} : memref<80x64xf32, #tpu.memory_space<vmem>>, vector<1x16xf32>,
      %swap3A_112 = vector.shape_cast %swap3A_111 : vector<1x16xf32> to vector<16xf32>
      %swap3A_113 = vector.shape_cast %broadcast_in_dim3A_1 : vector<16xf32> to vector<1x16xf32>
      tpu.vector_store %arg7[%swap3A_109, %swap3A_110], %swap3A_113 {strides = array<i32>} : memref<80x64xf32, #tpu.memory_space<vmem>>, vector<1x16xf32>,
      %swap3A_114 = arith.index_cast %scan3A_104 : i32 to index
      %swap3A_115 = arith.constant 32 : index
      %swap3A_116 = tpu.vector_load %arg7[%swap3A_114, %swap3A_115] {strides = array<i32>} : memref<80x64xf32, #tpu.memory_space<vmem>>, vector<1x16xf32>,
      %swap3A_117 = vector.shape_cast %swap3A_116 : vector<1x16xf32> to vector<16xf32>
      %swap3A_118 = vector.shape_cast %broadcast_in_dim3A_1 : vector<16xf32> to vector<1x16xf32>
      tpu.vector_store %arg7[%swap3A_114, %swap3A_115], %swap3A_118 {strides = array<i32>} : memref<80x64xf32, #tpu.memory_space<vmem>>, vector<1x16xf32>,
      %swap3A_119 = arith.index_cast %scan3A_104 : i32 to index
      %swap3A_120 = arith.constant 48 : index
      %swap3A_121 = tpu.vector_load %arg7[%swap3A_119, %swap3A_120] {strides = array<i32>} : memref<80x64xf32, #tpu.memory_space<vmem>>, vector<1x16xf32>,
      %swap3A_122 = vector.shape_cast %swap3A_121 : vector<1x16xf32> to vector<16xf32>
      %swap3A_123 = vector.shape_cast %broadcast_in_dim3A_1 : vector<16xf32> to vector<1x16xf32>
      tpu.vector_store %arg7[%swap3A_119, %swap3A_120], %swap3A_123 {strides = array<i32>} : memref<80x64xf32, #tpu.memory_space<vmem>>, vector<1x16xf32>,
    }
    %scan3A_6 = arith.constant 25 : i32
    %mul3A_7 = arith.constant 625 : i32
    %mul3A_8 = arith.muli %arg1, %mul3A_7 : i32
    %add3A_9 = arith.constant 0 : i32
    %add3A_10 = arith.addi %mul3A_8, %add3A_9 : i32
    "tpu.region"() ({
      %run_scoped3A = tpu.sem_alloc : memref<!tpu.dma_semaphore, #tpu.memory_space<semaphore_mem>>
      %dma_start3A = arith.constant 0 : i32
      %dma_start3A_104 = arith.constant 0 : i32
      %dma_start3A_105 = tpu.memref_slice %arg7[%dma_start3A, %dma_start3A_104] : memref<80x64xf32, #tpu.memory_space<vmem>> -> memref<25x64xf32, #tpu.memory_space<vmem>>
      %dma_start3A_106 = arith.constant 0 : i32
      %dma_start3A_107 = tpu.memref_slice %arg25[%add3A_10, %dma_start3A_106] : memref<10000x64xf32, #tpu.memory_space<vmem_shared>> -> memref<25x64xf32, #tpu.memory_space<vmem_shared>>
      %dma_start3A_108 = arith.constant 0 : i32
      %dma_start3A_109 = tpu.memref_slice %arg25[%add3A_10, %dma_start3A_108] : memref<10000x64xf32, #tpu.memory_space<vmem_shared>> -> memref<25x64xf32, #tpu.memory_space<vmem_shared>>
      %dma_start3A_110 = arith.constant 0 : i32
      %dma_start3A_111 = arith.constant 0 : i32
      %dma_start3A_112 = tpu.memref_slice %arg7[%dma_start3A_110, %dma_start3A_111] : memref<80x64xf32, #tpu.memory_space<vmem>> -> memref<25x64xf32, #tpu.memory_space<vmem>>
      tpu.enqueue_dma source(%dma_start3A_112 : memref<25x64xf32, #tpu.memory_space<vmem>>) target(%dma_start3A_109 : memref<25x64xf32, #tpu.memory_space<vmem_shared>>) target_semaphore(%run_scoped3A : memref<!tpu.dma_semaphore, #tpu.memory_space<semaphore_mem>>)
      %dma_wait3A_113 = arith.constant 0 : i32
      %dma_wait3A_114 = arith.constant 0 : i32
      %dma_wait3A_115 = tpu.memref_slice %arg7[%dma_wait3A_113, %dma_wait3A_114] : memref<80x64xf32, #tpu.memory_space<vmem>> -> memref<25x64xf32, #tpu.memory_space<vmem>>
      %dma_wait3A_116 = arith.constant 0 : i32
      %dma_wait3A_117 = tpu.memref_slice %arg25[%add3A_10, %dma_wait3A_116] : memref<10000x64xf32, #tpu.memory_space<vmem_shared>> -> memref<25x64xf32, #tpu.memory_space<vmem_shared>>
      %dma_wait3A_118 = arith.constant 0 : i32
      %dma_wait3A_119 = tpu.memref_slice %arg25[%add3A_10, %dma_wait3A_118] : memref<10000x64xf32, #tpu.memory_space<vmem_shared>> -> memref<25x64xf32, #tpu.memory_space<vmem_shared>>
      %dma_wait3A_120 = arith.constant 0 : i32
      %dma_wait3A_121 = arith.constant 0 : i32
      %dma_wait3A_122 = tpu.memref_slice %arg7[%dma_wait3A_120, %dma_wait3A_121] : memref<80x64xf32, #tpu.memory_space<vmem>> -> memref<25x64xf32, #tpu.memory_space<vmem>>
      tpu.wait_dma2 semaphore(%run_scoped3A : memref<!tpu.dma_semaphore, #tpu.memory_space<semaphore_mem>>) src(%dma_wait3A_122 : memref<25x64xf32, #tpu.memory_space<vmem>>) dst(%dma_wait3A_119 : memref<25x64xf32, #tpu.memory_space<vmem_shared>>)
      tpu.yield
    }) : () -> ()
    %add3A_11 = arith.constant 25 : i32
    %add3A_12 = arith.addi %mul3A_8, %add3A_11 : i32
    "tpu.region"() ({
      %run_scoped3A = tpu.sem_alloc : memref<!tpu.dma_semaphore, #tpu.memory_space<semaphore_mem>>
      %dma_start3A = arith.constant 0 : i32
      %dma_start3A_104 = arith.constant 0 : i32
      %dma_start3A_105 = tpu.memref_slice %arg7[%dma_start3A, %dma_start3A_104] : memref<80x64xf32, #tpu.memory_space<vmem>> -> memref<25x64xf32, #tpu.memory_space<vmem>>
      %dma_start3A_106 = arith.constant 0 : i32
      %dma_start3A_107 = tpu.memref_slice %arg25[%add3A_12, %dma_start3A_106] : memref<10000x64xf32, #tpu.memory_space<vmem_shared>> -> memref<25x64xf32, #tpu.memory_space<vmem_shared>>
      %dma_start3A_108 = arith.constant 0 : i32
      %dma_start3A_109 = tpu.memref_slice %arg25[%add3A_12, %dma_start3A_108] : memref<10000x64xf32, #tpu.memory_space<vmem_shared>> -> memref<25x64xf32, #tpu.memory_space<vmem_shared>>
      %dma_start3A_110 = arith.constant 0 : i32
      %dma_start3A_111 = arith.constant 0 : i32
      %dma_start3A_112 = tpu.memref_slice %arg7[%dma_start3A_110, %dma_start3A_111] : memref<80x64xf32, #tpu.memory_space<vmem>> -> memref<25x64xf32, #tpu.memory_space<vmem>>
      tpu.enqueue_dma source(%dma_start3A_112 : memref<25x64xf32, #tpu.memory_space<vmem>>) target(%dma_start3A_109 : memref<25x64xf32, #tpu.memory_space<vmem_shared>>) target_semaphore(%run_scoped3A : memref<!tpu.dma_semaphore, #tpu.memory_space<semaphore_mem>>)
      %dma_wait3A_113 = arith.constant 0 : i32
      %dma_wait3A_114 = arith.constant 0 : i32
      %dma_wait3A_115 = tpu.memref_slice %arg7[%dma_wait3A_113, %dma_wait3A_114] : memref<80x64xf32, #tpu.memory_space<vmem>> -> memref<25x64xf32, #tpu.memory_space<vmem>>
      %dma_wait3A_116 = arith.constant 0 : i32
      %dma_wait3A_117 = tpu.memref_slice %arg25[%add3A_12, %dma_wait3A_116] : memref<10000x64xf32, #tpu.memory_space<vmem_shared>> -> memref<25x64xf32, #tpu.memory_space<vmem_shared>>
      %dma_wait3A_118 = arith.constant 0 : i32
      %dma_wait3A_119 = tpu.memref_slice %arg25[%add3A_12, %dma_wait3A_118] : memref<10000x64xf32, #tpu.memory_space<vmem_shared>> -> memref<25x64xf32, #tpu.memory_space<vmem_shared>>
      %dma_wait3A_120 = arith.constant 0 : i32
      %dma_wait3A_121 = arith.constant 0 : i32
      %dma_wait3A_122 = tpu.memref_slice %arg7[%dma_wait3A_120, %dma_wait3A_121] : memref<80x64xf32, #tpu.memory_space<vmem>> -> memref<25x64xf32, #tpu.memory_space<vmem>>
      tpu.wait_dma2 semaphore(%run_scoped3A : memref<!tpu.dma_semaphore, #tpu.memory_space<semaphore_mem>>) src(%dma_wait3A_122 : memref<25x64xf32, #tpu.memory_space<vmem>>) dst(%dma_wait3A_119 : memref<25x64xf32, #tpu.memory_space<vmem_shared>>)
      tpu.yield
    }) : () -> ()
    %add3A_13 = arith.constant 50 : i32
    %add3A_14 = arith.addi %mul3A_8, %add3A_13 : i32
    "tpu.region"() ({
      %run_scoped3A = tpu.sem_alloc : memref<!tpu.dma_semaphore, #tpu.memory_space<semaphore_mem>>
      %dma_start3A = arith.constant 0 : i32
      %dma_start3A_104 = arith.constant 0 : i32
      %dma_start3A_105 = tpu.memref_slice %arg7[%dma_start3A, %dma_start3A_104] : memref<80x64xf32, #tpu.memory_space<vmem>> -> memref<25x64xf32, #tpu.memory_space<vmem>>
      %dma_start3A_106 = arith.constant 0 : i32
      %dma_start3A_107 = tpu.memref_slice %arg25[%add3A_14, %dma_start3A_106] : memref<10000x64xf32, #tpu.memory_space<vmem_shared>> -> memref<25x64xf32, #tpu.memory_space<vmem_shared>>
      %dma_start3A_108 = arith.constant 0 : i32
      %dma_start3A_109 = tpu.memref_slice %arg25[%add3A_14, %dma_start3A_108] : memref<10000x64xf32, #tpu.memory_space<vmem_shared>> -> memref<25x64xf32, #tpu.memory_space<vmem_shared>>
      %dma_start3A_110 = arith.constant 0 : i32
      %dma_start3A_111 = arith.constant 0 : i32
      %dma_start3A_112 = tpu.memref_slice %arg7[%dma_start3A_110, %dma_start3A_111] : memref<80x64xf32, #tpu.memory_space<vmem>> -> memref<25x64xf32, #tpu.memory_space<vmem>>
      tpu.enqueue_dma source(%dma_start3A_112 : memref<25x64xf32, #tpu.memory_space<vmem>>) target(%dma_start3A_109 : memref<25x64xf32, #tpu.memory_space<vmem_shared>>) target_semaphore(%run_scoped3A : memref<!tpu.dma_semaphore, #tpu.memory_space<semaphore_mem>>)
      %dma_wait3A_113 = arith.constant 0 : i32
      %dma_wait3A_114 = arith.constant 0 : i32
      %dma_wait3A_115 = tpu.memref_slice %arg7[%dma_wait3A_113, %dma_wait3A_114] : memref<80x64xf32, #tpu.memory_space<vmem>> -> memref<25x64xf32, #tpu.memory_space<vmem>>
      %dma_wait3A_116 = arith.constant 0 : i32
      %dma_wait3A_117 = tpu.memref_slice %arg25[%add3A_14, %dma_wait3A_116] : memref<10000x64xf32, #tpu.memory_space<vmem_shared>> -> memref<25x64xf32, #tpu.memory_space<vmem_shared>>
      %dma_wait3A_118 = arith.constant 0 : i32
      %dma_wait3A_119 = tpu.memref_slice %arg25[%add3A_14, %dma_wait3A_118] : memref<10000x64xf32, #tpu.memory_space<vmem_shared>> -> memref<25x64xf32, #tpu.memory_space<vmem_shared>>
      %dma_wait3A_120 = arith.constant 0 : i32
      %dma_wait3A_121 = arith.constant 0 : i32
      %dma_wait3A_122 = tpu.memref_slice %arg7[%dma_wait3A_120, %dma_wait3A_121] : memref<80x64xf32, #tpu.memory_space<vmem>> -> memref<25x64xf32, #tpu.memory_space<vmem>>
      tpu.wait_dma2 semaphore(%run_scoped3A : memref<!tpu.dma_semaphore, #tpu.memory_space<semaphore_mem>>) src(%dma_wait3A_122 : memref<25x64xf32, #tpu.memory_space<vmem>>) dst(%dma_wait3A_119 : memref<25x64xf32, #tpu.memory_space<vmem_shared>>)
      tpu.yield
    }) : () -> ()
    %add3A_15 = arith.constant 75 : i32
    %add3A_16 = arith.addi %mul3A_8, %add3A_15 : i32
    "tpu.region"() ({
      %run_scoped3A = tpu.sem_alloc : memref<!tpu.dma_semaphore, #tpu.memory_space<semaphore_mem>>
      %dma_start3A = arith.constant 0 : i32
      %dma_start3A_104 = arith.constant 0 : i32
      %dma_start3A_105 = tpu.memref_slice %arg7[%dma_start3A, %dma_start3A_104] : memref<80x64xf32, #tpu.memory_space<vmem>> -> memref<25x64xf32, #tpu.memory_space<vmem>>
      %dma_start3A_106 = arith.constant 0 : i32
      %dma_start3A_107 = tpu.memref_slice %arg25[%add3A_16, %dma_start3A_106] : memref<10000x64xf32, #tpu.memory_space<vmem_shared>> -> memref<25x64xf32, #tpu.memory_space<vmem_shared>>
      %dma_start3A_108 = arith.constant 0 : i32
      %dma_start3A_109 = tpu.memref_slice %arg25[%add3A_16, %dma_start3A_108] : memref<10000x64xf32, #tpu.memory_space<vmem_shared>> -> memref<25x64xf32, #tpu.memory_space<vmem_shared>>
      %dma_start3A_110 = arith.constant 0 : i32
      %dma_start3A_111 = arith.constant 0 : i32
      %dma_start3A_112 = tpu.memref_slice %arg7[%dma_start3A_110, %dma_start3A_111] : memref<80x64xf32, #tpu.memory_space<vmem>> -> memref<25x64xf32, #tpu.memory_space<vmem>>
      tpu.enqueue_dma source(%dma_start3A_112 : memref<25x64xf32, #tpu.memory_space<vmem>>) target(%dma_start3A_109 : memref<25x64xf32, #tpu.memory_space<vmem_shared>>) target_semaphore(%run_scoped3A : memref<!tpu.dma_semaphore, #tpu.memory_space<semaphore_mem>>)
      %dma_wait3A_113 = arith.constant 0 : i32
      %dma_wait3A_114 = arith.constant 0 : i32
      %dma_wait3A_115 = tpu.memref_slice %arg7[%dma_wait3A_113, %dma_wait3A_114] : memref<80x64xf32, #tpu.memory_space<vmem>> -> memref<25x64xf32, #tpu.memory_space<vmem>>
      %dma_wait3A_116 = arith.constant 0 : i32
      %dma_wait3A_117 = tpu.memref_slice %arg25[%add3A_16, %dma_wait3A_116] : memref<10000x64xf32, #tpu.memory_space<vmem_shared>> -> memref<25x64xf32, #tpu.memory_space<vmem_shared>>
      %dma_wait3A_118 = arith.constant 0 : i32
      %dma_wait3A_119 = tpu.memref_slice %arg25[%add3A_16, %dma_wait3A_118] : memref<10000x64xf32, #tpu.memory_space<vmem_shared>> -> memref<25x64xf32, #tpu.memory_space<vmem_shared>>
      %dma_wait3A_120 = arith.constant 0 : i32
      %dma_wait3A_121 = arith.constant 0 : i32
      %dma_wait3A_122 = tpu.memref_slice %arg7[%dma_wait3A_120, %dma_wait3A_121] : memref<80x64xf32, #tpu.memory_space<vmem>> -> memref<25x64xf32, #tpu.memory_space<vmem>>
      tpu.wait_dma2 semaphore(%run_scoped3A : memref<!tpu.dma_semaphore, #tpu.memory_space<semaphore_mem>>) src(%dma_wait3A_122 : memref<25x64xf32, #tpu.memory_space<vmem>>) dst(%dma_wait3A_119 : memref<25x64xf32, #tpu.memory_space<vmem_shared>>)
      tpu.yield
    }) : () -> ()
    %add3A_17 = arith.constant 100 : i32
    %add3A_18 = arith.addi %mul3A_8, %add3A_17 : i32
    "tpu.region"() ({
      %run_scoped3A = tpu.sem_alloc : memref<!tpu.dma_semaphore, #tpu.memory_space<semaphore_mem>>
      %dma_start3A = arith.constant 0 : i32
      %dma_start3A_104 = arith.constant 0 : i32
      %dma_start3A_105 = tpu.memref_slice %arg7[%dma_start3A, %dma_start3A_104] : memref<80x64xf32, #tpu.memory_space<vmem>> -> memref<25x64xf32, #tpu.memory_space<vmem>>
      %dma_start3A_106 = arith.constant 0 : i32
      %dma_start3A_107 = tpu.memref_slice %arg25[%add3A_18, %dma_start3A_106] : memref<10000x64xf32, #tpu.memory_space<vmem_shared>> -> memref<25x64xf32, #tpu.memory_space<vmem_shared>>
      %dma_start3A_108 = arith.constant 0 : i32
      %dma_start3A_109 = tpu.memref_slice %arg25[%add3A_18, %dma_start3A_108] : memref<10000x64xf32, #tpu.memory_space<vmem_shared>> -> memref<25x64xf32, #tpu.memory_space<vmem_shared>>
      %dma_start3A_110 = arith.constant 0 : i32
      %dma_start3A_111 = arith.constant 0 : i32
      %dma_start3A_112 = tpu.memref_slice %arg7[%dma_start3A_110, %dma_start3A_111] : memref<80x64xf32, #tpu.memory_space<vmem>> -> memref<25x64xf32, #tpu.memory_space<vmem>>
      tpu.enqueue_dma source(%dma_start3A_112 : memref<25x64xf32, #tpu.memory_space<vmem>>) target(%dma_start3A_109 : memref<25x64xf32, #tpu.memory_space<vmem_shared>>) target_semaphore(%run_scoped3A : memref<!tpu.dma_semaphore, #tpu.memory_space<semaphore_mem>>)
      %dma_wait3A_113 = arith.constant 0 : i32
      %dma_wait3A_114 = arith.constant 0 : i32
      %dma_wait3A_115 = tpu.memref_slice %arg7[%dma_wait3A_113, %dma_wait3A_114] : memref<80x64xf32, #tpu.memory_space<vmem>> -> memref<25x64xf32, #tpu.memory_space<vmem>>
      %dma_wait3A_116 = arith.constant 0 : i32
      %dma_wait3A_117 = tpu.memref_slice %arg25[%add3A_18, %dma_wait3A_116] : memref<10000x64xf32, #tpu.memory_space<vmem_shared>> -> memref<25x64xf32, #tpu.memory_space<vmem_shared>>
      %dma_wait3A_118 = arith.constant 0 : i32
      %dma_wait3A_119 = tpu.memref_slice %arg25[%add3A_18, %dma_wait3A_118] : memref<10000x64xf32, #tpu.memory_space<vmem_shared>> -> memref<25x64xf32, #tpu.memory_space<vmem_shared>>
      %dma_wait3A_120 = arith.constant 0 : i32
      %dma_wait3A_121 = arith.constant 0 : i32
      %dma_wait3A_122 = tpu.memref_slice %arg7[%dma_wait3A_120, %dma_wait3A_121] : memref<80x64xf32, #tpu.memory_space<vmem>> -> memref<25x64xf32, #tpu.memory_space<vmem>>
      tpu.wait_dma2 semaphore(%run_scoped3A : memref<!tpu.dma_semaphore, #tpu.memory_space<semaphore_mem>>) src(%dma_wait3A_122 : memref<25x64xf32, #tpu.memory_space<vmem>>) dst(%dma_wait3A_119 : memref<25x64xf32, #tpu.memory_space<vmem_shared>>)
      tpu.yield
    }) : () -> ()
    %add3A_19 = arith.constant 125 : i32
    %add3A_20 = arith.addi %mul3A_8, %add3A_19 : i32
    "tpu.region"() ({
      %run_scoped3A = tpu.sem_alloc : memref<!tpu.dma_semaphore, #tpu.memory_space<semaphore_mem>>
      %dma_start3A = arith.constant 0 : i32
      %dma_start3A_104 = arith.constant 0 : i32
      %dma_start3A_105 = tpu.memref_slice %arg7[%dma_start3A, %dma_start3A_104] : memref<80x64xf32, #tpu.memory_space<vmem>> -> memref<25x64xf32, #tpu.memory_space<vmem>>
      %dma_start3A_106 = arith.constant 0 : i32
      %dma_start3A_107 = tpu.memref_slice %arg25[%add3A_20, %dma_start3A_106] : memref<10000x64xf32, #tpu.memory_space<vmem_shared>> -> memref<25x64xf32, #tpu.memory_space<vmem_shared>>
      %dma_start3A_108 = arith.constant 0 : i32
      %dma_start3A_109 = tpu.memref_slice %arg25[%add3A_20, %dma_start3A_108] : memref<10000x64xf32, #tpu.memory_space<vmem_shared>> -> memref<25x64xf32, #tpu.memory_space<vmem_shared>>
      %dma_start3A_110 = arith.constant 0 : i32
      %dma_start3A_111 = arith.constant 0 : i32
      %dma_start3A_112 = tpu.memref_slice %arg7[%dma_start3A_110, %dma_start3A_111] : memref<80x64xf32, #tpu.memory_space<vmem>> -> memref<25x64xf32, #tpu.memory_space<vmem>>
      tpu.enqueue_dma source(%dma_start3A_112 : memref<25x64xf32, #tpu.memory_space<vmem>>) target(%dma_start3A_109 : memref<25x64xf32, #tpu.memory_space<vmem_shared>>) target_semaphore(%run_scoped3A : memref<!tpu.dma_semaphore, #tpu.memory_space<semaphore_mem>>)
      %dma_wait3A_113 = arith.constant 0 : i32
      %dma_wait3A_114 = arith.constant 0 : i32
      %dma_wait3A_115 = tpu.memref_slice %arg7[%dma_wait3A_113, %dma_wait3A_114] : memref<80x64xf32, #tpu.memory_space<vmem>> -> memref<25x64xf32, #tpu.memory_space<vmem>>
      %dma_wait3A_116 = arith.constant 0 : i32
      %dma_wait3A_117 = tpu.memref_slice %arg25[%add3A_20, %dma_wait3A_116] : memref<10000x64xf32, #tpu.memory_space<vmem_shared>> -> memref<25x64xf32, #tpu.memory_space<vmem_shared>>
      %dma_wait3A_118 = arith.constant 0 : i32
      %dma_wait3A_119 = tpu.memref_slice %arg25[%add3A_20, %dma_wait3A_118] : memref<10000x64xf32, #tpu.memory_space<vmem_shared>> -> memref<25x64xf32, #tpu.memory_space<vmem_shared>>
      %dma_wait3A_120 = arith.constant 0 : i32
      %dma_wait3A_121 = arith.constant 0 : i32
      %dma_wait3A_122 = tpu.memref_slice %arg7[%dma_wait3A_120, %dma_wait3A_121] : memref<80x64xf32, #tpu.memory_space<vmem>> -> memref<25x64xf32, #tpu.memory_space<vmem>>
      tpu.wait_dma2 semaphore(%run_scoped3A : memref<!tpu.dma_semaphore, #tpu.memory_space<semaphore_mem>>) src(%dma_wait3A_122 : memref<25x64xf32, #tpu.memory_space<vmem>>) dst(%dma_wait3A_119 : memref<25x64xf32, #tpu.memory_space<vmem_shared>>)
      tpu.yield
    }) : () -> ()
    %add3A_21 = arith.constant 150 : i32
    %add3A_22 = arith.addi %mul3A_8, %add3A_21 : i32
    "tpu.region"() ({
      %run_scoped3A = tpu.sem_alloc : memref<!tpu.dma_semaphore, #tpu.memory_space<semaphore_mem>>
      %dma_start3A = arith.constant 0 : i32
      %dma_start3A_104 = arith.constant 0 : i32
      %dma_start3A_105 = tpu.memref_slice %arg7[%dma_start3A, %dma_start3A_104] : memref<80x64xf32, #tpu.memory_space<vmem>> -> memref<25x64xf32, #tpu.memory_space<vmem>>
      %dma_start3A_106 = arith.constant 0 : i32
      %dma_start3A_107 = tpu.memref_slice %arg25[%add3A_22, %dma_start3A_106] : memref<10000x64xf32, #tpu.memory_space<vmem_shared>> -> memref<25x64xf32, #tpu.memory_space<vmem_shared>>
      %dma_start3A_108 = arith.constant 0 : i32
      %dma_start3A_109 = tpu.memref_slice %arg25[%add3A_22, %dma_start3A_108] : memref<10000x64xf32, #tpu.memory_space<vmem_shared>> -> memref<25x64xf32, #tpu.memory_space<vmem_shared>>
      %dma_start3A_110 = arith.constant 0 : i32
      %dma_start3A_111 = arith.constant 0 : i32
      %dma_start3A_112 = tpu.memref_slice %arg7[%dma_start3A_110, %dma_start3A_111] : memref<80x64xf32, #tpu.memory_space<vmem>> -> memref<25x64xf32, #tpu.memory_space<vmem>>
      tpu.enqueue_dma source(%dma_start3A_112 : memref<25x64xf32, #tpu.memory_space<vmem>>) target(%dma_start3A_109 : memref<25x64xf32, #tpu.memory_space<vmem_shared>>) target_semaphore(%run_scoped3A : memref<!tpu.dma_semaphore, #tpu.memory_space<semaphore_mem>>)
      %dma_wait3A_113 = arith.constant 0 : i32
      %dma_wait3A_114 = arith.constant 0 : i32
      %dma_wait3A_115 = tpu.memref_slice %arg7[%dma_wait3A_113, %dma_wait3A_114] : memref<80x64xf32, #tpu.memory_space<vmem>> -> memref<25x64xf32, #tpu.memory_space<vmem>>
      %dma_wait3A_116 = arith.constant 0 : i32
      %dma_wait3A_117 = tpu.memref_slice %arg25[%add3A_22, %dma_wait3A_116] : memref<10000x64xf32, #tpu.memory_space<vmem_shared>> -> memref<25x64xf32, #tpu.memory_space<vmem_shared>>
      %dma_wait3A_118 = arith.constant 0 : i32
      %dma_wait3A_119 = tpu.memref_slice %arg25[%add3A_22, %dma_wait3A_118] : memref<10000x64xf32, #tpu.memory_space<vmem_shared>> -> memref<25x64xf32, #tpu.memory_space<vmem_shared>>
      %dma_wait3A_120 = arith.constant 0 : i32
      %dma_wait3A_121 = arith.constant 0 : i32
      %dma_wait3A_122 = tpu.memref_slice %arg7[%dma_wait3A_120, %dma_wait3A_121] : memref<80x64xf32, #tpu.memory_space<vmem>> -> memref<25x64xf32, #tpu.memory_space<vmem>>
      tpu.wait_dma2 semaphore(%run_scoped3A : memref<!tpu.dma_semaphore, #tpu.memory_space<semaphore_mem>>) src(%dma_wait3A_122 : memref<25x64xf32, #tpu.memory_space<vmem>>) dst(%dma_wait3A_119 : memref<25x64xf32, #tpu.memory_space<vmem_shared>>)
      tpu.yield
    }) : () -> ()
    %add3A_23 = arith.constant 175 : i32
    %add3A_24 = arith.addi %mul3A_8, %add3A_23 : i32
    "tpu.region"() ({
      %run_scoped3A = tpu.sem_alloc : memref<!tpu.dma_semaphore, #tpu.memory_space<semaphore_mem>>
      %dma_start3A = arith.constant 0 : i32
      %dma_start3A_104 = arith.constant 0 : i32
      %dma_start3A_105 = tpu.memref_slice %arg7[%dma_start3A, %dma_start3A_104] : memref<80x64xf32, #tpu.memory_space<vmem>> -> memref<25x64xf32, #tpu.memory_space<vmem>>
      %dma_start3A_106 = arith.constant 0 : i32
      %dma_start3A_107 = tpu.memref_slice %arg25[%add3A_24, %dma_start3A_106] : memref<10000x64xf32, #tpu.memory_space<vmem_shared>> -> memref<25x64xf32, #tpu.memory_space<vmem_shared>>
      %dma_start3A_108 = arith.constant 0 : i32
      %dma_start3A_109 = tpu.memref_slice %arg25[%add3A_24, %dma_start3A_108] : memref<10000x64xf32, #tpu.memory_space<vmem_shared>> -> memref<25x64xf32, #tpu.memory_space<vmem_shared>>
      %dma_start3A_110 = arith.constant 0 : i32
      %dma_start3A_111 = arith.constant 0 : i32
      %dma_start3A_112 = tpu.memref_slice %arg7[%dma_start3A_110, %dma_start3A_111] : memref<80x64xf32, #tpu.memory_space<vmem>> -> memref<25x64xf32, #tpu.memory_space<vmem>>
      tpu.enqueue_dma source(%dma_start3A_112 : memref<25x64xf32, #tpu.memory_space<vmem>>) target(%dma_start3A_109 : memref<25x64xf32, #tpu.memory_space<vmem_shared>>) target_semaphore(%run_scoped3A : memref<!tpu.dma_semaphore, #tpu.memory_space<semaphore_mem>>)
      %dma_wait3A_113 = arith.constant 0 : i32
      %dma_wait3A_114 = arith.constant 0 : i32
      %dma_wait3A_115 = tpu.memref_slice %arg7[%dma_wait3A_113, %dma_wait3A_114] : memref<80x64xf32, #tpu.memory_space<vmem>> -> memref<25x64xf32, #tpu.memory_space<vmem>>
      %dma_wait3A_116 = arith.constant 0 : i32
      %dma_wait3A_117 = tpu.memref_slice %arg25[%add3A_24, %dma_wait3A_116] : memref<10000x64xf32, #tpu.memory_space<vmem_shared>> -> memref<25x64xf32, #tpu.memory_space<vmem_shared>>
      %dma_wait3A_118 = arith.constant 0 : i32
      %dma_wait3A_119 = tpu.memref_slice %arg25[%add3A_24, %dma_wait3A_118] : memref<10000x64xf32, #tpu.memory_space<vmem_shared>> -> memref<25x64xf32, #tpu.memory_space<vmem_shared>>
      %dma_wait3A_120 = arith.constant 0 : i32
      %dma_wait3A_121 = arith.constant 0 : i32
      %dma_wait3A_122 = tpu.memref_slice %arg7[%dma_wait3A_120, %dma_wait3A_121] : memref<80x64xf32, #tpu.memory_space<vmem>> -> memref<25x64xf32, #tpu.memory_space<vmem>>
      tpu.wait_dma2 semaphore(%run_scoped3A : memref<!tpu.dma_semaphore, #tpu.memory_space<semaphore_mem>>) src(%dma_wait3A_122 : memref<25x64xf32, #tpu.memory_space<vmem>>) dst(%dma_wait3A_119 : memref<25x64xf32, #tpu.memory_space<vmem_shared>>)
      tpu.yield
    }) : () -> ()
    %add3A_25 = arith.constant 200 : i32
    %add3A_26 = arith.addi %mul3A_8, %add3A_25 : i32
    "tpu.region"() ({
      %run_scoped3A = tpu.sem_alloc : memref<!tpu.dma_semaphore, #tpu.memory_space<semaphore_mem>>
      %dma_start3A = arith.constant 0 : i32
      %dma_start3A_104 = arith.constant 0 : i32
      %dma_start3A_105 = tpu.memref_slice %arg7[%dma_start3A, %dma_start3A_104] : memref<80x64xf32, #tpu.memory_space<vmem>> -> memref<25x64xf32, #tpu.memory_space<vmem>>
      %dma_start3A_106 = arith.constant 0 : i32
      %dma_start3A_107 = tpu.memref_slice %arg25[%add3A_26, %dma_start3A_106] : memref<10000x64xf32, #tpu.memory_space<vmem_shared>> -> memref<25x64xf32, #tpu.memory_space<vmem_shared>>
      %dma_start3A_108 = arith.constant 0 : i32
      %dma_start3A_109 = tpu.memref_slice %arg25[%add3A_26, %dma_start3A_108] : memref<10000x64xf32, #tpu.memory_space<vmem_shared>> -> memref<25x64xf32, #tpu.memory_space<vmem_shared>>
      %dma_start3A_110 = arith.constant 0 : i32
      %dma_start3A_111 = arith.constant 0 : i32
      %dma_start3A_112 = tpu.memref_slice %arg7[%dma_start3A_110, %dma_start3A_111] : memref<80x64xf32, #tpu.memory_space<vmem>> -> memref<25x64xf32, #tpu.memory_space<vmem>>
      tpu.enqueue_dma source(%dma_start3A_112 : memref<25x64xf32, #tpu.memory_space<vmem>>) target(%dma_start3A_109 : memref<25x64xf32, #tpu.memory_space<vmem_shared>>) target_semaphore(%run_scoped3A : memref<!tpu.dma_semaphore, #tpu.memory_space<semaphore_mem>>)
      %dma_wait3A_113 = arith.constant 0 : i32
      %dma_wait3A_114 = arith.constant 0 : i32
      %dma_wait3A_115 = tpu.memref_slice %arg7[%dma_wait3A_113, %dma_wait3A_114] : memref<80x64xf32, #tpu.memory_space<vmem>> -> memref<25x64xf32, #tpu.memory_space<vmem>>
      %dma_wait3A_116 = arith.constant 0 : i32
      %dma_wait3A_117 = tpu.memref_slice %arg25[%add3A_26, %dma_wait3A_116] : memref<10000x64xf32, #tpu.memory_space<vmem_shared>> -> memref<25x64xf32, #tpu.memory_space<vmem_shared>>
      %dma_wait3A_118 = arith.constant 0 : i32
      %dma_wait3A_119 = tpu.memref_slice %arg25[%add3A_26, %dma_wait3A_118] : memref<10000x64xf32, #tpu.memory_space<vmem_shared>> -> memref<25x64xf32, #tpu.memory_space<vmem_shared>>
      %dma_wait3A_120 = arith.constant 0 : i32
      %dma_wait3A_121 = arith.constant 0 : i32
      %dma_wait3A_122 = tpu.memref_slice %arg7[%dma_wait3A_120, %dma_wait3A_121] : memref<80x64xf32, #tpu.memory_space<vmem>> -> memref<25x64xf32, #tpu.memory_space<vmem>>
      tpu.wait_dma2 semaphore(%run_scoped3A : memref<!tpu.dma_semaphore, #tpu.memory_space<semaphore_mem>>) src(%dma_wait3A_122 : memref<25x64xf32, #tpu.memory_space<vmem>>) dst(%dma_wait3A_119 : memref<25x64xf32, #tpu.memory_space<vmem_shared>>)
      tpu.yield
    }) : () -> ()
    %add3A_27 = arith.constant 225 : i32
    %add3A_28 = arith.addi %mul3A_8, %add3A_27 : i32
    "tpu.region"() ({
      %run_scoped3A = tpu.sem_alloc : memref<!tpu.dma_semaphore, #tpu.memory_space<semaphore_mem>>
      %dma_start3A = arith.constant 0 : i32
      %dma_start3A_104 = arith.constant 0 : i32
      %dma_start3A_105 = tpu.memref_slice %arg7[%dma_start3A, %dma_start3A_104] : memref<80x64xf32, #tpu.memory_space<vmem>> -> memref<25x64xf32, #tpu.memory_space<vmem>>
      %dma_start3A_106 = arith.constant 0 : i32
      %dma_start3A_107 = tpu.memref_slice %arg25[%add3A_28, %dma_start3A_106] : memref<10000x64xf32, #tpu.memory_space<vmem_shared>> -> memref<25x64xf32, #tpu.memory_space<vmem_shared>>
      %dma_start3A_108 = arith.constant 0 : i32
      %dma_start3A_109 = tpu.memref_slice %arg25[%add3A_28, %dma_start3A_108] : memref<10000x64xf32, #tpu.memory_space<vmem_shared>> -> memref<25x64xf32, #tpu.memory_space<vmem_shared>>
      %dma_start3A_110 = arith.constant 0 : i32
      %dma_start3A_111 = arith.constant 0 : i32
      %dma_start3A_112 = tpu.memref_slice %arg7[%dma_start3A_110, %dma_start3A_111] : memref<80x64xf32, #tpu.memory_space<vmem>> -> memref<25x64xf32, #tpu.memory_space<vmem>>
      tpu.enqueue_dma source(%dma_start3A_112 : memref<25x64xf32, #tpu.memory_space<vmem>>) target(%dma_start3A_109 : memref<25x64xf32, #tpu.memory_space<vmem_shared>>) target_semaphore(%run_scoped3A : memref<!tpu.dma_semaphore, #tpu.memory_space<semaphore_mem>>)
      %dma_wait3A_113 = arith.constant 0 : i32
      %dma_wait3A_114 = arith.constant 0 : i32
      %dma_wait3A_115 = tpu.memref_slice %arg7[%dma_wait3A_113, %dma_wait3A_114] : memref<80x64xf32, #tpu.memory_space<vmem>> -> memref<25x64xf32, #tpu.memory_space<vmem>>
      %dma_wait3A_116 = arith.constant 0 : i32
      %dma_wait3A_117 = tpu.memref_slice %arg25[%add3A_28, %dma_wait3A_116] : memref<10000x64xf32, #tpu.memory_space<vmem_shared>> -> memref<25x64xf32, #tpu.memory_space<vmem_shared>>
      %dma_wait3A_118 = arith.constant 0 : i32
      %dma_wait3A_119 = tpu.memref_slice %arg25[%add3A_28, %dma_wait3A_118] : memref<10000x64xf32, #tpu.memory_space<vmem_shared>> -> memref<25x64xf32, #tpu.memory_space<vmem_shared>>
      %dma_wait3A_120 = arith.constant 0 : i32
      %dma_wait3A_121 = arith.constant 0 : i32
      %dma_wait3A_122 = tpu.memref_slice %arg7[%dma_wait3A_120, %dma_wait3A_121] : memref<80x64xf32, #tpu.memory_space<vmem>> -> memref<25x64xf32, #tpu.memory_space<vmem>>
      tpu.wait_dma2 semaphore(%run_scoped3A : memref<!tpu.dma_semaphore, #tpu.memory_space<semaphore_mem>>) src(%dma_wait3A_122 : memref<25x64xf32, #tpu.memory_space<vmem>>) dst(%dma_wait3A_119 : memref<25x64xf32, #tpu.memory_space<vmem_shared>>)
      tpu.yield
    }) : () -> ()
    %add3A_29 = arith.constant 250 : i32
    %add3A_30 = arith.addi %mul3A_8, %add3A_29 : i32
    "tpu.region"() ({
      %run_scoped3A = tpu.sem_alloc : memref<!tpu.dma_semaphore, #tpu.memory_space<semaphore_mem>>
      %dma_start3A = arith.constant 0 : i32
      %dma_start3A_104 = arith.constant 0 : i32
      %dma_start3A_105 = tpu.memref_slice %arg7[%dma_start3A, %dma_start3A_104] : memref<80x64xf32, #tpu.memory_space<vmem>> -> memref<25x64xf32, #tpu.memory_space<vmem>>
      %dma_start3A_106 = arith.constant 0 : i32
      %dma_start3A_107 = tpu.memref_slice %arg25[%add3A_30, %dma_start3A_106] : memref<10000x64xf32, #tpu.memory_space<vmem_shared>> -> memref<25x64xf32, #tpu.memory_space<vmem_shared>>
      %dma_start3A_108 = arith.constant 0 : i32
      %dma_start3A_109 = tpu.memref_slice %arg25[%add3A_30, %dma_start3A_108] : memref<10000x64xf32, #tpu.memory_space<vmem_shared>> -> memref<25x64xf32, #tpu.memory_space<vmem_shared>>
      %dma_start3A_110 = arith.constant 0 : i32
      %dma_start3A_111 = arith.constant 0 : i32
      %dma_start3A_112 = tpu.memref_slice %arg7[%dma_start3A_110, %dma_start3A_111] : memref<80x64xf32, #tpu.memory_space<vmem>> -> memref<25x64xf32, #tpu.memory_space<vmem>>
      tpu.enqueue_dma source(%dma_start3A_112 : memref<25x64xf32, #tpu.memory_space<vmem>>) target(%dma_start3A_109 : memref<25x64xf32, #tpu.memory_space<vmem_shared>>) target_semaphore(%run_scoped3A : memref<!tpu.dma_semaphore, #tpu.memory_space<semaphore_mem>>)
      %dma_wait3A_113 = arith.constant 0 : i32
      %dma_wait3A_114 = arith.constant 0 : i32
      %dma_wait3A_115 = tpu.memref_slice %arg7[%dma_wait3A_113, %dma_wait3A_114] : memref<80x64xf32, #tpu.memory_space<vmem>> -> memref<25x64xf32, #tpu.memory_space<vmem>>
      %dma_wait3A_116 = arith.constant 0 : i32
      %dma_wait3A_117 = tpu.memref_slice %arg25[%add3A_30, %dma_wait3A_116] : memref<10000x64xf32, #tpu.memory_space<vmem_shared>> -> memref<25x64xf32, #tpu.memory_space<vmem_shared>>
      %dma_wait3A_118 = arith.constant 0 : i32
      %dma_wait3A_119 = tpu.memref_slice %arg25[%add3A_30, %dma_wait3A_118] : memref<10000x64xf32, #tpu.memory_space<vmem_shared>> -> memref<25x64xf32, #tpu.memory_space<vmem_shared>>
      %dma_wait3A_120 = arith.constant 0 : i32
      %dma_wait3A_121 = arith.constant 0 : i32
      %dma_wait3A_122 = tpu.memref_slice %arg7[%dma_wait3A_120, %dma_wait3A_121] : memref<80x64xf32, #tpu.memory_space<vmem>> -> memref<25x64xf32, #tpu.memory_space<vmem>>
      tpu.wait_dma2 semaphore(%run_scoped3A : memref<!tpu.dma_semaphore, #tpu.memory_space<semaphore_mem>>) src(%dma_wait3A_122 : memref<25x64xf32, #tpu.memory_space<vmem>>) dst(%dma_wait3A_119 : memref<25x64xf32, #tpu.memory_space<vmem_shared>>)
      tpu.yield
    }) : () -> ()
    %add3A_31 = arith.constant 275 : i32
    %add3A_32 = arith.addi %mul3A_8, %add3A_31 : i32
    "tpu.region"() ({
      %run_scoped3A = tpu.sem_alloc : memref<!tpu.dma_semaphore, #tpu.memory_space<semaphore_mem>>
      %dma_start3A = arith.constant 0 : i32
      %dma_start3A_104 = arith.constant 0 : i32
      %dma_start3A_105 = tpu.memref_slice %arg7[%dma_start3A, %dma_start3A_104] : memref<80x64xf32, #tpu.memory_space<vmem>> -> memref<25x64xf32, #tpu.memory_space<vmem>>
      %dma_start3A_106 = arith.constant 0 : i32
      %dma_start3A_107 = tpu.memref_slice %arg25[%add3A_32, %dma_start3A_106] : memref<10000x64xf32, #tpu.memory_space<vmem_shared>> -> memref<25x64xf32, #tpu.memory_space<vmem_shared>>
      %dma_start3A_108 = arith.constant 0 : i32
      %dma_start3A_109 = tpu.memref_slice %arg25[%add3A_32, %dma_start3A_108] : memref<10000x64xf32, #tpu.memory_space<vmem_shared>> -> memref<25x64xf32, #tpu.memory_space<vmem_shared>>
      %dma_start3A_110 = arith.constant 0 : i32
      %dma_start3A_111 = arith.constant 0 : i32
      %dma_start3A_112 = tpu.memref_slice %arg7[%dma_start3A_110, %dma_start3A_111] : memref<80x64xf32, #tpu.memory_space<vmem>> -> memref<25x64xf32, #tpu.memory_space<vmem>>
      tpu.enqueue_dma source(%dma_start3A_112 : memref<25x64xf32, #tpu.memory_space<vmem>>) target(%dma_start3A_109 : memref<25x64xf32, #tpu.memory_space<vmem_shared>>) target_semaphore(%run_scoped3A : memref<!tpu.dma_semaphore, #tpu.memory_space<semaphore_mem>>)
      %dma_wait3A_113 = arith.constant 0 : i32
      %dma_wait3A_114 = arith.constant 0 : i32
      %dma_wait3A_115 = tpu.memref_slice %arg7[%dma_wait3A_113, %dma_wait3A_114] : memref<80x64xf32, #tpu.memory_space<vmem>> -> memref<25x64xf32, #tpu.memory_space<vmem>>
      %dma_wait3A_116 = arith.constant 0 : i32
      %dma_wait3A_117 = tpu.memref_slice %arg25[%add3A_32, %dma_wait3A_116] : memref<10000x64xf32, #tpu.memory_space<vmem_shared>> -> memref<25x64xf32, #tpu.memory_space<vmem_shared>>
      %dma_wait3A_118 = arith.constant 0 : i32
      %dma_wait3A_119 = tpu.memref_slice %arg25[%add3A_32, %dma_wait3A_118] : memref<10000x64xf32, #tpu.memory_space<vmem_shared>> -> memref<25x64xf32, #tpu.memory_space<vmem_shared>>
      %dma_wait3A_120 = arith.constant 0 : i32
      %dma_wait3A_121 = arith.constant 0 : i32
      %dma_wait3A_122 = tpu.memref_slice %arg7[%dma_wait3A_120, %dma_wait3A_121] : memref<80x64xf32, #tpu.memory_space<vmem>> -> memref<25x64xf32, #tpu.memory_space<vmem>>
      tpu.wait_dma2 semaphore(%run_scoped3A : memref<!tpu.dma_semaphore, #tpu.memory_space<semaphore_mem>>) src(%dma_wait3A_122 : memref<25x64xf32, #tpu.memory_space<vmem>>) dst(%dma_wait3A_119 : memref<25x64xf32, #tpu.memory_space<vmem_shared>>)
      tpu.yield
    }) : () -> ()
    %add3A_33 = arith.constant 300 : i32
    %add3A_34 = arith.addi %mul3A_8, %add3A_33 : i32
    "tpu.region"() ({
      %run_scoped3A = tpu.sem_alloc : memref<!tpu.dma_semaphore, #tpu.memory_space<semaphore_mem>>
      %dma_start3A = arith.constant 0 : i32
      %dma_start3A_104 = arith.constant 0 : i32
      %dma_start3A_105 = tpu.memref_slice %arg7[%dma_start3A, %dma_start3A_104] : memref<80x64xf32, #tpu.memory_space<vmem>> -> memref<25x64xf32, #tpu.memory_space<vmem>>
      %dma_start3A_106 = arith.constant 0 : i32
      %dma_start3A_107 = tpu.memref_slice %arg25[%add3A_34, %dma_start3A_106] : memref<10000x64xf32, #tpu.memory_space<vmem_shared>> -> memref<25x64xf32, #tpu.memory_space<vmem_shared>>
      %dma_start3A_108 = arith.constant 0 : i32
      %dma_start3A_109 = tpu.memref_slice %arg25[%add3A_34, %dma_start3A_108] : memref<10000x64xf32, #tpu.memory_space<vmem_shared>> -> memref<25x64xf32, #tpu.memory_space<vmem_shared>>
      %dma_start3A_110 = arith.constant 0 : i32
      %dma_start3A_111 = arith.constant 0 : i32
      %dma_start3A_112 = tpu.memref_slice %arg7[%dma_start3A_110, %dma_start3A_111] : memref<80x64xf32, #tpu.memory_space<vmem>> -> memref<25x64xf32, #tpu.memory_space<vmem>>
      tpu.enqueue_dma source(%dma_start3A_112 : memref<25x64xf32, #tpu.memory_space<vmem>>) target(%dma_start3A_109 : memref<25x64xf32, #tpu.memory_space<vmem_shared>>) target_semaphore(%run_scoped3A : memref<!tpu.dma_semaphore, #tpu.memory_space<semaphore_mem>>)
      %dma_wait3A_113 = arith.constant 0 : i32
      %dma_wait3A_114 = arith.constant 0 : i32
      %dma_wait3A_115 = tpu.memref_slice %arg7[%dma_wait3A_113, %dma_wait3A_114] : memref<80x64xf32, #tpu.memory_space<vmem>> -> memref<25x64xf32, #tpu.memory_space<vmem>>
      %dma_wait3A_116 = arith.constant 0 : i32
      %dma_wait3A_117 = tpu.memref_slice %arg25[%add3A_34, %dma_wait3A_116] : memref<10000x64xf32, #tpu.memory_space<vmem_shared>> -> memref<25x64xf32, #tpu.memory_space<vmem_shared>>
      %dma_wait3A_118 = arith.constant 0 : i32
      %dma_wait3A_119 = tpu.memref_slice %arg25[%add3A_34, %dma_wait3A_118] : memref<10000x64xf32, #tpu.memory_space<vmem_shared>> -> memref<25x64xf32, #tpu.memory_space<vmem_shared>>
      %dma_wait3A_120 = arith.constant 0 : i32
      %dma_wait3A_121 = arith.constant 0 : i32
      %dma_wait3A_122 = tpu.memref_slice %arg7[%dma_wait3A_120, %dma_wait3A_121] : memref<80x64xf32, #tpu.memory_space<vmem>> -> memref<25x64xf32, #tpu.memory_space<vmem>>
      tpu.wait_dma2 semaphore(%run_scoped3A : memref<!tpu.dma_semaphore, #tpu.memory_space<semaphore_mem>>) src(%dma_wait3A_122 : memref<25x64xf32, #tpu.memory_space<vmem>>) dst(%dma_wait3A_119 : memref<25x64xf32, #tpu.memory_space<vmem_shared>>)
      tpu.yield
    }) : () -> ()
    %add3A_35 = arith.constant 325 : i32
    %add3A_36 = arith.addi %mul3A_8, %add3A_35 : i32
    "tpu.region"() ({
      %run_scoped3A = tpu.sem_alloc : memref<!tpu.dma_semaphore, #tpu.memory_space<semaphore_mem>>
      %dma_start3A = arith.constant 0 : i32
      %dma_start3A_104 = arith.constant 0 : i32
      %dma_start3A_105 = tpu.memref_slice %arg7[%dma_start3A, %dma_start3A_104] : memref<80x64xf32, #tpu.memory_space<vmem>> -> memref<25x64xf32, #tpu.memory_space<vmem>>
      %dma_start3A_106 = arith.constant 0 : i32
      %dma_start3A_107 = tpu.memref_slice %arg25[%add3A_36, %dma_start3A_106] : memref<10000x64xf32, #tpu.memory_space<vmem_shared>> -> memref<25x64xf32, #tpu.memory_space<vmem_shared>>
      %dma_start3A_108 = arith.constant 0 : i32
      %dma_start3A_109 = tpu.memref_slice %arg25[%add3A_36, %dma_start3A_108] : memref<10000x64xf32, #tpu.memory_space<vmem_shared>> -> memref<25x64xf32, #tpu.memory_space<vmem_shared>>
      %dma_start3A_110 = arith.constant 0 : i32
      %dma_start3A_111 = arith.constant 0 : i32
      %dma_start3A_112 = tpu.memref_slice %arg7[%dma_start3A_110, %dma_start3A_111] : memref<80x64xf32, #tpu.memory_space<vmem>> -> memref<25x64xf32, #tpu.memory_space<vmem>>
      tpu.enqueue_dma source(%dma_start3A_112 : memref<25x64xf32, #tpu.memory_space<vmem>>) target(%dma_start3A_109 : memref<25x64xf32, #tpu.memory_space<vmem_shared>>) target_semaphore(%run_scoped3A : memref<!tpu.dma_semaphore, #tpu.memory_space<semaphore_mem>>)
      %dma_wait3A_113 = arith.constant 0 : i32
      %dma_wait3A_114 = arith.constant 0 : i32
      %dma_wait3A_115 = tpu.memref_slice %arg7[%dma_wait3A_113, %dma_wait3A_114] : memref<80x64xf32, #tpu.memory_space<vmem>> -> memref<25x64xf32, #tpu.memory_space<vmem>>
      %dma_wait3A_116 = arith.constant 0 : i32
      %dma_wait3A_117 = tpu.memref_slice %arg25[%add3A_36, %dma_wait3A_116] : memref<10000x64xf32, #tpu.memory_space<vmem_shared>> -> memref<25x64xf32, #tpu.memory_space<vmem_shared>>
      %dma_wait3A_118 = arith.constant 0 : i32
      %dma_wait3A_119 = tpu.memref_slice %arg25[%add3A_36, %dma_wait3A_118] : memref<10000x64xf32, #tpu.memory_space<vmem_shared>> -> memref<25x64xf32, #tpu.memory_space<vmem_shared>>
      %dma_wait3A_120 = arith.constant 0 : i32
      %dma_wait3A_121 = arith.constant 0 : i32
      %dma_wait3A_122 = tpu.memref_slice %arg7[%dma_wait3A_120, %dma_wait3A_121] : memref<80x64xf32, #tpu.memory_space<vmem>> -> memref<25x64xf32, #tpu.memory_space<vmem>>
      tpu.wait_dma2 semaphore(%run_scoped3A : memref<!tpu.dma_semaphore, #tpu.memory_space<semaphore_mem>>) src(%dma_wait3A_122 : memref<25x64xf32, #tpu.memory_space<vmem>>) dst(%dma_wait3A_119 : memref<25x64xf32, #tpu.memory_space<vmem_shared>>)
      tpu.yield
    }) : () -> ()
    %add3A_37 = arith.constant 350 : i32
    %add3A_38 = arith.addi %mul3A_8, %add3A_37 : i32
    "tpu.region"() ({
      %run_scoped3A = tpu.sem_alloc : memref<!tpu.dma_semaphore, #tpu.memory_space<semaphore_mem>>
      %dma_start3A = arith.constant 0 : i32
      %dma_start3A_104 = arith.constant 0 : i32
      %dma_start3A_105 = tpu.memref_slice %arg7[%dma_start3A, %dma_start3A_104] : memref<80x64xf32, #tpu.memory_space<vmem>> -> memref<25x64xf32, #tpu.memory_space<vmem>>
      %dma_start3A_106 = arith.constant 0 : i32
      %dma_start3A_107 = tpu.memref_slice %arg25[%add3A_38, %dma_start3A_106] : memref<10000x64xf32, #tpu.memory_space<vmem_shared>> -> memref<25x64xf32, #tpu.memory_space<vmem_shared>>
      %dma_start3A_108 = arith.constant 0 : i32
      %dma_start3A_109 = tpu.memref_slice %arg25[%add3A_38, %dma_start3A_108] : memref<10000x64xf32, #tpu.memory_space<vmem_shared>> -> memref<25x64xf32, #tpu.memory_space<vmem_shared>>
      %dma_start3A_110 = arith.constant 0 : i32
      %dma_start3A_111 = arith.constant 0 : i32
      %dma_start3A_112 = tpu.memref_slice %arg7[%dma_start3A_110, %dma_start3A_111] : memref<80x64xf32, #tpu.memory_space<vmem>> -> memref<25x64xf32, #tpu.memory_space<vmem>>
      tpu.enqueue_dma source(%dma_start3A_112 : memref<25x64xf32, #tpu.memory_space<vmem>>) target(%dma_start3A_109 : memref<25x64xf32, #tpu.memory_space<vmem_shared>>) target_semaphore(%run_scoped3A : memref<!tpu.dma_semaphore, #tpu.memory_space<semaphore_mem>>)
      %dma_wait3A_113 = arith.constant 0 : i32
      %dma_wait3A_114 = arith.constant 0 : i32
      %dma_wait3A_115 = tpu.memref_slice %arg7[%dma_wait3A_113, %dma_wait3A_114] : memref<80x64xf32, #tpu.memory_space<vmem>> -> memref<25x64xf32, #tpu.memory_space<vmem>>
      %dma_wait3A_116 = arith.constant 0 : i32
      %dma_wait3A_117 = tpu.memref_slice %arg25[%add3A_38, %dma_wait3A_116] : memref<10000x64xf32, #tpu.memory_space<vmem_shared>> -> memref<25x64xf32, #tpu.memory_space<vmem_shared>>
      %dma_wait3A_118 = arith.constant 0 : i32
      %dma_wait3A_119 = tpu.memref_slice %arg25[%add3A_38, %dma_wait3A_118] : memref<10000x64xf32, #tpu.memory_space<vmem_shared>> -> memref<25x64xf32, #tpu.memory_space<vmem_shared>>
      %dma_wait3A_120 = arith.constant 0 : i32
      %dma_wait3A_121 = arith.constant 0 : i32
      %dma_wait3A_122 = tpu.memref_slice %arg7[%dma_wait3A_120, %dma_wait3A_121] : memref<80x64xf32, #tpu.memory_space<vmem>> -> memref<25x64xf32, #tpu.memory_space<vmem>>
      tpu.wait_dma2 semaphore(%run_scoped3A : memref<!tpu.dma_semaphore, #tpu.memory_space<semaphore_mem>>) src(%dma_wait3A_122 : memref<25x64xf32, #tpu.memory_space<vmem>>) dst(%dma_wait3A_119 : memref<25x64xf32, #tpu.memory_space<vmem_shared>>)
      tpu.yield
    }) : () -> ()
    %add3A_39 = arith.constant 375 : i32
    %add3A_40 = arith.addi %mul3A_8, %add3A_39 : i32
    "tpu.region"() ({
      %run_scoped3A = tpu.sem_alloc : memref<!tpu.dma_semaphore, #tpu.memory_space<semaphore_mem>>
      %dma_start3A = arith.constant 0 : i32
      %dma_start3A_104 = arith.constant 0 : i32
      %dma_start3A_105 = tpu.memref_slice %arg7[%dma_start3A, %dma_start3A_104] : memref<80x64xf32, #tpu.memory_space<vmem>> -> memref<25x64xf32, #tpu.memory_space<vmem>>
      %dma_start3A_106 = arith.constant 0 : i32
      %dma_start3A_107 = tpu.memref_slice %arg25[%add3A_40, %dma_start3A_106] : memref<10000x64xf32, #tpu.memory_space<vmem_shared>> -> memref<25x64xf32, #tpu.memory_space<vmem_shared>>
      %dma_start3A_108 = arith.constant 0 : i32
      %dma_start3A_109 = tpu.memref_slice %arg25[%add3A_40, %dma_start3A_108] : memref<10000x64xf32, #tpu.memory_space<vmem_shared>> -> memref<25x64xf32, #tpu.memory_space<vmem_shared>>
      %dma_start3A_110 = arith.constant 0 : i32
      %dma_start3A_111 = arith.constant 0 : i32
      %dma_start3A_112 = tpu.memref_slice %arg7[%dma_start3A_110, %dma_start3A_111] : memref<80x64xf32, #tpu.memory_space<vmem>> -> memref<25x64xf32, #tpu.memory_space<vmem>>
      tpu.enqueue_dma source(%dma_start3A_112 : memref<25x64xf32, #tpu.memory_space<vmem>>) target(%dma_start3A_109 : memref<25x64xf32, #tpu.memory_space<vmem_shared>>) target_semaphore(%run_scoped3A : memref<!tpu.dma_semaphore, #tpu.memory_space<semaphore_mem>>)
      %dma_wait3A_113 = arith.constant 0 : i32
      %dma_wait3A_114 = arith.constant 0 : i32
      %dma_wait3A_115 = tpu.memref_slice %arg7[%dma_wait3A_113, %dma_wait3A_114] : memref<80x64xf32, #tpu.memory_space<vmem>> -> memref<25x64xf32, #tpu.memory_space<vmem>>
      %dma_wait3A_116 = arith.constant 0 : i32
      %dma_wait3A_117 = tpu.memref_slice %arg25[%add3A_40, %dma_wait3A_116] : memref<10000x64xf32, #tpu.memory_space<vmem_shared>> -> memref<25x64xf32, #tpu.memory_space<vmem_shared>>
      %dma_wait3A_118 = arith.constant 0 : i32
      %dma_wait3A_119 = tpu.memref_slice %arg25[%add3A_40, %dma_wait3A_118] : memref<10000x64xf32, #tpu.memory_space<vmem_shared>> -> memref<25x64xf32, #tpu.memory_space<vmem_shared>>
      %dma_wait3A_120 = arith.constant 0 : i32
      %dma_wait3A_121 = arith.constant 0 : i32
      %dma_wait3A_122 = tpu.memref_slice %arg7[%dma_wait3A_120, %dma_wait3A_121] : memref<80x64xf32, #tpu.memory_space<vmem>> -> memref<25x64xf32, #tpu.memory_space<vmem>>
      tpu.wait_dma2 semaphore(%run_scoped3A : memref<!tpu.dma_semaphore, #tpu.memory_space<semaphore_mem>>) src(%dma_wait3A_122 : memref<25x64xf32, #tpu.memory_space<vmem>>) dst(%dma_wait3A_119 : memref<25x64xf32, #tpu.memory_space<vmem_shared>>)
      tpu.yield
    }) : () -> ()
    %add3A_41 = arith.constant 400 : i32
    %add3A_42 = arith.addi %mul3A_8, %add3A_41 : i32
    "tpu.region"() ({
      %run_scoped3A = tpu.sem_alloc : memref<!tpu.dma_semaphore, #tpu.memory_space<semaphore_mem>>
      %dma_start3A = arith.constant 0 : i32
      %dma_start3A_104 = arith.constant 0 : i32
      %dma_start3A_105 = tpu.memref_slice %arg7[%dma_start3A, %dma_start3A_104] : memref<80x64xf32, #tpu.memory_space<vmem>> -> memref<25x64xf32, #tpu.memory_space<vmem>>
      %dma_start3A_106 = arith.constant 0 : i32
      %dma_start3A_107 = tpu.memref_slice %arg25[%add3A_42, %dma_start3A_106] : memref<10000x64xf32, #tpu.memory_space<vmem_shared>> -> memref<25x64xf32, #tpu.memory_space<vmem_shared>>
      %dma_start3A_108 = arith.constant 0 : i32
      %dma_start3A_109 = tpu.memref_slice %arg25[%add3A_42, %dma_start3A_108] : memref<10000x64xf32, #tpu.memory_space<vmem_shared>> -> memref<25x64xf32, #tpu.memory_space<vmem_shared>>
      %dma_start3A_110 = arith.constant 0 : i32
      %dma_start3A_111 = arith.constant 0 : i32
      %dma_start3A_112 = tpu.memref_slice %arg7[%dma_start3A_110, %dma_start3A_111] : memref<80x64xf32, #tpu.memory_space<vmem>> -> memref<25x64xf32, #tpu.memory_space<vmem>>
      tpu.enqueue_dma source(%dma_start3A_112 : memref<25x64xf32, #tpu.memory_space<vmem>>) target(%dma_start3A_109 : memref<25x64xf32, #tpu.memory_space<vmem_shared>>) target_semaphore(%run_scoped3A : memref<!tpu.dma_semaphore, #tpu.memory_space<semaphore_mem>>)
      %dma_wait3A_113 = arith.constant 0 : i32
      %dma_wait3A_114 = arith.constant 0 : i32
      %dma_wait3A_115 = tpu.memref_slice %arg7[%dma_wait3A_113, %dma_wait3A_114] : memref<80x64xf32, #tpu.memory_space<vmem>> -> memref<25x64xf32, #tpu.memory_space<vmem>>
      %dma_wait3A_116 = arith.constant 0 : i32
      %dma_wait3A_117 = tpu.memref_slice %arg25[%add3A_42, %dma_wait3A_116] : memref<10000x64xf32, #tpu.memory_space<vmem_shared>> -> memref<25x64xf32, #tpu.memory_space<vmem_shared>>
      %dma_wait3A_118 = arith.constant 0 : i32
      %dma_wait3A_119 = tpu.memref_slice %arg25[%add3A_42, %dma_wait3A_118] : memref<10000x64xf32, #tpu.memory_space<vmem_shared>> -> memref<25x64xf32, #tpu.memory_space<vmem_shared>>
      %dma_wait3A_120 = arith.constant 0 : i32
      %dma_wait3A_121 = arith.constant 0 : i32
      %dma_wait3A_122 = tpu.memref_slice %arg7[%dma_wait3A_120, %dma_wait3A_121] : memref<80x64xf32, #tpu.memory_space<vmem>> -> memref<25x64xf32, #tpu.memory_space<vmem>>
      tpu.wait_dma2 semaphore(%run_scoped3A : memref<!tpu.dma_semaphore, #tpu.memory_space<semaphore_mem>>) src(%dma_wait3A_122 : memref<25x64xf32, #tpu.memory_space<vmem>>) dst(%dma_wait3A_119 : memref<25x64xf32, #tpu.memory_space<vmem_shared>>)
      tpu.yield
    }) : () -> ()
    %add3A_43 = arith.constant 425 : i32
    %add3A_44 = arith.addi %mul3A_8, %add3A_43 : i32
    "tpu.region"() ({
      %run_scoped3A = tpu.sem_alloc : memref<!tpu.dma_semaphore, #tpu.memory_space<semaphore_mem>>
      %dma_start3A = arith.constant 0 : i32
      %dma_start3A_104 = arith.constant 0 : i32
      %dma_start3A_105 = tpu.memref_slice %arg7[%dma_start3A, %dma_start3A_104] : memref<80x64xf32, #tpu.memory_space<vmem>> -> memref<25x64xf32, #tpu.memory_space<vmem>>
      %dma_start3A_106 = arith.constant 0 : i32
      %dma_start3A_107 = tpu.memref_slice %arg25[%add3A_44, %dma_start3A_106] : memref<10000x64xf32, #tpu.memory_space<vmem_shared>> -> memref<25x64xf32, #tpu.memory_space<vmem_shared>>
      %dma_start3A_108 = arith.constant 0 : i32
      %dma_start3A_109 = tpu.memref_slice %arg25[%add3A_44, %dma_start3A_108] : memref<10000x64xf32, #tpu.memory_space<vmem_shared>> -> memref<25x64xf32, #tpu.memory_space<vmem_shared>>
      %dma_start3A_110 = arith.constant 0 : i32
      %dma_start3A_111 = arith.constant 0 : i32
      %dma_start3A_112 = tpu.memref_slice %arg7[%dma_start3A_110, %dma_start3A_111] : memref<80x64xf32, #tpu.memory_space<vmem>> -> memref<25x64xf32, #tpu.memory_space<vmem>>
      tpu.enqueue_dma source(%dma_start3A_112 : memref<25x64xf32, #tpu.memory_space<vmem>>) target(%dma_start3A_109 : memref<25x64xf32, #tpu.memory_space<vmem_shared>>) target_semaphore(%run_scoped3A : memref<!tpu.dma_semaphore, #tpu.memory_space<semaphore_mem>>)
      %dma_wait3A_113 = arith.constant 0 : i32
      %dma_wait3A_114 = arith.constant 0 : i32
      %dma_wait3A_115 = tpu.memref_slice %arg7[%dma_wait3A_113, %dma_wait3A_114] : memref<80x64xf32, #tpu.memory_space<vmem>> -> memref<25x64xf32, #tpu.memory_space<vmem>>
      %dma_wait3A_116 = arith.constant 0 : i32
      %dma_wait3A_117 = tpu.memref_slice %arg25[%add3A_44, %dma_wait3A_116] : memref<10000x64xf32, #tpu.memory_space<vmem_shared>> -> memref<25x64xf32, #tpu.memory_space<vmem_shared>>
      %dma_wait3A_118 = arith.constant 0 : i32
      %dma_wait3A_119 = tpu.memref_slice %arg25[%add3A_44, %dma_wait3A_118] : memref<10000x64xf32, #tpu.memory_space<vmem_shared>> -> memref<25x64xf32, #tpu.memory_space<vmem_shared>>
      %dma_wait3A_120 = arith.constant 0 : i32
      %dma_wait3A_121 = arith.constant 0 : i32
      %dma_wait3A_122 = tpu.memref_slice %arg7[%dma_wait3A_120, %dma_wait3A_121] : memref<80x64xf32, #tpu.memory_space<vmem>> -> memref<25x64xf32, #tpu.memory_space<vmem>>
      tpu.wait_dma2 semaphore(%run_scoped3A : memref<!tpu.dma_semaphore, #tpu.memory_space<semaphore_mem>>) src(%dma_wait3A_122 : memref<25x64xf32, #tpu.memory_space<vmem>>) dst(%dma_wait3A_119 : memref<25x64xf32, #tpu.memory_space<vmem_shared>>)
      tpu.yield
    }) : () -> ()
    %add3A_45 = arith.constant 450 : i32
    %add3A_46 = arith.addi %mul3A_8, %add3A_45 : i32
    "tpu.region"() ({
      %run_scoped3A = tpu.sem_alloc : memref<!tpu.dma_semaphore, #tpu.memory_space<semaphore_mem>>
      %dma_start3A = arith.constant 0 : i32
      %dma_start3A_104 = arith.constant 0 : i32
      %dma_start3A_105 = tpu.memref_slice %arg7[%dma_start3A, %dma_start3A_104] : memref<80x64xf32, #tpu.memory_space<vmem>> -> memref<25x64xf32, #tpu.memory_space<vmem>>
      %dma_start3A_106 = arith.constant 0 : i32
      %dma_start3A_107 = tpu.memref_slice %arg25[%add3A_46, %dma_start3A_106] : memref<10000x64xf32, #tpu.memory_space<vmem_shared>> -> memref<25x64xf32, #tpu.memory_space<vmem_shared>>
      %dma_start3A_108 = arith.constant 0 : i32
      %dma_start3A_109 = tpu.memref_slice %arg25[%add3A_46, %dma_start3A_108] : memref<10000x64xf32, #tpu.memory_space<vmem_shared>> -> memref<25x64xf32, #tpu.memory_space<vmem_shared>>
      %dma_start3A_110 = arith.constant 0 : i32
      %dma_start3A_111 = arith.constant 0 : i32
      %dma_start3A_112 = tpu.memref_slice %arg7[%dma_start3A_110, %dma_start3A_111] : memref<80x64xf32, #tpu.memory_space<vmem>> -> memref<25x64xf32, #tpu.memory_space<vmem>>
      tpu.enqueue_dma source(%dma_start3A_112 : memref<25x64xf32, #tpu.memory_space<vmem>>) target(%dma_start3A_109 : memref<25x64xf32, #tpu.memory_space<vmem_shared>>) target_semaphore(%run_scoped3A : memref<!tpu.dma_semaphore, #tpu.memory_space<semaphore_mem>>)
      %dma_wait3A_113 = arith.constant 0 : i32
      %dma_wait3A_114 = arith.constant 0 : i32
      %dma_wait3A_115 = tpu.memref_slice %arg7[%dma_wait3A_113, %dma_wait3A_114] : memref<80x64xf32, #tpu.memory_space<vmem>> -> memref<25x64xf32, #tpu.memory_space<vmem>>
      %dma_wait3A_116 = arith.constant 0 : i32
      %dma_wait3A_117 = tpu.memref_slice %arg25[%add3A_46, %dma_wait3A_116] : memref<10000x64xf32, #tpu.memory_space<vmem_shared>> -> memref<25x64xf32, #tpu.memory_space<vmem_shared>>
      %dma_wait3A_118 = arith.constant 0 : i32
      %dma_wait3A_119 = tpu.memref_slice %arg25[%add3A_46, %dma_wait3A_118] : memref<10000x64xf32, #tpu.memory_space<vmem_shared>> -> memref<25x64xf32, #tpu.memory_space<vmem_shared>>
      %dma_wait3A_120 = arith.constant 0 : i32
      %dma_wait3A_121 = arith.constant 0 : i32
      %dma_wait3A_122 = tpu.memref_slice %arg7[%dma_wait3A_120, %dma_wait3A_121] : memref<80x64xf32, #tpu.memory_space<vmem>> -> memref<25x64xf32, #tpu.memory_space<vmem>>
      tpu.wait_dma2 semaphore(%run_scoped3A : memref<!tpu.dma_semaphore, #tpu.memory_space<semaphore_mem>>) src(%dma_wait3A_122 : memref<25x64xf32, #tpu.memory_space<vmem>>) dst(%dma_wait3A_119 : memref<25x64xf32, #tpu.memory_space<vmem_shared>>)
      tpu.yield
    }) : () -> ()
    %add3A_47 = arith.constant 475 : i32
    %add3A_48 = arith.addi %mul3A_8, %add3A_47 : i32
    "tpu.region"() ({
      %run_scoped3A = tpu.sem_alloc : memref<!tpu.dma_semaphore, #tpu.memory_space<semaphore_mem>>
      %dma_start3A = arith.constant 0 : i32
      %dma_start3A_104 = arith.constant 0 : i32
      %dma_start3A_105 = tpu.memref_slice %arg7[%dma_start3A, %dma_start3A_104] : memref<80x64xf32, #tpu.memory_space<vmem>> -> memref<25x64xf32, #tpu.memory_space<vmem>>
      %dma_start3A_106 = arith.constant 0 : i32
      %dma_start3A_107 = tpu.memref_slice %arg25[%add3A_48, %dma_start3A_106] : memref<10000x64xf32, #tpu.memory_space<vmem_shared>> -> memref<25x64xf32, #tpu.memory_space<vmem_shared>>
      %dma_start3A_108 = arith.constant 0 : i32
      %dma_start3A_109 = tpu.memref_slice %arg25[%add3A_48, %dma_start3A_108] : memref<10000x64xf32, #tpu.memory_space<vmem_shared>> -> memref<25x64xf32, #tpu.memory_space<vmem_shared>>
      %dma_start3A_110 = arith.constant 0 : i32
      %dma_start3A_111 = arith.constant 0 : i32
      %dma_start3A_112 = tpu.memref_slice %arg7[%dma_start3A_110, %dma_start3A_111] : memref<80x64xf32, #tpu.memory_space<vmem>> -> memref<25x64xf32, #tpu.memory_space<vmem>>
      tpu.enqueue_dma source(%dma_start3A_112 : memref<25x64xf32, #tpu.memory_space<vmem>>) target(%dma_start3A_109 : memref<25x64xf32, #tpu.memory_space<vmem_shared>>) target_semaphore(%run_scoped3A : memref<!tpu.dma_semaphore, #tpu.memory_space<semaphore_mem>>)
      %dma_wait3A_113 = arith.constant 0 : i32
      %dma_wait3A_114 = arith.constant 0 : i32
      %dma_wait3A_115 = tpu.memref_slice %arg7[%dma_wait3A_113, %dma_wait3A_114] : memref<80x64xf32, #tpu.memory_space<vmem>> -> memref<25x64xf32, #tpu.memory_space<vmem>>
      %dma_wait3A_116 = arith.constant 0 : i32
      %dma_wait3A_117 = tpu.memref_slice %arg25[%add3A_48, %dma_wait3A_116] : memref<10000x64xf32, #tpu.memory_space<vmem_shared>> -> memref<25x64xf32, #tpu.memory_space<vmem_shared>>
      %dma_wait3A_118 = arith.constant 0 : i32
      %dma_wait3A_119 = tpu.memref_slice %arg25[%add3A_48, %dma_wait3A_118] : memref<10000x64xf32, #tpu.memory_space<vmem_shared>> -> memref<25x64xf32, #tpu.memory_space<vmem_shared>>
      %dma_wait3A_120 = arith.constant 0 : i32
      %dma_wait3A_121 = arith.constant 0 : i32
      %dma_wait3A_122 = tpu.memref_slice %arg7[%dma_wait3A_120, %dma_wait3A_121] : memref<80x64xf32, #tpu.memory_space<vmem>> -> memref<25x64xf32, #tpu.memory_space<vmem>>
      tpu.wait_dma2 semaphore(%run_scoped3A : memref<!tpu.dma_semaphore, #tpu.memory_space<semaphore_mem>>) src(%dma_wait3A_122 : memref<25x64xf32, #tpu.memory_space<vmem>>) dst(%dma_wait3A_119 : memref<25x64xf32, #tpu.memory_space<vmem_shared>>)
      tpu.yield
    }) : () -> ()
    %add3A_49 = arith.constant 500 : i32
    %add3A_50 = arith.addi %mul3A_8, %add3A_49 : i32
    "tpu.region"() ({
      %run_scoped3A = tpu.sem_alloc : memref<!tpu.dma_semaphore, #tpu.memory_space<semaphore_mem>>
      %dma_start3A = arith.constant 0 : i32
      %dma_start3A_104 = arith.constant 0 : i32
      %dma_start3A_105 = tpu.memref_slice %arg7[%dma_start3A, %dma_start3A_104] : memref<80x64xf32, #tpu.memory_space<vmem>> -> memref<25x64xf32, #tpu.memory_space<vmem>>
      %dma_start3A_106 = arith.constant 0 : i32
      %dma_start3A_107 = tpu.memref_slice %arg25[%add3A_50, %dma_start3A_106] : memref<10000x64xf32, #tpu.memory_space<vmem_shared>> -> memref<25x64xf32, #tpu.memory_space<vmem_shared>>
      %dma_start3A_108 = arith.constant 0 : i32
      %dma_start3A_109 = tpu.memref_slice %arg25[%add3A_50, %dma_start3A_108] : memref<10000x64xf32, #tpu.memory_space<vmem_shared>> -> memref<25x64xf32, #tpu.memory_space<vmem_shared>>
      %dma_start3A_110 = arith.constant 0 : i32
      %dma_start3A_111 = arith.constant 0 : i32
      %dma_start3A_112 = tpu.memref_slice %arg7[%dma_start3A_110, %dma_start3A_111] : memref<80x64xf32, #tpu.memory_space<vmem>> -> memref<25x64xf32, #tpu.memory_space<vmem>>
      tpu.enqueue_dma source(%dma_start3A_112 : memref<25x64xf32, #tpu.memory_space<vmem>>) target(%dma_start3A_109 : memref<25x64xf32, #tpu.memory_space<vmem_shared>>) target_semaphore(%run_scoped3A : memref<!tpu.dma_semaphore, #tpu.memory_space<semaphore_mem>>)
      %dma_wait3A_113 = arith.constant 0 : i32
      %dma_wait3A_114 = arith.constant 0 : i32
      %dma_wait3A_115 = tpu.memref_slice %arg7[%dma_wait3A_113, %dma_wait3A_114] : memref<80x64xf32, #tpu.memory_space<vmem>> -> memref<25x64xf32, #tpu.memory_space<vmem>>
      %dma_wait3A_116 = arith.constant 0 : i32
      %dma_wait3A_117 = tpu.memref_slice %arg25[%add3A_50, %dma_wait3A_116] : memref<10000x64xf32, #tpu.memory_space<vmem_shared>> -> memref<25x64xf32, #tpu.memory_space<vmem_shared>>
      %dma_wait3A_118 = arith.constant 0 : i32
      %dma_wait3A_119 = tpu.memref_slice %arg25[%add3A_50, %dma_wait3A_118] : memref<10000x64xf32, #tpu.memory_space<vmem_shared>> -> memref<25x64xf32, #tpu.memory_space<vmem_shared>>
      %dma_wait3A_120 = arith.constant 0 : i32
      %dma_wait3A_121 = arith.constant 0 : i32
      %dma_wait3A_122 = tpu.memref_slice %arg7[%dma_wait3A_120, %dma_wait3A_121] : memref<80x64xf32, #tpu.memory_space<vmem>> -> memref<25x64xf32, #tpu.memory_space<vmem>>
      tpu.wait_dma2 semaphore(%run_scoped3A : memref<!tpu.dma_semaphore, #tpu.memory_space<semaphore_mem>>) src(%dma_wait3A_122 : memref<25x64xf32, #tpu.memory_space<vmem>>) dst(%dma_wait3A_119 : memref<25x64xf32, #tpu.memory_space<vmem_shared>>)
      tpu.yield
    }) : () -> ()
    %add3A_51 = arith.constant 525 : i32
    %add3A_52 = arith.addi %mul3A_8, %add3A_51 : i32
    "tpu.region"() ({
      %run_scoped3A = tpu.sem_alloc : memref<!tpu.dma_semaphore, #tpu.memory_space<semaphore_mem>>
      %dma_start3A = arith.constant 0 : i32
      %dma_start3A_104 = arith.constant 0 : i32
      %dma_start3A_105 = tpu.memref_slice %arg7[%dma_start3A, %dma_start3A_104] : memref<80x64xf32, #tpu.memory_space<vmem>> -> memref<25x64xf32, #tpu.memory_space<vmem>>
      %dma_start3A_106 = arith.constant 0 : i32
      %dma_start3A_107 = tpu.memref_slice %arg25[%add3A_52, %dma_start3A_106] : memref<10000x64xf32, #tpu.memory_space<vmem_shared>> -> memref<25x64xf32, #tpu.memory_space<vmem_shared>>
      %dma_start3A_108 = arith.constant 0 : i32
      %dma_start3A_109 = tpu.memref_slice %arg25[%add3A_52, %dma_start3A_108] : memref<10000x64xf32, #tpu.memory_space<vmem_shared>> -> memref<25x64xf32, #tpu.memory_space<vmem_shared>>
      %dma_start3A_110 = arith.constant 0 : i32
      %dma_start3A_111 = arith.constant 0 : i32
      %dma_start3A_112 = tpu.memref_slice %arg7[%dma_start3A_110, %dma_start3A_111] : memref<80x64xf32, #tpu.memory_space<vmem>> -> memref<25x64xf32, #tpu.memory_space<vmem>>
      tpu.enqueue_dma source(%dma_start3A_112 : memref<25x64xf32, #tpu.memory_space<vmem>>) target(%dma_start3A_109 : memref<25x64xf32, #tpu.memory_space<vmem_shared>>) target_semaphore(%run_scoped3A : memref<!tpu.dma_semaphore, #tpu.memory_space<semaphore_mem>>)
      %dma_wait3A_113 = arith.constant 0 : i32
      %dma_wait3A_114 = arith.constant 0 : i32
      %dma_wait3A_115 = tpu.memref_slice %arg7[%dma_wait3A_113, %dma_wait3A_114] : memref<80x64xf32, #tpu.memory_space<vmem>> -> memref<25x64xf32, #tpu.memory_space<vmem>>
      %dma_wait3A_116 = arith.constant 0 : i32
      %dma_wait3A_117 = tpu.memref_slice %arg25[%add3A_52, %dma_wait3A_116] : memref<10000x64xf32, #tpu.memory_space<vmem_shared>> -> memref<25x64xf32, #tpu.memory_space<vmem_shared>>
      %dma_wait3A_118 = arith.constant 0 : i32
      %dma_wait3A_119 = tpu.memref_slice %arg25[%add3A_52, %dma_wait3A_118] : memref<10000x64xf32, #tpu.memory_space<vmem_shared>> -> memref<25x64xf32, #tpu.memory_space<vmem_shared>>
      %dma_wait3A_120 = arith.constant 0 : i32
      %dma_wait3A_121 = arith.constant 0 : i32
      %dma_wait3A_122 = tpu.memref_slice %arg7[%dma_wait3A_120, %dma_wait3A_121] : memref<80x64xf32, #tpu.memory_space<vmem>> -> memref<25x64xf32, #tpu.memory_space<vmem>>
      tpu.wait_dma2 semaphore(%run_scoped3A : memref<!tpu.dma_semaphore, #tpu.memory_space<semaphore_mem>>) src(%dma_wait3A_122 : memref<25x64xf32, #tpu.memory_space<vmem>>) dst(%dma_wait3A_119 : memref<25x64xf32, #tpu.memory_space<vmem_shared>>)
      tpu.yield
    }) : () -> ()
    %add3A_53 = arith.constant 550 : i32
    %add3A_54 = arith.addi %mul3A_8, %add3A_53 : i32
    "tpu.region"() ({
      %run_scoped3A = tpu.sem_alloc : memref<!tpu.dma_semaphore, #tpu.memory_space<semaphore_mem>>
      %dma_start3A = arith.constant 0 : i32
      %dma_start3A_104 = arith.constant 0 : i32
      %dma_start3A_105 = tpu.memref_slice %arg7[%dma_start3A, %dma_start3A_104] : memref<80x64xf32, #tpu.memory_space<vmem>> -> memref<25x64xf32, #tpu.memory_space<vmem>>
      %dma_start3A_106 = arith.constant 0 : i32
      %dma_start3A_107 = tpu.memref_slice %arg25[%add3A_54, %dma_start3A_106] : memref<10000x64xf32, #tpu.memory_space<vmem_shared>> -> memref<25x64xf32, #tpu.memory_space<vmem_shared>>
      %dma_start3A_108 = arith.constant 0 : i32
      %dma_start3A_109 = tpu.memref_slice %arg25[%add3A_54, %dma_start3A_108] : memref<10000x64xf32, #tpu.memory_space<vmem_shared>> -> memref<25x64xf32, #tpu.memory_space<vmem_shared>>
      %dma_start3A_110 = arith.constant 0 : i32
      %dma_start3A_111 = arith.constant 0 : i32
      %dma_start3A_112 = tpu.memref_slice %arg7[%dma_start3A_110, %dma_start3A_111] : memref<80x64xf32, #tpu.memory_space<vmem>> -> memref<25x64xf32, #tpu.memory_space<vmem>>
      tpu.enqueue_dma source(%dma_start3A_112 : memref<25x64xf32, #tpu.memory_space<vmem>>) target(%dma_start3A_109 : memref<25x64xf32, #tpu.memory_space<vmem_shared>>) target_semaphore(%run_scoped3A : memref<!tpu.dma_semaphore, #tpu.memory_space<semaphore_mem>>)
      %dma_wait3A_113 = arith.constant 0 : i32
      %dma_wait3A_114 = arith.constant 0 : i32
      %dma_wait3A_115 = tpu.memref_slice %arg7[%dma_wait3A_113, %dma_wait3A_114] : memref<80x64xf32, #tpu.memory_space<vmem>> -> memref<25x64xf32, #tpu.memory_space<vmem>>
      %dma_wait3A_116 = arith.constant 0 : i32
      %dma_wait3A_117 = tpu.memref_slice %arg25[%add3A_54, %dma_wait3A_116] : memref<10000x64xf32, #tpu.memory_space<vmem_shared>> -> memref<25x64xf32, #tpu.memory_space<vmem_shared>>
      %dma_wait3A_118 = arith.constant 0 : i32
      %dma_wait3A_119 = tpu.memref_slice %arg25[%add3A_54, %dma_wait3A_118] : memref<10000x64xf32, #tpu.memory_space<vmem_shared>> -> memref<25x64xf32, #tpu.memory_space<vmem_shared>>
      %dma_wait3A_120 = arith.constant 0 : i32
      %dma_wait3A_121 = arith.constant 0 : i32
      %dma_wait3A_122 = tpu.memref_slice %arg7[%dma_wait3A_120, %dma_wait3A_121] : memref<80x64xf32, #tpu.memory_space<vmem>> -> memref<25x64xf32, #tpu.memory_space<vmem>>
      tpu.wait_dma2 semaphore(%run_scoped3A : memref<!tpu.dma_semaphore, #tpu.memory_space<semaphore_mem>>) src(%dma_wait3A_122 : memref<25x64xf32, #tpu.memory_space<vmem>>) dst(%dma_wait3A_119 : memref<25x64xf32, #tpu.memory_space<vmem_shared>>)
      tpu.yield
    }) : () -> ()
    %add3A_55 = arith.constant 575 : i32
    %add3A_56 = arith.addi %mul3A_8, %add3A_55 : i32
    "tpu.region"() ({
      %run_scoped3A = tpu.sem_alloc : memref<!tpu.dma_semaphore, #tpu.memory_space<semaphore_mem>>
      %dma_start3A = arith.constant 0 : i32
      %dma_start3A_104 = arith.constant 0 : i32
      %dma_start3A_105 = tpu.memref_slice %arg7[%dma_start3A, %dma_start3A_104] : memref<80x64xf32, #tpu.memory_space<vmem>> -> memref<25x64xf32, #tpu.memory_space<vmem>>
      %dma_start3A_106 = arith.constant 0 : i32
      %dma_start3A_107 = tpu.memref_slice %arg25[%add3A_56, %dma_start3A_106] : memref<10000x64xf32, #tpu.memory_space<vmem_shared>> -> memref<25x64xf32, #tpu.memory_space<vmem_shared>>
      %dma_start3A_108 = arith.constant 0 : i32
      %dma_start3A_109 = tpu.memref_slice %arg25[%add3A_56, %dma_start3A_108] : memref<10000x64xf32, #tpu.memory_space<vmem_shared>> -> memref<25x64xf32, #tpu.memory_space<vmem_shared>>
      %dma_start3A_110 = arith.constant 0 : i32
      %dma_start3A_111 = arith.constant 0 : i32
      %dma_start3A_112 = tpu.memref_slice %arg7[%dma_start3A_110, %dma_start3A_111] : memref<80x64xf32, #tpu.memory_space<vmem>> -> memref<25x64xf32, #tpu.memory_space<vmem>>
      tpu.enqueue_dma source(%dma_start3A_112 : memref<25x64xf32, #tpu.memory_space<vmem>>) target(%dma_start3A_109 : memref<25x64xf32, #tpu.memory_space<vmem_shared>>) target_semaphore(%run_scoped3A : memref<!tpu.dma_semaphore, #tpu.memory_space<semaphore_mem>>)
      %dma_wait3A_113 = arith.constant 0 : i32
      %dma_wait3A_114 = arith.constant 0 : i32
      %dma_wait3A_115 = tpu.memref_slice %arg7[%dma_wait3A_113, %dma_wait3A_114] : memref<80x64xf32, #tpu.memory_space<vmem>> -> memref<25x64xf32, #tpu.memory_space<vmem>>
      %dma_wait3A_116 = arith.constant 0 : i32
      %dma_wait3A_117 = tpu.memref_slice %arg25[%add3A_56, %dma_wait3A_116] : memref<10000x64xf32, #tpu.memory_space<vmem_shared>> -> memref<25x64xf32, #tpu.memory_space<vmem_shared>>
      %dma_wait3A_118 = arith.constant 0 : i32
      %dma_wait3A_119 = tpu.memref_slice %arg25[%add3A_56, %dma_wait3A_118] : memref<10000x64xf32, #tpu.memory_space<vmem_shared>> -> memref<25x64xf32, #tpu.memory_space<vmem_shared>>
      %dma_wait3A_120 = arith.constant 0 : i32
      %dma_wait3A_121 = arith.constant 0 : i32
      %dma_wait3A_122 = tpu.memref_slice %arg7[%dma_wait3A_120, %dma_wait3A_121] : memref<80x64xf32, #tpu.memory_space<vmem>> -> memref<25x64xf32, #tpu.memory_space<vmem>>
      tpu.wait_dma2 semaphore(%run_scoped3A : memref<!tpu.dma_semaphore, #tpu.memory_space<semaphore_mem>>) src(%dma_wait3A_122 : memref<25x64xf32, #tpu.memory_space<vmem>>) dst(%dma_wait3A_119 : memref<25x64xf32, #tpu.memory_space<vmem_shared>>)
      tpu.yield
    }) : () -> ()
    %add3A_57 = arith.constant 600 : i32
    %add3A_58 = arith.addi %mul3A_8, %add3A_57 : i32
    "tpu.region"() ({
      %run_scoped3A = tpu.sem_alloc : memref<!tpu.dma_semaphore, #tpu.memory_space<semaphore_mem>>
      %dma_start3A = arith.constant 0 : i32
      %dma_start3A_104 = arith.constant 0 : i32
      %dma_start3A_105 = tpu.memref_slice %arg7[%dma_start3A, %dma_start3A_104] : memref<80x64xf32, #tpu.memory_space<vmem>> -> memref<25x64xf32, #tpu.memory_space<vmem>>
      %dma_start3A_106 = arith.constant 0 : i32
      %dma_start3A_107 = tpu.memref_slice %arg25[%add3A_58, %dma_start3A_106] : memref<10000x64xf32, #tpu.memory_space<vmem_shared>> -> memref<25x64xf32, #tpu.memory_space<vmem_shared>>
      %dma_start3A_108 = arith.constant 0 : i32
      %dma_start3A_109 = tpu.memref_slice %arg25[%add3A_58, %dma_start3A_108] : memref<10000x64xf32, #tpu.memory_space<vmem_shared>> -> memref<25x64xf32, #tpu.memory_space<vmem_shared>>
      %dma_start3A_110 = arith.constant 0 : i32
      %dma_start3A_111 = arith.constant 0 : i32
      %dma_start3A_112 = tpu.memref_slice %arg7[%dma_start3A_110, %dma_start3A_111] : memref<80x64xf32, #tpu.memory_space<vmem>> -> memref<25x64xf32, #tpu.memory_space<vmem>>
      tpu.enqueue_dma source(%dma_start3A_112 : memref<25x64xf32, #tpu.memory_space<vmem>>) target(%dma_start3A_109 : memref<25x64xf32, #tpu.memory_space<vmem_shared>>) target_semaphore(%run_scoped3A : memref<!tpu.dma_semaphore, #tpu.memory_space<semaphore_mem>>)
      %dma_wait3A_113 = arith.constant 0 : i32
      %dma_wait3A_114 = arith.constant 0 : i32
      %dma_wait3A_115 = tpu.memref_slice %arg7[%dma_wait3A_113, %dma_wait3A_114] : memref<80x64xf32, #tpu.memory_space<vmem>> -> memref<25x64xf32, #tpu.memory_space<vmem>>
      %dma_wait3A_116 = arith.constant 0 : i32
      %dma_wait3A_117 = tpu.memref_slice %arg25[%add3A_58, %dma_wait3A_116] : memref<10000x64xf32, #tpu.memory_space<vmem_shared>> -> memref<25x64xf32, #tpu.memory_space<vmem_shared>>
      %dma_wait3A_118 = arith.constant 0 : i32
      %dma_wait3A_119 = tpu.memref_slice %arg25[%add3A_58, %dma_wait3A_118] : memref<10000x64xf32, #tpu.memory_space<vmem_shared>> -> memref<25x64xf32, #tpu.memory_space<vmem_shared>>
      %dma_wait3A_120 = arith.constant 0 : i32
      %dma_wait3A_121 = arith.constant 0 : i32
      %dma_wait3A_122 = tpu.memref_slice %arg7[%dma_wait3A_120, %dma_wait3A_121] : memref<80x64xf32, #tpu.memory_space<vmem>> -> memref<25x64xf32, #tpu.memory_space<vmem>>
      tpu.wait_dma2 semaphore(%run_scoped3A : memref<!tpu.dma_semaphore, #tpu.memory_space<semaphore_mem>>) src(%dma_wait3A_122 : memref<25x64xf32, #tpu.memory_space<vmem>>) dst(%dma_wait3A_119 : memref<25x64xf32, #tpu.memory_space<vmem_shared>>)
      tpu.yield
    }) : () -> ()
    %barrier3A = arith.constant 0 : index
    tpu.barrier barrier_id(%barrier3A)
    %mul3A_59 = arith.constant 10000 : i32
    %mul3A_60 = arith.muli %add3A, %mul3A_59 : i32
    "tpu.region"() ({
      %run_scoped3A = tpu.sem_alloc : memref<!tpu.dma_semaphore, #tpu.memory_space<semaphore_mem>>
      %dma_start3A = tpu.memref_slice %arg3[%mul3A_60] : memref<640000xi32, #tpu.memory_space<hbm>> -> memref<10000xi32, #tpu.memory_space<hbm>>
      %dma_start3A_104 = tpu.memref_slice %arg3[%mul3A_60] : memref<640000xi32, #tpu.memory_space<hbm>> -> memref<10000xi32, #tpu.memory_space<hbm>>
      tpu.enqueue_dma source(%dma_start3A_104 : memref<10000xi32, #tpu.memory_space<hbm>>) target(%arg5 : memref<10000xi32, #tpu.memory_space<vmem>>) target_semaphore(%run_scoped3A : memref<!tpu.dma_semaphore, #tpu.memory_space<semaphore_mem>>)
      %dma_wait3A_105 = tpu.memref_slice %arg3[%mul3A_60] : memref<640000xi32, #tpu.memory_space<hbm>> -> memref<10000xi32, #tpu.memory_space<hbm>>
      %dma_wait3A_106 = tpu.memref_slice %arg3[%mul3A_60] : memref<640000xi32, #tpu.memory_space<hbm>> -> memref<10000xi32, #tpu.memory_space<hbm>>
      tpu.wait_dma2 semaphore(%run_scoped3A : memref<!tpu.dma_semaphore, #tpu.memory_space<semaphore_mem>>) src(%dma_wait3A_106 : memref<10000xi32, #tpu.memory_space<hbm>>) dst(%arg5 : memref<10000xi32, #tpu.memory_space<vmem>>)
      tpu.yield
    }) : () -> ()
    %add3A_61 = arith.constant 320000 : i32
    %add3A_62 = arith.addi %add3A_61, %mul3A_60 : i32
    "tpu.region"() ({
      %run_scoped3A = tpu.sem_alloc : memref<!tpu.dma_semaphore, #tpu.memory_space<semaphore_mem>>
      %dma_start3A = tpu.memref_slice %arg3[%add3A_62] : memref<640000xi32, #tpu.memory_space<hbm>> -> memref<10000xi32, #tpu.memory_space<hbm>>
      %dma_start3A_104 = tpu.memref_slice %arg3[%add3A_62] : memref<640000xi32, #tpu.memory_space<hbm>> -> memref<10000xi32, #tpu.memory_space<hbm>>
      tpu.enqueue_dma source(%dma_start3A_104 : memref<10000xi32, #tpu.memory_space<hbm>>) target(%arg6 : memref<10000xi32, #tpu.memory_space<vmem>>) target_semaphore(%run_scoped3A : memref<!tpu.dma_semaphore, #tpu.memory_space<semaphore_mem>>)
      %dma_wait3A_105 = tpu.memref_slice %arg3[%add3A_62] : memref<640000xi32, #tpu.memory_space<hbm>> -> memref<10000xi32, #tpu.memory_space<hbm>>
      %dma_wait3A_106 = tpu.memref_slice %arg3[%add3A_62] : memref<640000xi32, #tpu.memory_space<hbm>> -> memref<10000xi32, #tpu.memory_space<hbm>>
      tpu.wait_dma2 semaphore(%run_scoped3A : memref<!tpu.dma_semaphore, #tpu.memory_space<semaphore_mem>>) src(%dma_wait3A_106 : memref<10000xi32, #tpu.memory_space<hbm>>) dst(%arg6 : memref<10000xi32, #tpu.memory_space<vmem>>)
      tpu.yield
    }) : () -> ()
    %scan3A_63 = arith.constant 0 : i32
    %scan3A_64 = arith.constant 0 : i32
    %scan3A_65 = arith.constant 22 : i32
    %scan3A_66 = arith.addi %scan3A_64, %scan3A_65 : i32
    %scan3A_67 = arith.constant 1 : i32
    scf.for %scan3A_104 = %scan3A_64 to %scan3A_66 step %scan3A_67  : i32 {
      %mul3A_105 = arith.constant 6 : i32
      %mul3A_106 = arith.muli %scan3A_104, %mul3A_105 : i32
      %add3A_107 = arith.constant 0 : i32
      %add3A_108 = arith.addi %mul3A_106, %add3A_107 : i32
      %ge3A = arith.constant 6 : i32
      %ge3A_109 = arith.cmpi sge, %add3A_108, %ge3A : i32
      %lt3A = arith.constant 125 : i32
      %lt3A_110 = arith.cmpi slt, %add3A_108, %lt3A : i32
      %and3A = arith.andi %ge3A_109, %lt3A_110 : i1
      %convert_element_type3A = arith.extui %and3A : i1 to i32
      %cond3A = arith.constant 0 : i32
      %cond3A_111 = arith.cmpi ne, %convert_element_type3A, %cond3A : i32
      scf.if %cond3A_111 {
        %sub3A_251 = arith.constant 6 : i32
        %sub3A_252 = arith.subi %add3A_108, %sub3A_251 : i32
        %mul3A_253 = arith.constant 80 : i32
        %mul3A_254 = arith.muli %sub3A_252, %mul3A_253 : i32
        %multiple_of3A_255 = tpu.assume_multiple %mul3A_254, 8 : i32
        %dma_wait3A_256 = tpu.memref_slice %arg6[%multiple_of3A_255] : memref<10000xi32, #tpu.memory_space<vmem>> -> memref<80xi32, #tpu.memory_space<vmem>>
        %dma_wait3A_257 = arith.constant 0 : i32
        %dma_wait3A_258 = arith.constant 0 : i32
        %dma_wait3A_259 = tpu.memref_slice %arg25[%dma_wait3A_257, %dma_wait3A_258] : memref<10000x64xf32, #tpu.memory_space<vmem_shared>> -> memref<10000x64xf32, #tpu.memory_space<vmem_shared>>
        tpu.wait_indirect_dma semaphore(%arg19 : memref<!tpu.dma_semaphore, #tpu.memory_space<semaphore_mem>>) src(%arg7 : memref<80x64xf32, #tpu.memory_space<vmem>>) dst(%dma_wait3A_259 : memref<10000x64xf32, #tpu.memory_space<vmem_shared>>)
      } else {
      }
      %lt3A_112 = arith.constant 125 : i32
      %lt3A_113 = arith.cmpi slt, %add3A_108, %lt3A_112 : i32
      %convert_element_type3A_114 = arith.extui %lt3A_113 : i1 to i32
      %cond3A_115 = arith.constant 0 : i32
      %cond3A_116 = arith.cmpi ne, %convert_element_type3A_114, %cond3A_115 : i32
      scf.if %cond3A_116 {
        %mul3A_251 = arith.constant 80 : i32
        %mul3A_252 = arith.muli %add3A_108, %mul3A_251 : i32
        %multiple_of3A_253 = tpu.assume_multiple %mul3A_252, 8 : i32
        %dma_start3A = tpu.memref_slice %arg5[%multiple_of3A_253] : memref<10000xi32, #tpu.memory_space<vmem>> -> memref<80xi32, #tpu.memory_space<vmem>>
        %dma_start3A_254 = arith.constant 0 : i32
        %dma_start3A_255 = arith.constant 0 : i32
        %dma_start3A_256 = tpu.memref_slice %arg2[%dma_start3A_254, %dma_start3A_255] : memref<10000x64xf32, #tpu.memory_space<hbm>> -> memref<10000x64xf32, #tpu.memory_space<hbm>>
        tpu.enqueue_indirect_dma source(%dma_start3A_256 : memref<10000x64xf32, #tpu.memory_space<hbm>>) target(%arg7 : memref<80x64xf32, #tpu.memory_space<vmem>>) offsets(%dma_start3A : memref<80xi32, #tpu.memory_space<vmem>>) semaphore(%arg13 : memref<!tpu.dma_semaphore, #tpu.memory_space<semaphore_mem>>)
      } else {
      }
      %sub3A = arith.constant 3 : i32
      %sub3A_117 = arith.subi %add3A_108, %sub3A : i32
      %ge3A_118 = arith.constant 0 : i32
      %ge3A_119 = arith.cmpi sge, %sub3A_117, %ge3A_118 : i32
      %lt3A_120 = arith.constant 125 : i32
      %lt3A_121 = arith.cmpi slt, %sub3A_117, %lt3A_120 : i32
      %and3A_122 = arith.andi %ge3A_119, %lt3A_121 : i1
      %convert_element_type3A_123 = arith.extui %and3A_122 : i1 to i32
      %cond3A_124 = arith.constant 0 : i32
      %cond3A_125 = arith.cmpi ne, %convert_element_type3A_123, %cond3A_124 : i32
      scf.if %cond3A_125 {
        %mul3A_251 = arith.constant 80 : i32
        %mul3A_252 = arith.muli %sub3A_117, %mul3A_251 : i32
        %multiple_of3A_253 = tpu.assume_multiple %mul3A_252, 8 : i32
        %dma_wait3A_254 = tpu.memref_slice %arg5[%multiple_of3A_253] : memref<10000xi32, #tpu.memory_space<vmem>> -> memref<80xi32, #tpu.memory_space<vmem>>
        %dma_wait3A_255 = arith.constant 0 : i32
        %dma_wait3A_256 = arith.constant 0 : i32
        %dma_wait3A_257 = tpu.memref_slice %arg2[%dma_wait3A_255, %dma_wait3A_256] : memref<10000x64xf32, #tpu.memory_space<hbm>> -> memref<10000x64xf32, #tpu.memory_space<hbm>>
        tpu.wait_indirect_dma semaphore(%arg16 : memref<!tpu.dma_semaphore, #tpu.memory_space<semaphore_mem>>) src(%dma_wait3A_257 : memref<10000x64xf32, #tpu.memory_space<hbm>>) dst(%arg10 : memref<80x64xf32, #tpu.memory_space<vmem>>)
        %mul3A_258 = arith.constant 80 : i32
        %mul3A_259 = arith.muli %sub3A_117, %mul3A_258 : i32
        %multiple_of3A_260 = tpu.assume_multiple %mul3A_259, 8 : i32
        %dma_start3A = tpu.memref_slice %arg6[%multiple_of3A_260] : memref<10000xi32, #tpu.memory_space<vmem>> -> memref<80xi32, #tpu.memory_space<vmem>>
        %dma_start3A_261 = arith.constant 0 : i32
        %dma_start3A_262 = arith.constant 0 : i32
        %dma_start3A_263 = tpu.memref_slice %arg25[%dma_start3A_261, %dma_start3A_262] : memref<10000x64xf32, #tpu.memory_space<vmem_shared>> -> memref<10000x64xf32, #tpu.memory_space<vmem_shared>>
        tpu.enqueue_indirect_dma source(%arg10 : memref<80x64xf32, #tpu.memory_space<vmem>>) target(%dma_start3A_263 : memref<10000x64xf32, #tpu.memory_space<vmem_shared>>) offsets(%dma_start3A : memref<80xi32, #tpu.memory_space<vmem>>) semaphore(%arg22 : memref<!tpu.dma_semaphore, #tpu.memory_space<semaphore_mem>>) {add = true}
      } else {
      }
      %add3A_126 = arith.constant 1 : i32
      %add3A_127 = arith.addi %mul3A_106, %add3A_126 : i32
      %ge3A_128 = arith.constant 6 : i32
      %ge3A_129 = arith.cmpi sge, %add3A_127, %ge3A_128 : i32
      %lt3A_130 = arith.constant 125 : i32
      %lt3A_131 = arith.cmpi slt, %add3A_127, %lt3A_130 : i32
      %and3A_132 = arith.andi %ge3A_129, %lt3A_131 : i1
      %convert_element_type3A_133 = arith.extui %and3A_132 : i1 to i32
      %cond3A_134 = arith.constant 0 : i32
      %cond3A_135 = arith.cmpi ne, %convert_element_type3A_133, %cond3A_134 : i32
      scf.if %cond3A_135 {
        %sub3A_251 = arith.constant 6 : i32
        %sub3A_252 = arith.subi %add3A_127, %sub3A_251 : i32
        %mul3A_253 = arith.constant 80 : i32
        %mul3A_254 = arith.muli %sub3A_252, %mul3A_253 : i32
        %multiple_of3A_255 = tpu.assume_multiple %mul3A_254, 8 : i32
        %dma_wait3A_256 = tpu.memref_slice %arg6[%multiple_of3A_255] : memref<10000xi32, #tpu.memory_space<vmem>> -> memref<80xi32, #tpu.memory_space<vmem>>
        %dma_wait3A_257 = arith.constant 0 : i32
        %dma_wait3A_258 = arith.constant 0 : i32
        %dma_wait3A_259 = tpu.memref_slice %arg25[%dma_wait3A_257, %dma_wait3A_258] : memref<10000x64xf32, #tpu.memory_space<vmem_shared>> -> memref<10000x64xf32, #tpu.memory_space<vmem_shared>>
        tpu.wait_indirect_dma semaphore(%arg20 : memref<!tpu.dma_semaphore, #tpu.memory_space<semaphore_mem>>) src(%arg8 : memref<80x64xf32, #tpu.memory_space<vmem>>) dst(%dma_wait3A_259 : memref<10000x64xf32, #tpu.memory_space<vmem_shared>>)
      } else {
      }
      %lt3A_136 = arith.constant 125 : i32
      %lt3A_137 = arith.cmpi slt, %add3A_127, %lt3A_136 : i32
      %convert_element_type3A_138 = arith.extui %lt3A_137 : i1 to i32
      %cond3A_139 = arith.constant 0 : i32
      %cond3A_140 = arith.cmpi ne, %convert_element_type3A_138, %cond3A_139 : i32
      scf.if %cond3A_140 {
        %mul3A_251 = arith.constant 80 : i32
        %mul3A_252 = arith.muli %add3A_127, %mul3A_251 : i32
        %multiple_of3A_253 = tpu.assume_multiple %mul3A_252, 8 : i32
        %dma_start3A = tpu.memref_slice %arg5[%multiple_of3A_253] : memref<10000xi32, #tpu.memory_space<vmem>> -> memref<80xi32, #tpu.memory_space<vmem>>
        %dma_start3A_254 = arith.constant 0 : i32
        %dma_start3A_255 = arith.constant 0 : i32
        %dma_start3A_256 = tpu.memref_slice %arg2[%dma_start3A_254, %dma_start3A_255] : memref<10000x64xf32, #tpu.memory_space<hbm>> -> memref<10000x64xf32, #tpu.memory_space<hbm>>
        tpu.enqueue_indirect_dma source(%dma_start3A_256 : memref<10000x64xf32, #tpu.memory_space<hbm>>) target(%arg8 : memref<80x64xf32, #tpu.memory_space<vmem>>) offsets(%dma_start3A : memref<80xi32, #tpu.memory_space<vmem>>) semaphore(%arg14 : memref<!tpu.dma_semaphore, #tpu.memory_space<semaphore_mem>>)
      } else {
      }
      %sub3A_141 = arith.constant 3 : i32
      %sub3A_142 = arith.subi %add3A_127, %sub3A_141 : i32
      %ge3A_143 = arith.constant 0 : i32
      %ge3A_144 = arith.cmpi sge, %sub3A_142, %ge3A_143 : i32
      %lt3A_145 = arith.constant 125 : i32
      %lt3A_146 = arith.cmpi slt, %sub3A_142, %lt3A_145 : i32
      %and3A_147 = arith.andi %ge3A_144, %lt3A_146 : i1
      %convert_element_type3A_148 = arith.extui %and3A_147 : i1 to i32
      %cond3A_149 = arith.constant 0 : i32
      %cond3A_150 = arith.cmpi ne, %convert_element_type3A_148, %cond3A_149 : i32
      scf.if %cond3A_150 {
        %mul3A_251 = arith.constant 80 : i32
        %mul3A_252 = arith.muli %sub3A_142, %mul3A_251 : i32
        %multiple_of3A_253 = tpu.assume_multiple %mul3A_252, 8 : i32
        %dma_wait3A_254 = tpu.memref_slice %arg5[%multiple_of3A_253] : memref<10000xi32, #tpu.memory_space<vmem>> -> memref<80xi32, #tpu.memory_space<vmem>>
        %dma_wait3A_255 = arith.constant 0 : i32
        %dma_wait3A_256 = arith.constant 0 : i32
        %dma_wait3A_257 = tpu.memref_slice %arg2[%dma_wait3A_255, %dma_wait3A_256] : memref<10000x64xf32, #tpu.memory_space<hbm>> -> memref<10000x64xf32, #tpu.memory_space<hbm>>
        tpu.wait_indirect_dma semaphore(%arg17 : memref<!tpu.dma_semaphore, #tpu.memory_space<semaphore_mem>>) src(%dma_wait3A_257 : memref<10000x64xf32, #tpu.memory_space<hbm>>) dst(%arg11 : memref<80x64xf32, #tpu.memory_space<vmem>>)
        %mul3A_258 = arith.constant 80 : i32
        %mul3A_259 = arith.muli %sub3A_142, %mul3A_258 : i32
        %multiple_of3A_260 = tpu.assume_multiple %mul3A_259, 8 : i32
        %dma_start3A = tpu.memref_slice %arg6[%multiple_of3A_260] : memref<10000xi32, #tpu.memory_space<vmem>> -> memref<80xi32, #tpu.memory_space<vmem>>
        %dma_start3A_261 = arith.constant 0 : i32
        %dma_start3A_262 = arith.constant 0 : i32
        %dma_start3A_263 = tpu.memref_slice %arg25[%dma_start3A_261, %dma_start3A_262] : memref<10000x64xf32, #tpu.memory_space<vmem_shared>> -> memref<10000x64xf32, #tpu.memory_space<vmem_shared>>
        tpu.enqueue_indirect_dma source(%arg11 : memref<80x64xf32, #tpu.memory_space<vmem>>) target(%dma_start3A_263 : memref<10000x64xf32, #tpu.memory_space<vmem_shared>>) offsets(%dma_start3A : memref<80xi32, #tpu.memory_space<vmem>>) semaphore(%arg23 : memref<!tpu.dma_semaphore, #tpu.memory_space<semaphore_mem>>) {add = true}
      } else {
      }
      %add3A_151 = arith.constant 2 : i32
      %add3A_152 = arith.addi %mul3A_106, %add3A_151 : i32
      %ge3A_153 = arith.constant 6 : i32
      %ge3A_154 = arith.cmpi sge, %add3A_152, %ge3A_153 : i32
      %lt3A_155 = arith.constant 125 : i32
      %lt3A_156 = arith.cmpi slt, %add3A_152, %lt3A_155 : i32
      %and3A_157 = arith.andi %ge3A_154, %lt3A_156 : i1
      %convert_element_type3A_158 = arith.extui %and3A_157 : i1 to i32
      %cond3A_159 = arith.constant 0 : i32
      %cond3A_160 = arith.cmpi ne, %convert_element_type3A_158, %cond3A_159 : i32
      scf.if %cond3A_160 {
        %sub3A_251 = arith.constant 6 : i32
        %sub3A_252 = arith.subi %add3A_152, %sub3A_251 : i32
        %mul3A_253 = arith.constant 80 : i32
        %mul3A_254 = arith.muli %sub3A_252, %mul3A_253 : i32
        %multiple_of3A_255 = tpu.assume_multiple %mul3A_254, 8 : i32
        %dma_wait3A_256 = tpu.memref_slice %arg6[%multiple_of3A_255] : memref<10000xi32, #tpu.memory_space<vmem>> -> memref<80xi32, #tpu.memory_space<vmem>>
        %dma_wait3A_257 = arith.constant 0 : i32
        %dma_wait3A_258 = arith.constant 0 : i32
        %dma_wait3A_259 = tpu.memref_slice %arg25[%dma_wait3A_257, %dma_wait3A_258] : memref<10000x64xf32, #tpu.memory_space<vmem_shared>> -> memref<10000x64xf32, #tpu.memory_space<vmem_shared>>
        tpu.wait_indirect_dma semaphore(%arg21 : memref<!tpu.dma_semaphore, #tpu.memory_space<semaphore_mem>>) src(%arg9 : memref<80x64xf32, #tpu.memory_space<vmem>>) dst(%dma_wait3A_259 : memref<10000x64xf32, #tpu.memory_space<vmem_shared>>)
      } else {
      }
      %lt3A_161 = arith.constant 125 : i32
      %lt3A_162 = arith.cmpi slt, %add3A_152, %lt3A_161 : i32
      %convert_element_type3A_163 = arith.extui %lt3A_162 : i1 to i32
      %cond3A_164 = arith.constant 0 : i32
      %cond3A_165 = arith.cmpi ne, %convert_element_type3A_163, %cond3A_164 : i32
      scf.if %cond3A_165 {
        %mul3A_251 = arith.constant 80 : i32
        %mul3A_252 = arith.muli %add3A_152, %mul3A_251 : i32
        %multiple_of3A_253 = tpu.assume_multiple %mul3A_252, 8 : i32
        %dma_start3A = tpu.memref_slice %arg5[%multiple_of3A_253] : memref<10000xi32, #tpu.memory_space<vmem>> -> memref<80xi32, #tpu.memory_space<vmem>>
        %dma_start3A_254 = arith.constant 0 : i32
        %dma_start3A_255 = arith.constant 0 : i32
        %dma_start3A_256 = tpu.memref_slice %arg2[%dma_start3A_254, %dma_start3A_255] : memref<10000x64xf32, #tpu.memory_space<hbm>> -> memref<10000x64xf32, #tpu.memory_space<hbm>>
        tpu.enqueue_indirect_dma source(%dma_start3A_256 : memref<10000x64xf32, #tpu.memory_space<hbm>>) target(%arg9 : memref<80x64xf32, #tpu.memory_space<vmem>>) offsets(%dma_start3A : memref<80xi32, #tpu.memory_space<vmem>>) semaphore(%arg15 : memref<!tpu.dma_semaphore, #tpu.memory_space<semaphore_mem>>)
      } else {
      }
      %sub3A_166 = arith.constant 3 : i32
      %sub3A_167 = arith.subi %add3A_152, %sub3A_166 : i32
      %ge3A_168 = arith.constant 0 : i32
      %ge3A_169 = arith.cmpi sge, %sub3A_167, %ge3A_168 : i32
      %lt3A_170 = arith.constant 125 : i32
      %lt3A_171 = arith.cmpi slt, %sub3A_167, %lt3A_170 : i32
      %and3A_172 = arith.andi %ge3A_169, %lt3A_171 : i1
      %convert_element_type3A_173 = arith.extui %and3A_172 : i1 to i32
      %cond3A_174 = arith.constant 0 : i32
      %cond3A_175 = arith.cmpi ne, %convert_element_type3A_173, %cond3A_174 : i32
      scf.if %cond3A_175 {
        %mul3A_251 = arith.constant 80 : i32
        %mul3A_252 = arith.muli %sub3A_167, %mul3A_251 : i32
        %multiple_of3A_253 = tpu.assume_multiple %mul3A_252, 8 : i32
        %dma_wait3A_254 = tpu.memref_slice %arg5[%multiple_of3A_253] : memref<10000xi32, #tpu.memory_space<vmem>> -> memref<80xi32, #tpu.memory_space<vmem>>
        %dma_wait3A_255 = arith.constant 0 : i32
        %dma_wait3A_256 = arith.constant 0 : i32
        %dma_wait3A_257 = tpu.memref_slice %arg2[%dma_wait3A_255, %dma_wait3A_256] : memref<10000x64xf32, #tpu.memory_space<hbm>> -> memref<10000x64xf32, #tpu.memory_space<hbm>>
        tpu.wait_indirect_dma semaphore(%arg18 : memref<!tpu.dma_semaphore, #tpu.memory_space<semaphore_mem>>) src(%dma_wait3A_257 : memref<10000x64xf32, #tpu.memory_space<hbm>>) dst(%arg12 : memref<80x64xf32, #tpu.memory_space<vmem>>)
        %mul3A_258 = arith.constant 80 : i32
        %mul3A_259 = arith.muli %sub3A_167, %mul3A_258 : i32
        %multiple_of3A_260 = tpu.assume_multiple %mul3A_259, 8 : i32
        %dma_start3A = tpu.memref_slice %arg6[%multiple_of3A_260] : memref<10000xi32, #tpu.memory_space<vmem>> -> memref<80xi32, #tpu.memory_space<vmem>>
        %dma_start3A_261 = arith.constant 0 : i32
        %dma_start3A_262 = arith.constant 0 : i32
        %dma_start3A_263 = tpu.memref_slice %arg25[%dma_start3A_261, %dma_start3A_262] : memref<10000x64xf32, #tpu.memory_space<vmem_shared>> -> memref<10000x64xf32, #tpu.memory_space<vmem_shared>>
        tpu.enqueue_indirect_dma source(%arg12 : memref<80x64xf32, #tpu.memory_space<vmem>>) target(%dma_start3A_263 : memref<10000x64xf32, #tpu.memory_space<vmem_shared>>) offsets(%dma_start3A : memref<80xi32, #tpu.memory_space<vmem>>) semaphore(%arg24 : memref<!tpu.dma_semaphore, #tpu.memory_space<semaphore_mem>>) {add = true}
      } else {
      }
      %add3A_176 = arith.constant 3 : i32
      %add3A_177 = arith.addi %mul3A_106, %add3A_176 : i32
      %ge3A_178 = arith.constant 6 : i32
      %ge3A_179 = arith.cmpi sge, %add3A_177, %ge3A_178 : i32
      %lt3A_180 = arith.constant 125 : i32
      %lt3A_181 = arith.cmpi slt, %add3A_177, %lt3A_180 : i32
      %and3A_182 = arith.andi %ge3A_179, %lt3A_181 : i1
      %convert_element_type3A_183 = arith.extui %and3A_182 : i1 to i32
      %cond3A_184 = arith.constant 0 : i32
      %cond3A_185 = arith.cmpi ne, %convert_element_type3A_183, %cond3A_184 : i32
      scf.if %cond3A_185 {
        %sub3A_251 = arith.constant 6 : i32
        %sub3A_252 = arith.subi %add3A_177, %sub3A_251 : i32
        %mul3A_253 = arith.constant 80 : i32
        %mul3A_254 = arith.muli %sub3A_252, %mul3A_253 : i32
        %multiple_of3A_255 = tpu.assume_multiple %mul3A_254, 8 : i32
        %dma_wait3A_256 = tpu.memref_slice %arg6[%multiple_of3A_255] : memref<10000xi32, #tpu.memory_space<vmem>> -> memref<80xi32, #tpu.memory_space<vmem>>
        %dma_wait3A_257 = arith.constant 0 : i32
        %dma_wait3A_258 = arith.constant 0 : i32
        %dma_wait3A_259 = tpu.memref_slice %arg25[%dma_wait3A_257, %dma_wait3A_258] : memref<10000x64xf32, #tpu.memory_space<vmem_shared>> -> memref<10000x64xf32, #tpu.memory_space<vmem_shared>>
        tpu.wait_indirect_dma semaphore(%arg22 : memref<!tpu.dma_semaphore, #tpu.memory_space<semaphore_mem>>) src(%arg10 : memref<80x64xf32, #tpu.memory_space<vmem>>) dst(%dma_wait3A_259 : memref<10000x64xf32, #tpu.memory_space<vmem_shared>>)
      } else {
      }
      %lt3A_186 = arith.constant 125 : i32
      %lt3A_187 = arith.cmpi slt, %add3A_177, %lt3A_186 : i32
      %convert_element_type3A_188 = arith.extui %lt3A_187 : i1 to i32
      %cond3A_189 = arith.constant 0 : i32
      %cond3A_190 = arith.cmpi ne, %convert_element_type3A_188, %cond3A_189 : i32
      scf.if %cond3A_190 {
        %mul3A_251 = arith.constant 80 : i32
        %mul3A_252 = arith.muli %add3A_177, %mul3A_251 : i32
        %multiple_of3A_253 = tpu.assume_multiple %mul3A_252, 8 : i32
        %dma_start3A = tpu.memref_slice %arg5[%multiple_of3A_253] : memref<10000xi32, #tpu.memory_space<vmem>> -> memref<80xi32, #tpu.memory_space<vmem>>
        %dma_start3A_254 = arith.constant 0 : i32
        %dma_start3A_255 = arith.constant 0 : i32
        %dma_start3A_256 = tpu.memref_slice %arg2[%dma_start3A_254, %dma_start3A_255] : memref<10000x64xf32, #tpu.memory_space<hbm>> -> memref<10000x64xf32, #tpu.memory_space<hbm>>
        tpu.enqueue_indirect_dma source(%dma_start3A_256 : memref<10000x64xf32, #tpu.memory_space<hbm>>) target(%arg10 : memref<80x64xf32, #tpu.memory_space<vmem>>) offsets(%dma_start3A : memref<80xi32, #tpu.memory_space<vmem>>) semaphore(%arg16 : memref<!tpu.dma_semaphore, #tpu.memory_space<semaphore_mem>>)
      } else {
      }
      %sub3A_191 = arith.constant 3 : i32
      %sub3A_192 = arith.subi %add3A_177, %sub3A_191 : i32
      %ge3A_193 = arith.constant 0 : i32
      %ge3A_194 = arith.cmpi sge, %sub3A_192, %ge3A_193 : i32
      %lt3A_195 = arith.constant 125 : i32
      %lt3A_196 = arith.cmpi slt, %sub3A_192, %lt3A_195 : i32
      %and3A_197 = arith.andi %ge3A_194, %lt3A_196 : i1
      %convert_element_type3A_198 = arith.extui %and3A_197 : i1 to i32
      %cond3A_199 = arith.constant 0 : i32
      %cond3A_200 = arith.cmpi ne, %convert_element_type3A_198, %cond3A_199 : i32
      scf.if %cond3A_200 {
        %mul3A_251 = arith.constant 80 : i32
        %mul3A_252 = arith.muli %sub3A_192, %mul3A_251 : i32
        %multiple_of3A_253 = tpu.assume_multiple %mul3A_252, 8 : i32
        %dma_wait3A_254 = tpu.memref_slice %arg5[%multiple_of3A_253] : memref<10000xi32, #tpu.memory_space<vmem>> -> memref<80xi32, #tpu.memory_space<vmem>>
        %dma_wait3A_255 = arith.constant 0 : i32
        %dma_wait3A_256 = arith.constant 0 : i32
        %dma_wait3A_257 = tpu.memref_slice %arg2[%dma_wait3A_255, %dma_wait3A_256] : memref<10000x64xf32, #tpu.memory_space<hbm>> -> memref<10000x64xf32, #tpu.memory_space<hbm>>
        tpu.wait_indirect_dma semaphore(%arg13 : memref<!tpu.dma_semaphore, #tpu.memory_space<semaphore_mem>>) src(%dma_wait3A_257 : memref<10000x64xf32, #tpu.memory_space<hbm>>) dst(%arg7 : memref<80x64xf32, #tpu.memory_space<vmem>>)
        %mul3A_258 = arith.constant 80 : i32
        %mul3A_259 = arith.muli %sub3A_192, %mul3A_258 : i32
        %multiple_of3A_260 = tpu.assume_multiple %mul3A_259, 8 : i32
        %dma_start3A = tpu.memref_slice %arg6[%multiple_of3A_260] : memref<10000xi32, #tpu.memory_space<vmem>> -> memref<80xi32, #tpu.memory_space<vmem>>
        %dma_start3A_261 = arith.constant 0 : i32
        %dma_start3A_262 = arith.constant 0 : i32
        %dma_start3A_263 = tpu.memref_slice %arg25[%dma_start3A_261, %dma_start3A_262] : memref<10000x64xf32, #tpu.memory_space<vmem_shared>> -> memref<10000x64xf32, #tpu.memory_space<vmem_shared>>
        tpu.enqueue_indirect_dma source(%arg7 : memref<80x64xf32, #tpu.memory_space<vmem>>) target(%dma_start3A_263 : memref<10000x64xf32, #tpu.memory_space<vmem_shared>>) offsets(%dma_start3A : memref<80xi32, #tpu.memory_space<vmem>>) semaphore(%arg19 : memref<!tpu.dma_semaphore, #tpu.memory_space<semaphore_mem>>) {add = true}
      } else {
      }
      %add3A_201 = arith.constant 4 : i32
      %add3A_202 = arith.addi %mul3A_106, %add3A_201 : i32
      %ge3A_203 = arith.constant 6 : i32
      %ge3A_204 = arith.cmpi sge, %add3A_202, %ge3A_203 : i32
      %lt3A_205 = arith.constant 125 : i32
      %lt3A_206 = arith.cmpi slt, %add3A_202, %lt3A_205 : i32
      %and3A_207 = arith.andi %ge3A_204, %lt3A_206 : i1
      %convert_element_type3A_208 = arith.extui %and3A_207 : i1 to i32
      %cond3A_209 = arith.constant 0 : i32
      %cond3A_210 = arith.cmpi ne, %convert_element_type3A_208, %cond3A_209 : i32
      scf.if %cond3A_210 {
        %sub3A_251 = arith.constant 6 : i32
        %sub3A_252 = arith.subi %add3A_202, %sub3A_251 : i32
        %mul3A_253 = arith.constant 80 : i32
        %mul3A_254 = arith.muli %sub3A_252, %mul3A_253 : i32
        %multiple_of3A_255 = tpu.assume_multiple %mul3A_254, 8 : i32
        %dma_wait3A_256 = tpu.memref_slice %arg6[%multiple_of3A_255] : memref<10000xi32, #tpu.memory_space<vmem>> -> memref<80xi32, #tpu.memory_space<vmem>>
        %dma_wait3A_257 = arith.constant 0 : i32
        %dma_wait3A_258 = arith.constant 0 : i32
        %dma_wait3A_259 = tpu.memref_slice %arg25[%dma_wait3A_257, %dma_wait3A_258] : memref<10000x64xf32, #tpu.memory_space<vmem_shared>> -> memref<10000x64xf32, #tpu.memory_space<vmem_shared>>
        tpu.wait_indirect_dma semaphore(%arg23 : memref<!tpu.dma_semaphore, #tpu.memory_space<semaphore_mem>>) src(%arg11 : memref<80x64xf32, #tpu.memory_space<vmem>>) dst(%dma_wait3A_259 : memref<10000x64xf32, #tpu.memory_space<vmem_shared>>)
      } else {
      }
      %lt3A_211 = arith.constant 125 : i32
      %lt3A_212 = arith.cmpi slt, %add3A_202, %lt3A_211 : i32
      %convert_element_type3A_213 = arith.extui %lt3A_212 : i1 to i32
      %cond3A_214 = arith.constant 0 : i32
      %cond3A_215 = arith.cmpi ne, %convert_element_type3A_213, %cond3A_214 : i32
      scf.if %cond3A_215 {
        %mul3A_251 = arith.constant 80 : i32
        %mul3A_252 = arith.muli %add3A_202, %mul3A_251 : i32
        %multiple_of3A_253 = tpu.assume_multiple %mul3A_252, 8 : i32
        %dma_start3A = tpu.memref_slice %arg5[%multiple_of3A_253] : memref<10000xi32, #tpu.memory_space<vmem>> -> memref<80xi32, #tpu.memory_space<vmem>>
        %dma_start3A_254 = arith.constant 0 : i32
        %dma_start3A_255 = arith.constant 0 : i32
        %dma_start3A_256 = tpu.memref_slice %arg2[%dma_start3A_254, %dma_start3A_255] : memref<10000x64xf32, #tpu.memory_space<hbm>> -> memref<10000x64xf32, #tpu.memory_space<hbm>>
        tpu.enqueue_indirect_dma source(%dma_start3A_256 : memref<10000x64xf32, #tpu.memory_space<hbm>>) target(%arg11 : memref<80x64xf32, #tpu.memory_space<vmem>>) offsets(%dma_start3A : memref<80xi32, #tpu.memory_space<vmem>>) semaphore(%arg17 : memref<!tpu.dma_semaphore, #tpu.memory_space<semaphore_mem>>)
      } else {
      }
      %sub3A_216 = arith.constant 3 : i32
      %sub3A_217 = arith.subi %add3A_202, %sub3A_216 : i32
      %ge3A_218 = arith.constant 0 : i32
      %ge3A_219 = arith.cmpi sge, %sub3A_217, %ge3A_218 : i32
      %lt3A_220 = arith.constant 125 : i32
      %lt3A_221 = arith.cmpi slt, %sub3A_217, %lt3A_220 : i32
      %and3A_222 = arith.andi %ge3A_219, %lt3A_221 : i1
      %convert_element_type3A_223 = arith.extui %and3A_222 : i1 to i32
      %cond3A_224 = arith.constant 0 : i32
      %cond3A_225 = arith.cmpi ne, %convert_element_type3A_223, %cond3A_224 : i32
      scf.if %cond3A_225 {
        %mul3A_251 = arith.constant 80 : i32
        %mul3A_252 = arith.muli %sub3A_217, %mul3A_251 : i32
        %multiple_of3A_253 = tpu.assume_multiple %mul3A_252, 8 : i32
        %dma_wait3A_254 = tpu.memref_slice %arg5[%multiple_of3A_253] : memref<10000xi32, #tpu.memory_space<vmem>> -> memref<80xi32, #tpu.memory_space<vmem>>
        %dma_wait3A_255 = arith.constant 0 : i32
        %dma_wait3A_256 = arith.constant 0 : i32
        %dma_wait3A_257 = tpu.memref_slice %arg2[%dma_wait3A_255, %dma_wait3A_256] : memref<10000x64xf32, #tpu.memory_space<hbm>> -> memref<10000x64xf32, #tpu.memory_space<hbm>>
        tpu.wait_indirect_dma semaphore(%arg14 : memref<!tpu.dma_semaphore, #tpu.memory_space<semaphore_mem>>) src(%dma_wait3A_257 : memref<10000x64xf32, #tpu.memory_space<hbm>>) dst(%arg8 : memref<80x64xf32, #tpu.memory_space<vmem>>)
        %mul3A_258 = arith.constant 80 : i32
        %mul3A_259 = arith.muli %sub3A_217, %mul3A_258 : i32
        %multiple_of3A_260 = tpu.assume_multiple %mul3A_259, 8 : i32
        %dma_start3A = tpu.memref_slice %arg6[%multiple_of3A_260] : memref<10000xi32, #tpu.memory_space<vmem>> -> memref<80xi32, #tpu.memory_space<vmem>>
        %dma_start3A_261 = arith.constant 0 : i32
        %dma_start3A_262 = arith.constant 0 : i32
        %dma_start3A_263 = tpu.memref_slice %arg25[%dma_start3A_261, %dma_start3A_262] : memref<10000x64xf32, #tpu.memory_space<vmem_shared>> -> memref<10000x64xf32, #tpu.memory_space<vmem_shared>>
        tpu.enqueue_indirect_dma source(%arg8 : memref<80x64xf32, #tpu.memory_space<vmem>>) target(%dma_start3A_263 : memref<10000x64xf32, #tpu.memory_space<vmem_shared>>) offsets(%dma_start3A : memref<80xi32, #tpu.memory_space<vmem>>) semaphore(%arg20 : memref<!tpu.dma_semaphore, #tpu.memory_space<semaphore_mem>>) {add = true}
      } else {
      }
      %add3A_226 = arith.constant 5 : i32
      %add3A_227 = arith.addi %mul3A_106, %add3A_226 : i32
      %ge3A_228 = arith.constant 6 : i32
      %ge3A_229 = arith.cmpi sge, %add3A_227, %ge3A_228 : i32
      %lt3A_230 = arith.constant 125 : i32
      %lt3A_231 = arith.cmpi slt, %add3A_227, %lt3A_230 : i32
      %and3A_232 = arith.andi %ge3A_229, %lt3A_231 : i1
      %convert_element_type3A_233 = arith.extui %and3A_232 : i1 to i32
      %cond3A_234 = arith.constant 0 : i32
      %cond3A_235 = arith.cmpi ne, %convert_element_type3A_233, %cond3A_234 : i32
      scf.if %cond3A_235 {
        %sub3A_251 = arith.constant 6 : i32
        %sub3A_252 = arith.subi %add3A_227, %sub3A_251 : i32
        %mul3A_253 = arith.constant 80 : i32
        %mul3A_254 = arith.muli %sub3A_252, %mul3A_253 : i32
        %multiple_of3A_255 = tpu.assume_multiple %mul3A_254, 8 : i32
        %dma_wait3A_256 = tpu.memref_slice %arg6[%multiple_of3A_255] : memref<10000xi32, #tpu.memory_space<vmem>> -> memref<80xi32, #tpu.memory_space<vmem>>
        %dma_wait3A_257 = arith.constant 0 : i32
        %dma_wait3A_258 = arith.constant 0 : i32
        %dma_wait3A_259 = tpu.memref_slice %arg25[%dma_wait3A_257, %dma_wait3A_258] : memref<10000x64xf32, #tpu.memory_space<vmem_shared>> -> memref<10000x64xf32, #tpu.memory_space<vmem_shared>>
        tpu.wait_indirect_dma semaphore(%arg24 : memref<!tpu.dma_semaphore, #tpu.memory_space<semaphore_mem>>) src(%arg12 : memref<80x64xf32, #tpu.memory_space<vmem>>) dst(%dma_wait3A_259 : memref<10000x64xf32, #tpu.memory_space<vmem_shared>>)
      } else {
      }
      %lt3A_236 = arith.constant 125 : i32
      %lt3A_237 = arith.cmpi slt, %add3A_227, %lt3A_236 : i32
      %convert_element_type3A_238 = arith.extui %lt3A_237 : i1 to i32
      %cond3A_239 = arith.constant 0 : i32
      %cond3A_240 = arith.cmpi ne, %convert_element_type3A_238, %cond3A_239 : i32
      scf.if %cond3A_240 {
        %mul3A_251 = arith.constant 80 : i32
        %mul3A_252 = arith.muli %add3A_227, %mul3A_251 : i32
        %multiple_of3A_253 = tpu.assume_multiple %mul3A_252, 8 : i32
        %dma_start3A = tpu.memref_slice %arg5[%multiple_of3A_253] : memref<10000xi32, #tpu.memory_space<vmem>> -> memref<80xi32, #tpu.memory_space<vmem>>
        %dma_start3A_254 = arith.constant 0 : i32
        %dma_start3A_255 = arith.constant 0 : i32
        %dma_start3A_256 = tpu.memref_slice %arg2[%dma_start3A_254, %dma_start3A_255] : memref<10000x64xf32, #tpu.memory_space<hbm>> -> memref<10000x64xf32, #tpu.memory_space<hbm>>
        tpu.enqueue_indirect_dma source(%dma_start3A_256 : memref<10000x64xf32, #tpu.memory_space<hbm>>) target(%arg12 : memref<80x64xf32, #tpu.memory_space<vmem>>) offsets(%dma_start3A : memref<80xi32, #tpu.memory_space<vmem>>) semaphore(%arg18 : memref<!tpu.dma_semaphore, #tpu.memory_space<semaphore_mem>>)
      } else {
      }
      %sub3A_241 = arith.constant 3 : i32
      %sub3A_242 = arith.subi %add3A_227, %sub3A_241 : i32
      %ge3A_243 = arith.constant 0 : i32
      %ge3A_244 = arith.cmpi sge, %sub3A_242, %ge3A_243 : i32
      %lt3A_245 = arith.constant 125 : i32
      %lt3A_246 = arith.cmpi slt, %sub3A_242, %lt3A_245 : i32
      %and3A_247 = arith.andi %ge3A_244, %lt3A_246 : i1
      %convert_element_type3A_248 = arith.extui %and3A_247 : i1 to i32
      %cond3A_249 = arith.constant 0 : i32
      %cond3A_250 = arith.cmpi ne, %convert_element_type3A_248, %cond3A_249 : i32
      scf.if %cond3A_250 {
        %mul3A_251 = arith.constant 80 : i32
        %mul3A_252 = arith.muli %sub3A_242, %mul3A_251 : i32
        %multiple_of3A_253 = tpu.assume_multiple %mul3A_252, 8 : i32
        %dma_wait3A_254 = tpu.memref_slice %arg5[%multiple_of3A_253] : memref<10000xi32, #tpu.memory_space<vmem>> -> memref<80xi32, #tpu.memory_space<vmem>>
        %dma_wait3A_255 = arith.constant 0 : i32
        %dma_wait3A_256 = arith.constant 0 : i32
        %dma_wait3A_257 = tpu.memref_slice %arg2[%dma_wait3A_255, %dma_wait3A_256] : memref<10000x64xf32, #tpu.memory_space<hbm>> -> memref<10000x64xf32, #tpu.memory_space<hbm>>
        tpu.wait_indirect_dma semaphore(%arg15 : memref<!tpu.dma_semaphore, #tpu.memory_space<semaphore_mem>>) src(%dma_wait3A_257 : memref<10000x64xf32, #tpu.memory_space<hbm>>) dst(%arg9 : memref<80x64xf32, #tpu.memory_space<vmem>>)
        %mul3A_258 = arith.constant 80 : i32
        %mul3A_259 = arith.muli %sub3A_242, %mul3A_258 : i32
        %multiple_of3A_260 = tpu.assume_multiple %mul3A_259, 8 : i32
        %dma_start3A = tpu.memref_slice %arg6[%multiple_of3A_260] : memref<10000xi32, #tpu.memory_space<vmem>> -> memref<80xi32, #tpu.memory_space<vmem>>
        %dma_start3A_261 = arith.constant 0 : i32
        %dma_start3A_262 = arith.constant 0 : i32
        %dma_start3A_263 = tpu.memref_slice %arg25[%dma_start3A_261, %dma_start3A_262] : memref<10000x64xf32, #tpu.memory_space<vmem_shared>> -> memref<10000x64xf32, #tpu.memory_space<vmem_shared>>
        tpu.enqueue_indirect_dma source(%arg9 : memref<80x64xf32, #tpu.memory_space<vmem>>) target(%dma_start3A_263 : memref<10000x64xf32, #tpu.memory_space<vmem_shared>>) offsets(%dma_start3A : memref<80xi32, #tpu.memory_space<vmem>>) semaphore(%arg21 : memref<!tpu.dma_semaphore, #tpu.memory_space<semaphore_mem>>) {add = true}
      } else {
      }
    }
    %scan3A_68 = arith.constant 22 : i32
    %multiple_of3A = arith.constant 9520 : i32
    %multiple_of3A_69 = tpu.assume_multiple %multiple_of3A, 8 : i32
    %dma_wait3A = tpu.memref_slice %arg6[%multiple_of3A_69] : memref<10000xi32, #tpu.memory_space<vmem>> -> memref<80xi32, #tpu.memory_space<vmem>>
    %dma_wait3A_70 = arith.constant 0 : i32
    %dma_wait3A_71 = arith.constant 0 : i32
    %dma_wait3A_72 = tpu.memref_slice %arg25[%dma_wait3A_70, %dma_wait3A_71] : memref<10000x64xf32, #tpu.memory_space<vmem_shared>> -> memref<10000x64xf32, #tpu.memory_space<vmem_shared>>
    tpu.wait_indirect_dma semaphore(%arg24 : memref<!tpu.dma_semaphore, #tpu.memory_space<semaphore_mem>>) src(%arg12 : memref<80x64xf32, #tpu.memory_space<vmem>>) dst(%dma_wait3A_72 : memref<10000x64xf32, #tpu.memory_space<vmem_shared>>)
    %multiple_of3A_73 = arith.constant 9600 : i32
    %multiple_of3A_74 = tpu.assume_multiple %multiple_of3A_73, 8 : i32
    %dma_wait3A_75 = tpu.memref_slice %arg6[%multiple_of3A_74] : memref<10000xi32, #tpu.memory_space<vmem>> -> memref<80xi32, #tpu.memory_space<vmem>>
    %dma_wait3A_76 = arith.constant 0 : i32
    %dma_wait3A_77 = arith.constant 0 : i32
    %dma_wait3A_78 = tpu.memref_slice %arg25[%dma_wait3A_76, %dma_wait3A_77] : memref<10000x64xf32, #tpu.memory_space<vmem_shared>> -> memref<10000x64xf32, #tpu.memory_space<vmem_shared>>
    tpu.wait_indirect_dma semaphore(%arg19 : memref<!tpu.dma_semaphore, #tpu.memory_space<semaphore_mem>>) src(%arg7 : memref<80x64xf32, #tpu.memory_space<vmem>>) dst(%dma_wait3A_78 : memref<10000x64xf32, #tpu.memory_space<vmem_shared>>)
    %multiple_of3A_79 = arith.constant 9680 : i32
    %multiple_of3A_80 = tpu.assume_multiple %multiple_of3A_79, 8 : i32
    %dma_wait3A_81 = tpu.memref_slice %arg6[%multiple_of3A_80] : memref<10000xi32, #tpu.memory_space<vmem>> -> memref<80xi32, #tpu.memory_space<vmem>>
    %dma_wait3A_82 = arith.constant 0 : i32
    %dma_wait3A_83 = arith.constant 0 : i32
    %dma_wait3A_84 = tpu.memref_slice %arg25[%dma_wait3A_82, %dma_wait3A_83] : memref<10000x64xf32, #tpu.memory_space<vmem_shared>> -> memref<10000x64xf32, #tpu.memory_space<vmem_shared>>
    tpu.wait_indirect_dma semaphore(%arg20 : memref<!tpu.dma_semaphore, #tpu.memory_space<semaphore_mem>>) src(%arg8 : memref<80x64xf32, #tpu.memory_space<vmem>>) dst(%dma_wait3A_84 : memref<10000x64xf32, #tpu.memory_space<vmem_shared>>)
    %multiple_of3A_85 = arith.constant 9760 : i32
    %multiple_of3A_86 = tpu.assume_multiple %multiple_of3A_85, 8 : i32
    %dma_wait3A_87 = tpu.memref_slice %arg6[%multiple_of3A_86] : memref<10000xi32, #tpu.memory_space<vmem>> -> memref<80xi32, #tpu.memory_space<vmem>>
    %dma_wait3A_88 = arith.constant 0 : i32
    %dma_wait3A_89 = arith.constant 0 : i32
    %dma_wait3A_90 = tpu.memref_slice %arg25[%dma_wait3A_88, %dma_wait3A_89] : memref<10000x64xf32, #tpu.memory_space<vmem_shared>> -> memref<10000x64xf32, #tpu.memory_space<vmem_shared>>
    tpu.wait_indirect_dma semaphore(%arg21 : memref<!tpu.dma_semaphore, #tpu.memory_space<semaphore_mem>>) src(%arg9 : memref<80x64xf32, #tpu.memory_space<vmem>>) dst(%dma_wait3A_90 : memref<10000x64xf32, #tpu.memory_space<vmem_shared>>)
    %multiple_of3A_91 = arith.constant 9840 : i32
    %multiple_of3A_92 = tpu.assume_multiple %multiple_of3A_91, 8 : i32
    %dma_wait3A_93 = tpu.memref_slice %arg6[%multiple_of3A_92] : memref<10000xi32, #tpu.memory_space<vmem>> -> memref<80xi32, #tpu.memory_space<vmem>>
    %dma_wait3A_94 = arith.constant 0 : i32
    %dma_wait3A_95 = arith.constant 0 : i32
    %dma_wait3A_96 = tpu.memref_slice %arg25[%dma_wait3A_94, %dma_wait3A_95] : memref<10000x64xf32, #tpu.memory_space<vmem_shared>> -> memref<10000x64xf32, #tpu.memory_space<vmem_shared>>
    tpu.wait_indirect_dma semaphore(%arg22 : memref<!tpu.dma_semaphore, #tpu.memory_space<semaphore_mem>>) src(%arg10 : memref<80x64xf32, #tpu.memory_space<vmem>>) dst(%dma_wait3A_96 : memref<10000x64xf32, #tpu.memory_space<vmem_shared>>)
    %multiple_of3A_97 = arith.constant 9920 : i32
    %multiple_of3A_98 = tpu.assume_multiple %multiple_of3A_97, 8 : i32
    %dma_wait3A_99 = tpu.memref_slice %arg6[%multiple_of3A_98] : memref<10000xi32, #tpu.memory_space<vmem>> -> memref<80xi32, #tpu.memory_space<vmem>>
    %dma_wait3A_100 = arith.constant 0 : i32
    %dma_wait3A_101 = arith.constant 0 : i32
    %dma_wait3A_102 = tpu.memref_slice %arg25[%dma_wait3A_100, %dma_wait3A_101] : memref<10000x64xf32, #tpu.memory_space<vmem_shared>> -> memref<10000x64xf32, #tpu.memory_space<vmem_shared>>
    tpu.wait_indirect_dma semaphore(%arg23 : memref<!tpu.dma_semaphore, #tpu.memory_space<semaphore_mem>>) src(%arg11 : memref<80x64xf32, #tpu.memory_space<vmem>>) dst(%dma_wait3A_102 : memref<10000x64xf32, #tpu.memory_space<vmem_shared>>)
    %barrier3A_103 = arith.constant 0 : index
    tpu.barrier barrier_id(%barrier3A_103)
    "tpu.region"() ({
      %run_scoped3A = tpu.sem_alloc : memref<!tpu.dma_semaphore, #tpu.memory_space<semaphore_mem>>
      %dma_start3A = arith.constant 0 : i32
      %dma_start3A_104 = tpu.memref_slice %arg4[%arg0, %mul3A_8, %dma_start3A] : memref<2x10000x64xf32, #tpu.memory_space<hbm>> -> memref<1x625x64xf32, #tpu.memory_space<hbm>>
      %dma_start3A_105 = tpu.memref_squeeze %dma_start3A_104 : memref<1x625x64xf32, #tpu.memory_space<hbm>> -> memref<625x64xf32, #tpu.memory_space<hbm>>
      %dma_start3A_106 = arith.constant 0 : i32
      %dma_start3A_107 = tpu.memref_slice %arg25[%mul3A_8, %dma_start3A_106] : memref<10000x64xf32, #tpu.memory_space<vmem_shared>> -> memref<625x64xf32, #tpu.memory_space<vmem_shared>>
      tpu.enqueue_dma source(%dma_start3A_107 : memref<625x64xf32, #tpu.memory_space<vmem_shared>>) target(%dma_start3A_105 : memref<625x64xf32, #tpu.memory_space<hbm>>) target_semaphore(%run_scoped3A : memref<!tpu.dma_semaphore, #tpu.memory_space<semaphore_mem>>)
      %dma_wait3A_108 = arith.constant 0 : i32
      %dma_wait3A_109 = tpu.memref_slice %arg4[%arg0, %mul3A_8, %dma_wait3A_108] : memref<2x10000x64xf32, #tpu.memory_space<hbm>> -> memref<1x625x64xf32, #tpu.memory_space<hbm>>
      %dma_wait3A_110 = tpu.memref_squeeze %dma_wait3A_109 : memref<1x625x64xf32, #tpu.memory_space<hbm>> -> memref<625x64xf32, #tpu.memory_space<hbm>>
      %dma_wait3A_111 = arith.constant 0 : i32
      %dma_wait3A_112 = tpu.memref_slice %arg25[%mul3A_8, %dma_wait3A_111] : memref<10000x64xf32, #tpu.memory_space<vmem_shared>> -> memref<625x64xf32, #tpu.memory_space<vmem_shared>>
      tpu.wait_dma2 semaphore(%run_scoped3A : memref<!tpu.dma_semaphore, #tpu.memory_space<semaphore_mem>>) src(%dma_wait3A_112 : memref<625x64xf32, #tpu.memory_space<vmem_shared>>) dst(%dma_wait3A_110 : memref<625x64xf32, #tpu.memory_space<hbm>>)
      tpu.yield
    }) : () -> ()
    return
  }
}

module attributes {stable_mosaic.version = 14 : i64} {
  func.func @_tc1_body(%arg0: memref<10000x128xf32, #tpu.memory_space<vmem>>, %arg1: memref<10000x8xf32, #tpu.memory_space<vmem>>, %arg2: memref<10000x128xf32, #tpu.memory_space<vmem>>) attributes {dimension_semantics = [], scalar_prefetch = 0 : i64, scratch_operands = 0 : i64, tpu.core_type = #tpu.core_type<tc>} {
    %get3A = arith.constant 0 : index
    %get3A_0 = arith.constant 0 : index
    %get3A_1 = vector.load %arg0[%get3A, %get3A_0] : memref<10000x128xf32, #tpu.memory_space<vmem>>, vector<10000x128xf32>
    %get3A_2 = arith.constant 0 : index
    %get3A_3 = arith.constant 0 : index
    %get3A_4 = vector.load %arg1[%get3A_2, %get3A_3] : memref<10000x8xf32, #tpu.memory_space<vmem>>, vector<10000x8xf32>
    %max3A = arith.constant 1.000000e+00 : f32
    %max3A_5 = vector.broadcast %max3A : f32 to vector<10000x8xf32>
    %max3A_6 = arith.maximumf %get3A_4, %max3A_5 : vector<10000x8xf32>
    %rsqrt3A = math.rsqrt %max3A_6 : vector<10000x8xf32>
    %slice3A = vector.extract_strided_slice %rsqrt3A {offsets = [0, 0], sizes = [10000, 1], strides = [1, 1]} : vector<10000x8xf32> to vector<10000x1xf32>
    %mul3A = vector.broadcast %slice3A : vector<10000x1xf32> to vector<10000x128xf32>
    %mul3A_7 = arith.mulf %get3A_1, %mul3A : vector<10000x128xf32>
    %swap3A = arith.constant 0 : index
    %swap3A_8 = arith.constant 0 : index
    %swap3A_9 = vector.load %arg2[%swap3A, %swap3A_8] : memref<10000x128xf32, #tpu.memory_space<vmem>>, vector<10000x128xf32>
    tpu.vector_store %arg2[%swap3A, %swap3A_8], %mul3A_7 {strides = array<i32>} : memref<10000x128xf32, #tpu.memory_space<vmem>>, vector<10000x128xf32>,
    return
  }
}

module attributes {stable_mosaic.version = 14 : i64} {
  func.func @_tc0_body(%arg0: memref<10000x128xf32, #tpu.memory_space<vmem>>, %arg1: memref<128x128xf32, #tpu.memory_space<vmem>>, %arg2: memref<10000x128xf32, #tpu.memory_space<vmem>>) attributes {dimension_semantics = [], scalar_prefetch = 0 : i64, scratch_operands = 0 : i64, tpu.core_type = #tpu.core_type<tc>} {
    %get3A = arith.constant 0 : index
    %get3A_0 = arith.constant 0 : index
    %get3A_1 = vector.load %arg0[%get3A, %get3A_0] : memref<10000x128xf32, #tpu.memory_space<vmem>>, vector<10000x128xf32>
    %get3A_2 = arith.constant 0 : index
    %get3A_3 = arith.constant 0 : index
    %get3A_4 = vector.load %arg1[%get3A_2, %get3A_3] : memref<128x128xf32, #tpu.memory_space<vmem>>, vector<128x128xf32>
    %dot_general3A = arith.constant dense<0.000000e+00> : vector<10000x128xf32>
    %dot_general3A_5 = tpu.matmul %get3A_1, %get3A_4, %dot_general3A {dimension_numbers = #tpu.dot_dimension_numbers<[1], [0], [0], [1], [0, 0, 1, 1], [], []>, transpose_lhs_hint = false} : vector<10000x128xf32>, vector<128x128xf32>, vector<10000x128xf32> -> vector<10000x128xf32>
    %swap3A = arith.constant 0 : index
    %swap3A_6 = arith.constant 0 : index
    %swap3A_7 = vector.load %arg2[%swap3A, %swap3A_6] : memref<10000x128xf32, #tpu.memory_space<vmem>>, vector<10000x128xf32>
    tpu.vector_store %arg2[%swap3A, %swap3A_6], %dot_general3A_5 {strides = array<i32>} : memref<10000x128xf32, #tpu.memory_space<vmem>>, vector<10000x128xf32>,
    return
  }
}

module attributes {stable_mosaic.version = 14 : i64} {
  func.func @_tc2_body(%arg0: memref<2x10000x128xf32, #tpu.memory_space<vmem>>, %arg1: memref<10000x8xf32, #tpu.memory_space<vmem>>, %arg2: memref<10000x8xf32, #tpu.memory_space<vmem>>, %arg3: memref<1x128xf32, #tpu.memory_space<vmem>>, %arg4: memref<128x128xf32, #tpu.memory_space<vmem>>, %arg5: memref<128x64xf32, #tpu.memory_space<vmem>>, %arg6: memref<1x128xf32, #tpu.memory_space<vmem>>, %arg7: memref<1x64xf32, #tpu.memory_space<vmem>>, %arg8: memref<10000x64xf32, #tpu.memory_space<vmem>>, %arg9: memref<1x64xf32, #tpu.memory_space<vmem>>, %arg10: memref<10000x128xf32, #tpu.memory_space<vmem>>) attributes {dimension_semantics = [], scalar_prefetch = 0 : i64, scratch_operands = 0 : i64, tpu.core_type = #tpu.core_type<tc>} {
    %get3A = arith.constant 0 : index
    %get3A_0 = arith.constant 0 : index
    %get3A_1 = vector.load %arg1[%get3A, %get3A_0] : memref<10000x8xf32, #tpu.memory_space<vmem>>, vector<10000x8xf32>
    %max3A = arith.constant 1.000000e+00 : f32
    %max3A_2 = vector.broadcast %max3A : f32 to vector<10000x8xf32>
    %max3A_3 = arith.maximumf %get3A_1, %max3A_2 : vector<10000x8xf32>
    %rsqrt3A = math.rsqrt %max3A_3 : vector<10000x8xf32>
    %slice3A = vector.extract_strided_slice %rsqrt3A {offsets = [0, 0], sizes = [10000, 1], strides = [1, 1]} : vector<10000x8xf32> to vector<10000x1xf32>
    %get3A_4 = arith.constant 0 : index
    %get3A_5 = arith.constant 0 : index
    %get3A_6 = vector.load %arg2[%get3A_4, %get3A_5] : memref<10000x8xf32, #tpu.memory_space<vmem>>, vector<10000x8xf32>
    %max3A_7 = arith.constant 1.000000e+00 : f32
    %max3A_8 = vector.broadcast %max3A_7 : f32 to vector<10000x8xf32>
    %max3A_9 = arith.maximumf %get3A_6, %max3A_8 : vector<10000x8xf32>
    %rsqrt3A_10 = math.rsqrt %max3A_9 : vector<10000x8xf32>
    %slice3A_11 = vector.extract_strided_slice %rsqrt3A_10 {offsets = [0, 0], sizes = [10000, 1], strides = [1, 1]} : vector<10000x8xf32> to vector<10000x1xf32>
    %get3A_12 = arith.constant 0 : index
    %get3A_13 = arith.constant 0 : index
    %get3A_14 = arith.constant 0 : index
    %get3A_15 = vector.load %arg0[%get3A_12, %get3A_13, %get3A_14] : memref<2x10000x128xf32, #tpu.memory_space<vmem>>, vector<1x10000x128xf32>
    %get3A_16 = vector.shape_cast %get3A_15 : vector<1x10000x128xf32> to vector<10000x128xf32>
    %get3A_17 = arith.constant 1 : index
    %get3A_18 = arith.constant 0 : index
    %get3A_19 = arith.constant 0 : index
    %get3A_20 = vector.load %arg0[%get3A_17, %get3A_18, %get3A_19] : memref<2x10000x128xf32, #tpu.memory_space<vmem>>, vector<1x10000x128xf32>
    %get3A_21 = vector.shape_cast %get3A_20 : vector<1x10000x128xf32> to vector<10000x128xf32>
    %add3A = arith.addf %get3A_16, %get3A_21 : vector<10000x128xf32>
    %mul3A = vector.broadcast %slice3A_11 : vector<10000x1xf32> to vector<10000x128xf32>
    %mul3A_22 = arith.mulf %add3A, %mul3A : vector<10000x128xf32>
    %get3A_23 = arith.constant 0 : index
    %get3A_24 = arith.constant 0 : index
    %get3A_25 = vector.load %arg3[%get3A_23, %get3A_24] : memref<1x128xf32, #tpu.memory_space<vmem>>, vector<1x128xf32>
    %add3A_26 = vector.broadcast %get3A_25 : vector<1x128xf32> to vector<10000x128xf32>
    %add3A_27 = arith.addf %mul3A_22, %add3A_26 : vector<10000x128xf32>
    %max3A_28 = arith.constant 0.000000e+00 : f32
    %max3A_29 = vector.broadcast %max3A_28 : f32 to vector<10000x128xf32>
    %max3A_30 = arith.maximumf %add3A_27, %max3A_29 : vector<10000x128xf32>
    %mul3A_31 = vector.broadcast %slice3A : vector<10000x1xf32> to vector<10000x128xf32>
    %mul3A_32 = arith.mulf %max3A_30, %mul3A_31 : vector<10000x128xf32>
    %get3A_33 = arith.constant 0 : index
    %get3A_34 = arith.constant 0 : index
    %get3A_35 = vector.load %arg4[%get3A_33, %get3A_34] : memref<128x128xf32, #tpu.memory_space<vmem>>, vector<128x128xf32>
    %get3A_36 = arith.constant 0 : index
    %get3A_37 = arith.constant 0 : index
    %get3A_38 = vector.load %arg5[%get3A_36, %get3A_37] : memref<128x64xf32, #tpu.memory_space<vmem>>, vector<128x64xf32>
    %dot_general3A = arith.constant dense<0.000000e+00> : vector<128x64xf32>
    %dot_general3A_39 = tpu.matmul %get3A_35, %get3A_38, %dot_general3A {dimension_numbers = #tpu.dot_dimension_numbers<[1], [0], [0], [1], [0, 0, 1, 1], [], []>, transpose_lhs_hint = false} : vector<128x128xf32>, vector<128x64xf32>, vector<128x64xf32> -> vector<128x64xf32>
    %dot_general3A_40 = arith.constant dense<0.000000e+00> : vector<10000x64xf32>
    %dot_general3A_41 = tpu.matmul %mul3A_32, %dot_general3A_39, %dot_general3A_40 {dimension_numbers = #tpu.dot_dimension_numbers<[1], [0], [0], [1], [0, 0, 1, 1], [], []>, transpose_lhs_hint = false} : vector<10000x128xf32>, vector<128x64xf32>, vector<10000x64xf32> -> vector<10000x64xf32>
    %swap3A = arith.constant 0 : index
    %swap3A_42 = arith.constant 0 : index
    %swap3A_43 = vector.load %arg8[%swap3A, %swap3A_42] : memref<10000x64xf32, #tpu.memory_space<vmem>>, vector<10000x64xf32>
    tpu.vector_store %arg8[%swap3A, %swap3A_42], %dot_general3A_41 {strides = array<i32>} : memref<10000x64xf32, #tpu.memory_space<vmem>>, vector<10000x64xf32>,
    %get3A_44 = arith.constant 0 : index
    %get3A_45 = arith.constant 0 : index
    %get3A_46 = vector.load %arg6[%get3A_44, %get3A_45] : memref<1x128xf32, #tpu.memory_space<vmem>>, vector<1x128xf32>
    %get3A_47 = arith.constant 0 : index
    %get3A_48 = arith.constant 0 : index
    %get3A_49 = vector.load %arg5[%get3A_47, %get3A_48] : memref<128x64xf32, #tpu.memory_space<vmem>>, vector<128x64xf32>
    %dot_general3A_50 = arith.constant dense<0.000000e+00> : vector<1x64xf32>
    %dot_general3A_51 = tpu.matmul %get3A_46, %get3A_49, %dot_general3A_50 {dimension_numbers = #tpu.dot_dimension_numbers<[1], [0], [0], [1], [0, 0, 1, 1], [], []>, transpose_lhs_hint = false} : vector<1x128xf32>, vector<128x64xf32>, vector<1x64xf32> -> vector<1x64xf32>
    %get3A_52 = arith.constant 0 : index
    %get3A_53 = arith.constant 0 : index
    %get3A_54 = vector.load %arg7[%get3A_52, %get3A_53] : memref<1x64xf32, #tpu.memory_space<vmem>>, vector<1x64xf32>
    %add3A_55 = arith.addf %dot_general3A_51, %get3A_54 : vector<1x64xf32>
    %swap3A_56 = arith.constant 0 : index
    %swap3A_57 = arith.constant 0 : index
    %swap3A_58 = vector.load %arg9[%swap3A_56, %swap3A_57] : memref<1x64xf32, #tpu.memory_space<vmem>>, vector<1x64xf32>
    tpu.vector_store %arg9[%swap3A_56, %swap3A_57], %add3A_55 {strides = array<i32>} : memref<1x64xf32, #tpu.memory_space<vmem>>, vector<1x64xf32>,
    %broadcast_in_dim3A = vector.shape_cast %slice3A_11 : vector<10000x1xf32> to vector<10000x1xf32>
    %broadcast_in_dim3A_59 = vector.broadcast %broadcast_in_dim3A : vector<10000x1xf32> to vector<10000x128xf32>
    %swap3A_60 = arith.constant 0 : index
    %swap3A_61 = arith.constant 0 : index
    %swap3A_62 = vector.load %arg10[%swap3A_60, %swap3A_61] : memref<10000x128xf32, #tpu.memory_space<vmem>>, vector<10000x128xf32>
    tpu.vector_store %arg10[%swap3A_60, %swap3A_61], %broadcast_in_dim3A_59 {strides = array<i32>} : memref<10000x128xf32, #tpu.memory_space<vmem>>, vector<10000x128xf32>,
    return
  }
}

</mosaic_0001>

<sc_bundles>
// kernel: kernel.12.cloned.1.call-start
scs
__scs_entry_jumppad:
0x0: {  	(pc) =	sbr.rel $0x88, $3  }
0x1: {  	(tag) =	ssettag $0x0;
	lr =	simm.s32 $0x1  }
0x2: {  	[smem:$0x3F99] =	sst lr;
	_ =	strace $0xD0000000  }
0x3: {  	_ = 	snop  }
0x4: {  	_ = 	snop  }
0x5: {  	_ = 	snop  }
0x6: {  	_ = 	snop  }
0x7: {  	_ = 	snop  }
__scs_overlays_trampoline_lowered:
0x8: {  	[smem:$0x3FA8] =	sst s0  }
0x9: {  	[smem:$0x3FA9] =	sst s1  }
0xa: {  	[smem:$0x3FAA] =	sst s2  }
0xb: {  	[smem:$0x3FAB] =	sst s3  }
0xc: {  	[smem:$0x3FAC] =	sst s4  }
0xd: {  	[smem:$0x3FAD] =	sst s5  }
0xe: {  	[smem:$0x3FAE] =	sst s6  }
0xf: {  	[smem:$0x3FAF] =	sst s7  }
0x10: {  	[smem:$0x3FB0] =	sst s8  }
0x11: {  	[smem:$0x3FB1] =	sst s9;
	s0 =	simm.s32 @!p0 $0x0  }
0x12: {  	s1 =	sld [smem:$0x3F97];
	s0 =	simm.s32 @p0 $0x1  }
0x13: {  	[smem:$0x3FB2] =	sst s0;
	s0 =	simm.s32 @!p1 $0x0  }
0x14: {  	s2 =	sld [smem:$0x3F96];
	s0 =	simm.s32 @p1 $0x1  }
0x15: {  	[smem:$0x3FB3] =	sst s0;
	s0 =	simm.s32 @!p2 $0x0  }
0x16: {  	s3 =	sld [smem:$0x3FDB];
	s0 =	simm.s32 @p2 $0x1  }
0x17: {  	s4 =	simm.s32 $0x1BF5;
	[smem:$0x3FB5] =	sst s0  }
0x18: {  	s0 =	sld [smem:$0x3F98];
	_ =	swait.ge [sflag:s4], $0x0  }
0x19: {  	s7 =	sld [smem:$0x3F99]  }
0x1a: {  	s8 =	sadd.s32 $0xFFFFE003, lr  }
0x1b: {  	s9 =	sadd.s32 $0xFFFFFEF7, lr;
	s5 =	simm.s32 $0xFFFFFFFF;
	p2 =	slt.u32 s8, $0xFFFFF086  }
0x1c: {  	p1 =	slt.u32 s9, $0xF7A;
	s5 =	simm.s32 @!p2 $0x0  }
0x1d: {  	s5 =	simm.s32 @p1 $0x1;
	p0 =	seq.s32 s7, s2  }
0x1e: {  	s7 =	smul.u32 @!p0 $0xF7A, s2;
	p2 =	seq.s32 @!p0 s5, $0x0  }
0x1f: {  	s9 =	smul.u32 $0xF7A, s1;
	s8 =	simm.s32 @!p0 $0x1BF5;
	p2 =	por !p2, p0  }
0x20: {  	[sflag:s8] =	ssyncset.s32 @!p0 $0xFFFFF086;
	s6 =	sadd.s32 @!p0 s3, s7;
	s7 =	simm.s32 @!p0 $0x108  }
0x21: {  	s3 =	sadd.s32 s3, s9;
	s6 =	sadd.s32 @!p0 $0x88, s6;
	s7 =	simm.s32 @p2 $0x1082  }
0x22: {  	[simem:s7], [sflag:s8] =	dma.local @!p0 [hbm:s6], $0xF7A  }
0x23: {  	s9 =	sor.u32 $0xD0000000, s2;
	s6 =	simm.s32 $0x108;
	_ =	swait.ge @!p0 [sflag:s8], $0x0  }
0x24: {  	s3 =	sadd.s32 $0x88, s3;
	s6 =	simm.s32 @!p1 $0x1082;
	[sflag:s4] =	ssyncset.s32 $0xFFFFF086  }
0x25: {  	[simem:s6], [sflag:s4] =	dma.local [hbm:s3], $0xF7A  }
0x26: {  	[smem:$0x3F99] =	sst s1;
	(tag) =	ssettag s2;
	_ =	strace s9  }
0x27: {  	s1 =	sld [smem:$0x3FA9]  }
0x28: {  	s2 =	sld [smem:$0x3FAA]  }
0x29: {  	s4 =	sld [smem:$0x3FAC]  }
0x2a: {  	p0 =	seq.s32 s5, $0x0;
	s5 =	sld [smem:$0x3FAD]  }
0x2b: {  	s6 =	sld [smem:$0x3FAE]  }
0x2c: {  	s7 =	sld [smem:$0x3FAF]  }
0x2d: {  	s3 =	simm.s32 $0x108;
	s8 =	sld [smem:$0x3FB0]  }
0x2e: {  	s3 =	simm.s32 @!p0 $0x1082;
	s9 =	sld [smem:$0x3FB1]  }
0x2f: {  	lr =	sadd.s32 s0, s3;
	s0 =	sld [smem:$0x3FA8]  }
0x30: {  	s3 =	sld [smem:$0x3FAB]  }
0x31: {  	[smem:$0x3FB4] =	sst s10  }
0x32: {  	s10 =	sld [smem:$0x3FB2];
	_ =	sdelay $0x3  }
0x33: {  	p0 =	seq.s32 s10, $0x1;
	s10 =	sld [smem:$0x3FB4];
	_ =	sdelay $0x3  }
0x34: {  	[smem:$0x3FB4] =	sst s10  }
0x35: {  	s10 =	sld [smem:$0x3FB3];
	_ =	sdelay $0x3  }
0x36: {  	p1 =	seq.s32 s10, $0x1;
	s10 =	sld [smem:$0x3FB4];
	_ =	sdelay $0x3  }
0x37: {  	[smem:$0x3FB4] =	sst s10  }
0x38: {  	s10 =	sld [smem:$0x3FB5]  }
0x39: {  	_ = 	snop;
	(pc) =	sbr.ind lr, $3  }
0x3a: {  	_ = 	snop  }
0x3b: {  	_ = 	snop  }
0x3c: {  	p2 =	seq.s32 s10, $0x1;
	s10 =	sld [smem:$0x3FB4]  }
0x3d: {  	_ =	shalt  }
0x3e: {  	_ =	shalt  }
0x3f: {  	_ =	shalt  }
0x40: {  	_ =	shalt  }
0x41: {  	_ =	shalt  }
0x42: {  	_ =	shalt  }
0x43: {  	_ =	shalt  }
0x44: {  	_ =	shalt  }
0x45: {  	_ =	shalt  }
0x46: {  	_ =	shalt  }
0x47: {  	_ =	shalt  }
0x48: {  	_ =	shalt  }
0x49: {  	_ =	shalt  }
0x4a: {  	_ =	shalt  }
0x4b: {  	_ =	shalt  }
0x4c: {  	_ =	shalt  }
0x4d: {  	_ =	shalt  }
0x4e: {  	_ =	shalt  }
0x4f: {  	_ =	shalt  }
0x50: {  	_ =	shalt  }
0x51: {  	_ =	shalt  }
0x52: {  	_ =	shalt  }
0x53: {  	_ =	shalt  }
0x54: {  	_ =	shalt  }
0x55: {  	_ =	shalt  }
0x56: {  	_ =	shalt  }
0x57: {  	_ =	shalt  }
0x58: {  	_ =	shalt  }
0x59: {  	_ =	shalt  }
0x5a: {  	_ =	shalt  }
0x5b: {  	_ =	shalt  }
0x5c: {  	_ =	shalt  }
0x5d: {  	_ =	shalt  }
0x5e: {  	_ =	shalt  }
0x5f: {  	_ =	shalt  }
0x60: {  	_ =	shalt  }
0x61: {  	_ =	shalt  }
0x62: {  	_ =	shalt  }
0x63: {  	_ =	shalt  }
0x64: {  	_ =	shalt  }
0x65: {  	_ =	shalt  }
0x66: {  	_ =	shalt  }
0x67: {  	_ =	shalt  }
0x68: {  	_ =	shalt  }
0x69: {  	_ =	shalt  }
0x6a: {  	_ =	shalt  }
0x6b: {  	_ =	shalt  }
0x6c: {  	_ =	shalt  }
0x6d: {  	_ =	shalt  }
0x6e: {  	_ =	shalt  }
0x6f: {  	_ =	shalt  }
0x70: {  	_ =	shalt  }
0x71: {  	_ =	shalt  }
0x72: {  	_ =	shalt  }
0x73: {  	_ =	shalt  }
0x74: {  	_ =	shalt  }
0x75: {  	_ =	shalt  }
0x76: {  	_ =	shalt  }
0x77: {  	_ =	shalt  }
0x78: {  	_ =	shalt  }
0x79: {  	_ =	shalt  }
0x7a: {  	_ =	shalt  }
0x7b: {  	_ =	shalt  }
0x7c: {  	_ =	shalt  }
0x7d: {  	_ =	shalt  }
0x7e: {  	_ =	shalt  }
0x7f: {  	_ =	shalt  }
0x80: {  	_ =	shalt  }
0x81: {  	_ =	shalt  }
0x82: {  	_ =	shalt  }
0x83: {  	_ =	shalt  }
0x84: {  	_ =	shalt  }
0x85: {  	_ =	shalt  }
0x86: {  	_ =	shalt  }
0x87: {  	_ =	shalt  }
.Lfunc_end0:
.L_simem_size_0:
called_computation.1_lowered:
.L_overlay_start_0:
0x88: {  	s2 =	sld [smem:$0x3FD9]  }
0x89: {  	s3 =	sld [smem:$0x3FFE];
	_ =	sdelay $0x1  }
0x8a: {  	s1 =	srdreg.scid  }
0x8b: {  	s0 =	sand.u32 $0x1, s1  }
0x8c: {  	s17 =	sshll.u32 s0, $0xA;
	s2 =	sadd.s32 s3, s2  }
0x8d: {  	s2 =	sadd.s32 s2, s17  }
0x8e: {  	[smem:$0x3FC0] =	sst s2  }
0x8f: {  	_ = 	snop  }
0x90: {  	s2 =	sld [smem:$0x3FD0];
	(tm) =	ssettm $0x1  }
0x91: {  	s18 =	sld [smem:$0x3FFB];
	_ =	sdelay $0x3  }
0x92: {  	_ =	strace s18  }
0x93: {  	s3 =	sld [smem:$0x3FFC];
	_ =	sdelay $0x3  }
0x94: {  	_ =	strace s3  }
0x95: {  	s3 =	sld [smem:$0x3FFD];
	_ =	sdelay $0x3  }
0x96: {  	_ =	strace s3  }
0x97: {  	_ =	strace $0x8FFFFFFF  }
0x98: {  	s19 =	sld [smem:$0x3FDB];
	_ =	sdelay $0x1  }
0x99: {  	s4 =	simm.s32 $_scs_section_size  }
0x9a: {  	s5 =	simm.s32 $_size__tile_overlayer_lowered;
	s6 =	simm.s32 $_tile_overlayer_lowered  }
0x9b: {  	s22 =	simm.s32 $0x1BFF;
	s21 =	sshll.u32 s6, $0x1;
	s3 =	sadd.s32 s4, s19  }
0x9c: {  	s7 =	simm.s32 $0x0;
	s20 =	sshll.u32 s5, $0x1;
	s5 =	sadd.s32 s21, s3  }
0x9d: {  	[timem:s7], [sflag:s22] =	dma.local [hbm:s5], s20  }
0x9e: {  	_ =	swait.ge [sflag:s22], s20  }
0x9f: {  	s4 =	ssub.s32 $0x0, s20;
	[sflag:s22] =	ssyncset.done $0x0  }
0xa0: {  	[sflag:s22] =	ssyncadd.s32 s4;
	_ =	sdelay $0x1  }
0xa1: {  	s23 =	simm.s32 $0x1B8B  }
0xa2: {  	_ =	swait.ge [sflag:s23], $0x1  }
0xa3: {  	[sflag:s23] =	ssyncset.done $0x0  }
0xa4: {  	s25 =	simm.s32 $0x1B8E;
	s24 =	sld [smem:$0x3FFE];
	[sflag:s23] =	ssyncadd.s32 $0xFFFFFFFF  }
0xa5: {  	s26 =	simm.s32 $execute0_lowered;
	[smem:$0x3FD2] =	sst s25  }
0xa6: {  	s5 =	sshll.u32 s26, $0x1;
	_ =	strace $0x80000049;
	[dreg:$0x1] =	wrdreg $0xFFFFFFFF  }
0xa7: {  	s28 =	simm.s32 $_size_execute0_lowered;
	s3 =	sadd.s32 s3, s5;
	[dreg:$0x0] =	wrdreg $0x0  }
0xa8: {  	s5 =	sshll.u32 s28, $0x1;
	[dreg:$0x2] =	wrdreg s3  }
0xa9: {  	[dreg:$0x3] =	wrdreg s5  }
0xaa: {  	[dreg:$0x4] =	wrdreg $0xC0  }
0xab: {  	_ =	task [dreg:s7], $0x5FFFF  }
0xac: {  	[dreg:$0x1] =	wrdreg $0xFFFFFFFF  }
0xad: {  	[dreg:$0x0] =	wrdreg $0x60  }
0xae: {  	[dreg:$0x2] =	wrdreg s24  }
0xaf: {  	[dreg:$0x3] =	wrdreg s2  }
0xb0: {  	[dreg:$0x4] =	wrdreg $0xC6200  }
0xb1: {  	[dreg:$0x5] =	wrdreg $0x9  }
0xb2: {  	_ =	task.clear_ibuf [dreg:s7], $0x6FFFF;
	_ =	strace $0x90000049  }
0xb3: {  	s29 =	simm.s32 $0x9;
	_ =	strace $0x8000004B  }
0xb4: {  	_ =	swait.ge [sflag:s29], $0x1  }
0xb5: {  	[sflag:s29] =	ssyncadd.s32 $0xFFFFFFFF  }
0xb6: {  	_ =	strace $0x9000004B  }
0xb7: {  	_ =	sfence  }
0xb8: {  	s30 =	sld [smem:$0x0];
	_ =	sdelay $0x2  }
0xb9: {  	s31 =	sshll.u32 s1, $0xD;
	s1 =	sshrl.u32 s1, $0x2  }
0xba: {  	s3 =	sand.u32 $0x4000, s31;
	s1 =	sadd.s32 s1, s30  }
0xbb: {  	s0 =	sor.u32 s3, s0;
	s1 =	sshll.u32 s1, $0x11  }
0xbc: {  	s0 =	sor.u32 s1, s0  }
0xbd: {  	s0 =	sadd.s32 $0x8F2B, s0  }
0xbe: {  	[sflag:s0] =	ssyncadd.remote.s32 $0x1  }
0xbf: {  	_ =	sfence.sel $0xFFFF  }
0xc0: {  	[dreg:$0x0] =	wrdreg $0xFFFFFFFF;
	(pc) =	sbr.abs _section_cstart, $3  }
0xc1: {  	[dreg:$0x1] =	wrdreg $0xFFFFFFFF  }
0xc2: {  	_ =	task.clear_ibuf [dreg:s7], $0x2FFFF;
	_ =	strace $0x9FFFFFFF  }
0xc3: {  	(tm) =	ssettm $0x7FFFFFFF  }
tec
execute0_lowered:
.L_overlay_start_1:
0x0: {  	(tag) =	ssettag $0x1  }
0x1: {  	s0 =	rddreg [dreg:$0x0]  }
0x2: {  	s1 =	rddreg [dreg:$0x1];
	s10 =	stileid.u32  }
0x3: {  	s3 =	srdreg.scid;
	s8 =	smul.u32 $0x4E200, s10  }
0x4: {  	s2 =	rddreg [dreg:$0x2];
	s5 =	sand.u32 $0x1, s3  }
0x5: {  	s6 =	smul.u32 $0x13880, s10;
	s3 =	simm.s32 $0x0;
	s8 =	sshrl.u32 s8, $0x2  }
0x6: {  	s4 =	smul.u32 $0x138800, s5;
	[smem:$0x7FF] =	sst s3;
	s8 =	sadd.s32 s8, s2  }
0x7: {  	s9 =	ssub.s32 $0x2, s5;
	s5 =	sshll.u32 s5, $0x4;
	s24 =	sadd.s32 $0xC80, s8  }
0x8: {  	_ =	strace $0x8000004A;
	s25 =	sadd.s32 $0x1900, s8;
	[dreg:$0x4] =	wrdreg s24  }
0x9: {  	s22 =	sshrl.u32 s9, $0x1;
	s26 =	sadd.s32 $0x2580, s8;
	[dreg:$0x5] =	wrdreg s25  }
0xa: {  	s23 =	sor.u32 s10, s5;
	s10 =	sadd.s32 $0x3200, s8;
	[dreg:$0x6] =	wrdreg s26  }
0xb: {  	s5 =	sadd.s32 s6, s2;
	s11 =	sadd.s32 $0x3E80, s8;
	[dreg:$0x7] =	wrdreg s10  }
0xc: {  	s7 =	sadd.s32 s6, s4;
	s12 =	sadd.s32 $0x4B00, s8;
	[dreg:$0x8] =	wrdreg s11  }
0xd: {  	s4 =	sadd.s32 $0x8800, s0;
	s13 =	sadd.s32 $0x5780, s8;
	[dreg:$0x9] =	wrdreg s12  }
0xe: {  	s16 =	smul.u32 $0x2710, s23;
	s14 =	sadd.s32 $0x6400, s8;
	[dreg:$0xa] =	wrdreg s13  }
0xf: {  	s7 =	sshrl.u32 s7, $0x3;
	s15 =	sadd.s32 $0x7080, s8;
	[dreg:$0xb] =	wrdreg s14  }
0x10: {  	s17 =	sadd.s32 $0x7D00, s8;
	s18 =	sadd.s32 $0x8980, s8;
	[dreg:$0xc] =	wrdreg s15  }
0x11: {  	s19 =	sadd.s32 $0x9600, s8;
	s20 =	sadd.s32 $0xA280, s8;
	[dreg:$0xd] =	wrdreg s17  }
0x12: {  	s21 =	sadd.s32 $0xAF00, s8;
	s23 =	sadd.s32 $0xC800, s8;
	[dreg:$0xe] =	wrdreg s18  }
0x13: {  	s28 =	sadd.s32 $0x10680, s8;
	s29 =	sadd.s32 $0x11300, s8;
	[dreg:$0xf] =	wrdreg s19  }
0x14: {  	s30 =	sadd.s32 $0x11F80, s8;
	s31 =	sadd.s32 $0x12C00, s8;
	[dreg:$0x10] =	wrdreg s20  }
0x15: {  	s0 =	sadd.s32 s7, s0;
	s7 =	ssub.s32 s9, s22;
	[dreg:$0x11] =	wrdreg s21  }
0x16: {  	s6 =	sshrl.u32 s16, $0x3;
	s22 =	sadd.s32 $0xBB80, s8;
	[dreg:$0x13] =	wrdreg s23  }
0x17: {  	s24 =	sadd.s32 $0xD480, s8;
	s25 =	sadd.s32 $0xE100, s8;
	s26 =	sadd.s32 $0xED80, s8  }
0x18: {  	s9 =	simm.s32 $0x4;
	s10 =	simm.s32 $0x50;
	s11 =	simm.s32 $0x2  }
0x19: {  	s12 =	simm.s32 $0x7620;
	s13 =	simm.s32 $0x5;
	[dreg:$0x12] =	wrdreg s22  }
.Ltmp0:
0x1a: {  	s14 =	simm.s32 $0x9E20;
	[dreg:$0x14] =	wrdreg s24;
	(pc) =	sbr.rel .LBB2_1-.Ltmp0, $4  }
0x1b: {  	s15 =	simm.s32 $0x1;
	s16 =	simm.s32 $0x3;
	[dreg:$0x15] =	wrdreg s25  }
0x1c: {  	s17 =	simm.s32 $0x6;
	s21 =	sadd.s32 s1, s6;
	[dreg:$0x16] =	wrdreg s26  }
0x1d: {  	s26 =	sadd.s32 $0xFA00, s8;
	s1 =	sadd.s32 $0x2FA00, s0;
	s0 =	smax.u32 s7, $0x1  }
0x1e: {  	v0 =	vimm.f32 $0.0e+00;
	s7 =	simm.s32 $0x4E20;
	s8 =	simm.s32 $0x7;
	s6 =	sadd.s32 $0x9C40, s21  }
.LBB2_11:
0x1f: {  	_ =	swait.ge [sflag:s9], $0x2800  }
0x20: {  	[sflag:s9] =	ssyncset.done $0x0  }
0x21: {  	s18 =	sadd.s32 $0x1, s18;
	[sflag:s9] =	ssyncadd.s32 $0xFFFFD800  }
0x22: {  	[tilespmem:s7], [sflag:$0x1] =	stream.indirect.gather [hbm4b:s4+s10], $0x80, s19, s10, $0xb8;
	[tilespmem:$0x1FEA0] =	vst v63  }
.LBB2_12:
0x23: {  	s18 =	smul.u32 $0x140, s18  }
0x24: {  	_ =	swait.ge [sflag:s11], $0x2800  }
0x25: {  	[sflag:s11] =	ssyncset.done $0x0;
	s18 =	sshra.s32 s18, $0x2  }
0x26: {  	[sflag:s11] =	ssyncadd.s32 $0xFFFFD800;
	s18 =	sadd.s32 $0x2710, s18  }
0x27: {  	[spmem:s2] =	stream.indirect.scatter.add.f32 [tilespmem:s12], [sflag:$0x5], $0x80, s18, s10, $0xb8;
	[tilespmem:$0x1FEA0] =	vst v63  }
0x28: {  	_ =	swait.ge [sflag:s13], $0x2800  }
0x29: {  	[sflag:s13] =	ssyncset.done $0x0  }
0x2a: {  	[sflag:s13] =	ssyncadd.s32 $0xFFFFD800  }
.LBB2_13:
0x2b: {  	s18 =	sadd.s32 $0x50, s19  }
0x2c: {  	[tilespmem:s12], [sflag:$0x2] =	stream.indirect.gather [hbm4b:s4+s10], $0x80, s18, s10, $0xb8;
	[tilespmem:$0x1FEA0] =	vst v63  }
0x2d: {  	_ =	swait.ge [sflag:s16], $0x2800  }
0x2e: {  	[sflag:s16] =	ssyncset.done $0x0  }
0x2f: {  	s20 =	sadd.s32 $0x26C0, s19;
	[sflag:s16] =	ssyncadd.s32 $0xFFFFD800  }
0x30: {  	[spmem:s2] =	stream.indirect.scatter.add.f32 [tilespmem:s14], [sflag:$0x6], $0x80, s20, s10, $0xb8;
	[tilespmem:$0x1FEA0] =	vst v63  }
0x31: {  	_ =	swait.ge [sflag:s15], $0x2800  }
0x32: {  	[sflag:s15] =	ssyncset.done $0x0  }
0x33: {  	s22 =	sadd.s32 $0x2710, s19;
	[sflag:s15] =	ssyncadd.s32 $0xFFFFD800  }
0x34: {  	[spmem:s2] =	stream.indirect.scatter.add.f32 [tilespmem:s7], [sflag:$0x4], $0x80, s22, s10, $0xb8;
	[tilespmem:$0x1FEA0] =	vst v63  }
0x35: {  	_ =	swait.ge [sflag:s11], $0x2800  }
0x36: {  	[sflag:s11] =	ssyncset.done $0x0  }
0x37: {  	s23 =	simm.s32 $0x4DD0;
	[sflag:s11] =	ssyncadd.s32 $0xFFFFD800  }
0x38: {  	[spmem:s2] =	stream.indirect.scatter.add.f32 [tilespmem:s12], [sflag:$0x5], $0x80, s23, s10, $0xb8;
	[tilespmem:$0x1FEA0] =	vst v63  }
0x39: {  	_ =	swait.ge [sflag:s17], $0x2800  }
0x3a: {  	[sflag:s17] =	ssyncset.done $0x0  }
0x3b: {  	[sflag:s17] =	ssyncadd.s32 $0xFFFFD800  }
0x3c: {  	_ =	swait.ge [sflag:s9], $0x2800  }
0x3d: {  	[sflag:s9] =	ssyncset.done $0x0  }
0x3e: {  	[sflag:s9] =	ssyncadd.s32 $0xFFFFD800  }
0x3f: {  	s24 =	stileid.u32;
	_ =	swait.ge [sflag:s13], $0x2800  }
0x40: {  	s25 =	sshrl.u32 s5, $0x3;
	s3 =	sadd.s32 $0x1, s3;
	[sflag:s13] =	ssyncset.done $0x0  }
0x41: {  	s18 =	sshll.u32 s24, $0x6;
	p0 =	sne.s32 s3, s0;
	[sflag:s13] =	ssyncadd.s32 $0xFFFFD800  }
.Ltmp1:
0x42: {  	s18 =	sor.u32 $0x1C07, s18;
	[bflag:$0x0] =	sbarrier.arrive $0xFFFF;
	(pc) =	sbr.rel @!p0 .LBB2_14-.Ltmp1, $4  }
0x43: {  	[hbm:s1], [sflag:s18] =	dma.local [spmem:s25], $0x2710  }
0x44: {  	_ =	swait.ge [sflag:s8], $0x2710  }
0x45: {  	[sflag:s8] =	ssyncset.done $0x0  }
0x46: {  	[sflag:s8] =	ssyncadd.s32 $0xFFFFD8F0  }
.LBB2_1:
0x47: {  	s18 =	simm.s32 $0x0;
	s19 =	simm.s32 $0x200  }
.LBB2_2:
0x48: {  	p0 =	sne.s32 s19, $0x3000;
	[tilespmem:s18+$0x4E90] =	vst v0  }
0x49: {  	[tilespmem:s18+$0x4E20] =	vst v0  }
0x4a: {  	[tilespmem:s18+$0x4E30] =	vst v0  }
.Ltmp2:
0x4b: {  	[tilespmem:s18+$0x4E40] =	vst v0;
	(pc) =	sbr.rel @p0 .LBB2_2-.Ltmp2, $4  }
0x4c: {  	[tilespmem:s18+$0x4E50] =	vst v0  }
0x4d: {  	[tilespmem:s18+$0x4E60] =	vst v0  }
0x4e: {  	[tilespmem:s18+$0x4E70] =	vst v0  }
0x4f: {  	[tilespmem:s18+$0x4E80] =	vst v0;
	s18 =	sshra.s32 s19, $0x2;
	s19 =	sadd.s32 $0x200, s19  }
0x50: {  	[tilespmem:s18+$0x4E90] =	vst v0  }
0x51: {  	[tilespmem:s18+$0x4E20] =	vst v0  }
0x52: {  	[tilespmem:s18+$0x4E30] =	vst v0  }
0x53: {  	[tilespmem:s18+$0x4E40] =	vst v0  }
0x54: {  	[tilespmem:s18+$0x4E50] =	vst v0  }
0x55: {  	[tilespmem:s18+$0x4E60] =	vst v0  }
0x56: {  	[tilespmem:s18+$0x4E70] =	vst v0  }
0x57: {  	[tilespmem:s18+$0x4E80] =	vst v0  }
0x58: {  	[spmem:s5] =	stream.linear.scatter [tilespmem:s7], [sflag:$0x7], $0xC80, $0x38;
	[tilespmem:$0x1FEA0] =	vst v63  }
0x59: {  	_ =	swait.ge [sflag:s8], $0xC80  }
0x5a: {  	[sflag:s8] =	ssyncset.done $0x0  }
0x5b: {  	s24 =	rddreg [dreg:$0x4];
	[sflag:s8] =	ssyncadd.s32 $0xFFFFF380  }
0x5c: {  	[spmem:s24] =	stream.linear.scatter [tilespmem:s7], [sflag:$0x7], $0xC80, $0x38;
	[tilespmem:$0x1FEA0] =	vst v63  }
0x5d: {  	_ =	swait.ge [sflag:s8], $0xC80  }
0x5e: {  	[sflag:s8] =	ssyncset.done $0x0  }
0x5f: {  	s25 =	rddreg [dreg:$0x5];
	[sflag:s8] =	ssyncadd.s32 $0xFFFFF380  }
0x60: {  	[spmem:s25] =	stream.linear.scatter [tilespmem:s7], [sflag:$0x7], $0xC80, $0x38;
	[tilespmem:$0x1FEA0] =	vst v63  }
0x61: {  	_ =	swait.ge [sflag:s8], $0xC80  }
0x62: {  	[sflag:s8] =	ssyncset.done $0x0  }
0x63: {  	s19 =	rddreg [dreg:$0x6];
	[sflag:s8] =	ssyncadd.s32 $0xFFFFF380  }
0x64: {  	[spmem:s19] =	stream.linear.scatter [tilespmem:s7], [sflag:$0x7], $0xC80, $0x38;
	[tilespmem:$0x1FEA0] =	vst v63  }
0x65: {  	_ =	swait.ge [sflag:s8], $0xC80  }
0x66: {  	[sflag:s8] =	ssyncset.done $0x0  }
0x67: {  	s20 =	rddreg [dreg:$0x7];
	[sflag:s8] =	ssyncadd.s32 $0xFFFFF380  }
0x68: {  	[spmem:s20] =	stream.linear.scatter [tilespmem:s7], [sflag:$0x7], $0xC80, $0x38;
	[tilespmem:$0x1FEA0] =	vst v63  }
0x69: {  	_ =	swait.ge [sflag:s8], $0xC80  }
0x6a: {  	[sflag:s8] =	ssyncset.done $0x0  }
0x6b: {  	s22 =	rddreg [dreg:$0x8];
	[sflag:s8] =	ssyncadd.s32 $0xFFFFF380  }
0x6c: {  	[spmem:s22] =	stream.linear.scatter [tilespmem:s7], [sflag:$0x7], $0xC80, $0x38;
	[tilespmem:$0x1FEA0] =	vst v63  }
0x6d: {  	_ =	swait.ge [sflag:s8], $0xC80  }
0x6e: {  	[sflag:s8] =	ssyncset.done $0x0  }
0x6f: {  	s23 =	rddreg [dreg:$0x9];
	[sflag:s8] =	ssyncadd.s32 $0xFFFFF380  }
0x70: {  	[spmem:s23] =	stream.linear.scatter [tilespmem:s7], [sflag:$0x7], $0xC80, $0x38;
	[tilespmem:$0x1FEA0] =	vst v63  }
0x71: {  	_ =	swait.ge [sflag:s8], $0xC80  }
0x72: {  	[sflag:s8] =	ssyncset.done $0x0  }
0x73: {  	s24 =	rddreg [dreg:$0xa];
	[sflag:s8] =	ssyncadd.s32 $0xFFFFF380  }
0x74: {  	[spmem:s24] =	stream.linear.scatter [tilespmem:s7], [sflag:$0x7], $0xC80, $0x38;
	[tilespmem:$0x1FEA0] =	vst v63  }
0x75: {  	_ =	swait.ge [sflag:s8], $0xC80  }
0x76: {  	[sflag:s8] =	ssyncset.done $0x0  }
0x77: {  	s25 =	rddreg [dreg:$0xb];
	[sflag:s8] =	ssyncadd.s32 $0xFFFFF380  }
0x78: {  	[spmem:s25] =	stream.linear.scatter [tilespmem:s7], [sflag:$0x7], $0xC80, $0x38;
	[tilespmem:$0x1FEA0] =	vst v63  }
0x79: {  	_ =	swait.ge [sflag:s8], $0xC80  }
0x7a: {  	[sflag:s8] =	ssyncset.done $0x0  }
0x7b: {  	s19 =	rddreg [dreg:$0xc];
	[sflag:s8] =	ssyncadd.s32 $0xFFFFF380  }
0x7c: {  	[spmem:s19] =	stream.linear.scatter [tilespmem:s7], [sflag:$0x7], $0xC80, $0x38;
	[tilespmem:$0x1FEA0] =	vst v63  }
0x7d: {  	_ =	swait.ge [sflag:s8], $0xC80  }
0x7e: {  	[sflag:s8] =	ssyncset.done $0x0  }
0x7f: {  	s20 =	rddreg [dreg:$0xd];
	[sflag:s8] =	ssyncadd.s32 $0xFFFFF380  }
0x80: {  	[spmem:s20] =	stream.linear.scatter [tilespmem:s7], [sflag:$0x7], $0xC80, $0x38;
	[tilespmem:$0x1FEA0] =	vst v63  }
0x81: {  	_ =	swait.ge [sflag:s8], $0xC80  }
0x82: {  	[sflag:s8] =	ssyncset.done $0x0  }
0x83: {  	s22 =	rddreg [dreg:$0xe];
	[sflag:s8] =	ssyncadd.s32 $0xFFFFF380  }
0x84: {  	[spmem:s22] =	stream.linear.scatter [tilespmem:s7], [sflag:$0x7], $0xC80, $0x38;
	[tilespmem:$0x1FEA0] =	vst v63  }
0x85: {  	_ =	swait.ge [sflag:s8], $0xC80  }
0x86: {  	[sflag:s8] =	ssyncset.done $0x0  }
0x87: {  	s23 =	rddreg [dreg:$0xf];
	[sflag:s8] =	ssyncadd.s32 $0xFFFFF380  }
0x88: {  	[spmem:s23] =	stream.linear.scatter [tilespmem:s7], [sflag:$0x7], $0xC80, $0x38;
	[tilespmem:$0x1FEA0] =	vst v63  }
0x89: {  	_ =	swait.ge [sflag:s8], $0xC80  }
0x8a: {  	[sflag:s8] =	ssyncset.done $0x0  }
0x8b: {  	s24 =	rddreg [dreg:$0x10];
	[sflag:s8] =	ssyncadd.s32 $0xFFFFF380  }
0x8c: {  	[spmem:s24] =	stream.linear.scatter [tilespmem:s7], [sflag:$0x7], $0xC80, $0x38;
	[tilespmem:$0x1FEA0] =	vst v63  }
0x8d: {  	_ =	swait.ge [sflag:s8], $0xC80  }
0x8e: {  	[sflag:s8] =	ssyncset.done $0x0  }
0x8f: {  	s25 =	rddreg [dreg:$0x11];
	[sflag:s8] =	ssyncadd.s32 $0xFFFFF380  }
0x90: {  	[spmem:s25] =	stream.linear.scatter [tilespmem:s7], [sflag:$0x7], $0xC80, $0x38;
	[tilespmem:$0x1FEA0] =	vst v63  }
0x91: {  	_ =	swait.ge [sflag:s8], $0xC80  }
0x92: {  	[sflag:s8] =	ssyncset.done $0x0  }
0x93: {  	s19 =	rddreg [dreg:$0x12];
	[sflag:s8] =	ssyncadd.s32 $0xFFFFF380  }
0x94: {  	[spmem:s19] =	stream.linear.scatter [tilespmem:s7], [sflag:$0x7], $0xC80, $0x38;
	[tilespmem:$0x1FEA0] =	vst v63  }
0x95: {  	_ =	swait.ge [sflag:s8], $0xC80  }
0x96: {  	[sflag:s8] =	ssyncset.done $0x0  }
0x97: {  	s20 =	rddreg [dreg:$0x13];
	[sflag:s8] =	ssyncadd.s32 $0xFFFFF380  }
0x98: {  	[spmem:s20] =	stream.linear.scatter [tilespmem:s7], [sflag:$0x7], $0xC80, $0x38;
	[tilespmem:$0x1FEA0] =	vst v63  }
0x99: {  	_ =	swait.ge [sflag:s8], $0xC80  }
0x9a: {  	[sflag:s8] =	ssyncset.done $0x0  }
0x9b: {  	s22 =	rddreg [dreg:$0x14];
	[sflag:s8] =	ssyncadd.s32 $0xFFFFF380  }
0x9c: {  	[spmem:s22] =	stream.linear.scatter [tilespmem:s7], [sflag:$0x7], $0xC80, $0x38;
	[tilespmem:$0x1FEA0] =	vst v63  }
0x9d: {  	_ =	swait.ge [sflag:s8], $0xC80  }
0x9e: {  	[sflag:s8] =	ssyncset.done $0x0  }
0x9f: {  	s23 =	rddreg [dreg:$0x15];
	[sflag:s8] =	ssyncadd.s32 $0xFFFFF380  }
0xa0: {  	[spmem:s23] =	stream.linear.scatter [tilespmem:s7], [sflag:$0x7], $0xC80, $0x38;
	[tilespmem:$0x1FEA0] =	vst v63  }
0xa1: {  	_ =	swait.ge [sflag:s8], $0xC80  }
0xa2: {  	[sflag:s8] =	ssyncset.done $0x0  }
0xa3: {  	s24 =	rddreg [dreg:$0x16];
	[sflag:s8] =	ssyncadd.s32 $0xFFFFF380  }
0xa4: {  	[spmem:s24] =	stream.linear.scatter [tilespmem:s7], [sflag:$0x7], $0xC80, $0x38;
	[tilespmem:$0x1FEA0] =	vst v63  }
0xa5: {  	_ =	swait.ge [sflag:s8], $0xC80  }
0xa6: {  	[sflag:s8] =	ssyncset.done $0x0  }
0xa7: {  	[sflag:s8] =	ssyncadd.s32 $0xFFFFF380  }
0xa8: {  	[spmem:s26] =	stream.linear.scatter [tilespmem:s7], [sflag:$0x7], $0xC80, $0x38;
	[tilespmem:$0x1FEA0] =	vst v63  }
0xa9: {  	_ =	swait.ge [sflag:s8], $0xC80  }
0xaa: {  	[sflag:s8] =	ssyncset.done $0x0  }
0xab: {  	[sflag:s8] =	ssyncadd.s32 $0xFFFFF380  }
0xac: {  	[spmem:s28] =	stream.linear.scatter [tilespmem:s7], [sflag:$0x7], $0xC80, $0x38;
	[tilespmem:$0x1FEA0] =	vst v63  }
0xad: {  	_ =	swait.ge [sflag:s8], $0xC80  }
0xae: {  	[sflag:s8] =	ssyncset.done $0x0  }
0xaf: {  	[sflag:s8] =	ssyncadd.s32 $0xFFFFF380  }
0xb0: {  	[spmem:s29] =	stream.linear.scatter [tilespmem:s7], [sflag:$0x7], $0xC80, $0x38;
	[tilespmem:$0x1FEA0] =	vst v63  }
0xb1: {  	_ =	swait.ge [sflag:s8], $0xC80  }
0xb2: {  	[sflag:s8] =	ssyncset.done $0x0  }
0xb3: {  	[sflag:s8] =	ssyncadd.s32 $0xFFFFF380  }
0xb4: {  	[spmem:s30] =	stream.linear.scatter [tilespmem:s7], [sflag:$0x7], $0xC80, $0x38;
	[tilespmem:$0x1FEA0] =	vst v63  }
0xb5: {  	_ =	swait.ge [sflag:s8], $0xC80  }
0xb6: {  	[sflag:s8] =	ssyncset.done $0x0  }
0xb7: {  	[sflag:s8] =	ssyncadd.s32 $0xFFFFF380  }
0xb8: {  	[spmem:s31] =	stream.linear.scatter [tilespmem:s7], [sflag:$0x7], $0xC80, $0x38;
	[tilespmem:$0x1FEA0] =	vst v63  }
0xb9: {  	_ =	swait.ge [sflag:s8], $0xC80  }
0xba: {  	[sflag:s8] =	ssyncset.done $0x0  }
0xbb: {  	[sflag:s8] =	ssyncadd.s32 $0xFFFFF380  }
0xbc: {  	s19 =	simm.s32 $0x0;
	[bflag:$0x0] =	sbarrier.arrive $0xFFFF  }
0xbd: {  	[tilespmem:s19], [sflag:$0x7] =	stream.linear.gather [hbm4b:s21+s19], $0x2710, $0x38;
	[tilespmem:$0x1FEA0] =	vst v63  }
0xbe: {  	_ =	swait.ge [sflag:s8], $0x2710  }
0xbf: {  	[sflag:s8] =	ssyncset.done $0x0  }
.Ltmp3:
0xc0: {  	s25 =	simm.s32 $0x2710;
	[sflag:s8] =	ssyncadd.s32 $0xFFFFD8F0;
	(pc) =	sbr.rel .LBB2_4-.Ltmp3, $4  }
0xc1: {  	[tilespmem:s25], [sflag:$0x7] =	stream.linear.gather [hbm4b:s6+s19], $0x2710, $0x38;
	[tilespmem:$0x1FEA0] =	vst v63  }
0xc2: {  	_ =	swait.ge [sflag:s8], $0x2710  }
0xc3: {  	[sflag:s8] =	ssyncset.done $0x0  }
0xc4: {  	s18 =	simm.s32 $0xFFFFFFFD;
	[sflag:s8] =	ssyncadd.s32 $0xFFFFD8F0  }
.LBB2_5:
0xc5: {  	_ =	swait.ge [sflag:s9], $0x2800  }
0xc6: {  	[sflag:s9] =	ssyncset.done $0x0  }
0xc7: {  	[sflag:s9] =	ssyncadd.s32 $0xFFFFD800  }
0xc8: {  	[tilespmem:s7], [sflag:$0x1] =	stream.indirect.gather [hbm4b:s4+s10], $0x80, s20, s10, $0xb8;
	[tilespmem:$0x1FEA0] =	vst v63  }
.LBB2_7:
0xc9: {  	_ =	swait.ge [sflag:s11], $0x2800  }
0xca: {  	[sflag:s11] =	ssyncset.done $0x0  }
0xcb: {  	s22 =	sadd.s32 $0x2670, s20;
	[sflag:s11] =	ssyncadd.s32 $0xFFFFD800  }
0xcc: {  	[spmem:s2] =	stream.indirect.scatter.add.f32 [tilespmem:s12], [sflag:$0x5], $0x80, s22, s10, $0xb8;
	[tilespmem:$0x1FEA0] =	vst v63  }
0xcd: {  	_ =	swait.ge [sflag:s13], $0x2800  }
0xce: {  	[sflag:s13] =	ssyncset.done $0x0  }
0xcf: {  	[sflag:s13] =	ssyncadd.s32 $0xFFFFD800  }
.LBB2_8:
0xd0: {  	s22 =	sadd.s32 $0x50, s20  }
0xd1: {  	[tilespmem:s12], [sflag:$0x2] =	stream.indirect.gather [hbm4b:s4+s10], $0x80, s22, s10, $0xb8;
	[tilespmem:$0x1FEA0] =	vst v63  }
0xd2: {  	s22 =	sadd.s32 $0x2, s18  }
0xd3: {  	p0 =	sgt.u32 s22, $0x7C  }
0xd4: {  	s23 =	simm.s32 @!p0 $0x3  }
0xd5: {  	_ =	swait.ge @!p0 [sflag:s23], $0x2800  }
0xd6: {  	[sflag:s23] =	ssyncset.done @!p0 $0x0  }
0xd7: {  	[sflag:s23] =	ssyncadd.s32 @!p0 $0xFFFFD800;
	s23 =	sshra.s32 @!p0 s19, $0x2  }
0xd8: {  	s24 =	simm.s32 @!p0 $0x50;
	s25 =	simm.s32 @!p0 $0x9E20;
	s23 =	sadd.s32 @!p0 $0x26C0, s23  }
0xd9: {  	[spmem:s2] =	stream.indirect.scatter.add.f32 @!p0 [tilespmem:s25], [sflag:$0x6], $0x80, s23, s24, $0xb8;
	[tilespmem:$0x1FEA0] =	vst v63  }
0xda: {  	p0 =	sgt.u32 s22, $0x79  }
0xdb: {  	s22 =	simm.s32 @!p0 $0x6  }
0xdc: {  	_ =	swait.ge @!p0 [sflag:s22], $0x2800  }
0xdd: {  	s19 =	sadd.s32 $0x3C0, s19;
	[sflag:s22] =	ssyncset.done @!p0 $0x0  }
0xde: {  	s24 =	sadd.s32 $0xA0, s20;
	[sflag:s22] =	ssyncadd.s32 @!p0 $0xFFFFD800;
	p0 =	sne.s32 s19, $0x99C0  }
0xdf: {  	[tilespmem:s14], [sflag:$0x3] =	stream.indirect.gather [hbm4b:s4+s10], $0x80, s24, s10, $0xb8;
	[tilespmem:$0x1FEA0] =	vst v63  }
.Ltmp4:
0xe0: {  	_ = 	snop;
	(pc) =	sbr.rel @!p0 .LBB2_9-.Ltmp4, $4  }
0xe1: {  	_ =	swait.ge [sflag:s15], $0x2800  }
0xe2: {  	[sflag:s15] =	ssyncset.done $0x0  }
0xe3: {  	s18 =	sadd.s32 $0x3, s18;
	s25 =	sadd.s32 $0x2710, s20;
	[sflag:s15] =	ssyncadd.s32 $0xFFFFD800  }
0xe4: {  	[spmem:s2] =	stream.indirect.scatter.add.f32 [tilespmem:s7], [sflag:$0x4], $0x80, s25, s10, $0xb8;
	[tilespmem:$0x1FEA0] =	vst v63  }
.LBB2_4:
0xe5: {  	p0 =	sgt.u32 s18, $0x79  }
.Ltmp5:
0xe6: {  	_ = 	snop;
	(pc) =	sbr.rel @!p0 .LBB2_5-.Ltmp5, $2  }
0xe7: {  	_ =	sdelay $0x2  }
0xe8: {  	s20 =	sshra.s32 s19, $0x2  }
0xe9: {  	s22 =	sadd.s32 $0x1, s18  }
0xea: {  	p0 =	sgt.u32 s22, $0x7C  }
.Ltmp6:
0xeb: {  	_ = 	snop;
	(pc) =	sbr.rel @p0 .LBB2_8-.Ltmp6, $4  }
.Ltmp7:
0xec: {  	_ = 	snop;
	(pc) =	sbr.rel @!p0 .LBB2_7-.Ltmp7, $4  }
0xed: {  	_ = 	snop  }
0xee: {  	_ = 	snop  }
0xef: {  	[tilespmem:s7], [sflag:$0x1] =	stream.indirect.gather [hbm4b:s4+s10], $0x80, s20, s10, $0xb8;
	[tilespmem:$0x1FEA0] =	vst v63  }
0xf0: {  	_ = 	snop  }
.LBB2_9:
0xf1: {  	p0 =	slt.u32 s18, $0x7A  }
.Ltmp8:
0xf2: {  	_ = 	snop;
	(pc) =	sbr.rel @p0 .LBB2_11-.Ltmp8, $2  }
0xf3: {  	_ =	sdelay $0x2  }
0xf4: {  	s19 =	sshra.s32 s19, $0x2  }
0xf5: {  	s18 =	sadd.s32 $0x1, s18  }
0xf6: {  	p0 =	slt.u32 s18, $0x7D  }
.Ltmp9:
0xf7: {  	_ = 	snop;
	(pc) =	sbr.rel @p0 .LBB2_12-.Ltmp9, $4  }
.Ltmp10:
0xf8: {  	_ = 	snop;
	(pc) =	sbr.rel @!p0 .LBB2_13-.Ltmp10, $4  }
0xf9: {  	_ = 	snop  }
0xfa: {  	_ = 	snop  }
0xfb: {  	[tilespmem:s7], [sflag:$0x1] =	stream.indirect.gather [hbm4b:s4+s10], $0x80, s19, s10, $0xb8;
	[tilespmem:$0x1FEA0] =	vst v63  }
0xfc: {  	_ = 	snop  }
.LBB2_14:
0xfd: {  	_ =	sfence.sel $0x180000  }
0xfe: {  	[bflag:$0x0] =	sbarrier.arrive $0xFFFF  }
0xff: {  	_ =	strace $0x9000004A  }
0x100: {  	s0 =	stileid.u32;
	[bflag:$0x2] =	sbarrier.arrive $0xFFFF  }
0x101: {  	p0 =	sne.s32 s0, $0x0;
	s0 =	rddreg [dreg:$0x3]  }
0x102: {  	s0 =	sadd.s32 @!p0 $0x100000, s0  }
0x103: {  	[sflag:s0] =	ssyncadd.tile.s32 @!p0 $0x1;
	_ =	shalt  }
.Lfunc_end2:
_tile_overlayer_lowered:
.L_overlay_start_2:
0x104: {  	(tag) =	ssettag $0x2  }
0x105: {  	s0 =	rddreg [dreg:$0x0];
	s2 =	stileid.u32  }
0x106: {  	s1 =	rddreg [dreg:$0x1];
	p0 =	sne.s32 s2, $0x0  }
0x107: {  	s3 =	rddreg [dreg:$0x2];
	[bflag:$0x3] =	sbarrier.arrive $0xFFFF;
	s2 =	simm.s32 @!p0 $0x1C07  }
0x108: {  	[timem:s3], [sflag:s2] =	dma.local @!p0 [hbm:s0], s1  }
0x109: {  	s0 =	simm.s32 @!p0 $0x7  }
0x10a: {  	_ =	swait.ge @!p0 [sflag:s0], s1  }
0x10b: {  	s1 =	ssub.s32 @!p0 $0x0, s1;
	[sflag:s0] =	ssyncset.done @!p0 $0x0  }
0x10c: {  	[sflag:s0] =	ssyncadd.s32 @!p0 s1  }
0x10d: {  	[bflag:$0x3] =	sbarrier.arrive $0xFFFF  }
0x10e: {  	_ =	shalt  }

// kernel: kernel.15.cloned.1.call-start
scs
__scs_entry_jumppad:
0x0: {  	(pc) =	sbr.rel $0x88, $3  }
0x1: {  	(tag) =	ssettag $0x0;
	lr =	simm.s32 $0x1  }
0x2: {  	[smem:$0x3F99] =	sst lr;
	_ =	strace $0xD0000000  }
0x3: {  	_ = 	snop  }
0x4: {  	_ = 	snop  }
0x5: {  	_ = 	snop  }
0x6: {  	_ = 	snop  }
0x7: {  	_ = 	snop  }
__scs_overlays_trampoline_lowered:
0x8: {  	[smem:$0x3FA8] =	sst s0  }
0x9: {  	[smem:$0x3FA9] =	sst s1  }
0xa: {  	[smem:$0x3FAA] =	sst s2  }
0xb: {  	[smem:$0x3FAB] =	sst s3  }
0xc: {  	[smem:$0x3FAC] =	sst s4  }
0xd: {  	[smem:$0x3FAD] =	sst s5  }
0xe: {  	[smem:$0x3FAE] =	sst s6  }
0xf: {  	[smem:$0x3FAF] =	sst s7  }
0x10: {  	[smem:$0x3FB0] =	sst s8  }
0x11: {  	[smem:$0x3FB1] =	sst s9;
	s0 =	simm.s32 @!p0 $0x0  }
0x12: {  	s1 =	sld [smem:$0x3F97];
	s0 =	simm.s32 @p0 $0x1  }
0x13: {  	[smem:$0x3FB2] =	sst s0;
	s0 =	simm.s32 @!p1 $0x0  }
0x14: {  	s2 =	sld [smem:$0x3F96];
	s0 =	simm.s32 @p1 $0x1  }
0x15: {  	[smem:$0x3FB3] =	sst s0;
	s0 =	simm.s32 @!p2 $0x0  }
0x16: {  	s3 =	sld [smem:$0x3FDB];
	s0 =	simm.s32 @p2 $0x1  }
0x17: {  	s4 =	simm.s32 $0x1BF5;
	[smem:$0x3FB5] =	sst s0  }
0x18: {  	s0 =	sld [smem:$0x3F98];
	_ =	swait.ge [sflag:s4], $0x0  }
0x19: {  	s7 =	sld [smem:$0x3F99]  }
0x1a: {  	s8 =	sadd.s32 $0xFFFFE003, lr  }
0x1b: {  	s9 =	sadd.s32 $0xFFFFFEF7, lr;
	s5 =	simm.s32 $0xFFFFFFFF;
	p2 =	slt.u32 s8, $0xFFFFF086  }
0x1c: {  	p1 =	slt.u32 s9, $0xF7A;
	s5 =	simm.s32 @!p2 $0x0  }
0x1d: {  	s5 =	simm.s32 @p1 $0x1;
	p0 =	seq.s32 s7, s2  }
0x1e: {  	s7 =	smul.u32 @!p0 $0xF7A, s2;
	p2 =	seq.s32 @!p0 s5, $0x0  }
0x1f: {  	s9 =	smul.u32 $0xF7A, s1;
	s8 =	simm.s32 @!p0 $0x1BF5;
	p2 =	por !p2, p0  }
0x20: {  	[sflag:s8] =	ssyncset.s32 @!p0 $0xFFFFF086;
	s6 =	sadd.s32 @!p0 s3, s7;
	s7 =	simm.s32 @!p0 $0x108  }
0x21: {  	s3 =	sadd.s32 s3, s9;
	s6 =	sadd.s32 @!p0 $0x88, s6;
	s7 =	simm.s32 @p2 $0x1082  }
0x22: {  	[simem:s7], [sflag:s8] =	dma.local @!p0 [hbm:s6], $0xF7A  }
0x23: {  	s9 =	sor.u32 $0xD0000000, s2;
	s6 =	simm.s32 $0x108;
	_ =	swait.ge @!p0 [sflag:s8], $0x0  }
0x24: {  	s3 =	sadd.s32 $0x88, s3;
	s6 =	simm.s32 @!p1 $0x1082;
	[sflag:s4] =	ssyncset.s32 $0xFFFFF086  }
0x25: {  	[simem:s6], [sflag:s4] =	dma.local [hbm:s3], $0xF7A  }
0x26: {  	[smem:$0x3F99] =	sst s1;
	(tag) =	ssettag s2;
	_ =	strace s9  }
0x27: {  	s1 =	sld [smem:$0x3FA9]  }
0x28: {  	s2 =	sld [smem:$0x3FAA]  }
0x29: {  	s4 =	sld [smem:$0x3FAC]  }
0x2a: {  	p0 =	seq.s32 s5, $0x0;
	s5 =	sld [smem:$0x3FAD]  }
0x2b: {  	s6 =	sld [smem:$0x3FAE]  }
0x2c: {  	s7 =	sld [smem:$0x3FAF]  }
0x2d: {  	s3 =	simm.s32 $0x108;
	s8 =	sld [smem:$0x3FB0]  }
0x2e: {  	s3 =	simm.s32 @!p0 $0x1082;
	s9 =	sld [smem:$0x3FB1]  }
0x2f: {  	lr =	sadd.s32 s0, s3;
	s0 =	sld [smem:$0x3FA8]  }
0x30: {  	s3 =	sld [smem:$0x3FAB]  }
0x31: {  	[smem:$0x3FB4] =	sst s10  }
0x32: {  	s10 =	sld [smem:$0x3FB2];
	_ =	sdelay $0x3  }
0x33: {  	p0 =	seq.s32 s10, $0x1;
	s10 =	sld [smem:$0x3FB4];
	_ =	sdelay $0x3  }
0x34: {  	[smem:$0x3FB4] =	sst s10  }
0x35: {  	s10 =	sld [smem:$0x3FB3];
	_ =	sdelay $0x3  }
0x36: {  	p1 =	seq.s32 s10, $0x1;
	s10 =	sld [smem:$0x3FB4];
	_ =	sdelay $0x3  }
0x37: {  	[smem:$0x3FB4] =	sst s10  }
0x38: {  	s10 =	sld [smem:$0x3FB5]  }
0x39: {  	_ = 	snop;
	(pc) =	sbr.ind lr, $3  }
0x3a: {  	_ = 	snop  }
0x3b: {  	_ = 	snop  }
0x3c: {  	p2 =	seq.s32 s10, $0x1;
	s10 =	sld [smem:$0x3FB4]  }
0x3d: {  	_ =	shalt  }
0x3e: {  	_ =	shalt  }
0x3f: {  	_ =	shalt  }
0x40: {  	_ =	shalt  }
0x41: {  	_ =	shalt  }
0x42: {  	_ =	shalt  }
0x43: {  	_ =	shalt  }
0x44: {  	_ =	shalt  }
0x45: {  	_ =	shalt  }
0x46: {  	_ =	shalt  }
0x47: {  	_ =	shalt  }
0x48: {  	_ =	shalt  }
0x49: {  	_ =	shalt  }
0x4a: {  	_ =	shalt  }
0x4b: {  	_ =	shalt  }
0x4c: {  	_ =	shalt  }
0x4d: {  	_ =	shalt  }
0x4e: {  	_ =	shalt  }
0x4f: {  	_ =	shalt  }
0x50: {  	_ =	shalt  }
0x51: {  	_ =	shalt  }
0x52: {  	_ =	shalt  }
0x53: {  	_ =	shalt  }
0x54: {  	_ =	shalt  }
0x55: {  	_ =	shalt  }
0x56: {  	_ =	shalt  }
0x57: {  	_ =	shalt  }
0x58: {  	_ =	shalt  }
0x59: {  	_ =	shalt  }
0x5a: {  	_ =	shalt  }
0x5b: {  	_ =	shalt  }
0x5c: {  	_ =	shalt  }
0x5d: {  	_ =	shalt  }
0x5e: {  	_ =	shalt  }
0x5f: {  	_ =	shalt  }
0x60: {  	_ =	shalt  }
0x61: {  	_ =	shalt  }
0x62: {  	_ =	shalt  }
0x63: {  	_ =	shalt  }
0x64: {  	_ =	shalt  }
0x65: {  	_ =	shalt  }
0x66: {  	_ =	shalt  }
0x67: {  	_ =	shalt  }
0x68: {  	_ =	shalt  }
0x69: {  	_ =	shalt  }
0x6a: {  	_ =	shalt  }
0x6b: {  	_ =	shalt  }
0x6c: {  	_ =	shalt  }
0x6d: {  	_ =	shalt  }
0x6e: {  	_ =	shalt  }
0x6f: {  	_ =	shalt  }
0x70: {  	_ =	shalt  }
0x71: {  	_ =	shalt  }
0x72: {  	_ =	shalt  }
0x73: {  	_ =	shalt  }
0x74: {  	_ =	shalt  }
0x75: {  	_ =	shalt  }
0x76: {  	_ =	shalt  }
0x77: {  	_ =	shalt  }
0x78: {  	_ =	shalt  }
0x79: {  	_ =	shalt  }
0x7a: {  	_ =	shalt  }
0x7b: {  	_ =	shalt  }
0x7c: {  	_ =	shalt  }
0x7d: {  	_ =	shalt  }
0x7e: {  	_ =	shalt  }
0x7f: {  	_ =	shalt  }
0x80: {  	_ =	shalt  }
0x81: {  	_ =	shalt  }
0x82: {  	_ =	shalt  }
0x83: {  	_ =	shalt  }
0x84: {  	_ =	shalt  }
0x85: {  	_ =	shalt  }
0x86: {  	_ =	shalt  }
0x87: {  	_ =	shalt  }
.Lfunc_end0:
.L_simem_size_0:
called_computation.2_lowered:
.L_overlay_start_0:
0x88: {  	s2 =	sld [smem:$0x3FD9]  }
0x89: {  	s3 =	sld [smem:$0x3FFE];
	_ =	sdelay $0x1  }
0x8a: {  	s1 =	srdreg.scid  }
0x8b: {  	s0 =	sand.u32 $0x1, s1  }
0x8c: {  	s17 =	sshll.u32 s0, $0xA;
	s2 =	sadd.s32 s3, s2  }
0x8d: {  	s2 =	sadd.s32 s2, s17  }
0x8e: {  	[smem:$0x3FC0] =	sst s2  }
0x8f: {  	_ = 	snop  }
0x90: {  	s2 =	sld [smem:$0x3FD0];
	(tm) =	ssettm $0x1  }
0x91: {  	s18 =	sld [smem:$0x3FFB];
	_ =	sdelay $0x3  }
0x92: {  	_ =	strace s18  }
0x93: {  	s3 =	sld [smem:$0x3FFC];
	_ =	sdelay $0x3  }
0x94: {  	_ =	strace s3  }
0x95: {  	s3 =	sld [smem:$0x3FFD];
	_ =	sdelay $0x3  }
0x96: {  	_ =	strace s3  }
0x97: {  	_ =	strace $0x8FFFFFFF  }
0x98: {  	s19 =	sld [smem:$0x3FDB];
	_ =	sdelay $0x1  }
0x99: {  	s4 =	simm.s32 $_scs_section_size  }
0x9a: {  	s5 =	simm.s32 $_size__tile_overlayer_lowered;
	s6 =	simm.s32 $_tile_overlayer_lowered  }
0x9b: {  	s22 =	simm.s32 $0x1BFF;
	s21 =	sshll.u32 s6, $0x1;
	s3 =	sadd.s32 s4, s19  }
0x9c: {  	s7 =	simm.s32 $0x0;
	s20 =	sshll.u32 s5, $0x1;
	s5 =	sadd.s32 s21, s3  }
0x9d: {  	[timem:s7], [sflag:s22] =	dma.local [hbm:s5], s20  }
0x9e: {  	_ =	swait.ge [sflag:s22], s20  }
0x9f: {  	s4 =	ssub.s32 $0x0, s20;
	[sflag:s22] =	ssyncset.done $0x0  }
0xa0: {  	[sflag:s22] =	ssyncadd.s32 s4;
	_ =	sdelay $0x1  }
0xa1: {  	s23 =	simm.s32 $0x1B8B  }
0xa2: {  	_ =	swait.ge [sflag:s23], $0x1  }
0xa3: {  	[sflag:s23] =	ssyncset.done $0x0  }
0xa4: {  	s25 =	simm.s32 $0x1B8E;
	s24 =	sld [smem:$0x3FFE];
	[sflag:s23] =	ssyncadd.s32 $0xFFFFFFFF  }
0xa5: {  	s26 =	simm.s32 $execute0_lowered;
	[smem:$0x3FD2] =	sst s25  }
0xa6: {  	s5 =	sshll.u32 s26, $0x1;
	_ =	strace $0x8000004C;
	[dreg:$0x1] =	wrdreg $0xFFFFFFFF  }
0xa7: {  	s28 =	simm.s32 $_size_execute0_lowered;
	s3 =	sadd.s32 s3, s5;
	[dreg:$0x0] =	wrdreg $0x0  }
0xa8: {  	s5 =	sshll.u32 s28, $0x1;
	[dreg:$0x2] =	wrdreg s3  }
0xa9: {  	[dreg:$0x3] =	wrdreg s5  }
0xaa: {  	[dreg:$0x4] =	wrdreg $0xC0  }
0xab: {  	_ =	task [dreg:s7], $0x5FFFF  }
0xac: {  	[dreg:$0x1] =	wrdreg $0xFFFFFFFF  }
0xad: {  	[dreg:$0x0] =	wrdreg $0x60  }
0xae: {  	[dreg:$0x2] =	wrdreg s24  }
0xaf: {  	[dreg:$0x3] =	wrdreg s2  }
0xb0: {  	[dreg:$0x4] =	wrdreg $0xC6200  }
0xb1: {  	[dreg:$0x5] =	wrdreg $0x9  }
0xb2: {  	_ =	task.clear_ibuf [dreg:s7], $0x6FFFF;
	_ =	strace $0x9000004C  }
0xb3: {  	s29 =	simm.s32 $0x9;
	_ =	strace $0x8000004E  }
0xb4: {  	_ =	swait.ge [sflag:s29], $0x1  }
0xb5: {  	[sflag:s29] =	ssyncadd.s32 $0xFFFFFFFF  }
0xb6: {  	_ =	strace $0x9000004E  }
0xb7: {  	_ =	sfence  }
0xb8: {  	s30 =	sld [smem:$0x0];
	_ =	sdelay $0x2  }
0xb9: {  	s31 =	sshll.u32 s1, $0xD;
	s1 =	sshrl.u32 s1, $0x2  }
0xba: {  	s3 =	sand.u32 $0x4000, s31;
	s1 =	sadd.s32 s1, s30  }
0xbb: {  	s0 =	sor.u32 s3, s0;
	s1 =	sshll.u32 s1, $0x11  }
0xbc: {  	s0 =	sor.u32 s1, s0  }
0xbd: {  	s0 =	sadd.s32 $0x8F2B, s0  }
0xbe: {  	[sflag:s0] =	ssyncadd.remote.s32 $0x1  }
0xbf: {  	_ =	sfence.sel $0xFFFF  }
0xc0: {  	[dreg:$0x0] =	wrdreg $0xFFFFFFFF;
	(pc) =	sbr.abs _section_cstart, $3  }
0xc1: {  	[dreg:$0x1] =	wrdreg $0xFFFFFFFF  }
0xc2: {  	_ =	task.clear_ibuf [dreg:s7], $0x2FFFF;
	_ =	strace $0x9FFFFFFF  }
0xc3: {  	(tm) =	ssettm $0x7FFFFFFF  }
tec
execute0_lowered:
.L_overlay_start_1:
0x0: {  	(tag) =	ssettag $0x1  }
0x1: {  	s0 =	rddreg [dreg:$0x0]  }
0x2: {  	s1 =	rddreg [dreg:$0x1];
	s10 =	stileid.u32  }
0x3: {  	s3 =	srdreg.scid;
	s6 =	smul.u32 $0x9C40, s10  }
0x4: {  	s2 =	rddreg [dreg:$0x2];
	s5 =	sand.u32 $0x1, s3;
	s9 =	smul.u32 $0x27100, s10  }
0x5: {  	s4 =	smul.u32 $0x9C400, s5;
	s8 =	ssub.s32 $0x2, s5;
	s5 =	sshll.u32 s5, $0x4  }
0x6: {  	s3 =	simm.s32 $0x0;
	s25 =	sshrl.u32 s9, $0x2;
	s26 =	sor.u32 s10, s5  }
0x7: {  	s5 =	sadd.s32 s6, s2;
	s4 =	sadd.s32 s6, s4;
	s6 =	sadd.s32 s25, s2  }
0x8: {  	[smem:$0x7FF] =	sst s3;
	s28 =	sadd.s32 $0xC80, s6  }
0x9: {  	_ =	strace $0x8000004D;
	s29 =	sadd.s32 $0x12C0, s6;
	[dreg:$0x5] =	wrdreg s28  }
0xa: {  	s30 =	sadd.s32 $0x1900, s6;
	[dreg:$0x6] =	wrdreg s29  }
0xb: {  	s31 =	sadd.s32 $0x1F40, s6;
	[dreg:$0x7] =	wrdreg s30  }
0xc: {  	s10 =	sadd.s32 $0x2580, s6;
	[dreg:$0x8] =	wrdreg s31  }
0xd: {  	s11 =	sadd.s32 $0x2BC0, s6;
	[dreg:$0x9] =	wrdreg s10  }
0xe: {  	s12 =	sadd.s32 $0x3200, s6;
	[dreg:$0xa] =	wrdreg s11  }
0xf: {  	s14 =	sadd.s32 $0x3840, s6;
	[dreg:$0xb] =	wrdreg s12  }
0x10: {  	s15 =	sadd.s32 $0x3E80, s6;
	[dreg:$0xc] =	wrdreg s14  }
0x11: {  	s16 =	sadd.s32 $0x44C0, s6;
	[dreg:$0xd] =	wrdreg s15  }
0x12: {  	s17 =	sadd.s32 $0x4B00, s6;
	[dreg:$0xe] =	wrdreg s16  }
0x13: {  	s24 =	sshrl.u32 s8, $0x1;
	s18 =	sadd.s32 $0x5140, s6;
	[dreg:$0xf] =	wrdreg s17  }
0x14: {  	s9 =	simm.s32 $0x4;
	s19 =	sadd.s32 $0x5780, s6;
	[dreg:$0x10] =	wrdreg s18  }
0x15: {  	s13 =	smul.u32 $0x2710, s26;
	s20 =	sadd.s32 $0x5DC0, s6;
	[dreg:$0x11] =	wrdreg s19  }
0x16: {  	s7 =	sshrl.u32 s4, $0x3;
	s21 =	sadd.s32 $0x6400, s6;
	[dreg:$0x12] =	wrdreg s20  }
0x17: {  	s4 =	sadd.s32 $0x2A600, s0;
	s22 =	sadd.s32 $0x6A40, s6;
	[dreg:$0x13] =	wrdreg s21  }
0x18: {  	s23 =	sadd.s32 $0x7080, s6;
	s25 =	sadd.s32 $0x7D00, s6;
	[dreg:$0x14] =	wrdreg s22  }
0x19: {  	s26 =	sadd.s32 $0x8340, s6;
	s0 =	sadd.s32 s7, s0;
	[dreg:$0x15] =	wrdreg s23  }
0x1a: {  	s7 =	ssub.s32 s8, s24;
	s8 =	sadd.s32 $0x640, s6;
	[dreg:$0x17] =	wrdreg s25  }
0x1b: {  	s24 =	sadd.s32 $0x76C0, s6;
	[dreg:$0x18] =	wrdreg s26;
	s28 =	sadd.s32 $0x8980, s6  }
0x1c: {  	s29 =	sadd.s32 $0x8FC0, s6;
	s6 =	sadd.s32 $0x9600, s6;
	s10 =	simm.s32 $0x50  }
0x1d: {  	s11 =	simm.s32 $0x8A20;
	s12 =	simm.s32 $0x8;
	s14 =	simm.s32 $0x5  }
0x1e: {  	s15 =	simm.s32 $0x9E20;
	s16 =	simm.s32 $0xB220;
	[dreg:$0x4] =	wrdreg s8  }
0x1f: {  	s17 =	simm.s32 $0x3;
	s18 =	simm.s32 $0x7620;
	[dreg:$0x16] =	wrdreg s24  }
0x20: {  	s19 =	simm.s32 $0xC;
	s20 =	simm.s32 $0x7;
	[dreg:$0x19] =	wrdreg s28  }
0x21: {  	s22 =	simm.s32 $0x9;
	s23 =	simm.s32 $0xA;
	[dreg:$0x1a] =	wrdreg s29  }
.Ltmp0:
0x22: {  	s8 =	sshrl.u32 s13, $0x3;
	[dreg:$0x1b] =	wrdreg s6;
	(pc) =	sbr.rel .LBB2_1-.Ltmp0, $4  }
0x23: {  	s0 =	sadd.s32 $0x3E000, s0;
	s30 =	smax.u32 s7, $0x1;
	s7 =	simm.s32 $0x4E20  }
0x24: {  	s13 =	simm.s32 $0x6220;
	s1 =	sadd.s32 s1, s8;
	[dreg:$0x1c] =	wrdreg s0  }
0x25: {  	s24 =	simm.s32 $0xB;
	[dreg:$0x1d] =	wrdreg s30;
	s31 =	sadd.s32 $0x9C40, s1  }
0x26: {  	v0 =	vimm.f32 $0.0e+00;
	s8 =	simm.s32 $0xD;
	s6 =	smov.u32 s1;
	[dreg:$0x1e] =	wrdreg s31  }
.LBB2_16:
0x27: {  	_ =	swait.ge [sflag:s19], $0x1400  }
0x28: {  	[sflag:s19] =	ssyncset.done $0x0  }
0x29: {  	[sflag:s19] =	ssyncadd.s32 $0xFFFFEC00  }
0x2a: {  	_ =	swait.ge [sflag:s20], $0x1400  }
0x2b: {  	[sflag:s20] =	ssyncset.done $0x0  }
0x2c: {  	[sflag:s20] =	ssyncadd.s32 $0xFFFFEC00  }
0x2d: {  	_ =	swait.ge [sflag:s12], $0x1400  }
0x2e: {  	[sflag:s12] =	ssyncset.done $0x0  }
0x2f: {  	[sflag:s12] =	ssyncadd.s32 $0xFFFFEC00  }
0x30: {  	_ =	swait.ge [sflag:s22], $0x1400  }
0x31: {  	[sflag:s22] =	ssyncset.done $0x0  }
0x32: {  	[sflag:s22] =	ssyncadd.s32 $0xFFFFEC00  }
0x33: {  	_ =	swait.ge [sflag:s23], $0x1400  }
0x34: {  	[sflag:s23] =	ssyncset.done $0x0  }
0x35: {  	[sflag:s23] =	ssyncadd.s32 $0xFFFFEC00  }
0x36: {  	_ =	swait.ge [sflag:s24], $0x1400  }
0x37: {  	[sflag:s24] =	ssyncset.done $0x0  }
0x38: {  	s0 =	stileid.u32;
	[sflag:s24] =	ssyncadd.s32 $0xFFFFEC00  }
0x39: {  	s0 =	sshll.u32 s0, $0x6;
	[bflag:$0x0] =	sbarrier.arrive $0xFFFF  }
0x3a: {  	s1 =	sshrl.u32 s5, $0x3;
	s0 =	sor.u32 $0x1C0D, s0;
	s21 =	rddreg [dreg:$0x1c]  }
0x3b: {  	[hbm:s21], [sflag:s0] =	dma.local [spmem:s1], $0x1388  }
0x3c: {  	_ =	swait.ge [sflag:s8], $0x1388  }
0x3d: {  	s3 =	sadd.s32 $0x1, s3;
	s31 =	rddreg [dreg:$0x1d]  }
0x3e: {  	p0 =	sne.s32 s3, s31  }
.Ltmp1:
0x3f: {  	_ = 	snop;
	(pc) =	sbr.rel @!p0 .LBB2_17-.Ltmp1, $3  }
0x40: {  	_ =	sdelay $0x1  }
0x41: {  	[sflag:s8] =	ssyncset.done $0x0  }
0x42: {  	[sflag:s8] =	ssyncadd.s32 $0xFFFFEC78  }
.LBB2_1:
0x43: {  	s26 =	simm.s32 $0x100;
	s25 =	simm.s32 $0x0  }
.LBB2_2:
0x44: {  	p0 =	sne.s32 s26, $0x1800;
	[tilespmem:s25+$0x4E50] =	vst v0;
	s28 =	smov.u32 s26;
	s26 =	sadd.s32 $0x100, s26  }
.Ltmp2:
0x45: {  	[tilespmem:s25+$0x4E40] =	vst v0;
	(pc) =	sbr.rel @p0 .LBB2_2-.Ltmp2, $3  }
0x46: {  	[tilespmem:s25+$0x4E20] =	vst v0  }
0x47: {  	[tilespmem:s25+$0x4E30] =	vst v0;
	_ =	sdelay $0x1  }
0x48: {  	s25 =	sshra.s32 s28, $0x2  }
0x49: {  	[tilespmem:s25+$0x4E50] =	vst v0  }
0x4a: {  	[tilespmem:s25+$0x4E40] =	vst v0  }
0x4b: {  	[tilespmem:s25+$0x4E20] =	vst v0  }
0x4c: {  	[tilespmem:s25+$0x4E30] =	vst v0  }
0x4d: {  	[spmem:s5] =	stream.linear.scatter [tilespmem:s7], [sflag:$0xD], $0x640, $0x38;
	[tilespmem:$0x16260] =	vst v63  }
0x4e: {  	_ =	swait.ge [sflag:s8], $0x640  }
0x4f: {  	[sflag:s8] =	ssyncset.done $0x0  }
0x50: {  	s0 =	rddreg [dreg:$0x4];
	[sflag:s8] =	ssyncadd.s32 $0xFFFFF9C0  }
0x51: {  	[spmem:s0] =	stream.linear.scatter [tilespmem:s7], [sflag:$0xD], $0x640, $0x38;
	[tilespmem:$0x16260] =	vst v63  }
0x52: {  	_ =	swait.ge [sflag:s8], $0x640  }
0x53: {  	[sflag:s8] =	ssyncset.done $0x0  }
0x54: {  	s29 =	rddreg [dreg:$0x5];
	[sflag:s8] =	ssyncadd.s32 $0xFFFFF9C0  }
0x55: {  	[spmem:s29] =	stream.linear.scatter [tilespmem:s7], [sflag:$0xD], $0x640, $0x38;
	[tilespmem:$0x16260] =	vst v63  }
0x56: {  	_ =	swait.ge [sflag:s8], $0x640  }
0x57: {  	[sflag:s8] =	ssyncset.done $0x0  }
0x58: {  	s30 =	rddreg [dreg:$0x6];
	[sflag:s8] =	ssyncadd.s32 $0xFFFFF9C0  }
0x59: {  	[spmem:s30] =	stream.linear.scatter [tilespmem:s7], [sflag:$0xD], $0x640, $0x38;
	[tilespmem:$0x16260] =	vst v63  }
0x5a: {  	_ =	swait.ge [sflag:s8], $0x640  }
0x5b: {  	[sflag:s8] =	ssyncset.done $0x0  }
0x5c: {  	s31 =	rddreg [dreg:$0x7];
	[sflag:s8] =	ssyncadd.s32 $0xFFFFF9C0  }
0x5d: {  	[spmem:s31] =	stream.linear.scatter [tilespmem:s7], [sflag:$0xD], $0x640, $0x38;
	[tilespmem:$0x16260] =	vst v63  }
0x5e: {  	_ =	swait.ge [sflag:s8], $0x640  }
0x5f: {  	[sflag:s8] =	ssyncset.done $0x0  }
0x60: {  	s1 =	rddreg [dreg:$0x8];
	[sflag:s8] =	ssyncadd.s32 $0xFFFFF9C0  }
0x61: {  	[spmem:s1] =	stream.linear.scatter [tilespmem:s7], [sflag:$0xD], $0x640, $0x38;
	[tilespmem:$0x16260] =	vst v63  }
0x62: {  	_ =	swait.ge [sflag:s8], $0x640  }
0x63: {  	[sflag:s8] =	ssyncset.done $0x0  }
0x64: {  	s21 =	rddreg [dreg:$0x9];
	[sflag:s8] =	ssyncadd.s32 $0xFFFFF9C0  }
0x65: {  	[spmem:s21] =	stream.linear.scatter [tilespmem:s7], [sflag:$0xD], $0x640, $0x38;
	[tilespmem:$0x16260] =	vst v63  }
0x66: {  	_ =	swait.ge [sflag:s8], $0x640  }
0x67: {  	[sflag:s8] =	ssyncset.done $0x0  }
0x68: {  	s25 =	rddreg [dreg:$0xa];
	[sflag:s8] =	ssyncadd.s32 $0xFFFFF9C0  }
0x69: {  	[spmem:s25] =	stream.linear.scatter [tilespmem:s7], [sflag:$0xD], $0x640, $0x38;
	[tilespmem:$0x16260] =	vst v63  }
0x6a: {  	_ =	swait.ge [sflag:s8], $0x640  }
0x6b: {  	[sflag:s8] =	ssyncset.done $0x0  }
0x6c: {  	s26 =	rddreg [dreg:$0xb];
	[sflag:s8] =	ssyncadd.s32 $0xFFFFF9C0  }
0x6d: {  	[spmem:s26] =	stream.linear.scatter [tilespmem:s7], [sflag:$0xD], $0x640, $0x38;
	[tilespmem:$0x16260] =	vst v63  }
0x6e: {  	_ =	swait.ge [sflag:s8], $0x640  }
0x6f: {  	[sflag:s8] =	ssyncset.done $0x0  }
0x70: {  	s29 =	rddreg [dreg:$0xc];
	[sflag:s8] =	ssyncadd.s32 $0xFFFFF9C0  }
0x71: {  	[spmem:s29] =	stream.linear.scatter [tilespmem:s7], [sflag:$0xD], $0x640, $0x38;
	[tilespmem:$0x16260] =	vst v63  }
0x72: {  	_ =	swait.ge [sflag:s8], $0x640  }
0x73: {  	[sflag:s8] =	ssyncset.done $0x0  }
0x74: {  	s30 =	rddreg [dreg:$0xd];
	[sflag:s8] =	ssyncadd.s32 $0xFFFFF9C0  }
0x75: {  	[spmem:s30] =	stream.linear.scatter [tilespmem:s7], [sflag:$0xD], $0x640, $0x38;
	[tilespmem:$0x16260] =	vst v63  }
0x76: {  	_ =	swait.ge [sflag:s8], $0x640  }
0x77: {  	[sflag:s8] =	ssyncset.done $0x0  }
0x78: {  	s31 =	rddreg [dreg:$0xe];
	[sflag:s8] =	ssyncadd.s32 $0xFFFFF9C0  }
0x79: {  	[spmem:s31] =	stream.linear.scatter [tilespmem:s7], [sflag:$0xD], $0x640, $0x38;
	[tilespmem:$0x16260] =	vst v63  }
0x7a: {  	_ =	swait.ge [sflag:s8], $0x640  }
0x7b: {  	[sflag:s8] =	ssyncset.done $0x0  }
0x7c: {  	s1 =	rddreg [dreg:$0xf];
	[sflag:s8] =	ssyncadd.s32 $0xFFFFF9C0  }
0x7d: {  	[spmem:s1] =	stream.linear.scatter [tilespmem:s7], [sflag:$0xD], $0x640, $0x38;
	[tilespmem:$0x16260] =	vst v63  }
0x7e: {  	_ =	swait.ge [sflag:s8], $0x640  }
0x7f: {  	[sflag:s8] =	ssyncset.done $0x0  }
0x80: {  	s21 =	rddreg [dreg:$0x10];
	[sflag:s8] =	ssyncadd.s32 $0xFFFFF9C0  }
0x81: {  	[spmem:s21] =	stream.linear.scatter [tilespmem:s7], [sflag:$0xD], $0x640, $0x38;
	[tilespmem:$0x16260] =	vst v63  }
0x82: {  	_ =	swait.ge [sflag:s8], $0x640  }
0x83: {  	[sflag:s8] =	ssyncset.done $0x0  }
0x84: {  	s25 =	rddreg [dreg:$0x11];
	[sflag:s8] =	ssyncadd.s32 $0xFFFFF9C0  }
0x85: {  	[spmem:s25] =	stream.linear.scatter [tilespmem:s7], [sflag:$0xD], $0x640, $0x38;
	[tilespmem:$0x16260] =	vst v63  }
0x86: {  	_ =	swait.ge [sflag:s8], $0x640  }
0x87: {  	[sflag:s8] =	ssyncset.done $0x0  }
0x88: {  	s26 =	rddreg [dreg:$0x12];
	[sflag:s8] =	ssyncadd.s32 $0xFFFFF9C0  }
0x89: {  	[spmem:s26] =	stream.linear.scatter [tilespmem:s7], [sflag:$0xD], $0x640, $0x38;
	[tilespmem:$0x16260] =	vst v63  }
0x8a: {  	_ =	swait.ge [sflag:s8], $0x640  }
0x8b: {  	[sflag:s8] =	ssyncset.done $0x0  }
0x8c: {  	s29 =	rddreg [dreg:$0x13];
	[sflag:s8] =	ssyncadd.s32 $0xFFFFF9C0  }
0x8d: {  	[spmem:s29] =	stream.linear.scatter [tilespmem:s7], [sflag:$0xD], $0x640, $0x38;
	[tilespmem:$0x16260] =	vst v63  }
0x8e: {  	_ =	swait.ge [sflag:s8], $0x640  }
0x8f: {  	[sflag:s8] =	ssyncset.done $0x0  }
0x90: {  	s30 =	rddreg [dreg:$0x14];
	[sflag:s8] =	ssyncadd.s32 $0xFFFFF9C0  }
0x91: {  	[spmem:s30] =	stream.linear.scatter [tilespmem:s7], [sflag:$0xD], $0x640, $0x38;
	[tilespmem:$0x16260] =	vst v63  }
0x92: {  	_ =	swait.ge [sflag:s8], $0x640  }
0x93: {  	[sflag:s8] =	ssyncset.done $0x0  }
0x94: {  	s31 =	rddreg [dreg:$0x15];
	[sflag:s8] =	ssyncadd.s32 $0xFFFFF9C0  }
0x95: {  	[spmem:s31] =	stream.linear.scatter [tilespmem:s7], [sflag:$0xD], $0x640, $0x38;
	[tilespmem:$0x16260] =	vst v63  }
0x96: {  	_ =	swait.ge [sflag:s8], $0x640  }
0x97: {  	[sflag:s8] =	ssyncset.done $0x0  }
0x98: {  	s1 =	rddreg [dreg:$0x16];
	[sflag:s8] =	ssyncadd.s32 $0xFFFFF9C0  }
0x99: {  	[spmem:s1] =	stream.linear.scatter [tilespmem:s7], [sflag:$0xD], $0x640, $0x38;
	[tilespmem:$0x16260] =	vst v63  }
0x9a: {  	_ =	swait.ge [sflag:s8], $0x640  }
0x9b: {  	[sflag:s8] =	ssyncset.done $0x0  }
0x9c: {  	s21 =	rddreg [dreg:$0x17];
	[sflag:s8] =	ssyncadd.s32 $0xFFFFF9C0  }
0x9d: {  	[spmem:s21] =	stream.linear.scatter [tilespmem:s7], [sflag:$0xD], $0x640, $0x38;
	[tilespmem:$0x16260] =	vst v63  }
0x9e: {  	_ =	swait.ge [sflag:s8], $0x640  }
0x9f: {  	[sflag:s8] =	ssyncset.done $0x0  }
0xa0: {  	s25 =	rddreg [dreg:$0x18];
	[sflag:s8] =	ssyncadd.s32 $0xFFFFF9C0  }
0xa1: {  	[spmem:s25] =	stream.linear.scatter [tilespmem:s7], [sflag:$0xD], $0x640, $0x38;
	[tilespmem:$0x16260] =	vst v63  }
0xa2: {  	_ =	swait.ge [sflag:s8], $0x640  }
0xa3: {  	[sflag:s8] =	ssyncset.done $0x0  }
0xa4: {  	s26 =	rddreg [dreg:$0x19];
	[sflag:s8] =	ssyncadd.s32 $0xFFFFF9C0  }
0xa5: {  	[spmem:s26] =	stream.linear.scatter [tilespmem:s7], [sflag:$0xD], $0x640, $0x38;
	[tilespmem:$0x16260] =	vst v63  }
0xa6: {  	_ =	swait.ge [sflag:s8], $0x640  }
0xa7: {  	[sflag:s8] =	ssyncset.done $0x0  }
0xa8: {  	s29 =	rddreg [dreg:$0x1a];
	[sflag:s8] =	ssyncadd.s32 $0xFFFFF9C0  }
0xa9: {  	[spmem:s29] =	stream.linear.scatter [tilespmem:s7], [sflag:$0xD], $0x640, $0x38;
	[tilespmem:$0x16260] =	vst v63  }
0xaa: {  	_ =	swait.ge [sflag:s8], $0x640  }
0xab: {  	[sflag:s8] =	ssyncset.done $0x0  }
0xac: {  	s30 =	rddreg [dreg:$0x1b];
	[sflag:s8] =	ssyncadd.s32 $0xFFFFF9C0  }
0xad: {  	[spmem:s30] =	stream.linear.scatter [tilespmem:s7], [sflag:$0xD], $0x640, $0x38;
	[tilespmem:$0x16260] =	vst v63  }
0xae: {  	_ =	swait.ge [sflag:s8], $0x640  }
0xaf: {  	[sflag:s8] =	ssyncset.done $0x0  }
0xb0: {  	[sflag:s8] =	ssyncadd.s32 $0xFFFFF9C0  }
0xb1: {  	s25 =	simm.s32 $0x0;
	[bflag:$0x0] =	sbarrier.arrive $0xFFFF  }
0xb2: {  	[tilespmem:s25], [sflag:$0xD] =	stream.linear.gather [hbm4b:s6+s25], $0x2710, $0x38;
	[tilespmem:$0x16260] =	vst v63  }
0xb3: {  	_ =	swait.ge [sflag:s8], $0x2710  }
0xb4: {  	s1 =	simm.s32 $0x2710;
	[sflag:s8] =	ssyncset.done $0x0  }
.Ltmp3:
0xb5: {  	s31 =	rddreg [dreg:$0x1e];
	[sflag:s8] =	ssyncadd.s32 $0xFFFFD8F0;
	(pc) =	sbr.rel .LBB2_4-.Ltmp3, $4  }
0xb6: {  	[tilespmem:s1], [sflag:$0xD] =	stream.linear.gather [hbm4b:s31+s25], $0x2710, $0x38;
	[tilespmem:$0x16260] =	vst v63  }
0xb7: {  	_ =	swait.ge [sflag:s8], $0x2710  }
0xb8: {  	[sflag:s8] =	ssyncset.done $0x0  }
0xb9: {  	s28 =	simm.s32 $0x0;
	s26 =	simm.s32 $0x1;
	[sflag:s8] =	ssyncadd.s32 $0xFFFFD8F0  }
.LBB2_13:
0xba: {  	s0 =	sadd.s32 $0x190, s29  }
0xbb: {  	[tilespmem:s16], [sflag:$0x6] =	stream.indirect.gather [hbm4b:s4+s10], $0x40, s0, s10, $0xb8;
	[tilespmem:$0x16260] =	vst v63  }
.LBB2_15:
0xbc: {  	s25 =	sadd.s32 $0x780, s25  }
0xbd: {  	p0 =	sne.s32 s25, $0xA500  }
.Ltmp4:
0xbe: {  	_ = 	snop;
	(pc) =	sbr.rel @!p0 .LBB2_16-.Ltmp4, $4  }
0xbf: {  	_ =	swait.ge [sflag:s17], $0x1400  }
0xc0: {  	s0 =	sadd.s32 $0x27B0, s29;
	[sflag:s17] =	ssyncset.done $0x0  }
0xc1: {  	s28 =	sadd.s32 $0x1, s28;
	s26 =	sadd.s32 $0x6, s26;
	[sflag:s17] =	ssyncadd.s32 $0xFFFFEC00  }
0xc2: {  	[spmem:s2] =	stream.indirect.scatter.add.f32 [tilespmem:s18], [sflag:$0x9], $0x40, s0, s10, $0xb8;
	[tilespmem:$0x16260] =	vst v63  }
.LBB2_4:
0xc3: {  	s29 =	sadd.s32 $0xFFFFFFF9, s26  }
0xc4: {  	p0 =	sgt.u32 s29, $0x76  }
0xc5: {  	s29 =	simm.s32 @!p0 $0x7  }
0xc6: {  	_ =	swait.ge @!p0 [sflag:s29], $0x1400  }
0xc7: {  	[sflag:s29] =	ssyncset.done @!p0 $0x0  }
0xc8: {  	[sflag:s29] =	ssyncadd.s32 @!p0 $0xFFFFEC00;
	p0 =	seq.s32 s25, $0x9D80  }
0xc9: {  	s29 =	sshra.s32 @!p0 s25, $0x2;
	s30 =	simm.s32 @!p0 $0x50;
	s31 =	simm.s32 @!p0 $0x4E20  }
0xca: {  	[tilespmem:s31], [sflag:$0x1] =	stream.indirect.gather @!p0 [hbm4b:s4+s30], $0x40, s29, s30, $0xb8;
	[tilespmem:$0x16260] =	vst v63  }
0xcb: {  	s30 =	sadd.s32 @!p0 $0xFFFFFFFC, s26  }
0xcc: {  	p1 =	sgt.u32 @!p0 s30, $0x7C  }
0xcd: {  	p2 =	por p0, !p1  }
.Ltmp5:
0xce: {  	_ = 	snop;
	(pc) =	sbr.rel @!p2 .LBB2_6-.Ltmp5, $2  }
0xcf: {  	_ =	sdelay $0x2  }
0xd0: {  	p1 =	por @!p0 $0x0, $0x0  }
0xd1: {  	s30 =	simm.s32 @p0 $0x7B  }
0xd2: {  	s31 =	smul.u32 $0x140, s30  }
0xd3: {  	_ =	swait.ge [sflag:s9], $0x1400  }
0xd4: {  	[sflag:s9] =	ssyncset.done $0x0;
	s31 =	sshra.s32 s31, $0x2  }
0xd5: {  	p1 =	slt.u32 s30, $0x77;
	[sflag:s9] =	ssyncadd.s32 $0xFFFFEC00;
	s31 =	sadd.s32 $0x2710, s31  }
0xd6: {  	[spmem:s2] =	stream.indirect.scatter.add.f32 [tilespmem:s11], [sflag:$0xA], $0x40, s31, s10, $0xb8;
	[tilespmem:$0x16260] =	vst v63  }
.LBB2_6:
0xd7: {  	p2 =	seq.s32 s25, $0x0  }
0xd8: {  	p3 =	sgt.u32 @!p2 s26, $0x7C  }
0xd9: {  	p2 =	por p2, p3  }
.Ltmp6:
0xda: {  	_ = 	snop;
	(pc) =	sbr.rel @p2 .LBB2_8-.Ltmp6, $1  }
0xdb: {  	_ =	sdelay $0x3  }
0xdc: {  	_ =	swait.ge [sflag:s12], $0x1400  }
0xdd: {  	[sflag:s12] =	ssyncset.done $0x0  }
0xde: {  	[sflag:s12] =	ssyncadd.s32 $0xFFFFEC00  }
.LBB2_9:
0xdf: {  	s31 =	sadd.s32 $0xFFFFFFFD, s26  }
0xe0: {  	p2 =	sgt.u32 s31, $0x7C  }
.Ltmp7:
0xe1: {  	_ = 	snop;
	(pc) =	sbr.rel @!p2 .LBB2_11-.Ltmp7, $4  }
0xe2: {  	_ = 	snop  }
0xe3: {  	s30 =	sshra.s32 s25, $0x2  }
0xe4: {  	s30 =	sadd.s32 $0x50, s30  }
0xe5: {  	[tilespmem:s13], [sflag:$0x2] =	stream.indirect.gather [hbm4b:s4+s10], $0x40, s30, s10, $0xb8;
	[tilespmem:$0x16260] =	vst v63  }
.Ltmp8:
0xe6: {  	(pc) =	sbr.rel .LBB2_12-.Ltmp8, $3  }
0xe7: {  	_ = 	snop  }
0xe8: {  	s30 =	smul.u32 $0x6, s28;
	_ =	sdelay $0x1  }
0xe9: {  	s30 =	sadd.s32 $0xFFFFFFFE, s30  }
.LBB2_8:
0xea: {  	p2 =	sgt.u32 s26, $0x7C  }
.Ltmp9:
0xeb: {  	_ = 	snop;
	(pc) =	sbr.rel @!p2 .LBB2_9-.Ltmp9, $1  }
0xec: {  	_ =	sdelay $0x3  }
.LBB2_11:
0xed: {  	_ =	swait.ge [sflag:s14], $0x1400  }
0xee: {  	s30 =	sshra.s32 s25, $0x2;
	[sflag:s14] =	ssyncset.done $0x0  }
0xef: {  	s30 =	sadd.s32 $0x2670, s30;
	[sflag:s14] =	ssyncadd.s32 $0xFFFFEC00  }
0xf0: {  	[spmem:s2] =	stream.indirect.scatter.add.f32 [tilespmem:s15], [sflag:$0xB], $0x40, s30, s10, $0xb8;
	[tilespmem:$0x16260] =	vst v63  }
0xf1: {  	s30 =	sadd.s32 $0xFFFFFFFB, s26  }
0xf2: {  	p2 =	sgt.u32 s30, $0x76  }
0xf3: {  	s31 =	simm.s32 @!p2 $0x9  }
0xf4: {  	_ =	swait.ge @!p2 [sflag:s31], $0x1400  }
0xf5: {  	[sflag:s31] =	ssyncset.done @!p2 $0x0  }
0xf6: {  	s30 =	sadd.s32 $0xFFFFFFFD, s26;
	[sflag:s31] =	ssyncadd.s32 @!p2 $0xFFFFEC00  }
.LBB2_12:
0xf7: {  	s31 =	sadd.s32 @!p0 $0xA0, s29;
	s1 =	simm.s32 @!p0 $0x50;
	s0 =	simm.s32 @!p0 $0x7620  }
0xf8: {  	[tilespmem:s0], [sflag:$0x3] =	stream.indirect.gather @!p0 [hbm4b:s4+s1], $0x40, s31, s1, $0xb8;
	[tilespmem:$0x16260] =	vst v63  }
0xf9: {  	s0 =	sadd.s32 @!p0 $0xFFFFFFFE, s26  }
0xfa: {  	p2 =	sgt.u32 @!p0 s0, $0x7C  }
0xfb: {  	p3 =	por p2, p0  }
0xfc: {  	s0 =	simm.s32 @!p3 $0x6  }
0xfd: {  	_ =	swait.ge @!p3 [sflag:s0], $0x1400  }
0xfe: {  	[sflag:s0] =	ssyncset.done @!p3 $0x0  }
0xff: {  	[sflag:s0] =	ssyncadd.s32 @!p3 $0xFFFFEC00;
	s0 =	sshra.s32 @!p3 s25, $0x2  }
0x100: {  	s31 =	simm.s32 @!p3 $0x50;
	s21 =	simm.s32 @!p3 $0xB220;
	s0 =	sadd.s32 @!p3 $0x26C0, s0  }
0x101: {  	[spmem:s2] =	stream.indirect.scatter.add.f32 @!p3 [tilespmem:s21], [sflag:$0xC], $0x40, s0, s31, $0xb8;
	[tilespmem:$0x16260] =	vst v63  }
0x102: {  	s0 =	simm.s32 @p1 $0xA  }
0x103: {  	_ =	swait.ge @p1 [sflag:s0], $0x1400  }
0x104: {  	[sflag:s0] =	ssyncset.done @p1 $0x0  }
0x105: {  	s21 =	simm.s32 @!p0 $0x8A20;
	[sflag:s0] =	ssyncadd.s32 @p1 $0xFFFFEC00;
	s0 =	sadd.s32 @!p0 $0xF0, s29  }
0x106: {  	[tilespmem:s21], [sflag:$0x4] =	stream.indirect.gather @!p0 [hbm4b:s4+s1], $0x40, s0, s1, $0xb8;
	[tilespmem:$0x16260] =	vst v63  }
0x107: {  	s0 =	simm.s32 @!p0 $0x1  }
0x108: {  	_ =	swait.ge @!p0 [sflag:s0], $0x1400  }
0x109: {  	p1 =	sgt.u32 s30, $0x76;
	[sflag:s0] =	ssyncset.done @!p0 $0x0  }
0x10a: {  	s21 =	simm.s32 @!p0 $0x4E20;
	[sflag:s0] =	ssyncadd.s32 @!p0 $0xFFFFEC00;
	s0 =	sadd.s32 @!p0 $0x2710, s29  }
0x10b: {  	[spmem:s2] =	stream.indirect.scatter.add.f32 @!p0 [tilespmem:s21], [sflag:$0x7], $0x40, s0, s1, $0xb8;
	[tilespmem:$0x16260] =	vst v63  }
0x10c: {  	s0 =	simm.s32 @!p1 $0xB  }
0x10d: {  	_ =	swait.ge @!p1 [sflag:s0], $0x1400  }
0x10e: {  	s21 =	simm.s32 @!p0 $0x9E20;
	[sflag:s0] =	ssyncset.done @!p1 $0x0  }
0x10f: {  	[sflag:s0] =	ssyncadd.s32 @!p1 $0xFFFFEC00;
	s0 =	sadd.s32 @!p0 $0x140, s29;
	p1 =	sgt.u32 s26, $0x7C  }
0x110: {  	[tilespmem:s21], [sflag:$0x5] =	stream.indirect.gather @!p0 [hbm4b:s4+s1], $0x40, s0, s1, $0xb8;
	[tilespmem:$0x16260] =	vst v63  }
0x111: {  	s0 =	simm.s32 @!p1 $0x2  }
0x112: {  	_ =	swait.ge @!p1 [sflag:s0], $0x1400  }
0x113: {  	p4 =	por @!p0 $0x0, $0x0;
	p2 =	por !p2, p0;
	[sflag:s0] =	ssyncset.done @!p1 $0x0  }
0x114: {  	p3 =	slt.u32 @!p3 s28, $0x14;
	[sflag:s0] =	ssyncadd.s32 @!p1 $0xFFFFEC00;
	s0 =	sshra.s32 @!p1 s25, $0x2  }
0x115: {  	s1 =	simm.s32 @!p1 $0x50;
	s21 =	simm.s32 @!p1 $0x6220;
	s0 =	sadd.s32 @!p1 $0x2760, s0  }
0x116: {  	[spmem:s2] =	stream.indirect.scatter.add.f32 @!p1 [tilespmem:s21], [sflag:$0x8], $0x40, s0, s1, $0xb8;
	[tilespmem:$0x16260] =	vst v63  }
0x117: {  	p3 =	por @!p2 p4, p4;
	p2 =	por $0x0, $0x0;
	p1 =	sgt.u32 s28, $0x13  }
.Ltmp10:
0x118: {  	p2 =	por @!p0 p3, p3;
	(pc) =	sbr.rel @!p1 .LBB2_13-.Ltmp10, $4  }
0x119: {  	s0 =	simm.s32 @p2 $0xC  }
0x11a: {  	_ =	swait.ge @p2 [sflag:s0], $0x1400  }
0x11b: {  	[sflag:s0] =	ssyncset.done @p2 $0x0  }
0x11c: {  	s29 =	sshra.s32 s25, $0x2;
	[sflag:s0] =	ssyncadd.s32 @p2 $0xFFFFEC00  }
.Ltmp11:
0x11d: {  	(pc) =	sbr.rel @!p0 .LBB2_15-.Ltmp11, $4  }
.Ltmp12:
0x11e: {  	(pc) =	sbr.rel @p0 .LBB2_16-.Ltmp12, $4  }
0x11f: {  	_ = 	snop  }
0x120: {  	_ = 	snop  }
0x121: {  	_ = 	snop  }
0x122: {  	_ = 	snop  }
.LBB2_17:
0x123: {  	_ =	sfence.sel $0x180000  }
0x124: {  	[bflag:$0x0] =	sbarrier.arrive $0xFFFF  }
0x125: {  	_ =	strace $0x9000004D  }
0x126: {  	s0 =	stileid.u32;
	[bflag:$0x2] =	sbarrier.arrive $0xFFFF  }
0x127: {  	p0 =	sne.s32 s0, $0x0;
	s0 =	rddreg [dreg:$0x3]  }
0x128: {  	s0 =	sadd.s32 @!p0 $0x100000, s0  }
0x129: {  	[sflag:s0] =	ssyncadd.tile.s32 @!p0 $0x1;
	_ =	shalt  }
.Lfunc_end2:
_tile_overlayer_lowered:
.L_overlay_start_2:
0x12a: {  	(tag) =	ssettag $0x2  }
0x12b: {  	s0 =	rddreg [dreg:$0x0];
	s2 =	stileid.u32  }
0x12c: {  	s1 =	rddreg [dreg:$0x1];
	p0 =	sne.s32 s2, $0x0  }
0x12d: {  	s3 =	rddreg [dreg:$0x2];
	[bflag:$0x3] =	sbarrier.arrive $0xFFFF;
	s2 =	simm.s32 @!p0 $0x1C0D  }
0x12e: {  	[timem:s3], [sflag:s2] =	dma.local @!p0 [hbm:s0], s1  }
0x12f: {  	s0 =	simm.s32 @!p0 $0xD  }
0x130: {  	_ =	swait.ge @!p0 [sflag:s0], s1  }
0x131: {  	s1 =	ssub.s32 @!p0 $0x0, s1;
	[sflag:s0] =	ssyncset.done @!p0 $0x0  }
0x132: {  	[sflag:s0] =	ssyncadd.s32 @!p0 s1  }
0x133: {  	[bflag:$0x3] =	sbarrier.arrive $0xFFFF  }
0x134: {  	_ =	shalt  }

// kernel: kernel.18.cloned.1.call-start
scs
__scs_entry_jumppad:
0x0: {  	(pc) =	sbr.rel $0x88, $3  }
0x1: {  	(tag) =	ssettag $0x0;
	lr =	simm.s32 $0x1  }
0x2: {  	[smem:$0x3F99] =	sst lr;
	_ =	strace $0xD0000000  }
0x3: {  	_ = 	snop  }
0x4: {  	_ = 	snop  }
0x5: {  	_ = 	snop  }
0x6: {  	_ = 	snop  }
0x7: {  	_ = 	snop  }
__scs_overlays_trampoline_lowered:
0x8: {  	[smem:$0x3FA8] =	sst s0  }
0x9: {  	[smem:$0x3FA9] =	sst s1  }
0xa: {  	[smem:$0x3FAA] =	sst s2  }
0xb: {  	[smem:$0x3FAB] =	sst s3  }
0xc: {  	[smem:$0x3FAC] =	sst s4  }
0xd: {  	[smem:$0x3FAD] =	sst s5  }
0xe: {  	[smem:$0x3FAE] =	sst s6  }
0xf: {  	[smem:$0x3FAF] =	sst s7  }
0x10: {  	[smem:$0x3FB0] =	sst s8  }
0x11: {  	[smem:$0x3FB1] =	sst s9;
	s0 =	simm.s32 @!p0 $0x0  }
0x12: {  	s1 =	sld [smem:$0x3F97];
	s0 =	simm.s32 @p0 $0x1  }
0x13: {  	[smem:$0x3FB2] =	sst s0;
	s0 =	simm.s32 @!p1 $0x0  }
0x14: {  	s2 =	sld [smem:$0x3F96];
	s0 =	simm.s32 @p1 $0x1  }
0x15: {  	[smem:$0x3FB3] =	sst s0;
	s0 =	simm.s32 @!p2 $0x0  }
0x16: {  	s3 =	sld [smem:$0x3FDB];
	s0 =	simm.s32 @p2 $0x1  }
0x17: {  	s4 =	simm.s32 $0x1BF5;
	[smem:$0x3FB5] =	sst s0  }
0x18: {  	s0 =	sld [smem:$0x3F98];
	_ =	swait.ge [sflag:s4], $0x0  }
0x19: {  	s7 =	sld [smem:$0x3F99]  }
0x1a: {  	s8 =	sadd.s32 $0xFFFFE003, lr  }
0x1b: {  	s9 =	sadd.s32 $0xFFFFFEF7, lr;
	s5 =	simm.s32 $0xFFFFFFFF;
	p2 =	slt.u32 s8, $0xFFFFF086  }
0x1c: {  	p1 =	slt.u32 s9, $0xF7A;
	s5 =	simm.s32 @!p2 $0x0  }
0x1d: {  	s5 =	simm.s32 @p1 $0x1;
	p0 =	seq.s32 s7, s2  }
0x1e: {  	s7 =	smul.u32 @!p0 $0xF7A, s2;
	p2 =	seq.s32 @!p0 s5, $0x0  }
0x1f: {  	s9 =	smul.u32 $0xF7A, s1;
	s8 =	simm.s32 @!p0 $0x1BF5;
	p2 =	por !p2, p0  }
0x20: {  	[sflag:s8] =	ssyncset.s32 @!p0 $0xFFFFF086;
	s6 =	sadd.s32 @!p0 s3, s7;
	s7 =	simm.s32 @!p0 $0x108  }
0x21: {  	s3 =	sadd.s32 s3, s9;
	s6 =	sadd.s32 @!p0 $0x88, s6;
	s7 =	simm.s32 @p2 $0x1082  }
0x22: {  	[simem:s7], [sflag:s8] =	dma.local @!p0 [hbm:s6], $0xF7A  }
0x23: {  	s9 =	sor.u32 $0xD0000000, s2;
	s6 =	simm.s32 $0x108;
	_ =	swait.ge @!p0 [sflag:s8], $0x0  }
0x24: {  	s3 =	sadd.s32 $0x88, s3;
	s6 =	simm.s32 @!p1 $0x1082;
	[sflag:s4] =	ssyncset.s32 $0xFFFFF086  }
0x25: {  	[simem:s6], [sflag:s4] =	dma.local [hbm:s3], $0xF7A  }
0x26: {  	[smem:$0x3F99] =	sst s1;
	(tag) =	ssettag s2;
	_ =	strace s9  }
0x27: {  	s1 =	sld [smem:$0x3FA9]  }
0x28: {  	s2 =	sld [smem:$0x3FAA]  }
0x29: {  	s4 =	sld [smem:$0x3FAC]  }
0x2a: {  	p0 =	seq.s32 s5, $0x0;
	s5 =	sld [smem:$0x3FAD]  }
0x2b: {  	s6 =	sld [smem:$0x3FAE]  }
0x2c: {  	s7 =	sld [smem:$0x3FAF]  }
0x2d: {  	s3 =	simm.s32 $0x108;
	s8 =	sld [smem:$0x3FB0]  }
0x2e: {  	s3 =	simm.s32 @!p0 $0x1082;
	s9 =	sld [smem:$0x3FB1]  }
0x2f: {  	lr =	sadd.s32 s0, s3;
	s0 =	sld [smem:$0x3FA8]  }
0x30: {  	s3 =	sld [smem:$0x3FAB]  }
0x31: {  	[smem:$0x3FB4] =	sst s10  }
0x32: {  	s10 =	sld [smem:$0x3FB2];
	_ =	sdelay $0x3  }
0x33: {  	p0 =	seq.s32 s10, $0x1;
	s10 =	sld [smem:$0x3FB4];
	_ =	sdelay $0x3  }
0x34: {  	[smem:$0x3FB4] =	sst s10  }
0x35: {  	s10 =	sld [smem:$0x3FB3];
	_ =	sdelay $0x3  }
0x36: {  	p1 =	seq.s32 s10, $0x1;
	s10 =	sld [smem:$0x3FB4];
	_ =	sdelay $0x3  }
0x37: {  	[smem:$0x3FB4] =	sst s10  }
0x38: {  	s10 =	sld [smem:$0x3FB5]  }
0x39: {  	_ = 	snop;
	(pc) =	sbr.ind lr, $3  }
0x3a: {  	_ = 	snop  }
0x3b: {  	_ = 	snop  }
0x3c: {  	p2 =	seq.s32 s10, $0x1;
	s10 =	sld [smem:$0x3FB4]  }
0x3d: {  	_ =	shalt  }
0x3e: {  	_ =	shalt  }
0x3f: {  	_ =	shalt  }
0x40: {  	_ =	shalt  }
0x41: {  	_ =	shalt  }
0x42: {  	_ =	shalt  }
0x43: {  	_ =	shalt  }
0x44: {  	_ =	shalt  }
0x45: {  	_ =	shalt  }
0x46: {  	_ =	shalt  }
0x47: {  	_ =	shalt  }
0x48: {  	_ =	shalt  }
0x49: {  	_ =	shalt  }
0x4a: {  	_ =	shalt  }
0x4b: {  	_ =	shalt  }
0x4c: {  	_ =	shalt  }
0x4d: {  	_ =	shalt  }
0x4e: {  	_ =	shalt  }
0x4f: {  	_ =	shalt  }
0x50: {  	_ =	shalt  }
0x51: {  	_ =	shalt  }
0x52: {  	_ =	shalt  }
0x53: {  	_ =	shalt  }
0x54: {  	_ =	shalt  }
0x55: {  	_ =	shalt  }
0x56: {  	_ =	shalt  }
0x57: {  	_ =	shalt  }
0x58: {  	_ =	shalt  }
0x59: {  	_ =	shalt  }
0x5a: {  	_ =	shalt  }
0x5b: {  	_ =	shalt  }
0x5c: {  	_ =	shalt  }
0x5d: {  	_ =	shalt  }
0x5e: {  	_ =	shalt  }
0x5f: {  	_ =	shalt  }
0x60: {  	_ =	shalt  }
0x61: {  	_ =	shalt  }
0x62: {  	_ =	shalt  }
0x63: {  	_ =	shalt  }
0x64: {  	_ =	shalt  }
0x65: {  	_ =	shalt  }
0x66: {  	_ =	shalt  }
0x67: {  	_ =	shalt  }
0x68: {  	_ =	shalt  }
0x69: {  	_ =	shalt  }
0x6a: {  	_ =	shalt  }
0x6b: {  	_ =	shalt  }
0x6c: {  	_ =	shalt  }
0x6d: {  	_ =	shalt  }
0x6e: {  	_ =	shalt  }
0x6f: {  	_ =	shalt  }
0x70: {  	_ =	shalt  }
0x71: {  	_ =	shalt  }
0x72: {  	_ =	shalt  }
0x73: {  	_ =	shalt  }
0x74: {  	_ =	shalt  }
0x75: {  	_ =	shalt  }
0x76: {  	_ =	shalt  }
0x77: {  	_ =	shalt  }
0x78: {  	_ =	shalt  }
0x79: {  	_ =	shalt  }
0x7a: {  	_ =	shalt  }
0x7b: {  	_ =	shalt  }
0x7c: {  	_ =	shalt  }
0x7d: {  	_ =	shalt  }
0x7e: {  	_ =	shalt  }
0x7f: {  	_ =	shalt  }
0x80: {  	_ =	shalt  }
0x81: {  	_ =	shalt  }
0x82: {  	_ =	shalt  }
0x83: {  	_ =	shalt  }
0x84: {  	_ =	shalt  }
0x85: {  	_ =	shalt  }
0x86: {  	_ =	shalt  }
0x87: {  	_ =	shalt  }
.Lfunc_end0:
.L_simem_size_0:
called_computation.3_lowered:
.L_overlay_start_0:
0x88: {  	s2 =	sld [smem:$0x3FD9]  }
0x89: {  	s3 =	sld [smem:$0x3FFE];
	_ =	sdelay $0x1  }
0x8a: {  	s1 =	srdreg.scid  }
0x8b: {  	s0 =	sand.u32 $0x1, s1  }
0x8c: {  	s17 =	sshll.u32 s0, $0xA;
	s2 =	sadd.s32 s3, s2  }
0x8d: {  	s2 =	sadd.s32 s2, s17  }
0x8e: {  	[smem:$0x3FC0] =	sst s2  }
0x8f: {  	_ = 	snop  }
0x90: {  	s2 =	sld [smem:$0x3FD0];
	(tm) =	ssettm $0x1  }
0x91: {  	s18 =	sld [smem:$0x3FFB];
	_ =	sdelay $0x3  }
0x92: {  	_ =	strace s18  }
0x93: {  	s3 =	sld [smem:$0x3FFC];
	_ =	sdelay $0x3  }
0x94: {  	_ =	strace s3  }
0x95: {  	s3 =	sld [smem:$0x3FFD];
	_ =	sdelay $0x3  }
0x96: {  	_ =	strace s3  }
0x97: {  	_ =	strace $0x8FFFFFFF  }
0x98: {  	s19 =	sld [smem:$0x3FDB];
	_ =	sdelay $0x1  }
0x99: {  	s4 =	simm.s32 $_scs_section_size  }
0x9a: {  	s5 =	simm.s32 $_size__tile_overlayer_lowered;
	s6 =	simm.s32 $_tile_overlayer_lowered  }
0x9b: {  	s22 =	simm.s32 $0x1BFF;
	s21 =	sshll.u32 s6, $0x1;
	s3 =	sadd.s32 s4, s19  }
0x9c: {  	s7 =	simm.s32 $0x0;
	s20 =	sshll.u32 s5, $0x1;
	s5 =	sadd.s32 s21, s3  }
0x9d: {  	[timem:s7], [sflag:s22] =	dma.local [hbm:s5], s20  }
0x9e: {  	_ =	swait.ge [sflag:s22], s20  }
0x9f: {  	s4 =	ssub.s32 $0x0, s20;
	[sflag:s22] =	ssyncset.done $0x0  }
0xa0: {  	[sflag:s22] =	ssyncadd.s32 s4;
	_ =	sdelay $0x1  }
0xa1: {  	s23 =	simm.s32 $0x1B8B  }
0xa2: {  	_ =	swait.ge [sflag:s23], $0x1  }
0xa3: {  	[sflag:s23] =	ssyncset.done $0x0  }
0xa4: {  	s25 =	simm.s32 $0x1B8E;
	s24 =	sld [smem:$0x3FFE];
	[sflag:s23] =	ssyncadd.s32 $0xFFFFFFFF  }
0xa5: {  	s26 =	simm.s32 $execute0_lowered;
	[smem:$0x3FD2] =	sst s25  }
0xa6: {  	s5 =	sshll.u32 s26, $0x1;
	_ =	strace $0x8000004F;
	[dreg:$0x1] =	wrdreg $0xFFFFFFFF  }
0xa7: {  	s28 =	simm.s32 $_size_execute0_lowered;
	s3 =	sadd.s32 s3, s5;
	[dreg:$0x0] =	wrdreg $0x0  }
0xa8: {  	s5 =	sshll.u32 s28, $0x1;
	[dreg:$0x2] =	wrdreg s3  }
0xa9: {  	[dreg:$0x3] =	wrdreg s5  }
0xaa: {  	[dreg:$0x4] =	wrdreg $0xC0  }
0xab: {  	_ =	task [dreg:s7], $0x5FFFF  }
0xac: {  	[dreg:$0x1] =	wrdreg $0xFFFFFFFF  }
0xad: {  	[dreg:$0x0] =	wrdreg $0x60  }
0xae: {  	[dreg:$0x2] =	wrdreg s24  }
0xaf: {  	[dreg:$0x3] =	wrdreg s2  }
0xb0: {  	[dreg:$0x4] =	wrdreg $0x9  }
0xb1: {  	_ =	task.clear_ibuf [dreg:s7], $0x5FFFF;
	_ =	strace $0x9000004F  }
0xb2: {  	s29 =	simm.s32 $0x9;
	_ =	strace $0x80000051  }
0xb3: {  	_ =	swait.ge [sflag:s29], $0x1  }
0xb4: {  	[sflag:s29] =	ssyncadd.s32 $0xFFFFFFFF  }
0xb5: {  	_ =	strace $0x90000051  }
0xb6: {  	_ =	sfence  }
0xb7: {  	s30 =	sld [smem:$0x0];
	_ =	sdelay $0x2  }
0xb8: {  	s31 =	sshll.u32 s1, $0xD;
	s1 =	sshrl.u32 s1, $0x2  }
0xb9: {  	s3 =	sand.u32 $0x4000, s31;
	s1 =	sadd.s32 s1, s30  }
0xba: {  	s0 =	sor.u32 s3, s0;
	s1 =	sshll.u32 s1, $0x11  }
0xbb: {  	s0 =	sor.u32 s1, s0  }
0xbc: {  	s0 =	sadd.s32 $0x8F2B, s0  }
0xbd: {  	[sflag:s0] =	ssyncadd.remote.s32 $0x1  }
0xbe: {  	_ =	sfence.sel $0xFFFF  }
0xbf: {  	[dreg:$0x0] =	wrdreg $0xFFFFFFFF;
	(pc) =	sbr.abs _section_cstart, $3  }
0xc0: {  	[dreg:$0x1] =	wrdreg $0xFFFFFFFF  }
0xc1: {  	_ =	task.clear_ibuf [dreg:s7], $0x2FFFF;
	_ =	strace $0x9FFFFFFF  }
0xc2: {  	(tm) =	ssettm $0x7FFFFFFF  }
0xc3: {  	_ =	shalt  }
tec
execute0_lowered:
.L_overlay_start_1:
0x0: {  	(tag) =	ssettag $0x1  }
0x1: {  	s0 =	srdreg.scid  }
0x2: {  	s4 =	rddreg [dreg:$0x0];
	s3 =	sand.u32 $0x1, s0  }
0x3: {  	s7 =	rddreg [dreg:$0x1];
	s0 =	stileid.u32;
	s1 =	sshll.u32 s3, $0x4  }
0x4: {  	s2 =	simm.s32 $0x0;
	s12 =	simm.s32 $0x80;
	s1 =	sor.u32 s0, s1  }
0x5: {  	s13 =	simm.s32 $0xFE50;
	s14 =	simm.s32 $0xB010;
	s5 =	smul.u32 $0x139, s1  }
0x6: {  	s15 =	simm.s32 $0x0;
	[smem:$0x7FF] =	sst s2;
	s6 =	ssub.s32 $0x2, s3  }
0x7: {  	s3 =	sadd.s32 $0x2A400, s4;
	s31 =	sshrl.u32 s6, $0x1;
	s5 =	smin.u32 s5, $0x25D7  }
0x8: {  	s1 =	rddreg [dreg:$0x2];
	_ =	strace $0x80000050;
	s8 =	sshll.u32 s5, $0x3  }
0x9: {  	s11 =	ssub.s32 s6, s31;
	s30 =	sshll.u32 s5, $0x4;
	s9 =	sadd.s32 s8, s4  }
0xa: {  	s10 =	sadd.s32 s30, s4;
	s7 =	sadd.s32 s7, s8;
	s8 =	smax.u32 s11, $0x1  }
0xb: {  	s11 =	simm.s32 $0x10;
	s4 =	sadd.s32 $0x3E000, s9;
	s5 =	sadd.s32 $0x51880, s9  }
0xc: {  	s6 =	sadd.s32 $0x3200, s10;
	s9 =	simm.s32 $0x1;
	s10 =	simm.s32 $0x4E40  }
.LBB2_1:
0xd: {  	[tilespmem:s2], [sflag:$0x1] =	stream.linear.gather [hbm4b:s4+s2], $0x4E40, $0x38;
	[tilespmem:$0xFE90] =	vst v63  }
0xe: {  	_ =	swait.ge [sflag:s9], $0x4E40  }
0xf: {  	[sflag:s9] =	ssyncset.done $0x0  }
0x10: {  	[sflag:s9] =	ssyncadd.s32 $0xFFFFB1C0  }
0x11: {  	[tilespmem:s10], [sflag:$0x1] =	stream.linear.gather [hbm4b:s5+s2], $0x4E40, $0x38;
	[tilespmem:$0xFE90] =	vst v63  }
0x12: {  	_ =	swait.ge [sflag:s9], $0x4E40  }
0x13: {  	[sflag:s9] =	ssyncset.done $0x0  }
0x14: {  	s16 =	simm.s32 $0x9C80;
	[sflag:s9] =	ssyncadd.s32 $0xFFFFB1C0  }
0x15: {  	[tilespmem:s16], [sflag:$0x1] =	stream.strided.gather [hbm4b:s6+s11], $0x1390, s12, s11, $0x38;
	[tilespmem:$0xFE90] =	vst v63  }
0x16: {  	_ =	swait.ge [sflag:s9], $0x1390  }
0x17: {  	[sflag:s9] =	ssyncset.done $0x0  }
0x18: {  	[sflag:s9] =	ssyncadd.s32 $0xFFFFEC70  }
0x19: {  	[tilespmem:s13], [sflag:$0x1] =	stream.linear.gather [hbm4b:s3+s2], $0x40, $0x38;
	[tilespmem:$0xFE90] =	vst v63  }
0x1a: {  	_ =	swait.ge [sflag:s9], $0x40  }
0x1b: {  	[sflag:s9] =	ssyncset.done $0x0  }
0x1c: {  	s17 =	simm.s32 $0x0;
	[sflag:s9] =	ssyncadd.s32 $0xFFFFFFC0  }
0x1d: {  	v0 =	vld [tilespmem:s17+$0x0]  }
0x1e: {  	v1 =	vld [tilespmem:s17+$0x4E40];
	_ =	sdelay $0x1  }
0x1f: {  	v2 =	vld [tilespmem:s16+$0x0];
	_ =	sdelay $0x1  }
0x20: {  	v3 =	vld [tilespmem:$0xFE50]  }
0x21: {  	v0 =	vadd.f32 v1, v0;
	_ =	sdelay $0x1  }
0x22: {  	v4 =	vld [tilespmem:s17+$0x4E50];
	v0 =	vmul.f32 v0, v2  }
0x23: {  	v1 =	vld [tilespmem:s17+$0x10]  }
0x24: {  	v0 =	vadd.f32 v0, v3;
	_ =	sdelay $0x1  }
0x25: {  	[tilespmem:s17+$0xB010] =	vst v0  }
0x26: {  	v0 =	vld [tilespmem:$0xFE60]  }
0x27: {  	v1 =	vadd.f32 v4, v1;
	_ =	sdelay $0x1  }
0x28: {  	v5 =	vld [tilespmem:s17+$0x20];
	v1 =	vmul.f32 v1, v2  }
0x29: {  	v62 =	vld [tilespmem:s17+$0x4E60]  }
0x2a: {  	v0 =	vadd.f32 v1, v0;
	_ =	sdelay $0x1  }
0x2b: {  	[tilespmem:s17+$0xB020] =	vst v0  }
0x2c: {  	v0 =	vld [tilespmem:$0xFE70]  }
0x2d: {  	v1 =	vadd.f32 v62, v5;
	_ =	sdelay $0x1  }
0x2e: {  	v63 =	vld [tilespmem:s17+$0x4E70];
	v1 =	vmul.f32 v1, v2  }
0x2f: {  	v3 =	vld [tilespmem:s17+$0x30]  }
0x30: {  	v0 =	vadd.f32 v1, v0;
	_ =	sdelay $0x1  }
0x31: {  	[tilespmem:s17+$0xB030] =	vst v0  }
0x32: {  	v1 =	vld [tilespmem:$0xFE80]  }
0x33: {  	v0 =	vadd.f32 v63, v3;
	_ =	sdelay $0x1  }
0x34: {  	v2 =	vmul.f32 v0, v2  }
0x35: {  	s19 =	simm.s32 $0x40  }
0x36: {  	s18 =	simm.s32 $0x200;
	v0 =	vld [tilespmem:s19+$0x0];
	v1 =	vadd.f32 v2, v1  }
.LBB2_2:
0x37: {  	p0 =	sne.s32 s18, $0x13800  }
0x38: {  	v2 =	vld [tilespmem:s19+$0x4E40];
	s16 =	sadd.s32 $0x10, s16;
	s20 =	smov.u32 s18;
	s18 =	sadd.s32 $0x100, s18  }
0x39: {  	v3 =	vld [tilespmem:s19+$0x10];
	[tilespmem:s17+$0xB040] =	vst v1;
	s17 =	smov.u32 s19  }
0x3a: {  	v1 =	vld [tilespmem:s16+$0x0]  }
0x3b: {  	v4 =	vld [tilespmem:$0xFE50]  }
0x3c: {  	v5 =	vld [tilespmem:s17+$0x4E50]  }
0x3d: {  	v0 =	vadd.f32 v2, v0;
	v2 =	vld [tilespmem:s17+$0x20]  }
0x3e: {  	v6 =	vld [tilespmem:s17+$0x30]  }
0x3f: {  	v0 =	vmul.f32 v0, v1;
	_ =	sdelay $0x1  }
0x40: {  	v0 =	vadd.f32 v0, v4;
	v3 =	vadd.f32 v5, v3;
	_ =	sdelay $0x1  }
0x41: {  	[tilespmem:s17+$0xB010] =	vst v0  }
0x42: {  	v0 =	vld [tilespmem:$0xFE60];
	_ =	sdelay $0x1  }
0x43: {  	v3 =	vmul.f32 v3, v1  }
0x44: {  	v4 =	vld [tilespmem:s17+$0x4E60];
	_ =	sdelay $0x1  }
0x45: {  	v0 =	vadd.f32 v3, v0;
	_ =	sdelay $0x1  }
0x46: {  	[tilespmem:s17+$0xB020] =	vst v0  }
0x47: {  	v0 =	vadd.f32 v4, v2;
	v2 =	vld [tilespmem:$0xFE70];
	_ =	sdelay $0x1  }
0x48: {  	v0 =	vmul.f32 v0, v1  }
0x49: {  	v3 =	vld [tilespmem:s17+$0x4E70];
	_ =	sdelay $0x1  }
0x4a: {  	v0 =	vadd.f32 v0, v2;
	_ =	sdelay $0x1  }
0x4b: {  	[tilespmem:s17+$0xB030] =	vst v0  }
0x4c: {  	v0 =	vadd.f32 v3, v6;
	v2 =	vld [tilespmem:$0xFE80]  }
.Ltmp0:
0x4d: {  	(pc) =	sbr.rel @p0 .LBB2_2-.Ltmp0, $3  }
0x4e: {  	v1 =	vmul.f32 v0, v1;
	_ =	sdelay $0x1  }
0x4f: {  	s19 =	sshra.s32 s20, $0x2  }
0x50: {  	v0 =	vld [tilespmem:s19+$0x0];
	v1 =	vadd.f32 v1, v2  }
0x51: {  	v2 =	vld [tilespmem:s19+$0x4E40]  }
0x52: {  	v3 =	vld [tilespmem:s19+$0x10];
	s16 =	sadd.s32 $0x10, s16;
	[tilespmem:s17+$0xB040] =	vst v1  }
0x53: {  	v1 =	vld [tilespmem:s16+$0x0];
	_ =	sdelay $0x1  }
0x54: {  	v4 =	vld [tilespmem:$0xFE50]  }
0x55: {  	v0 =	vadd.f32 v2, v0;
	_ =	sdelay $0x1  }
0x56: {  	v0 =	vmul.f32 v0, v1  }
0x57: {  	v58 =	vld [tilespmem:s19+$0x4E50]  }
0x58: {  	v0 =	vadd.f32 v0, v4;
	_ =	sdelay $0x1  }
0x59: {  	[tilespmem:s19+$0xB010] =	vst v0  }
0x5a: {  	v0 =	vld [tilespmem:$0xFE60]  }
0x5b: {  	v2 =	vadd.f32 v58, v3;
	_ =	sdelay $0x1  }
0x5c: {  	v5 =	vld [tilespmem:s19+$0x20];
	v2 =	vmul.f32 v2, v1  }
0x5d: {  	v60 =	vld [tilespmem:s19+$0x4E60]  }
0x5e: {  	v0 =	vadd.f32 v2, v0;
	_ =	sdelay $0x1  }
0x5f: {  	[tilespmem:s19+$0xB020] =	vst v0  }
0x60: {  	v0 =	vld [tilespmem:$0xFE70]  }
0x61: {  	v61 =	vadd.f32 v60, v5;
	_ =	sdelay $0x1  }
0x62: {  	v59 =	vld [tilespmem:s19+$0x30];
	v2 =	vmul.f32 v61, v1  }
0x63: {  	v62 =	vld [tilespmem:s19+$0x4E70]  }
0x64: {  	v0 =	vadd.f32 v2, v0;
	_ =	sdelay $0x1  }
0x65: {  	[tilespmem:s19+$0xB030] =	vst v0  }
0x66: {  	v0 =	vld [tilespmem:$0xFE80]  }
0x67: {  	v63 =	vadd.f32 v62, v59;
	_ =	sdelay $0x1  }
0x68: {  	v1 =	vmul.f32 v63, v1;
	_ =	sdelay $0x1  }
0x69: {  	s15 =	sadd.s32 $0x1, s15;
	v0 =	vadd.f32 v1, v0  }
0x6a: {  	p0 =	sne.s32 s15, s8  }
.Ltmp1:
0x6b: {  	[tilespmem:s19+$0xB040] =	vst v0;
	(pc) =	sbr.rel @p0 .LBB2_1-.Ltmp1, $4  }
0x6c: {  	[hbm4b:s7+s2] =	stream.linear.scatter [tilespmem:s14], [sflag:$0x1], $0x4E40, $0x38;
	[tilespmem:$0xFE90] =	vst v63  }
0x6d: {  	_ =	swait.ge [sflag:s9], $0x4E40  }
0x6e: {  	[sflag:s9] =	ssyncset.done $0x0  }
0x6f: {  	[sflag:s9] =	ssyncadd.s32 $0xFFFFB1C0  }
0x70: {  	_ =	sfence.sel $0x180000  }
0x71: {  	[bflag:$0x0] =	sbarrier.arrive $0xFFFF  }
0x72: {  	p0 =	sne.s32 s0, $0x0;
	_ =	strace $0x90000050  }
0x73: {  	s0 =	sadd.s32 @!p0 $0x100000, s1;
	[bflag:$0x2] =	sbarrier.arrive $0xFFFF  }
0x74: {  	[sflag:s0] =	ssyncadd.tile.s32 @!p0 $0x1;
	_ =	shalt  }
.Lfunc_end2:
_tile_overlayer_lowered:
.L_overlay_start_2:
0x75: {  	(tag) =	ssettag $0x2  }
0x76: {  	s0 =	rddreg [dreg:$0x0];
	s2 =	stileid.u32  }
0x77: {  	s1 =	rddreg [dreg:$0x1];
	p0 =	sne.s32 s2, $0x0  }
0x78: {  	s3 =	rddreg [dreg:$0x2];
	[bflag:$0x3] =	sbarrier.arrive $0xFFFF;
	s2 =	simm.s32 @!p0 $0x1C01  }
0x79: {  	[timem:s3], [sflag:s2] =	dma.local @!p0 [hbm:s0], s1  }
0x7a: {  	s0 =	simm.s32 @!p0 $0x1  }
0x7b: {  	_ =	swait.ge @!p0 [sflag:s0], s1  }
0x7c: {  	s1 =	ssub.s32 @!p0 $0x0, s1;
	[sflag:s0] =	ssyncset.done @!p0 $0x0  }
0x7d: {  	[sflag:s0] =	ssyncadd.s32 @!p0 s1  }
0x7e: {  	[bflag:$0x3] =	sbarrier.arrive $0xFFFF  }
0x7f: {  	_ =	shalt  }

// kernel: kernel.9.cloned.1.call-start
scs
__scs_entry_jumppad:
0x0: {  	(pc) =	sbr.rel $0x88, $3  }
0x1: {  	(tag) =	ssettag $0x0;
	lr =	simm.s32 $0x1  }
0x2: {  	[smem:$0x3F99] =	sst lr;
	_ =	strace $0xD0000000  }
0x3: {  	_ = 	snop  }
0x4: {  	_ = 	snop  }
0x5: {  	_ = 	snop  }
0x6: {  	_ = 	snop  }
0x7: {  	_ = 	snop  }
__scs_overlays_trampoline_lowered:
0x8: {  	[smem:$0x3FA8] =	sst s0  }
0x9: {  	[smem:$0x3FA9] =	sst s1  }
0xa: {  	[smem:$0x3FAA] =	sst s2  }
0xb: {  	[smem:$0x3FAB] =	sst s3  }
0xc: {  	[smem:$0x3FAC] =	sst s4  }
0xd: {  	[smem:$0x3FAD] =	sst s5  }
0xe: {  	[smem:$0x3FAE] =	sst s6  }
0xf: {  	[smem:$0x3FAF] =	sst s7  }
0x10: {  	[smem:$0x3FB0] =	sst s8  }
0x11: {  	[smem:$0x3FB1] =	sst s9;
	s0 =	simm.s32 @!p0 $0x0  }
0x12: {  	s1 =	sld [smem:$0x3F97];
	s0 =	simm.s32 @p0 $0x1  }
0x13: {  	[smem:$0x3FB2] =	sst s0;
	s0 =	simm.s32 @!p1 $0x0  }
0x14: {  	s2 =	sld [smem:$0x3F96];
	s0 =	simm.s32 @p1 $0x1  }
0x15: {  	[smem:$0x3FB3] =	sst s0;
	s0 =	simm.s32 @!p2 $0x0  }
0x16: {  	s3 =	sld [smem:$0x3FDB];
	s0 =	simm.s32 @p2 $0x1  }
0x17: {  	s4 =	simm.s32 $0x1BF5;
	[smem:$0x3FB5] =	sst s0  }
0x18: {  	s0 =	sld [smem:$0x3F98];
	_ =	swait.ge [sflag:s4], $0x0  }
0x19: {  	s7 =	sld [smem:$0x3F99]  }
0x1a: {  	s8 =	sadd.s32 $0xFFFFE003, lr  }
0x1b: {  	s9 =	sadd.s32 $0xFFFFFEF7, lr;
	s5 =	simm.s32 $0xFFFFFFFF;
	p2 =	slt.u32 s8, $0xFFFFF086  }
0x1c: {  	p1 =	slt.u32 s9, $0xF7A;
	s5 =	simm.s32 @!p2 $0x0  }
0x1d: {  	s5 =	simm.s32 @p1 $0x1;
	p0 =	seq.s32 s7, s2  }
0x1e: {  	s7 =	smul.u32 @!p0 $0xF7A, s2;
	p2 =	seq.s32 @!p0 s5, $0x0  }
0x1f: {  	s9 =	smul.u32 $0xF7A, s1;
	s8 =	simm.s32 @!p0 $0x1BF5;
	p2 =	por !p2, p0  }
0x20: {  	[sflag:s8] =	ssyncset.s32 @!p0 $0xFFFFF086;
	s6 =	sadd.s32 @!p0 s3, s7;
	s7 =	simm.s32 @!p0 $0x108  }
0x21: {  	s3 =	sadd.s32 s3, s9;
	s6 =	sadd.s32 @!p0 $0x88, s6;
	s7 =	simm.s32 @p2 $0x1082  }
0x22: {  	[simem:s7], [sflag:s8] =	dma.local @!p0 [hbm:s6], $0xF7A  }
0x23: {  	s9 =	sor.u32 $0xD0000000, s2;
	s6 =	simm.s32 $0x108;
	_ =	swait.ge @!p0 [sflag:s8], $0x0  }
0x24: {  	s3 =	sadd.s32 $0x88, s3;
	s6 =	simm.s32 @!p1 $0x1082;
	[sflag:s4] =	ssyncset.s32 $0xFFFFF086  }
0x25: {  	[simem:s6], [sflag:s4] =	dma.local [hbm:s3], $0xF7A  }
0x26: {  	[smem:$0x3F99] =	sst s1;
	(tag) =	ssettag s2;
	_ =	strace s9  }
0x27: {  	s1 =	sld [smem:$0x3FA9]  }
0x28: {  	s2 =	sld [smem:$0x3FAA]  }
0x29: {  	s4 =	sld [smem:$0x3FAC]  }
0x2a: {  	p0 =	seq.s32 s5, $0x0;
	s5 =	sld [smem:$0x3FAD]  }
0x2b: {  	s6 =	sld [smem:$0x3FAE]  }
0x2c: {  	s7 =	sld [smem:$0x3FAF]  }
0x2d: {  	s3 =	simm.s32 $0x108;
	s8 =	sld [smem:$0x3FB0]  }
0x2e: {  	s3 =	simm.s32 @!p0 $0x1082;
	s9 =	sld [smem:$0x3FB1]  }
0x2f: {  	lr =	sadd.s32 s0, s3;
	s0 =	sld [smem:$0x3FA8]  }
0x30: {  	s3 =	sld [smem:$0x3FAB]  }
0x31: {  	[smem:$0x3FB4] =	sst s10  }
0x32: {  	s10 =	sld [smem:$0x3FB2];
	_ =	sdelay $0x3  }
0x33: {  	p0 =	seq.s32 s10, $0x1;
	s10 =	sld [smem:$0x3FB4];
	_ =	sdelay $0x3  }
0x34: {  	[smem:$0x3FB4] =	sst s10  }
0x35: {  	s10 =	sld [smem:$0x3FB3];
	_ =	sdelay $0x3  }
0x36: {  	p1 =	seq.s32 s10, $0x1;
	s10 =	sld [smem:$0x3FB4];
	_ =	sdelay $0x3  }
0x37: {  	[smem:$0x3FB4] =	sst s10  }
0x38: {  	s10 =	sld [smem:$0x3FB5]  }
0x39: {  	_ = 	snop;
	(pc) =	sbr.ind lr, $3  }
0x3a: {  	_ = 	snop  }
0x3b: {  	_ = 	snop  }
0x3c: {  	p2 =	seq.s32 s10, $0x1;
	s10 =	sld [smem:$0x3FB4]  }
0x3d: {  	_ =	shalt  }
0x3e: {  	_ =	shalt  }
0x3f: {  	_ =	shalt  }
0x40: {  	_ =	shalt  }
0x41: {  	_ =	shalt  }
0x42: {  	_ =	shalt  }
0x43: {  	_ =	shalt  }
0x44: {  	_ =	shalt  }
0x45: {  	_ =	shalt  }
0x46: {  	_ =	shalt  }
0x47: {  	_ =	shalt  }
0x48: {  	_ =	shalt  }
0x49: {  	_ =	shalt  }
0x4a: {  	_ =	shalt  }
0x4b: {  	_ =	shalt  }
0x4c: {  	_ =	shalt  }
0x4d: {  	_ =	shalt  }
0x4e: {  	_ =	shalt  }
0x4f: {  	_ =	shalt  }
0x50: {  	_ =	shalt  }
0x51: {  	_ =	shalt  }
0x52: {  	_ =	shalt  }
0x53: {  	_ =	shalt  }
0x54: {  	_ =	shalt  }
0x55: {  	_ =	shalt  }
0x56: {  	_ =	shalt  }
0x57: {  	_ =	shalt  }
0x58: {  	_ =	shalt  }
0x59: {  	_ =	shalt  }
0x5a: {  	_ =	shalt  }
0x5b: {  	_ =	shalt  }
0x5c: {  	_ =	shalt  }
0x5d: {  	_ =	shalt  }
0x5e: {  	_ =	shalt  }
0x5f: {  	_ =	shalt  }
0x60: {  	_ =	shalt  }
0x61: {  	_ =	shalt  }
0x62: {  	_ =	shalt  }
0x63: {  	_ =	shalt  }
0x64: {  	_ =	shalt  }
0x65: {  	_ =	shalt  }
0x66: {  	_ =	shalt  }
0x67: {  	_ =	shalt  }
0x68: {  	_ =	shalt  }
0x69: {  	_ =	shalt  }
0x6a: {  	_ =	shalt  }
0x6b: {  	_ =	shalt  }
0x6c: {  	_ =	shalt  }
0x6d: {  	_ =	shalt  }
0x6e: {  	_ =	shalt  }
0x6f: {  	_ =	shalt  }
0x70: {  	_ =	shalt  }
0x71: {  	_ =	shalt  }
0x72: {  	_ =	shalt  }
0x73: {  	_ =	shalt  }
0x74: {  	_ =	shalt  }
0x75: {  	_ =	shalt  }
0x76: {  	_ =	shalt  }
0x77: {  	_ =	shalt  }
0x78: {  	_ =	shalt  }
0x79: {  	_ =	shalt  }
0x7a: {  	_ =	shalt  }
0x7b: {  	_ =	shalt  }
0x7c: {  	_ =	shalt  }
0x7d: {  	_ =	shalt  }
0x7e: {  	_ =	shalt  }
0x7f: {  	_ =	shalt  }
0x80: {  	_ =	shalt  }
0x81: {  	_ =	shalt  }
0x82: {  	_ =	shalt  }
0x83: {  	_ =	shalt  }
0x84: {  	_ =	shalt  }
0x85: {  	_ =	shalt  }
0x86: {  	_ =	shalt  }
0x87: {  	_ =	shalt  }
.Lfunc_end0:
.L_simem_size_0:
called_computation_lowered:
.L_overlay_start_0:
0x88: {  	s2 =	sld [smem:$0x3FD9]  }
0x89: {  	s3 =	sld [smem:$0x3FFE];
	_ =	sdelay $0x1  }
0x8a: {  	s1 =	srdreg.scid  }
0x8b: {  	s0 =	sand.u32 $0x1, s1  }
0x8c: {  	s17 =	sshll.u32 s0, $0xA;
	s2 =	sadd.s32 s3, s2  }
0x8d: {  	s2 =	sadd.s32 s2, s17  }
0x8e: {  	[smem:$0x3FC0] =	sst s2  }
0x8f: {  	_ = 	snop  }
0x90: {  	s2 =	sld [smem:$0x3FD0];
	(tm) =	ssettm $0x1  }
0x91: {  	s18 =	sld [smem:$0x3FFB];
	_ =	sdelay $0x3  }
0x92: {  	_ =	strace s18  }
0x93: {  	s3 =	sld [smem:$0x3FFC];
	_ =	sdelay $0x3  }
0x94: {  	_ =	strace s3  }
0x95: {  	s3 =	sld [smem:$0x3FFD];
	_ =	sdelay $0x3  }
0x96: {  	_ =	strace s3  }
0x97: {  	_ =	strace $0x8FFFFFFF  }
0x98: {  	s19 =	sld [smem:$0x3FDB];
	_ =	sdelay $0x1  }
0x99: {  	s4 =	simm.s32 $_scs_section_size  }
0x9a: {  	s5 =	simm.s32 $_size__tile_overlayer_lowered;
	s6 =	simm.s32 $_tile_overlayer_lowered  }
0x9b: {  	s22 =	simm.s32 $0x1BFF;
	s21 =	sshll.u32 s6, $0x1;
	s3 =	sadd.s32 s4, s19  }
0x9c: {  	s7 =	simm.s32 $0x0;
	s20 =	sshll.u32 s5, $0x1;
	s5 =	sadd.s32 s21, s3  }
0x9d: {  	[timem:s7], [sflag:s22] =	dma.local [hbm:s5], s20  }
0x9e: {  	_ =	swait.ge [sflag:s22], s20  }
0x9f: {  	s4 =	ssub.s32 $0x0, s20;
	[sflag:s22] =	ssyncset.done $0x0  }
0xa0: {  	[sflag:s22] =	ssyncadd.s32 s4;
	_ =	sdelay $0x1  }
0xa1: {  	s23 =	simm.s32 $0x1B8B  }
0xa2: {  	_ =	swait.ge [sflag:s23], $0x1  }
0xa3: {  	[sflag:s23] =	ssyncset.done $0x0  }
0xa4: {  	s25 =	simm.s32 $0x1B8E;
	s24 =	sld [smem:$0x3FFE];
	[sflag:s23] =	ssyncadd.s32 $0xFFFFFFFF  }
0xa5: {  	s26 =	simm.s32 $execute0_lowered;
	[smem:$0x3FD2] =	sst s25  }
0xa6: {  	s5 =	sshll.u32 s26, $0x1;
	_ =	strace $0x80000046;
	[dreg:$0x1] =	wrdreg $0xFFFFFFFF  }
0xa7: {  	s28 =	simm.s32 $_size_execute0_lowered;
	s3 =	sadd.s32 s3, s5;
	[dreg:$0x0] =	wrdreg $0x0  }
0xa8: {  	s5 =	sshll.u32 s28, $0x1;
	[dreg:$0x2] =	wrdreg s3  }
0xa9: {  	[dreg:$0x3] =	wrdreg s5  }
0xaa: {  	[dreg:$0x4] =	wrdreg $0xC0  }
0xab: {  	_ =	task [dreg:s7], $0x5FFFF  }
0xac: {  	[dreg:$0x1] =	wrdreg $0xFFFFFFFF  }
0xad: {  	[dreg:$0x0] =	wrdreg $0x60  }
0xae: {  	[dreg:$0x2] =	wrdreg s2  }
0xaf: {  	[dreg:$0x3] =	wrdreg s24  }
0xb0: {  	[dreg:$0x4] =	wrdreg $0x50A00  }
0xb1: {  	[dreg:$0x5] =	wrdreg $0x9  }
0xb2: {  	_ =	task.clear_ibuf [dreg:s7], $0x6FFFF;
	_ =	strace $0x90000046  }
0xb3: {  	s29 =	simm.s32 $0x9;
	_ =	strace $0x80000048  }
0xb4: {  	_ =	swait.ge [sflag:s29], $0x1  }
0xb5: {  	[sflag:s29] =	ssyncadd.s32 $0xFFFFFFFF  }
0xb6: {  	_ =	strace $0x90000048  }
0xb7: {  	_ =	sfence  }
0xb8: {  	s30 =	sld [smem:$0x0];
	_ =	sdelay $0x2  }
0xb9: {  	s31 =	sshll.u32 s1, $0xD;
	s1 =	sshrl.u32 s1, $0x2  }
0xba: {  	s3 =	sand.u32 $0x4000, s31;
	s1 =	sadd.s32 s1, s30  }
0xbb: {  	s0 =	sor.u32 s3, s0;
	s1 =	sshll.u32 s1, $0x11  }
0xbc: {  	s0 =	sor.u32 s1, s0  }
0xbd: {  	s0 =	sadd.s32 $0x8F2B, s0  }
0xbe: {  	[sflag:s0] =	ssyncadd.remote.s32 $0x1  }
0xbf: {  	_ =	sfence.sel $0xFFFF  }
0xc0: {  	[dreg:$0x0] =	wrdreg $0xFFFFFFFF;
	(pc) =	sbr.abs _section_cstart, $3  }
0xc1: {  	[dreg:$0x1] =	wrdreg $0xFFFFFFFF  }
0xc2: {  	_ =	task.clear_ibuf [dreg:s7], $0x2FFFF;
	_ =	strace $0x9FFFFFFF  }
0xc3: {  	(tm) =	ssettm $0x7FFFFFFF  }
tec
execute0_lowered:
.L_overlay_start_1:
0x0: {  	(tag) =	ssettag $0x1  }
0x1: {  	s6 =	rddreg [dreg:$0x0]  }
0x2: {  	s8 =	rddreg [dreg:$0x1]  }
0x3: {  	s1 =	rddreg [dreg:$0x2]  }
0x4: {  	s0 =	rddreg [dreg:$0x3]  }
0x5: {  	s3 =	simm.s32 $0x0;
	s2 =	srdreg.scid;
	s14 =	simm.s32 $0x1  }
0x6: {  	s15 =	simm.s32 $0x0;
	[smem:$0x7FF] =	sst s3;
	s7 =	sand.u32 $0x1, s2  }
0x7: {  	s2 =	stileid.u32;
	s4 =	sadd.s32 $0x3200, s8;
	s9 =	smul.u32 $0x4E200, s7  }
0x8: {  	s5 =	sadd.s32 $0x3400, s8;
	s10 =	ssub.s32 $0x2, s7;
	s11 =	smul.u32 $0x4E20, s2  }
0x9: {  	_ =	strace $0x80000047;
	s29 =	smul.u32 $0x1388, s2;
	s12 =	sshrl.u32 s10, $0x1  }
0xa: {  	p0 =	seq.s32 s7, $0x1;
	s31 =	sshll.u32 s2, $0x6;
	s10 =	ssub.s32 s10, s12  }
0xb: {  	s9 =	sadd.s32 s11, s9;
	s11 =	simm.s32 $0x6000;
	s13 =	sadd.s32 s29, s1  }
0xc: {  	s30 =	sshrl.u32 s29, $0x3;
	s9 =	sshrl.u32 s9, $0x3;
	s11 =	simm.s32 @!p0 $0x3800  }
0xd: {  	s7 =	smax.u32 s10, $0x1;
	s10 =	simm.s32 $0x2;
	s12 =	sshrl.u32 s13, $0x3  }
0xe: {  	s13 =	simm.s32 $0x50;
	s6 =	sadd.s32 s6, s9;
	s8 =	sadd.s32 s11, s8  }
0xf: {  	s9 =	simm.s32 $0x4E20;
	s11 =	sor.u32 $0x1C02, s31;
	s8 =	sadd.s32 s8, s30  }
.LBB2_1:
0x10: {  	[tilespmem:s9], [sflag:$0x2] =	stream.linear.gather [hbm4b:s4+s3], $0x280, $0x38;
	[tilespmem:$0x6428] =	vst v63  }
0x11: {  	_ =	swait.ge [sflag:s10], $0x280  }
0x12: {  	[sflag:s10] =	ssyncset.done $0x0  }
0x13: {  	[sflag:s10] =	ssyncadd.s32 $0xFFFFFD80  }
0x14: {  	[spmem:s12], [sflag:s11] =	dma.local [hbm:s5], $0x271  }
0x15: {  	_ =	swait.ge [sflag:s10], $0x271  }
0x16: {  	[sflag:s10] =	ssyncset.done $0x0  }
0x17: {  	[sflag:s10] =	ssyncadd.s32 $0xFFFFFD8F  }
0x18: {  	[bflag:$0x0] =	sbarrier.arrive $0xFFFF  }
0x19: {  	[tilespmem:s3], [sflag:$0x2] =	stream.linear.gather [hbm4b:s6+s3], $0x4E20, $0x38;
	[tilespmem:$0x6428] =	vst v63  }
0x1a: {  	_ =	swait.ge [sflag:s10], $0x4E20  }
0x1b: {  	p0 =	por $0x1, $0x1;
	[sflag:s10] =	ssyncset.done $0x0  }
0x1c: {  	s18 =	simm.s32 @!p0 $0x1;
	[sflag:s10] =	ssyncadd.s32 $0xFFFFB1E0  }
0x1d: {  	[spmem:s1] =	stream.indirect.scatter.add.f32 [tilespmem:s9], [sflag:$0x1], $0x8, s3, s13, $0xb8;
	[tilespmem:$0x6428] =	vst v63  }
0x1e: {  	_ =	swait.ge @!p0 [sflag:s18], $0x280  }
0x1f: {  	s16 =	simm.s32 $0x1;
	s17 =	simm.s32 $0x0;
	[sflag:s18] =	ssyncset.done @!p0 $0x0  }
.LBB2_2:
0x20: {  	[sflag:s18] =	ssyncadd.s32 @!p0 $0xFFFFFD80  }
0x21: {  	s17 =	sadd.s32 $0x50, s17;
	s18 =	smov.u32 s16;
	s16 =	sadd.s32 $0x1, s16  }
0x22: {  	p1 =	sne.s32 s16, $0xFA  }
0x23: {  	[spmem:s1] =	stream.indirect.scatter.add.f32 [tilespmem:s9], [sflag:$0x1], $0x8, s17, s13, $0xb8;
	[tilespmem:$0x6428] =	vst v63  }
.Ltmp0:
0x24: {  	_ = 	snop;
	(pc) =	sbr.rel @p1 .LBB2_2-.Ltmp0, $4  }
0x25: {  	p0 =	slt.u32 s18, $0x8  }
0x26: {  	s18 =	simm.s32 @!p0 $0x1  }
0x27: {  	_ =	swait.ge @!p0 [sflag:s18], $0x280  }
0x28: {  	[sflag:s18] =	ssyncset.done @!p0 $0x0  }
0x29: {  	[sflag:s18] =	ssyncadd.s32 @!p0 $0xFFFFFD80  }
0x2a: {  	_ =	swait.ge [sflag:s14], $0x280  }
0x2b: {  	[sflag:s14] =	ssyncset.done $0x0  }
0x2c: {  	[sflag:s14] =	ssyncadd.s32 $0xFFFFFD80  }
0x2d: {  	_ =	swait.ge [sflag:s14], $0x280  }
0x2e: {  	[sflag:s14] =	ssyncset.done $0x0  }
0x2f: {  	[sflag:s14] =	ssyncadd.s32 $0xFFFFFD80  }
0x30: {  	_ =	swait.ge [sflag:s14], $0x280  }
0x31: {  	[sflag:s14] =	ssyncset.done $0x0  }
0x32: {  	[sflag:s14] =	ssyncadd.s32 $0xFFFFFD80  }
0x33: {  	_ =	swait.ge [sflag:s14], $0x280  }
0x34: {  	[sflag:s14] =	ssyncset.done $0x0  }
0x35: {  	[sflag:s14] =	ssyncadd.s32 $0xFFFFFD80  }
0x36: {  	_ =	swait.ge [sflag:s14], $0x280  }
0x37: {  	[sflag:s14] =	ssyncset.done $0x0  }
0x38: {  	[sflag:s14] =	ssyncadd.s32 $0xFFFFFD80  }
0x39: {  	_ =	swait.ge [sflag:s14], $0x280  }
0x3a: {  	[sflag:s14] =	ssyncset.done $0x0  }
0x3b: {  	[sflag:s14] =	ssyncadd.s32 $0xFFFFFD80  }
0x3c: {  	_ =	swait.ge [sflag:s14], $0x280  }
0x3d: {  	[sflag:s14] =	ssyncset.done $0x0  }
0x3e: {  	[sflag:s14] =	ssyncadd.s32 $0xFFFFFD80  }
0x3f: {  	_ =	swait.ge [sflag:s14], $0x280  }
0x40: {  	s15 =	sadd.s32 $0x1, s15;
	[sflag:s14] =	ssyncset.done $0x0  }
0x41: {  	p0 =	sne.s32 s15, s7;
	[sflag:s14] =	ssyncadd.s32 $0xFFFFFD80  }
.Ltmp1:
0x42: {  	[bflag:$0x0] =	sbarrier.arrive $0xFFFF;
	(pc) =	sbr.rel @p0 .LBB2_1-.Ltmp1, $4  }
0x43: {  	[hbm:s8], [sflag:s11] =	dma.local [spmem:s12], $0x271  }
0x44: {  	_ =	swait.ge [sflag:s10], $0x271  }
0x45: {  	[sflag:s10] =	ssyncset.done $0x0  }
0x46: {  	[sflag:s10] =	ssyncadd.s32 $0xFFFFFD8F  }
0x47: {  	_ =	sfence.sel $0x180000  }
0x48: {  	[bflag:$0x0] =	sbarrier.arrive $0xFFFF  }
0x49: {  	p0 =	sne.s32 s2, $0x0;
	_ =	strace $0x90000047  }
0x4a: {  	s0 =	sadd.s32 @!p0 $0x100000, s0;
	[bflag:$0x2] =	sbarrier.arrive $0xFFFF  }
0x4b: {  	[sflag:s0] =	ssyncadd.tile.s32 @!p0 $0x1;
	_ =	shalt  }
.Lfunc_end2:
_tile_overlayer_lowered:
.L_overlay_start_2:
0x4c: {  	(tag) =	ssettag $0x2  }
0x4d: {  	s0 =	rddreg [dreg:$0x0];
	s2 =	stileid.u32  }
0x4e: {  	s1 =	rddreg [dreg:$0x1];
	p0 =	sne.s32 s2, $0x0  }
0x4f: {  	s3 =	rddreg [dreg:$0x2];
	[bflag:$0x3] =	sbarrier.arrive $0xFFFF;
	s2 =	simm.s32 @!p0 $0x1C02  }
0x50: {  	[timem:s3], [sflag:s2] =	dma.local @!p0 [hbm:s0], s1  }
0x51: {  	s0 =	simm.s32 @!p0 $0x2  }
0x52: {  	_ =	swait.ge @!p0 [sflag:s0], s1  }
0x53: {  	s1 =	ssub.s32 @!p0 $0x0, s1;
	[sflag:s0] =	ssyncset.done @!p0 $0x0  }
0x54: {  	[sflag:s0] =	ssyncadd.s32 @!p0 s1  }
0x55: {  	[bflag:$0x3] =	sbarrier.arrive $0xFFFF  }
0x56: {  	_ =	shalt  }

</sc_bundles>
